<compile_context>
chip_gen: v7x
topology: tpu7x:2x2x1
jax: 0.10.2.dev20260603
libtpu: 0.0.44.dev20260713+nightly
codegen_flags: <defaults>
</compile_context>

<pallas_src>
import functools

import jax
import jax.numpy as jnp
from jax import lax
from jax.experimental import pallas as pl
from jax.experimental.pallas import tpu as pltpu
from jax.experimental.pallas import tpu_sc as plsc

N = 10000
NPAD = 10112
RPT = 632
F = 256
D = 128
S = 1000
SPAD = 1024

NC = 2
NS = 16
NW = NC * NS
CHUNK = 125
CT = 40
ISEG = 2
ZROWS = 120


def _mm_body(x_ref, w_ref, o_ref):
    o_ref[...] = jnp.dot(x_ref[...], w_ref[...],
                         preferred_element_type=jnp.float32)


def _feature_matmul(features, W):
    blk = 2000
    return pl.pallas_call(
        _mm_body,
        out_shape=jax.ShapeDtypeStruct((N, D), jnp.float32),
        grid=(N // blk,),
        in_specs=[pl.BlockSpec((blk, F), lambda i: (i, 0)),
                  pl.BlockSpec((F, D), lambda i: (0, 0))],
        out_specs=pl.BlockSpec((blk, D), lambda i: (i, 0)),
    )(features, W)


def _sc_segment_sum(h, idx2, samp):
    n_half = idx2.shape[0] // 2
    assert n_half == NW * CT
    sp_per_tile = SPAD // NS

    mesh = plsc.VectorSubcoreMesh(core_axis_name="c", subcore_axis_name="s")

    @functools.partial(
        pl.kernel,
        out_type=(jax.ShapeDtypeStruct((NC * NPAD, D), jnp.float32),
                  jax.ShapeDtypeStruct((NC * SPAD, D), jnp.float32)),
        mesh=mesh,
        scratch_types=[
            pltpu.VMEM((ISEG, CHUNK), jnp.int32),
            pltpu.VMEM((ISEG, CHUNK), jnp.int32),
            pltpu.VMEM((ISEG, CHUNK), jnp.int32),
            pltpu.VMEM((ISEG, CHUNK), jnp.int32),
            pltpu.VMEM((CHUNK, D), jnp.float32),
            pltpu.VMEM((CHUNK, D), jnp.float32),
            pltpu.VMEM((CHUNK, D), jnp.float32),
            pltpu.VMEM((sp_per_tile,), jnp.int32),
            pltpu.VMEM_SHARED((N, D), jnp.float32),
            pltpu.SemaphoreType.DMA,
            pltpu.SemaphoreType.DMA,
            pltpu.SemaphoreType.DMA,
            pltpu.SemaphoreType.DMA,
            pltpu.SemaphoreType.DMA,
            pltpu.SemaphoreType.DMA,
            pltpu.SemaphoreType.DMA,
            pltpu.SemaphoreType.DMA,
            pltpu.SemaphoreType.DMA,
            pltpu.SemaphoreType.DMA,
            pltpu.SemaphoreType.DMA,
        ],
    )
    def seg_kernel(h_hbm, idx_hbm, samp_hbm,
                   p_hbm, zs_hbm,
                   srcb0, srcb1, dstb0, dstb1, rows0, rows1, rows2, sidx_v,
                   accum,
                   gsem0, gsem1, gsem2, ssem0, ssem1, ssem2,
                   isem0, isem1, idem0, idem1, samsem):
        c = lax.axis_index("c")
        s = lax.axis_index("s")
        wid = s * NC + c

        srcb = (srcb0, srcb1)
        dstb = (dstb0, dstb1)
        isem = (isem0, isem1)
        idem = (idem0, idem1)
        rows = (rows0, rows1, rows2)
        gsem = (gsem0, gsem1, gsem2)
        ssem = (ssem0, ssem1, ssem2)

        z16 = jnp.zeros((16,), jnp.float32)

        @pl.loop(0, ZROWS)
        def _zrow(r):
            for k in range(D // 16):
                rows0[r, pl.ds(k * 16, 16)] = z16

        for j in range(4):
            pltpu.sync_copy(
                rows0.at[pl.ds(0, ZROWS)],
                accum.at[pl.ds(s * RPT + j * ZROWS, ZROWS)])

        @pl.when(s < NS - 1)
        def _():
            pltpu.sync_copy(rows0.at[pl.ds(0, ZROWS)],
                            accum.at[pl.ds(s * RPT + 480, ZROWS)])
            pltpu.sync_copy(rows0.at[pl.ds(0, 32)],
                            accum.at[pl.ds(s * RPT + 600, 32)])

        @pl.when(s == NS - 1)
        def _():
            pltpu.sync_copy(rows0.at[pl.ds(0, 40)],
                            accum.at[pl.ds(s * RPT + 480, 40)])

        nseg = CT // ISEG

        def stage_src(seg):
            sl = seg % 2
            pltpu.async_copy(idx_hbm.at[pl.ds(wid * CT + seg * ISEG, ISEG)],
                             srcb[sl], isem[sl])

        def stage_src_wait(seg):
            sl = seg % 2
            pltpu.make_async_copy(
                idx_hbm.at[pl.ds(wid * CT + seg * ISEG, ISEG)],
                srcb[sl], isem[sl]).wait()

        def stage_dst(seg):
            sl = seg % 2
            pltpu.async_copy(
                idx_hbm.at[pl.ds(n_half + wid * CT + seg * ISEG, ISEG)],
                dstb[sl], idem[sl])

        def stage_dst_wait(seg):
            sl = seg % 2
            pltpu.make_async_copy(
                idx_hbm.at[pl.ds(n_half + wid * CT + seg * ISEG, ISEG)],
                dstb[sl], idem[sl]).wait()

        def g_start(j):
            sl, r = divmod(j, ISEG)
            pltpu.async_copy(h_hbm.at[srcb[(sl) % 2].at[r]], rows[j % 3],
                             gsem[j % 3])

        def g_wait(j):
            sl, r = divmod(j, ISEG)
            pltpu.make_async_copy(h_hbm.at[srcb[(sl) % 2].at[r]],
                                  rows[j % 3], gsem[j % 3]).wait()

        def s_start(j):
            sl, r = divmod(j, ISEG)
            pltpu.async_copy(rows[j % 3], accum.at[dstb[(sl) % 2].at[r]],
                             ssem[j % 3], add=True)

        def s_wait(j):
            sl, r = divmod(j, ISEG)
            pltpu.make_async_copy(rows[j % 3], accum.at[dstb[(sl) % 2].at[r]],
                                  ssem[j % 3]).wait()

        assert ISEG == 2
        stage_src(0)
        stage_src(1)
        stage_dst(0)
        stage_dst(1)
        plsc.subcore_barrier()
        stage_src_wait(0)
        g_start(0)

        for j in range(CT):
            if j % 2 == 0:
                stage_dst_wait(j // 2)
            g_wait(j)
            s_start(j)
            if j >= 2:
                s_wait(j - 2)
            if j % 2 == 1:
                if (j - 1) // 2 + 2 < nseg:
                    stage_src((j - 1) // 2 + 2)
                if j >= 3 and (j - 3) // 2 + 2 < nseg:
                    stage_dst((j - 3) // 2 + 2)
            if j + 1 < CT:
                if (j + 1) % 2 == 0:
                    stage_src_wait((j + 1) // 2)
                g_start(j + 1)

        s_wait(CT - 2)
        s_wait(CT - 1)
        plsc.subcore_barrier()

        wcp = pltpu.async_copy(
            accum.at[pl.ds(s * RPT, 520)],
            p_hbm.at[pl.ds(c * NPAD + s * RPT, 520)], gsem0)

        @pl.when(s < NS - 1)
        def _():
            pltpu.async_copy(
                accum.at[pl.ds(s * RPT + 520, RPT - 520)],
                p_hbm.at[pl.ds(c * NPAD + s * RPT + 520, RPT - 520)], gsem1)

        pltpu.sync_copy(samp_hbm.at[pl.ds(s * sp_per_tile, sp_per_tile)],
                        sidx_v)
        srows = rows0.at[pl.ds(0, sp_per_tile)]
        pltpu.async_copy(accum.at[sidx_v], srows, samsem).wait()
        pltpu.sync_copy(
            srows,
            zs_hbm.at[pl.ds(c * SPAD + s * sp_per_tile, sp_per_tile)])
        wcp.wait()

        @pl.when(s < NS - 1)
        def _():
            pltpu.make_async_copy(
                accum.at[pl.ds(s * RPT + 520, RPT - 520)],
                p_hbm.at[pl.ds(c * NPAD + s * RPT + 520, RPT - 520)],
                gsem1).wait()

    return seg_kernel(h, idx2, samp)


def _dec_body(p_ref, zs_ref, zm_ref, ip_ref, dist_ref):
    p = p_ref[...]
    zm_ref[...] = p[:N] + p[NPAD:NPAD + N]
    zs = zs_ref[...]
    z = zs[:S] + zs[SPAD:SPAD + S]
    ip = lax.dot_general(z, z, (((1,), (1,)), ((), ())),
                         preferred_element_type=jnp.float32)
    ip_ref[...] = ip
    sq = jnp.sum(z * z, axis=1)
    dist_ref[...] = sq[:, None] - 2.0 * ip + sq[None, :]


def _decoder(p_flat, zs_flat):
    return pl.pallas_call(
        _dec_body,
        out_shape=(jax.ShapeDtypeStruct((N, D), jnp.float32),
                   jax.ShapeDtypeStruct((S, S), jnp.float32),
                   jax.ShapeDtypeStruct((S, S), jnp.float32)),
    )(p_flat, zs_flat)


def kernel(features, edge_index, sampled_nodes, W):
    e = edge_index.shape[1]
    assert e == NW * CT * CHUNK
    idx2 = edge_index.astype(jnp.int32).reshape(2 * (e // CHUNK), CHUNK)
    samp = sampled_nodes.astype(jnp.int32)
    samp_p = jnp.concatenate([samp, jnp.zeros((SPAD - S,), jnp.int32)])

    h = _feature_matmul(features, W)
    p_flat, zs_flat = _sc_segment_sum(h, idx2, samp_p)
    z_mean, ip, dist = _decoder(p_flat, zs_flat)
    return z_mean, ip.reshape(-1), dist.reshape(-1)

# --- scband reference (transcript-rebuilt; emitter-appended) ---
"""Pipeline reference for scband-linear-model-ae-11828339933386 (READ-ONLY COPY).

The authoritative reference and input builder live on the scoring server;
editing this copy changes nothing except your own understanding.
"""

import jax, jax.numpy as jnp
import numpy as np

N = 10000   # n_nodes
F = 256     # num_features
D = 128     # FLAGS.dimension (latent)
E = 160000  # n_edges
S = 1000    # FastGAE sampled nodes


def setup_inputs(seed: int = 0) -> dict:
    key = jax.random.key(seed)
    k1, k2, k3, k4 = jax.random.split(key, 4)
    features = jax.random.normal(k1, (N, F), dtype=jnp.float32)
    edge_index = jax.random.randint(k2, (2, E), 0, N)
    sampled_nodes = jax.random.randint(k3, (S,), 0, N)
    # learned GCN weight (glorot-ish scale)
    W = jax.random.normal(k4, (F, D), dtype=jnp.float32) * (1.0 / np.sqrt(F))
    return {"features": features, "edge_index": edge_index,
            "sampled_nodes": sampled_nodes, "W": W}


def reference(features, edge_index, sampled_nodes, W):
    # GraphConvolutionSparse with identity activation, dropout=0:
    #   z_mean = adj @ (features @ W)
    h = features @ W
    src = edge_index[0]
    dst = edge_index[1]
    z_mean = jax.ops.segment_sum(h[src], dst, num_segments=N)
    # FastGAE: decode only on sampled subgraph
    z_s = z_mean[sampled_nodes]
    # InnerProductDecoder (act = identity): flatten(z_s @ z_s.T)
    ip = z_s @ z_s.T
    reconstructions = ip.reshape(-1)
    # DistanceDecoder (act = identity): flatten pairwise squared euclidean distances
    sq = jnp.sum(z_s * z_s, axis=1)
    dist = sq[:, None] - 2.0 * ip + sq[None, :]
    clusters = dist.reshape(-1)
    return z_mean, reconstructions, clusters

if __name__ == "__main__":
    import jax
    _d = setup_inputs()
    print(jax.jit(kernel)(*tuple(_d.values())))

</pallas_src>

<mosaic_0001>
#map = affine_map<(d0, d1) -> (0, 0)>
#map1 = affine_map<(d0, d1) -> (0)>
module attributes {stable_mosaic.version = 14 : i64} {
  func.func @seg_kernel(%arg0: i32, %arg1: i32, %arg2: memref<10000x128xf32, #tpu.memory_space<hbm>>, %arg3: memref<2560x125xi32, #tpu.memory_space<hbm>>, %arg4: memref<1024xi32, #tpu.memory_space<hbm>>, %arg5: memref<20224x128xf32, #tpu.memory_space<hbm>>, %arg6: memref<2048x128xf32, #tpu.memory_space<hbm>>, %arg7: memref<2x125xi32, #tpu.memory_space<vmem>>, %arg8: memref<2x125xi32, #tpu.memory_space<vmem>>, %arg9: memref<2x125xi32, #tpu.memory_space<vmem>>, %arg10: memref<2x125xi32, #tpu.memory_space<vmem>>, %arg11: memref<125x128xf32, #tpu.memory_space<vmem>>, %arg12: memref<125x128xf32, #tpu.memory_space<vmem>>, %arg13: memref<125x128xf32, #tpu.memory_space<vmem>>, %arg14: memref<64xi32, #tpu.memory_space<vmem>>, %arg15: memref<10000x128xf32, #tpu.memory_space<vmem_shared>>, %arg16: memref<!tpu.dma_semaphore, #tpu.memory_space<semaphore_mem>>, %arg17: memref<!tpu.dma_semaphore, #tpu.memory_space<semaphore_mem>>, %arg18: memref<!tpu.dma_semaphore, #tpu.memory_space<semaphore_mem>>, %arg19: memref<!tpu.dma_semaphore, #tpu.memory_space<semaphore_mem>>, %arg20: memref<!tpu.dma_semaphore, #tpu.memory_space<semaphore_mem>>, %arg21: memref<!tpu.dma_semaphore, #tpu.memory_space<semaphore_mem>>, %arg22: memref<!tpu.dma_semaphore, #tpu.memory_space<semaphore_mem>>, %arg23: memref<!tpu.dma_semaphore, #tpu.memory_space<semaphore_mem>>, %arg24: memref<!tpu.dma_semaphore, #tpu.memory_space<semaphore_mem>>, %arg25: memref<!tpu.dma_semaphore, #tpu.memory_space<semaphore_mem>>, %arg26: memref<!tpu.dma_semaphore, #tpu.memory_space<semaphore_mem>>) attributes {dimension_semantics = [#tpu.dimension_semantics<core_parallel>, #tpu.dimension_semantics<subcore_parallel>], iteration_bounds = array<i64: 2, 16>, scalar_prefetch = 0 : i64, scratch_operands = 20 : i64, tpu.core_type = #tpu.core_type<sc_vector_subcore>, window_params = [{transform_indices = #map}, {transform_indices = #map}, {transform_indices = #map1}, {transform_indices = #map}, {transform_indices = #map}]} {
    %mul3A = arith.constant 2 : i32
    %mul3A_0 = arith.muli %arg1, %mul3A : i32
    %add3A = arith.addi %mul3A_0, %arg0 : i32
    %broadcast_in_dim3A = arith.constant 0.000000e+00 : f32
    %broadcast_in_dim3A_1 = vector.broadcast %broadcast_in_dim3A : f32 to vector<16xf32>
    %scan3A = arith.constant 0 : i32
    %scan3A_2 = arith.constant 120 : i32
    %scan3A_3 = arith.addi %scan3A, %scan3A_2 : i32
    %scan3A_4 = arith.constant 1 : i32
    scf.for %scan3A_1911 = %scan3A to %scan3A_3 step %scan3A_4  : i32 {
      %mul3A_1912 = arith.constant 1 : i32
      %mul3A_1913 = arith.muli %scan3A_1911, %mul3A_1912 : i32
      %add3A_1914 = arith.constant 0 : i32
      %add3A_1915 = arith.addi %add3A_1914, %mul3A_1913 : i32
      %swap3A = arith.index_cast %add3A_1915 : i32 to index
      %swap3A_1916 = arith.constant 0 : index
      %swap3A_1917 = tpu.vector_load %arg11[%swap3A, %swap3A_1916] {strides = array<i32>} : memref<125x128xf32, #tpu.memory_space<vmem>>, vector<1x16xf32>,
      %swap3A_1918 = vector.shape_cast %swap3A_1917 : vector<1x16xf32> to vector<16xf32>
      %swap3A_1919 = vector.shape_cast %broadcast_in_dim3A_1 : vector<16xf32> to vector<1x16xf32>
      tpu.vector_store %arg11[%swap3A, %swap3A_1916], %swap3A_1919 {strides = array<i32>} : memref<125x128xf32, #tpu.memory_space<vmem>>, vector<1x16xf32>,
      %swap3A_1920 = arith.index_cast %add3A_1915 : i32 to index
      %swap3A_1921 = arith.constant 16 : index
      %swap3A_1922 = tpu.vector_load %arg11[%swap3A_1920, %swap3A_1921] {strides = array<i32>} : memref<125x128xf32, #tpu.memory_space<vmem>>, vector<1x16xf32>,
      %swap3A_1923 = vector.shape_cast %swap3A_1922 : vector<1x16xf32> to vector<16xf32>
      %swap3A_1924 = vector.shape_cast %broadcast_in_dim3A_1 : vector<16xf32> to vector<1x16xf32>
      tpu.vector_store %arg11[%swap3A_1920, %swap3A_1921], %swap3A_1924 {strides = array<i32>} : memref<125x128xf32, #tpu.memory_space<vmem>>, vector<1x16xf32>,
      %swap3A_1925 = arith.index_cast %add3A_1915 : i32 to index
      %swap3A_1926 = arith.constant 32 : index
      %swap3A_1927 = tpu.vector_load %arg11[%swap3A_1925, %swap3A_1926] {strides = array<i32>} : memref<125x128xf32, #tpu.memory_space<vmem>>, vector<1x16xf32>,
      %swap3A_1928 = vector.shape_cast %swap3A_1927 : vector<1x16xf32> to vector<16xf32>
      %swap3A_1929 = vector.shape_cast %broadcast_in_dim3A_1 : vector<16xf32> to vector<1x16xf32>
      tpu.vector_store %arg11[%swap3A_1925, %swap3A_1926], %swap3A_1929 {strides = array<i32>} : memref<125x128xf32, #tpu.memory_space<vmem>>, vector<1x16xf32>,
      %swap3A_1930 = arith.index_cast %add3A_1915 : i32 to index
      %swap3A_1931 = arith.constant 48 : index
      %swap3A_1932 = tpu.vector_load %arg11[%swap3A_1930, %swap3A_1931] {strides = array<i32>} : memref<125x128xf32, #tpu.memory_space<vmem>>, vector<1x16xf32>,
      %swap3A_1933 = vector.shape_cast %swap3A_1932 : vector<1x16xf32> to vector<16xf32>
      %swap3A_1934 = vector.shape_cast %broadcast_in_dim3A_1 : vector<16xf32> to vector<1x16xf32>
      tpu.vector_store %arg11[%swap3A_1930, %swap3A_1931], %swap3A_1934 {strides = array<i32>} : memref<125x128xf32, #tpu.memory_space<vmem>>, vector<1x16xf32>,
      %swap3A_1935 = arith.index_cast %add3A_1915 : i32 to index
      %swap3A_1936 = arith.constant 64 : index
      %swap3A_1937 = tpu.vector_load %arg11[%swap3A_1935, %swap3A_1936] {strides = array<i32>} : memref<125x128xf32, #tpu.memory_space<vmem>>, vector<1x16xf32>,
      %swap3A_1938 = vector.shape_cast %swap3A_1937 : vector<1x16xf32> to vector<16xf32>
      %swap3A_1939 = vector.shape_cast %broadcast_in_dim3A_1 : vector<16xf32> to vector<1x16xf32>
      tpu.vector_store %arg11[%swap3A_1935, %swap3A_1936], %swap3A_1939 {strides = array<i32>} : memref<125x128xf32, #tpu.memory_space<vmem>>, vector<1x16xf32>,
      %swap3A_1940 = arith.index_cast %add3A_1915 : i32 to index
      %swap3A_1941 = arith.constant 80 : index
      %swap3A_1942 = tpu.vector_load %arg11[%swap3A_1940, %swap3A_1941] {strides = array<i32>} : memref<125x128xf32, #tpu.memory_space<vmem>>, vector<1x16xf32>,
      %swap3A_1943 = vector.shape_cast %swap3A_1942 : vector<1x16xf32> to vector<16xf32>
      %swap3A_1944 = vector.shape_cast %broadcast_in_dim3A_1 : vector<16xf32> to vector<1x16xf32>
      tpu.vector_store %arg11[%swap3A_1940, %swap3A_1941], %swap3A_1944 {strides = array<i32>} : memref<125x128xf32, #tpu.memory_space<vmem>>, vector<1x16xf32>,
      %swap3A_1945 = arith.index_cast %add3A_1915 : i32 to index
      %swap3A_1946 = arith.constant 96 : index
      %swap3A_1947 = tpu.vector_load %arg11[%swap3A_1945, %swap3A_1946] {strides = array<i32>} : memref<125x128xf32, #tpu.memory_space<vmem>>, vector<1x16xf32>,
      %swap3A_1948 = vector.shape_cast %swap3A_1947 : vector<1x16xf32> to vector<16xf32>
      %swap3A_1949 = vector.shape_cast %broadcast_in_dim3A_1 : vector<16xf32> to vector<1x16xf32>
      tpu.vector_store %arg11[%swap3A_1945, %swap3A_1946], %swap3A_1949 {strides = array<i32>} : memref<125x128xf32, #tpu.memory_space<vmem>>, vector<1x16xf32>,
      %swap3A_1950 = arith.index_cast %add3A_1915 : i32 to index
      %swap3A_1951 = arith.constant 112 : index
      %swap3A_1952 = tpu.vector_load %arg11[%swap3A_1950, %swap3A_1951] {strides = array<i32>} : memref<125x128xf32, #tpu.memory_space<vmem>>, vector<1x16xf32>,
      %swap3A_1953 = vector.shape_cast %swap3A_1952 : vector<1x16xf32> to vector<16xf32>
      %swap3A_1954 = vector.shape_cast %broadcast_in_dim3A_1 : vector<16xf32> to vector<1x16xf32>
      tpu.vector_store %arg11[%swap3A_1950, %swap3A_1951], %swap3A_1954 {strides = array<i32>} : memref<125x128xf32, #tpu.memory_space<vmem>>, vector<1x16xf32>,
    }
    %scan3A_5 = arith.constant 120 : i32
    %mul3A_6 = arith.constant 632 : i32
    %mul3A_7 = arith.muli %arg1, %mul3A_6 : i32
    %add3A_8 = arith.constant 0 : i32
    %add3A_9 = arith.addi %mul3A_7, %add3A_8 : i32
    "tpu.region"() ({
      %run_scoped3A = tpu.sem_alloc : memref<!tpu.dma_semaphore, #tpu.memory_space<semaphore_mem>>
      %dma_start3A_1911 = arith.constant 0 : i32
      %dma_start3A_1912 = arith.constant 0 : i32
      %dma_start3A_1913 = tpu.memref_slice %arg11[%dma_start3A_1911, %dma_start3A_1912] : memref<125x128xf32, #tpu.memory_space<vmem>> -> memref<120x128xf32, #tpu.memory_space<vmem>>
      %dma_start3A_1914 = arith.constant 0 : i32
      %dma_start3A_1915 = tpu.memref_slice %arg15[%add3A_9, %dma_start3A_1914] : memref<10000x128xf32, #tpu.memory_space<vmem_shared>> -> memref<120x128xf32, #tpu.memory_space<vmem_shared>>
      %dma_start3A_1916 = arith.constant 0 : i32
      %dma_start3A_1917 = tpu.memref_slice %arg15[%add3A_9, %dma_start3A_1916] : memref<10000x128xf32, #tpu.memory_space<vmem_shared>> -> memref<120x128xf32, #tpu.memory_space<vmem_shared>>
      %dma_start3A_1918 = arith.constant 0 : i32
      %dma_start3A_1919 = arith.constant 0 : i32
      %dma_start3A_1920 = tpu.memref_slice %arg11[%dma_start3A_1918, %dma_start3A_1919] : memref<125x128xf32, #tpu.memory_space<vmem>> -> memref<120x128xf32, #tpu.memory_space<vmem>>
      tpu.enqueue_dma source(%dma_start3A_1920 : memref<120x128xf32, #tpu.memory_space<vmem>>) target(%dma_start3A_1917 : memref<120x128xf32, #tpu.memory_space<vmem_shared>>) target_semaphore(%run_scoped3A : memref<!tpu.dma_semaphore, #tpu.memory_space<semaphore_mem>>)
      %dma_wait3A_1921 = arith.constant 0 : i32
      %dma_wait3A_1922 = arith.constant 0 : i32
      %dma_wait3A_1923 = tpu.memref_slice %arg11[%dma_wait3A_1921, %dma_wait3A_1922] : memref<125x128xf32, #tpu.memory_space<vmem>> -> memref<120x128xf32, #tpu.memory_space<vmem>>
      %dma_wait3A_1924 = arith.constant 0 : i32
      %dma_wait3A_1925 = tpu.memref_slice %arg15[%add3A_9, %dma_wait3A_1924] : memref<10000x128xf32, #tpu.memory_space<vmem_shared>> -> memref<120x128xf32, #tpu.memory_space<vmem_shared>>
      %dma_wait3A_1926 = arith.constant 0 : i32
      %dma_wait3A_1927 = tpu.memref_slice %arg15[%add3A_9, %dma_wait3A_1926] : memref<10000x128xf32, #tpu.memory_space<vmem_shared>> -> memref<120x128xf32, #tpu.memory_space<vmem_shared>>
      %dma_wait3A_1928 = arith.constant 0 : i32
      %dma_wait3A_1929 = arith.constant 0 : i32
      %dma_wait3A_1930 = tpu.memref_slice %arg11[%dma_wait3A_1928, %dma_wait3A_1929] : memref<125x128xf32, #tpu.memory_space<vmem>> -> memref<120x128xf32, #tpu.memory_space<vmem>>
      tpu.wait_dma2 semaphore(%run_scoped3A : memref<!tpu.dma_semaphore, #tpu.memory_space<semaphore_mem>>) src(%dma_wait3A_1930 : memref<120x128xf32, #tpu.memory_space<vmem>>) dst(%dma_wait3A_1927 : memref<120x128xf32, #tpu.memory_space<vmem_shared>>)
      tpu.yield
    }) : () -> ()
    %mul3A_10 = arith.constant 632 : i32
    %mul3A_11 = arith.muli %arg1, %mul3A_10 : i32
    %add3A_12 = arith.constant 120 : i32
    %add3A_13 = arith.addi %mul3A_11, %add3A_12 : i32
    "tpu.region"() ({
      %run_scoped3A = tpu.sem_alloc : memref<!tpu.dma_semaphore, #tpu.memory_space<semaphore_mem>>
      %dma_start3A_1911 = arith.constant 0 : i32
      %dma_start3A_1912 = arith.constant 0 : i32
      %dma_start3A_1913 = tpu.memref_slice %arg11[%dma_start3A_1911, %dma_start3A_1912] : memref<125x128xf32, #tpu.memory_space<vmem>> -> memref<120x128xf32, #tpu.memory_space<vmem>>
      %dma_start3A_1914 = arith.constant 0 : i32
      %dma_start3A_1915 = tpu.memref_slice %arg15[%add3A_13, %dma_start3A_1914] : memref<10000x128xf32, #tpu.memory_space<vmem_shared>> -> memref<120x128xf32, #tpu.memory_space<vmem_shared>>
      %dma_start3A_1916 = arith.constant 0 : i32
      %dma_start3A_1917 = tpu.memref_slice %arg15[%add3A_13, %dma_start3A_1916] : memref<10000x128xf32, #tpu.memory_space<vmem_shared>> -> memref<120x128xf32, #tpu.memory_space<vmem_shared>>
      %dma_start3A_1918 = arith.constant 0 : i32
      %dma_start3A_1919 = arith.constant 0 : i32
      %dma_start3A_1920 = tpu.memref_slice %arg11[%dma_start3A_1918, %dma_start3A_1919] : memref<125x128xf32, #tpu.memory_space<vmem>> -> memref<120x128xf32, #tpu.memory_space<vmem>>
      tpu.enqueue_dma source(%dma_start3A_1920 : memref<120x128xf32, #tpu.memory_space<vmem>>) target(%dma_start3A_1917 : memref<120x128xf32, #tpu.memory_space<vmem_shared>>) target_semaphore(%run_scoped3A : memref<!tpu.dma_semaphore, #tpu.memory_space<semaphore_mem>>)
      %dma_wait3A_1921 = arith.constant 0 : i32
      %dma_wait3A_1922 = arith.constant 0 : i32
      %dma_wait3A_1923 = tpu.memref_slice %arg11[%dma_wait3A_1921, %dma_wait3A_1922] : memref<125x128xf32, #tpu.memory_space<vmem>> -> memref<120x128xf32, #tpu.memory_space<vmem>>
      %dma_wait3A_1924 = arith.constant 0 : i32
      %dma_wait3A_1925 = tpu.memref_slice %arg15[%add3A_13, %dma_wait3A_1924] : memref<10000x128xf32, #tpu.memory_space<vmem_shared>> -> memref<120x128xf32, #tpu.memory_space<vmem_shared>>
      %dma_wait3A_1926 = arith.constant 0 : i32
      %dma_wait3A_1927 = tpu.memref_slice %arg15[%add3A_13, %dma_wait3A_1926] : memref<10000x128xf32, #tpu.memory_space<vmem_shared>> -> memref<120x128xf32, #tpu.memory_space<vmem_shared>>
      %dma_wait3A_1928 = arith.constant 0 : i32
      %dma_wait3A_1929 = arith.constant 0 : i32
      %dma_wait3A_1930 = tpu.memref_slice %arg11[%dma_wait3A_1928, %dma_wait3A_1929] : memref<125x128xf32, #tpu.memory_space<vmem>> -> memref<120x128xf32, #tpu.memory_space<vmem>>
      tpu.wait_dma2 semaphore(%run_scoped3A : memref<!tpu.dma_semaphore, #tpu.memory_space<semaphore_mem>>) src(%dma_wait3A_1930 : memref<120x128xf32, #tpu.memory_space<vmem>>) dst(%dma_wait3A_1927 : memref<120x128xf32, #tpu.memory_space<vmem_shared>>)
      tpu.yield
    }) : () -> ()
    %mul3A_14 = arith.constant 632 : i32
    %mul3A_15 = arith.muli %arg1, %mul3A_14 : i32
    %add3A_16 = arith.constant 240 : i32
    %add3A_17 = arith.addi %mul3A_15, %add3A_16 : i32
    "tpu.region"() ({
      %run_scoped3A = tpu.sem_alloc : memref<!tpu.dma_semaphore, #tpu.memory_space<semaphore_mem>>
      %dma_start3A_1911 = arith.constant 0 : i32
      %dma_start3A_1912 = arith.constant 0 : i32
      %dma_start3A_1913 = tpu.memref_slice %arg11[%dma_start3A_1911, %dma_start3A_1912] : memref<125x128xf32, #tpu.memory_space<vmem>> -> memref<120x128xf32, #tpu.memory_space<vmem>>
      %dma_start3A_1914 = arith.constant 0 : i32
      %dma_start3A_1915 = tpu.memref_slice %arg15[%add3A_17, %dma_start3A_1914] : memref<10000x128xf32, #tpu.memory_space<vmem_shared>> -> memref<120x128xf32, #tpu.memory_space<vmem_shared>>
      %dma_start3A_1916 = arith.constant 0 : i32
      %dma_start3A_1917 = tpu.memref_slice %arg15[%add3A_17, %dma_start3A_1916] : memref<10000x128xf32, #tpu.memory_space<vmem_shared>> -> memref<120x128xf32, #tpu.memory_space<vmem_shared>>
      %dma_start3A_1918 = arith.constant 0 : i32
      %dma_start3A_1919 = arith.constant 0 : i32
      %dma_start3A_1920 = tpu.memref_slice %arg11[%dma_start3A_1918, %dma_start3A_1919] : memref<125x128xf32, #tpu.memory_space<vmem>> -> memref<120x128xf32, #tpu.memory_space<vmem>>
      tpu.enqueue_dma source(%dma_start3A_1920 : memref<120x128xf32, #tpu.memory_space<vmem>>) target(%dma_start3A_1917 : memref<120x128xf32, #tpu.memory_space<vmem_shared>>) target_semaphore(%run_scoped3A : memref<!tpu.dma_semaphore, #tpu.memory_space<semaphore_mem>>)
      %dma_wait3A_1921 = arith.constant 0 : i32
      %dma_wait3A_1922 = arith.constant 0 : i32
      %dma_wait3A_1923 = tpu.memref_slice %arg11[%dma_wait3A_1921, %dma_wait3A_1922] : memref<125x128xf32, #tpu.memory_space<vmem>> -> memref<120x128xf32, #tpu.memory_space<vmem>>
      %dma_wait3A_1924 = arith.constant 0 : i32
      %dma_wait3A_1925 = tpu.memref_slice %arg15[%add3A_17, %dma_wait3A_1924] : memref<10000x128xf32, #tpu.memory_space<vmem_shared>> -> memref<120x128xf32, #tpu.memory_space<vmem_shared>>
      %dma_wait3A_1926 = arith.constant 0 : i32
      %dma_wait3A_1927 = tpu.memref_slice %arg15[%add3A_17, %dma_wait3A_1926] : memref<10000x128xf32, #tpu.memory_space<vmem_shared>> -> memref<120x128xf32, #tpu.memory_space<vmem_shared>>
      %dma_wait3A_1928 = arith.constant 0 : i32
      %dma_wait3A_1929 = arith.constant 0 : i32
      %dma_wait3A_1930 = tpu.memref_slice %arg11[%dma_wait3A_1928, %dma_wait3A_1929] : memref<125x128xf32, #tpu.memory_space<vmem>> -> memref<120x128xf32, #tpu.memory_space<vmem>>
      tpu.wait_dma2 semaphore(%run_scoped3A : memref<!tpu.dma_semaphore, #tpu.memory_space<semaphore_mem>>) src(%dma_wait3A_1930 : memref<120x128xf32, #tpu.memory_space<vmem>>) dst(%dma_wait3A_1927 : memref<120x128xf32, #tpu.memory_space<vmem_shared>>)
      tpu.yield
    }) : () -> ()
    %mul3A_18 = arith.constant 632 : i32
    %mul3A_19 = arith.muli %arg1, %mul3A_18 : i32
    %add3A_20 = arith.constant 360 : i32
    %add3A_21 = arith.addi %mul3A_19, %add3A_20 : i32
    "tpu.region"() ({
      %run_scoped3A = tpu.sem_alloc : memref<!tpu.dma_semaphore, #tpu.memory_space<semaphore_mem>>
      %dma_start3A_1911 = arith.constant 0 : i32
      %dma_start3A_1912 = arith.constant 0 : i32
      %dma_start3A_1913 = tpu.memref_slice %arg11[%dma_start3A_1911, %dma_start3A_1912] : memref<125x128xf32, #tpu.memory_space<vmem>> -> memref<120x128xf32, #tpu.memory_space<vmem>>
      %dma_start3A_1914 = arith.constant 0 : i32
      %dma_start3A_1915 = tpu.memref_slice %arg15[%add3A_21, %dma_start3A_1914] : memref<10000x128xf32, #tpu.memory_space<vmem_shared>> -> memref<120x128xf32, #tpu.memory_space<vmem_shared>>
      %dma_start3A_1916 = arith.constant 0 : i32
      %dma_start3A_1917 = tpu.memref_slice %arg15[%add3A_21, %dma_start3A_1916] : memref<10000x128xf32, #tpu.memory_space<vmem_shared>> -> memref<120x128xf32, #tpu.memory_space<vmem_shared>>
      %dma_start3A_1918 = arith.constant 0 : i32
      %dma_start3A_1919 = arith.constant 0 : i32
      %dma_start3A_1920 = tpu.memref_slice %arg11[%dma_start3A_1918, %dma_start3A_1919] : memref<125x128xf32, #tpu.memory_space<vmem>> -> memref<120x128xf32, #tpu.memory_space<vmem>>
      tpu.enqueue_dma source(%dma_start3A_1920 : memref<120x128xf32, #tpu.memory_space<vmem>>) target(%dma_start3A_1917 : memref<120x128xf32, #tpu.memory_space<vmem_shared>>) target_semaphore(%run_scoped3A : memref<!tpu.dma_semaphore, #tpu.memory_space<semaphore_mem>>)
      %dma_wait3A_1921 = arith.constant 0 : i32
      %dma_wait3A_1922 = arith.constant 0 : i32
      %dma_wait3A_1923 = tpu.memref_slice %arg11[%dma_wait3A_1921, %dma_wait3A_1922] : memref<125x128xf32, #tpu.memory_space<vmem>> -> memref<120x128xf32, #tpu.memory_space<vmem>>
      %dma_wait3A_1924 = arith.constant 0 : i32
      %dma_wait3A_1925 = tpu.memref_slice %arg15[%add3A_21, %dma_wait3A_1924] : memref<10000x128xf32, #tpu.memory_space<vmem_shared>> -> memref<120x128xf32, #tpu.memory_space<vmem_shared>>
      %dma_wait3A_1926 = arith.constant 0 : i32
      %dma_wait3A_1927 = tpu.memref_slice %arg15[%add3A_21, %dma_wait3A_1926] : memref<10000x128xf32, #tpu.memory_space<vmem_shared>> -> memref<120x128xf32, #tpu.memory_space<vmem_shared>>
      %dma_wait3A_1928 = arith.constant 0 : i32
      %dma_wait3A_1929 = arith.constant 0 : i32
      %dma_wait3A_1930 = tpu.memref_slice %arg11[%dma_wait3A_1928, %dma_wait3A_1929] : memref<125x128xf32, #tpu.memory_space<vmem>> -> memref<120x128xf32, #tpu.memory_space<vmem>>
      tpu.wait_dma2 semaphore(%run_scoped3A : memref<!tpu.dma_semaphore, #tpu.memory_space<semaphore_mem>>) src(%dma_wait3A_1930 : memref<120x128xf32, #tpu.memory_space<vmem>>) dst(%dma_wait3A_1927 : memref<120x128xf32, #tpu.memory_space<vmem_shared>>)
      tpu.yield
    }) : () -> ()
    %lt3A = arith.constant 15 : i32
    %lt3A_22 = arith.cmpi slt, %arg1, %lt3A : i32
    %convert_element_type3A = arith.extui %lt3A_22 : i1 to i32
    %cond3A = arith.constant 0 : i32
    %cond3A_23 = arith.cmpi ne, %convert_element_type3A, %cond3A : i32
    scf.if %cond3A_23 {
      %mul3A_1911 = arith.constant 632 : i32
      %mul3A_1912 = arith.muli %arg1, %mul3A_1911 : i32
      %add3A_1913 = arith.constant 480 : i32
      %add3A_1914 = arith.addi %mul3A_1912, %add3A_1913 : i32
      "tpu.region"() ({
        %run_scoped3A = tpu.sem_alloc : memref<!tpu.dma_semaphore, #tpu.memory_space<semaphore_mem>>
        %dma_start3A_1919 = arith.constant 0 : i32
        %dma_start3A_1920 = arith.constant 0 : i32
        %dma_start3A_1921 = tpu.memref_slice %arg11[%dma_start3A_1919, %dma_start3A_1920] : memref<125x128xf32, #tpu.memory_space<vmem>> -> memref<120x128xf32, #tpu.memory_space<vmem>>
        %dma_start3A_1922 = arith.constant 0 : i32
        %dma_start3A_1923 = tpu.memref_slice %arg15[%add3A_1914, %dma_start3A_1922] : memref<10000x128xf32, #tpu.memory_space<vmem_shared>> -> memref<120x128xf32, #tpu.memory_space<vmem_shared>>
        %dma_start3A_1924 = arith.constant 0 : i32
        %dma_start3A_1925 = tpu.memref_slice %arg15[%add3A_1914, %dma_start3A_1924] : memref<10000x128xf32, #tpu.memory_space<vmem_shared>> -> memref<120x128xf32, #tpu.memory_space<vmem_shared>>
        %dma_start3A_1926 = arith.constant 0 : i32
        %dma_start3A_1927 = arith.constant 0 : i32
        %dma_start3A_1928 = tpu.memref_slice %arg11[%dma_start3A_1926, %dma_start3A_1927] : memref<125x128xf32, #tpu.memory_space<vmem>> -> memref<120x128xf32, #tpu.memory_space<vmem>>
        tpu.enqueue_dma source(%dma_start3A_1928 : memref<120x128xf32, #tpu.memory_space<vmem>>) target(%dma_start3A_1925 : memref<120x128xf32, #tpu.memory_space<vmem_shared>>) target_semaphore(%run_scoped3A : memref<!tpu.dma_semaphore, #tpu.memory_space<semaphore_mem>>)
        %dma_wait3A_1929 = arith.constant 0 : i32
        %dma_wait3A_1930 = arith.constant 0 : i32
        %dma_wait3A_1931 = tpu.memref_slice %arg11[%dma_wait3A_1929, %dma_wait3A_1930] : memref<125x128xf32, #tpu.memory_space<vmem>> -> memref<120x128xf32, #tpu.memory_space<vmem>>
        %dma_wait3A_1932 = arith.constant 0 : i32
        %dma_wait3A_1933 = tpu.memref_slice %arg15[%add3A_1914, %dma_wait3A_1932] : memref<10000x128xf32, #tpu.memory_space<vmem_shared>> -> memref<120x128xf32, #tpu.memory_space<vmem_shared>>
        %dma_wait3A_1934 = arith.constant 0 : i32
        %dma_wait3A_1935 = tpu.memref_slice %arg15[%add3A_1914, %dma_wait3A_1934] : memref<10000x128xf32, #tpu.memory_space<vmem_shared>> -> memref<120x128xf32, #tpu.memory_space<vmem_shared>>
        %dma_wait3A_1936 = arith.constant 0 : i32
        %dma_wait3A_1937 = arith.constant 0 : i32
        %dma_wait3A_1938 = tpu.memref_slice %arg11[%dma_wait3A_1936, %dma_wait3A_1937] : memref<125x128xf32, #tpu.memory_space<vmem>> -> memref<120x128xf32, #tpu.memory_space<vmem>>
        tpu.wait_dma2 semaphore(%run_scoped3A : memref<!tpu.dma_semaphore, #tpu.memory_space<semaphore_mem>>) src(%dma_wait3A_1938 : memref<120x128xf32, #tpu.memory_space<vmem>>) dst(%dma_wait3A_1935 : memref<120x128xf32, #tpu.memory_space<vmem_shared>>)
        tpu.yield
      }) : () -> ()
      %mul3A_1915 = arith.constant 632 : i32
      %mul3A_1916 = arith.muli %arg1, %mul3A_1915 : i32
      %add3A_1917 = arith.constant 600 : i32
      %add3A_1918 = arith.addi %mul3A_1916, %add3A_1917 : i32
      "tpu.region"() ({
        %run_scoped3A = tpu.sem_alloc : memref<!tpu.dma_semaphore, #tpu.memory_space<semaphore_mem>>
        %dma_start3A_1919 = arith.constant 0 : i32
        %dma_start3A_1920 = arith.constant 0 : i32
        %dma_start3A_1921 = tpu.memref_slice %arg11[%dma_start3A_1919, %dma_start3A_1920] : memref<125x128xf32, #tpu.memory_space<vmem>> -> memref<32x128xf32, #tpu.memory_space<vmem>>
        %dma_start3A_1922 = arith.constant 0 : i32
        %dma_start3A_1923 = tpu.memref_slice %arg15[%add3A_1918, %dma_start3A_1922] : memref<10000x128xf32, #tpu.memory_space<vmem_shared>> -> memref<32x128xf32, #tpu.memory_space<vmem_shared>>
        %dma_start3A_1924 = arith.constant 0 : i32
        %dma_start3A_1925 = tpu.memref_slice %arg15[%add3A_1918, %dma_start3A_1924] : memref<10000x128xf32, #tpu.memory_space<vmem_shared>> -> memref<32x128xf32, #tpu.memory_space<vmem_shared>>
        %dma_start3A_1926 = arith.constant 0 : i32
        %dma_start3A_1927 = arith.constant 0 : i32
        %dma_start3A_1928 = tpu.memref_slice %arg11[%dma_start3A_1926, %dma_start3A_1927] : memref<125x128xf32, #tpu.memory_space<vmem>> -> memref<32x128xf32, #tpu.memory_space<vmem>>
        tpu.enqueue_dma source(%dma_start3A_1928 : memref<32x128xf32, #tpu.memory_space<vmem>>) target(%dma_start3A_1925 : memref<32x128xf32, #tpu.memory_space<vmem_shared>>) target_semaphore(%run_scoped3A : memref<!tpu.dma_semaphore, #tpu.memory_space<semaphore_mem>>)
        %dma_wait3A_1929 = arith.constant 0 : i32
        %dma_wait3A_1930 = arith.constant 0 : i32
        %dma_wait3A_1931 = tpu.memref_slice %arg11[%dma_wait3A_1929, %dma_wait3A_1930] : memref<125x128xf32, #tpu.memory_space<vmem>> -> memref<32x128xf32, #tpu.memory_space<vmem>>
        %dma_wait3A_1932 = arith.constant 0 : i32
        %dma_wait3A_1933 = tpu.memref_slice %arg15[%add3A_1918, %dma_wait3A_1932] : memref<10000x128xf32, #tpu.memory_space<vmem_shared>> -> memref<32x128xf32, #tpu.memory_space<vmem_shared>>
        %dma_wait3A_1934 = arith.constant 0 : i32
        %dma_wait3A_1935 = tpu.memref_slice %arg15[%add3A_1918, %dma_wait3A_1934] : memref<10000x128xf32, #tpu.memory_space<vmem_shared>> -> memref<32x128xf32, #tpu.memory_space<vmem_shared>>
        %dma_wait3A_1936 = arith.constant 0 : i32
        %dma_wait3A_1937 = arith.constant 0 : i32
        %dma_wait3A_1938 = tpu.memref_slice %arg11[%dma_wait3A_1936, %dma_wait3A_1937] : memref<125x128xf32, #tpu.memory_space<vmem>> -> memref<32x128xf32, #tpu.memory_space<vmem>>
        tpu.wait_dma2 semaphore(%run_scoped3A : memref<!tpu.dma_semaphore, #tpu.memory_space<semaphore_mem>>) src(%dma_wait3A_1938 : memref<32x128xf32, #tpu.memory_space<vmem>>) dst(%dma_wait3A_1935 : memref<32x128xf32, #tpu.memory_space<vmem_shared>>)
        tpu.yield
      }) : () -> ()
    } else {
    }
    %eq3A = arith.constant 15 : i32
    %eq3A_24 = arith.cmpi eq, %arg1, %eq3A : i32
    %convert_element_type3A_25 = arith.extui %eq3A_24 : i1 to i32
    %cond3A_26 = arith.constant 0 : i32
    %cond3A_27 = arith.cmpi ne, %convert_element_type3A_25, %cond3A_26 : i32
    scf.if %cond3A_27 {
      %mul3A_1911 = arith.constant 632 : i32
      %mul3A_1912 = arith.muli %arg1, %mul3A_1911 : i32
      %add3A_1913 = arith.constant 480 : i32
      %add3A_1914 = arith.addi %mul3A_1912, %add3A_1913 : i32
      "tpu.region"() ({
        %run_scoped3A = tpu.sem_alloc : memref<!tpu.dma_semaphore, #tpu.memory_space<semaphore_mem>>
        %dma_start3A_1915 = arith.constant 0 : i32
        %dma_start3A_1916 = arith.constant 0 : i32
        %dma_start3A_1917 = tpu.memref_slice %arg11[%dma_start3A_1915, %dma_start3A_1916] : memref<125x128xf32, #tpu.memory_space<vmem>> -> memref<40x128xf32, #tpu.memory_space<vmem>>
        %dma_start3A_1918 = arith.constant 0 : i32
        %dma_start3A_1919 = tpu.memref_slice %arg15[%add3A_1914, %dma_start3A_1918] : memref<10000x128xf32, #tpu.memory_space<vmem_shared>> -> memref<40x128xf32, #tpu.memory_space<vmem_shared>>
        %dma_start3A_1920 = arith.constant 0 : i32
        %dma_start3A_1921 = tpu.memref_slice %arg15[%add3A_1914, %dma_start3A_1920] : memref<10000x128xf32, #tpu.memory_space<vmem_shared>> -> memref<40x128xf32, #tpu.memory_space<vmem_shared>>
        %dma_start3A_1922 = arith.constant 0 : i32
        %dma_start3A_1923 = arith.constant 0 : i32
        %dma_start3A_1924 = tpu.memref_slice %arg11[%dma_start3A_1922, %dma_start3A_1923] : memref<125x128xf32, #tpu.memory_space<vmem>> -> memref<40x128xf32, #tpu.memory_space<vmem>>
        tpu.enqueue_dma source(%dma_start3A_1924 : memref<40x128xf32, #tpu.memory_space<vmem>>) target(%dma_start3A_1921 : memref<40x128xf32, #tpu.memory_space<vmem_shared>>) target_semaphore(%run_scoped3A : memref<!tpu.dma_semaphore, #tpu.memory_space<semaphore_mem>>)
        %dma_wait3A_1925 = arith.constant 0 : i32
        %dma_wait3A_1926 = arith.constant 0 : i32
        %dma_wait3A_1927 = tpu.memref_slice %arg11[%dma_wait3A_1925, %dma_wait3A_1926] : memref<125x128xf32, #tpu.memory_space<vmem>> -> memref<40x128xf32, #tpu.memory_space<vmem>>
        %dma_wait3A_1928 = arith.constant 0 : i32
        %dma_wait3A_1929 = tpu.memref_slice %arg15[%add3A_1914, %dma_wait3A_1928] : memref<10000x128xf32, #tpu.memory_space<vmem_shared>> -> memref<40x128xf32, #tpu.memory_space<vmem_shared>>
        %dma_wait3A_1930 = arith.constant 0 : i32
        %dma_wait3A_1931 = tpu.memref_slice %arg15[%add3A_1914, %dma_wait3A_1930] : memref<10000x128xf32, #tpu.memory_space<vmem_shared>> -> memref<40x128xf32, #tpu.memory_space<vmem_shared>>
        %dma_wait3A_1932 = arith.constant 0 : i32
        %dma_wait3A_1933 = arith.constant 0 : i32
        %dma_wait3A_1934 = tpu.memref_slice %arg11[%dma_wait3A_1932, %dma_wait3A_1933] : memref<125x128xf32, #tpu.memory_space<vmem>> -> memref<40x128xf32, #tpu.memory_space<vmem>>
        tpu.wait_dma2 semaphore(%run_scoped3A : memref<!tpu.dma_semaphore, #tpu.memory_space<semaphore_mem>>) src(%dma_wait3A_1934 : memref<40x128xf32, #tpu.memory_space<vmem>>) dst(%dma_wait3A_1931 : memref<40x128xf32, #tpu.memory_space<vmem_shared>>)
        tpu.yield
      }) : () -> ()
    } else {
    }
    %mul3A_28 = arith.constant 40 : i32
    %mul3A_29 = arith.muli %add3A, %mul3A_28 : i32
    %add3A_30 = arith.constant 0 : i32
    %add3A_31 = arith.addi %mul3A_29, %add3A_30 : i32
    %dma_start3A = arith.constant 0 : i32
    %dma_start3A_32 = tpu.memref_slice %arg3[%add3A_31, %dma_start3A] : memref<2560x125xi32, #tpu.memory_space<hbm>> -> memref<2x125xi32, #tpu.memory_space<hbm>>
    %dma_start3A_33 = arith.constant 0 : i32
    %dma_start3A_34 = tpu.memref_slice %arg3[%add3A_31, %dma_start3A_33] : memref<2560x125xi32, #tpu.memory_space<hbm>> -> memref<2x125xi32, #tpu.memory_space<hbm>>
    tpu.enqueue_dma source(%dma_start3A_34 : memref<2x125xi32, #tpu.memory_space<hbm>>) target(%arg7 : memref<2x125xi32, #tpu.memory_space<vmem>>) target_semaphore(%arg22 : memref<!tpu.dma_semaphore, #tpu.memory_space<semaphore_mem>>)
    %mul3A_35 = arith.constant 40 : i32
    %mul3A_36 = arith.muli %add3A, %mul3A_35 : i32
    %add3A_37 = arith.constant 2 : i32
    %add3A_38 = arith.addi %mul3A_36, %add3A_37 : i32
    %dma_start3A_39 = arith.constant 0 : i32
    %dma_start3A_40 = tpu.memref_slice %arg3[%add3A_38, %dma_start3A_39] : memref<2560x125xi32, #tpu.memory_space<hbm>> -> memref<2x125xi32, #tpu.memory_space<hbm>>
    %dma_start3A_41 = arith.constant 0 : i32
    %dma_start3A_42 = tpu.memref_slice %arg3[%add3A_38, %dma_start3A_41] : memref<2560x125xi32, #tpu.memory_space<hbm>> -> memref<2x125xi32, #tpu.memory_space<hbm>>
    tpu.enqueue_dma source(%dma_start3A_42 : memref<2x125xi32, #tpu.memory_space<hbm>>) target(%arg8 : memref<2x125xi32, #tpu.memory_space<vmem>>) target_semaphore(%arg23 : memref<!tpu.dma_semaphore, #tpu.memory_space<semaphore_mem>>)
    %mul3A_43 = arith.constant 40 : i32
    %mul3A_44 = arith.muli %add3A, %mul3A_43 : i32
    %add3A_45 = arith.constant 1280 : i32
    %add3A_46 = arith.addi %add3A_45, %mul3A_44 : i32
    %add3A_47 = arith.constant 0 : i32
    %add3A_48 = arith.addi %add3A_46, %add3A_47 : i32
    %dma_start3A_49 = arith.constant 0 : i32
    %dma_start3A_50 = tpu.memref_slice %arg3[%add3A_48, %dma_start3A_49] : memref<2560x125xi32, #tpu.memory_space<hbm>> -> memref<2x125xi32, #tpu.memory_space<hbm>>
    %dma_start3A_51 = arith.constant 0 : i32
    %dma_start3A_52 = tpu.memref_slice %arg3[%add3A_48, %dma_start3A_51] : memref<2560x125xi32, #tpu.memory_space<hbm>> -> memref<2x125xi32, #tpu.memory_space<hbm>>
    tpu.enqueue_dma source(%dma_start3A_52 : memref<2x125xi32, #tpu.memory_space<hbm>>) target(%arg9 : memref<2x125xi32, #tpu.memory_space<vmem>>) target_semaphore(%arg24 : memref<!tpu.dma_semaphore, #tpu.memory_space<semaphore_mem>>)
    %mul3A_53 = arith.constant 40 : i32
    %mul3A_54 = arith.muli %add3A, %mul3A_53 : i32
    %add3A_55 = arith.constant 1280 : i32
    %add3A_56 = arith.addi %add3A_55, %mul3A_54 : i32
    %add3A_57 = arith.constant 2 : i32
    %add3A_58 = arith.addi %add3A_56, %add3A_57 : i32
    %dma_start3A_59 = arith.constant 0 : i32
    %dma_start3A_60 = tpu.memref_slice %arg3[%add3A_58, %dma_start3A_59] : memref<2560x125xi32, #tpu.memory_space<hbm>> -> memref<2x125xi32, #tpu.memory_space<hbm>>
    %dma_start3A_61 = arith.constant 0 : i32
    %dma_start3A_62 = tpu.memref_slice %arg3[%add3A_58, %dma_start3A_61] : memref<2560x125xi32, #tpu.memory_space<hbm>> -> memref<2x125xi32, #tpu.memory_space<hbm>>
    tpu.enqueue_dma source(%dma_start3A_62 : memref<2x125xi32, #tpu.memory_space<hbm>>) target(%arg10 : memref<2x125xi32, #tpu.memory_space<vmem>>) target_semaphore(%arg25 : memref<!tpu.dma_semaphore, #tpu.memory_space<semaphore_mem>>)
    %barrier3A = arith.constant 0 : index
    tpu.barrier barrier_id(%barrier3A)
    %mul3A_63 = arith.constant 40 : i32
    %mul3A_64 = arith.muli %add3A, %mul3A_63 : i32
    %add3A_65 = arith.constant 0 : i32
    %add3A_66 = arith.addi %mul3A_64, %add3A_65 : i32
    %dma_wait3A = arith.constant 0 : i32
    %dma_wait3A_67 = tpu.memref_slice %arg3[%add3A_66, %dma_wait3A] : memref<2560x125xi32, #tpu.memory_space<hbm>> -> memref<2x125xi32, #tpu.memory_space<hbm>>
    %dma_wait3A_68 = arith.constant 0 : i32
    %dma_wait3A_69 = tpu.memref_slice %arg3[%add3A_66, %dma_wait3A_68] : memref<2560x125xi32, #tpu.memory_space<hbm>> -> memref<2x125xi32, #tpu.memory_space<hbm>>
    tpu.wait_dma2 semaphore(%arg22 : memref<!tpu.dma_semaphore, #tpu.memory_space<semaphore_mem>>) src(%dma_wait3A_69 : memref<2x125xi32, #tpu.memory_space<hbm>>) dst(%arg7 : memref<2x125xi32, #tpu.memory_space<vmem>>)
    %dma_start3A_70 = arith.constant 0 : i32
    %dma_start3A_71 = arith.constant 0 : i32
    %dma_start3A_72 = tpu.memref_slice %arg7[%dma_start3A_70, %dma_start3A_71] : memref<2x125xi32, #tpu.memory_space<vmem>> -> memref<1x125xi32, #tpu.memory_space<vmem>>
    %dma_start3A_73 = tpu.memref_squeeze %dma_start3A_72 : memref<1x125xi32, #tpu.memory_space<vmem>> -> memref<125xi32, #tpu.memory_space<vmem>>
    %dma_start3A_74 = arith.constant 0 : i32
    %dma_start3A_75 = arith.constant 0 : i32
    %dma_start3A_76 = tpu.memref_slice %arg2[%dma_start3A_74, %dma_start3A_75] : memref<10000x128xf32, #tpu.memory_space<hbm>> -> memref<10000x128xf32, #tpu.memory_space<hbm>>
    tpu.enqueue_indirect_dma source(%dma_start3A_76 : memref<10000x128xf32, #tpu.memory_space<hbm>>) target(%arg11 : memref<125x128xf32, #tpu.memory_space<vmem>>) offsets(%dma_start3A_73 : memref<125xi32, #tpu.memory_space<vmem>>) semaphore(%arg16 : memref<!tpu.dma_semaphore, #tpu.memory_space<semaphore_mem>>)
    %mul3A_77 = arith.constant 40 : i32
    %mul3A_78 = arith.muli %add3A, %mul3A_77 : i32
    %add3A_79 = arith.constant 1280 : i32
    %add3A_80 = arith.addi %add3A_79, %mul3A_78 : i32
    %add3A_81 = arith.constant 0 : i32
    %add3A_82 = arith.addi %add3A_80, %add3A_81 : i32
    %dma_wait3A_83 = arith.constant 0 : i32
    %dma_wait3A_84 = tpu.memref_slice %arg3[%add3A_82, %dma_wait3A_83] : memref<2560x125xi32, #tpu.memory_space<hbm>> -> memref<2x125xi32, #tpu.memory_space<hbm>>
    %dma_wait3A_85 = arith.constant 0 : i32
    %dma_wait3A_86 = tpu.memref_slice %arg3[%add3A_82, %dma_wait3A_85] : memref<2560x125xi32, #tpu.memory_space<hbm>> -> memref<2x125xi32, #tpu.memory_space<hbm>>
    tpu.wait_dma2 semaphore(%arg24 : memref<!tpu.dma_semaphore, #tpu.memory_space<semaphore_mem>>) src(%dma_wait3A_86 : memref<2x125xi32, #tpu.memory_space<hbm>>) dst(%arg9 : memref<2x125xi32, #tpu.memory_space<vmem>>)
    %dma_wait3A_87 = arith.constant 0 : i32
    %dma_wait3A_88 = arith.constant 0 : i32
    %dma_wait3A_89 = tpu.memref_slice %arg7[%dma_wait3A_87, %dma_wait3A_88] : memref<2x125xi32, #tpu.memory_space<vmem>> -> memref<1x125xi32, #tpu.memory_space<vmem>>
    %dma_wait3A_90 = tpu.memref_squeeze %dma_wait3A_89 : memref<1x125xi32, #tpu.memory_space<vmem>> -> memref<125xi32, #tpu.memory_space<vmem>>
    %dma_wait3A_91 = arith.constant 0 : i32
    %dma_wait3A_92 = arith.constant 0 : i32
    %dma_wait3A_93 = tpu.memref_slice %arg2[%dma_wait3A_91, %dma_wait3A_92] : memref<10000x128xf32, #tpu.memory_space<hbm>> -> memref<10000x128xf32, #tpu.memory_space<hbm>>
    tpu.wait_indirect_dma semaphore(%arg16 : memref<!tpu.dma_semaphore, #tpu.memory_space<semaphore_mem>>) src(%dma_wait3A_93 : memref<10000x128xf32, #tpu.memory_space<hbm>>) dst(%arg11 : memref<125x128xf32, #tpu.memory_space<vmem>>)
    %dma_start3A_94 = arith.constant 0 : i32
    %dma_start3A_95 = arith.constant 0 : i32
    %dma_start3A_96 = tpu.memref_slice %arg9[%dma_start3A_94, %dma_start3A_95] : memref<2x125xi32, #tpu.memory_space<vmem>> -> memref<1x125xi32, #tpu.memory_space<vmem>>
    %dma_start3A_97 = tpu.memref_squeeze %dma_start3A_96 : memref<1x125xi32, #tpu.memory_space<vmem>> -> memref<125xi32, #tpu.memory_space<vmem>>
    %dma_start3A_98 = arith.constant 0 : i32
    %dma_start3A_99 = arith.constant 0 : i32
    %dma_start3A_100 = tpu.memref_slice %arg15[%dma_start3A_98, %dma_start3A_99] : memref<10000x128xf32, #tpu.memory_space<vmem_shared>> -> memref<10000x128xf32, #tpu.memory_space<vmem_shared>>
    tpu.enqueue_indirect_dma source(%arg11 : memref<125x128xf32, #tpu.memory_space<vmem>>) target(%dma_start3A_100 : memref<10000x128xf32, #tpu.memory_space<vmem_shared>>) offsets(%dma_start3A_97 : memref<125xi32, #tpu.memory_space<vmem>>) semaphore(%arg19 : memref<!tpu.dma_semaphore, #tpu.memory_space<semaphore_mem>>) {add = true}
    %dma_start3A_101 = arith.constant 1 : i32
    %dma_start3A_102 = arith.constant 0 : i32
    %dma_start3A_103 = tpu.memref_slice %arg7[%dma_start3A_101, %dma_start3A_102] : memref<2x125xi32, #tpu.memory_space<vmem>> -> memref<1x125xi32, #tpu.memory_space<vmem>>
    %dma_start3A_104 = tpu.memref_squeeze %dma_start3A_103 : memref<1x125xi32, #tpu.memory_space<vmem>> -> memref<125xi32, #tpu.memory_space<vmem>>
    %dma_start3A_105 = arith.constant 0 : i32
    %dma_start3A_106 = arith.constant 0 : i32
    %dma_start3A_107 = tpu.memref_slice %arg2[%dma_start3A_105, %dma_start3A_106] : memref<10000x128xf32, #tpu.memory_space<hbm>> -> memref<10000x128xf32, #tpu.memory_space<hbm>>
    tpu.enqueue_indirect_dma source(%dma_start3A_107 : memref<10000x128xf32, #tpu.memory_space<hbm>>) target(%arg12 : memref<125x128xf32, #tpu.memory_space<vmem>>) offsets(%dma_start3A_104 : memref<125xi32, #tpu.memory_space<vmem>>) semaphore(%arg17 : memref<!tpu.dma_semaphore, #tpu.memory_space<semaphore_mem>>)
    %dma_wait3A_108 = arith.constant 1 : i32
    %dma_wait3A_109 = arith.constant 0 : i32
    %dma_wait3A_110 = tpu.memref_slice %arg7[%dma_wait3A_108, %dma_wait3A_109] : memref<2x125xi32, #tpu.memory_space<vmem>> -> memref<1x125xi32, #tpu.memory_space<vmem>>
    %dma_wait3A_111 = tpu.memref_squeeze %dma_wait3A_110 : memref<1x125xi32, #tpu.memory_space<vmem>> -> memref<125xi32, #tpu.memory_space<vmem>>
    %dma_wait3A_112 = arith.constant 0 : i32
    %dma_wait3A_113 = arith.constant 0 : i32
    %dma_wait3A_114 = tpu.memref_slice %arg2[%dma_wait3A_112, %dma_wait3A_113] : memref<10000x128xf32, #tpu.memory_space<hbm>> -> memref<10000x128xf32, #tpu.memory_space<hbm>>
    tpu.wait_indirect_dma semaphore(%arg17 : memref<!tpu.dma_semaphore, #tpu.memory_space<semaphore_mem>>) src(%dma_wait3A_114 : memref<10000x128xf32, #tpu.memory_space<hbm>>) dst(%arg12 : memref<125x128xf32, #tpu.memory_space<vmem>>)
    %dma_start3A_115 = arith.constant 1 : i32
    %dma_start3A_116 = arith.constant 0 : i32
    %dma_start3A_117 = tpu.memref_slice %arg9[%dma_start3A_115, %dma_start3A_116] : memref<2x125xi32, #tpu.memory_space<vmem>> -> memref<1x125xi32, #tpu.memory_space<vmem>>
    %dma_start3A_118 = tpu.memref_squeeze %dma_start3A_117 : memref<1x125xi32, #tpu.memory_space<vmem>> -> memref<125xi32, #tpu.memory_space<vmem>>
    %dma_start3A_119 = arith.constant 0 : i32
    %dma_start3A_120 = arith.constant 0 : i32
    %dma_start3A_121 = tpu.memref_slice %arg15[%dma_start3A_119, %dma_start3A_120] : memref<10000x128xf32, #tpu.memory_space<vmem_shared>> -> memref<10000x128xf32, #tpu.memory_space<vmem_shared>>
    tpu.enqueue_indirect_dma source(%arg12 : memref<125x128xf32, #tpu.memory_space<vmem>>) target(%dma_start3A_121 : memref<10000x128xf32, #tpu.memory_space<vmem_shared>>) offsets(%dma_start3A_118 : memref<125xi32, #tpu.memory_space<vmem>>) semaphore(%arg20 : memref<!tpu.dma_semaphore, #tpu.memory_space<semaphore_mem>>) {add = true}
    %mul3A_122 = arith.constant 40 : i32
    %mul3A_123 = arith.muli %add3A, %mul3A_122 : i32
    %add3A_124 = arith.constant 4 : i32
    %add3A_125 = arith.addi %mul3A_123, %add3A_124 : i32
    %dma_start3A_126 = arith.constant 0 : i32
    %dma_start3A_127 = tpu.memref_slice %arg3[%add3A_125, %dma_start3A_126] : memref<2560x125xi32, #tpu.memory_space<hbm>> -> memref<2x125xi32, #tpu.memory_space<hbm>>
    %dma_start3A_128 = arith.constant 0 : i32
    %dma_start3A_129 = tpu.memref_slice %arg3[%add3A_125, %dma_start3A_128] : memref<2560x125xi32, #tpu.memory_space<hbm>> -> memref<2x125xi32, #tpu.memory_space<hbm>>
    tpu.enqueue_dma source(%dma_start3A_129 : memref<2x125xi32, #tpu.memory_space<hbm>>) target(%arg7 : memref<2x125xi32, #tpu.memory_space<vmem>>) target_semaphore(%arg22 : memref<!tpu.dma_semaphore, #tpu.memory_space<semaphore_mem>>)
    %mul3A_130 = arith.constant 40 : i32
    %mul3A_131 = arith.muli %add3A, %mul3A_130 : i32
    %add3A_132 = arith.constant 2 : i32
    %add3A_133 = arith.addi %mul3A_131, %add3A_132 : i32
    %dma_wait3A_134 = arith.constant 0 : i32
    %dma_wait3A_135 = tpu.memref_slice %arg3[%add3A_133, %dma_wait3A_134] : memref<2560x125xi32, #tpu.memory_space<hbm>> -> memref<2x125xi32, #tpu.memory_space<hbm>>
    %dma_wait3A_136 = arith.constant 0 : i32
    %dma_wait3A_137 = tpu.memref_slice %arg3[%add3A_133, %dma_wait3A_136] : memref<2560x125xi32, #tpu.memory_space<hbm>> -> memref<2x125xi32, #tpu.memory_space<hbm>>
    tpu.wait_dma2 semaphore(%arg23 : memref<!tpu.dma_semaphore, #tpu.memory_space<semaphore_mem>>) src(%dma_wait3A_137 : memref<2x125xi32, #tpu.memory_space<hbm>>) dst(%arg8 : memref<2x125xi32, #tpu.memory_space<vmem>>)
    %dma_start3A_138 = arith.constant 0 : i32
    %dma_start3A_139 = arith.constant 0 : i32
    %dma_start3A_140 = tpu.memref_slice %arg8[%dma_start3A_138, %dma_start3A_139] : memref<2x125xi32, #tpu.memory_space<vmem>> -> memref<1x125xi32, #tpu.memory_space<vmem>>
    %dma_start3A_141 = tpu.memref_squeeze %dma_start3A_140 : memref<1x125xi32, #tpu.memory_space<vmem>> -> memref<125xi32, #tpu.memory_space<vmem>>
    %dma_start3A_142 = arith.constant 0 : i32
    %dma_start3A_143 = arith.constant 0 : i32
    %dma_start3A_144 = tpu.memref_slice %arg2[%dma_start3A_142, %dma_start3A_143] : memref<10000x128xf32, #tpu.memory_space<hbm>> -> memref<10000x128xf32, #tpu.memory_space<hbm>>
    tpu.enqueue_indirect_dma source(%dma_start3A_144 : memref<10000x128xf32, #tpu.memory_space<hbm>>) target(%arg13 : memref<125x128xf32, #tpu.memory_space<vmem>>) offsets(%dma_start3A_141 : memref<125xi32, #tpu.memory_space<vmem>>) semaphore(%arg18 : memref<!tpu.dma_semaphore, #tpu.memory_space<semaphore_mem>>)
    %mul3A_145 = arith.constant 40 : i32
    %mul3A_146 = arith.muli %add3A, %mul3A_145 : i32
    %add3A_147 = arith.constant 1280 : i32
    %add3A_148 = arith.addi %add3A_147, %mul3A_146 : i32
    %add3A_149 = arith.constant 2 : i32
    %add3A_150 = arith.addi %add3A_148, %add3A_149 : i32
    %dma_wait3A_151 = arith.constant 0 : i32
    %dma_wait3A_152 = tpu.memref_slice %arg3[%add3A_150, %dma_wait3A_151] : memref<2560x125xi32, #tpu.memory_space<hbm>> -> memref<2x125xi32, #tpu.memory_space<hbm>>
    %dma_wait3A_153 = arith.constant 0 : i32
    %dma_wait3A_154 = tpu.memref_slice %arg3[%add3A_150, %dma_wait3A_153] : memref<2560x125xi32, #tpu.memory_space<hbm>> -> memref<2x125xi32, #tpu.memory_space<hbm>>
    tpu.wait_dma2 semaphore(%arg25 : memref<!tpu.dma_semaphore, #tpu.memory_space<semaphore_mem>>) src(%dma_wait3A_154 : memref<2x125xi32, #tpu.memory_space<hbm>>) dst(%arg10 : memref<2x125xi32, #tpu.memory_space<vmem>>)
    %dma_wait3A_155 = arith.constant 0 : i32
    %dma_wait3A_156 = arith.constant 0 : i32
    %dma_wait3A_157 = tpu.memref_slice %arg8[%dma_wait3A_155, %dma_wait3A_156] : memref<2x125xi32, #tpu.memory_space<vmem>> -> memref<1x125xi32, #tpu.memory_space<vmem>>
    %dma_wait3A_158 = tpu.memref_squeeze %dma_wait3A_157 : memref<1x125xi32, #tpu.memory_space<vmem>> -> memref<125xi32, #tpu.memory_space<vmem>>
    %dma_wait3A_159 = arith.constant 0 : i32
    %dma_wait3A_160 = arith.constant 0 : i32
    %dma_wait3A_161 = tpu.memref_slice %arg2[%dma_wait3A_159, %dma_wait3A_160] : memref<10000x128xf32, #tpu.memory_space<hbm>> -> memref<10000x128xf32, #tpu.memory_space<hbm>>
    tpu.wait_indirect_dma semaphore(%arg18 : memref<!tpu.dma_semaphore, #tpu.memory_space<semaphore_mem>>) src(%dma_wait3A_161 : memref<10000x128xf32, #tpu.memory_space<hbm>>) dst(%arg13 : memref<125x128xf32, #tpu.memory_space<vmem>>)
    %dma_start3A_162 = arith.constant 0 : i32
    %dma_start3A_163 = arith.constant 0 : i32
    %dma_start3A_164 = tpu.memref_slice %arg10[%dma_start3A_162, %dma_start3A_163] : memref<2x125xi32, #tpu.memory_space<vmem>> -> memref<1x125xi32, #tpu.memory_space<vmem>>
    %dma_start3A_165 = tpu.memref_squeeze %dma_start3A_164 : memref<1x125xi32, #tpu.memory_space<vmem>> -> memref<125xi32, #tpu.memory_space<vmem>>
    %dma_start3A_166 = arith.constant 0 : i32
    %dma_start3A_167 = arith.constant 0 : i32
    %dma_start3A_168 = tpu.memref_slice %arg15[%dma_start3A_166, %dma_start3A_167] : memref<10000x128xf32, #tpu.memory_space<vmem_shared>> -> memref<10000x128xf32, #tpu.memory_space<vmem_shared>>
    tpu.enqueue_indirect_dma source(%arg13 : memref<125x128xf32, #tpu.memory_space<vmem>>) target(%dma_start3A_168 : memref<10000x128xf32, #tpu.memory_space<vmem_shared>>) offsets(%dma_start3A_165 : memref<125xi32, #tpu.memory_space<vmem>>) semaphore(%arg21 : memref<!tpu.dma_semaphore, #tpu.memory_space<semaphore_mem>>) {add = true}
    %dma_wait3A_169 = arith.constant 0 : i32
    %dma_wait3A_170 = arith.constant 0 : i32
    %dma_wait3A_171 = tpu.memref_slice %arg9[%dma_wait3A_169, %dma_wait3A_170] : memref<2x125xi32, #tpu.memory_space<vmem>> -> memref<1x125xi32, #tpu.memory_space<vmem>>
    %dma_wait3A_172 = tpu.memref_squeeze %dma_wait3A_171 : memref<1x125xi32, #tpu.memory_space<vmem>> -> memref<125xi32, #tpu.memory_space<vmem>>
    %dma_wait3A_173 = arith.constant 0 : i32
    %dma_wait3A_174 = arith.constant 0 : i32
    %dma_wait3A_175 = tpu.memref_slice %arg15[%dma_wait3A_173, %dma_wait3A_174] : memref<10000x128xf32, #tpu.memory_space<vmem_shared>> -> memref<10000x128xf32, #tpu.memory_space<vmem_shared>>
    tpu.wait_indirect_dma semaphore(%arg19 : memref<!tpu.dma_semaphore, #tpu.memory_space<semaphore_mem>>) src(%arg11 : memref<125x128xf32, #tpu.memory_space<vmem>>) dst(%dma_wait3A_175 : memref<10000x128xf32, #tpu.memory_space<vmem_shared>>)
    %dma_start3A_176 = arith.constant 1 : i32
    %dma_start3A_177 = arith.constant 0 : i32
    %dma_start3A_178 = tpu.memref_slice %arg8[%dma_start3A_176, %dma_start3A_177] : memref<2x125xi32, #tpu.memory_space<vmem>> -> memref<1x125xi32, #tpu.memory_space<vmem>>
    %dma_start3A_179 = tpu.memref_squeeze %dma_start3A_178 : memref<1x125xi32, #tpu.memory_space<vmem>> -> memref<125xi32, #tpu.memory_space<vmem>>
    %dma_start3A_180 = arith.constant 0 : i32
    %dma_start3A_181 = arith.constant 0 : i32
    %dma_start3A_182 = tpu.memref_slice %arg2[%dma_start3A_180, %dma_start3A_181] : memref<10000x128xf32, #tpu.memory_space<hbm>> -> memref<10000x128xf32, #tpu.memory_space<hbm>>
    tpu.enqueue_indirect_dma source(%dma_start3A_182 : memref<10000x128xf32, #tpu.memory_space<hbm>>) target(%arg11 : memref<125x128xf32, #tpu.memory_space<vmem>>) offsets(%dma_start3A_179 : memref<125xi32, #tpu.memory_space<vmem>>) semaphore(%arg16 : memref<!tpu.dma_semaphore, #tpu.memory_space<semaphore_mem>>)
    %dma_wait3A_183 = arith.constant 1 : i32
    %dma_wait3A_184 = arith.constant 0 : i32
    %dma_wait3A_185 = tpu.memref_slice %arg8[%dma_wait3A_183, %dma_wait3A_184] : memref<2x125xi32, #tpu.memory_space<vmem>> -> memref<1x125xi32, #tpu.memory_space<vmem>>
    %dma_wait3A_186 = tpu.memref_squeeze %dma_wait3A_185 : memref<1x125xi32, #tpu.memory_space<vmem>> -> memref<125xi32, #tpu.memory_space<vmem>>
    %dma_wait3A_187 = arith.constant 0 : i32
    %dma_wait3A_188 = arith.constant 0 : i32
    %dma_wait3A_189 = tpu.memref_slice %arg2[%dma_wait3A_187, %dma_wait3A_188] : memref<10000x128xf32, #tpu.memory_space<hbm>> -> memref<10000x128xf32, #tpu.memory_space<hbm>>
    tpu.wait_indirect_dma semaphore(%arg16 : memref<!tpu.dma_semaphore, #tpu.memory_space<semaphore_mem>>) src(%dma_wait3A_189 : memref<10000x128xf32, #tpu.memory_space<hbm>>) dst(%arg11 : memref<125x128xf32, #tpu.memory_space<vmem>>)
    %dma_start3A_190 = arith.constant 1 : i32
    %dma_start3A_191 = arith.constant 0 : i32
    %dma_start3A_192 = tpu.memref_slice %arg10[%dma_start3A_190, %dma_start3A_191] : memref<2x125xi32, #tpu.memory_space<vmem>> -> memref<1x125xi32, #tpu.memory_space<vmem>>
    %dma_start3A_193 = tpu.memref_squeeze %dma_start3A_192 : memref<1x125xi32, #tpu.memory_space<vmem>> -> memref<125xi32, #tpu.memory_space<vmem>>
    %dma_start3A_194 = arith.constant 0 : i32
    %dma_start3A_195 = arith.constant 0 : i32
    %dma_start3A_196 = tpu.memref_slice %arg15[%dma_start3A_194, %dma_start3A_195] : memref<10000x128xf32, #tpu.memory_space<vmem_shared>> -> memref<10000x128xf32, #tpu.memory_space<vmem_shared>>
    tpu.enqueue_indirect_dma source(%arg11 : memref<125x128xf32, #tpu.memory_space<vmem>>) target(%dma_start3A_196 : memref<10000x128xf32, #tpu.memory_space<vmem_shared>>) offsets(%dma_start3A_193 : memref<125xi32, #tpu.memory_space<vmem>>) semaphore(%arg19 : memref<!tpu.dma_semaphore, #tpu.memory_space<semaphore_mem>>) {add = true}
    %dma_wait3A_197 = arith.constant 1 : i32
    %dma_wait3A_198 = arith.constant 0 : i32
    %dma_wait3A_199 = tpu.memref_slice %arg9[%dma_wait3A_197, %dma_wait3A_198] : memref<2x125xi32, #tpu.memory_space<vmem>> -> memref<1x125xi32, #tpu.memory_space<vmem>>
    %dma_wait3A_200 = tpu.memref_squeeze %dma_wait3A_199 : memref<1x125xi32, #tpu.memory_space<vmem>> -> memref<125xi32, #tpu.memory_space<vmem>>
    %dma_wait3A_201 = arith.constant 0 : i32
    %dma_wait3A_202 = arith.constant 0 : i32
    %dma_wait3A_203 = tpu.memref_slice %arg15[%dma_wait3A_201, %dma_wait3A_202] : memref<10000x128xf32, #tpu.memory_space<vmem_shared>> -> memref<10000x128xf32, #tpu.memory_space<vmem_shared>>
    tpu.wait_indirect_dma semaphore(%arg20 : memref<!tpu.dma_semaphore, #tpu.memory_space<semaphore_mem>>) src(%arg12 : memref<125x128xf32, #tpu.memory_space<vmem>>) dst(%dma_wait3A_203 : memref<10000x128xf32, #tpu.memory_space<vmem_shared>>)
    %mul3A_204 = arith.constant 40 : i32
    %mul3A_205 = arith.muli %add3A, %mul3A_204 : i32
    %add3A_206 = arith.constant 6 : i32
    %add3A_207 = arith.addi %mul3A_205, %add3A_206 : i32
    %dma_start3A_208 = arith.constant 0 : i32
    %dma_start3A_209 = tpu.memref_slice %arg3[%add3A_207, %dma_start3A_208] : memref<2560x125xi32, #tpu.memory_space<hbm>> -> memref<2x125xi32, #tpu.memory_space<hbm>>
    %dma_start3A_210 = arith.constant 0 : i32
    %dma_start3A_211 = tpu.memref_slice %arg3[%add3A_207, %dma_start3A_210] : memref<2560x125xi32, #tpu.memory_space<hbm>> -> memref<2x125xi32, #tpu.memory_space<hbm>>
    tpu.enqueue_dma source(%dma_start3A_211 : memref<2x125xi32, #tpu.memory_space<hbm>>) target(%arg8 : memref<2x125xi32, #tpu.memory_space<vmem>>) target_semaphore(%arg23 : memref<!tpu.dma_semaphore, #tpu.memory_space<semaphore_mem>>)
    %mul3A_212 = arith.constant 40 : i32
    %mul3A_213 = arith.muli %add3A, %mul3A_212 : i32
    %add3A_214 = arith.constant 1280 : i32
    %add3A_215 = arith.addi %add3A_214, %mul3A_213 : i32
    %add3A_216 = arith.constant 4 : i32
    %add3A_217 = arith.addi %add3A_215, %add3A_216 : i32
    %dma_start3A_218 = arith.constant 0 : i32
    %dma_start3A_219 = tpu.memref_slice %arg3[%add3A_217, %dma_start3A_218] : memref<2560x125xi32, #tpu.memory_space<hbm>> -> memref<2x125xi32, #tpu.memory_space<hbm>>
    %dma_start3A_220 = arith.constant 0 : i32
    %dma_start3A_221 = tpu.memref_slice %arg3[%add3A_217, %dma_start3A_220] : memref<2560x125xi32, #tpu.memory_space<hbm>> -> memref<2x125xi32, #tpu.memory_space<hbm>>
    tpu.enqueue_dma source(%dma_start3A_221 : memref<2x125xi32, #tpu.memory_space<hbm>>) target(%arg9 : memref<2x125xi32, #tpu.memory_space<vmem>>) target_semaphore(%arg24 : memref<!tpu.dma_semaphore, #tpu.memory_space<semaphore_mem>>)
    %mul3A_222 = arith.constant 40 : i32
    %mul3A_223 = arith.muli %add3A, %mul3A_222 : i32
    %add3A_224 = arith.constant 4 : i32
    %add3A_225 = arith.addi %mul3A_223, %add3A_224 : i32
    %dma_wait3A_226 = arith.constant 0 : i32
    %dma_wait3A_227 = tpu.memref_slice %arg3[%add3A_225, %dma_wait3A_226] : memref<2560x125xi32, #tpu.memory_space<hbm>> -> memref<2x125xi32, #tpu.memory_space<hbm>>
    %dma_wait3A_228 = arith.constant 0 : i32
    %dma_wait3A_229 = tpu.memref_slice %arg3[%add3A_225, %dma_wait3A_228] : memref<2560x125xi32, #tpu.memory_space<hbm>> -> memref<2x125xi32, #tpu.memory_space<hbm>>
    tpu.wait_dma2 semaphore(%arg22 : memref<!tpu.dma_semaphore, #tpu.memory_space<semaphore_mem>>) src(%dma_wait3A_229 : memref<2x125xi32, #tpu.memory_space<hbm>>) dst(%arg7 : memref<2x125xi32, #tpu.memory_space<vmem>>)
    %dma_start3A_230 = arith.constant 0 : i32
    %dma_start3A_231 = arith.constant 0 : i32
    %dma_start3A_232 = tpu.memref_slice %arg7[%dma_start3A_230, %dma_start3A_231] : memref<2x125xi32, #tpu.memory_space<vmem>> -> memref<1x125xi32, #tpu.memory_space<vmem>>
    %dma_start3A_233 = tpu.memref_squeeze %dma_start3A_232 : memref<1x125xi32, #tpu.memory_space<vmem>> -> memref<125xi32, #tpu.memory_space<vmem>>
    %dma_start3A_234 = arith.constant 0 : i32
    %dma_start3A_235 = arith.constant 0 : i32
    %dma_start3A_236 = tpu.memref_slice %arg2[%dma_start3A_234, %dma_start3A_235] : memref<10000x128xf32, #tpu.memory_space<hbm>> -> memref<10000x128xf32, #tpu.memory_space<hbm>>
    tpu.enqueue_indirect_dma source(%dma_start3A_236 : memref<10000x128xf32, #tpu.memory_space<hbm>>) target(%arg12 : memref<125x128xf32, #tpu.memory_space<vmem>>) offsets(%dma_start3A_233 : memref<125xi32, #tpu.memory_space<vmem>>) semaphore(%arg17 : memref<!tpu.dma_semaphore, #tpu.memory_space<semaphore_mem>>)
    %mul3A_237 = arith.constant 40 : i32
    %mul3A_238 = arith.muli %add3A, %mul3A_237 : i32
    %add3A_239 = arith.constant 1280 : i32
    %add3A_240 = arith.addi %add3A_239, %mul3A_238 : i32
    %add3A_241 = arith.constant 4 : i32
    %add3A_242 = arith.addi %add3A_240, %add3A_241 : i32
    %dma_wait3A_243 = arith.constant 0 : i32
    %dma_wait3A_244 = tpu.memref_slice %arg3[%add3A_242, %dma_wait3A_243] : memref<2560x125xi32, #tpu.memory_space<hbm>> -> memref<2x125xi32, #tpu.memory_space<hbm>>
    %dma_wait3A_245 = arith.constant 0 : i32
    %dma_wait3A_246 = tpu.memref_slice %arg3[%add3A_242, %dma_wait3A_245] : memref<2560x125xi32, #tpu.memory_space<hbm>> -> memref<2x125xi32, #tpu.memory_space<hbm>>
    tpu.wait_dma2 semaphore(%arg24 : memref<!tpu.dma_semaphore, #tpu.memory_space<semaphore_mem>>) src(%dma_wait3A_246 : memref<2x125xi32, #tpu.memory_space<hbm>>) dst(%arg9 : memref<2x125xi32, #tpu.memory_space<vmem>>)
    %dma_wait3A_247 = arith.constant 0 : i32
    %dma_wait3A_248 = arith.constant 0 : i32
    %dma_wait3A_249 = tpu.memref_slice %arg7[%dma_wait3A_247, %dma_wait3A_248] : memref<2x125xi32, #tpu.memory_space<vmem>> -> memref<1x125xi32, #tpu.memory_space<vmem>>
    %dma_wait3A_250 = tpu.memref_squeeze %dma_wait3A_249 : memref<1x125xi32, #tpu.memory_space<vmem>> -> memref<125xi32, #tpu.memory_space<vmem>>
    %dma_wait3A_251 = arith.constant 0 : i32
    %dma_wait3A_252 = arith.constant 0 : i32
    %dma_wait3A_253 = tpu.memref_slice %arg2[%dma_wait3A_251, %dma_wait3A_252] : memref<10000x128xf32, #tpu.memory_space<hbm>> -> memref<10000x128xf32, #tpu.memory_space<hbm>>
    tpu.wait_indirect_dma semaphore(%arg17 : memref<!tpu.dma_semaphore, #tpu.memory_space<semaphore_mem>>) src(%dma_wait3A_253 : memref<10000x128xf32, #tpu.memory_space<hbm>>) dst(%arg12 : memref<125x128xf32, #tpu.memory_space<vmem>>)
    %dma_start3A_254 = arith.constant 0 : i32
    %dma_start3A_255 = arith.constant 0 : i32
    %dma_start3A_256 = tpu.memref_slice %arg9[%dma_start3A_254, %dma_start3A_255] : memref<2x125xi32, #tpu.memory_space<vmem>> -> memref<1x125xi32, #tpu.memory_space<vmem>>
    %dma_start3A_257 = tpu.memref_squeeze %dma_start3A_256 : memref<1x125xi32, #tpu.memory_space<vmem>> -> memref<125xi32, #tpu.memory_space<vmem>>
    %dma_start3A_258 = arith.constant 0 : i32
    %dma_start3A_259 = arith.constant 0 : i32
    %dma_start3A_260 = tpu.memref_slice %arg15[%dma_start3A_258, %dma_start3A_259] : memref<10000x128xf32, #tpu.memory_space<vmem_shared>> -> memref<10000x128xf32, #tpu.memory_space<vmem_shared>>
    tpu.enqueue_indirect_dma source(%arg12 : memref<125x128xf32, #tpu.memory_space<vmem>>) target(%dma_start3A_260 : memref<10000x128xf32, #tpu.memory_space<vmem_shared>>) offsets(%dma_start3A_257 : memref<125xi32, #tpu.memory_space<vmem>>) semaphore(%arg20 : memref<!tpu.dma_semaphore, #tpu.memory_space<semaphore_mem>>) {add = true}
    %dma_wait3A_261 = arith.constant 0 : i32
    %dma_wait3A_262 = arith.constant 0 : i32
    %dma_wait3A_263 = tpu.memref_slice %arg10[%dma_wait3A_261, %dma_wait3A_262] : memref<2x125xi32, #tpu.memory_space<vmem>> -> memref<1x125xi32, #tpu.memory_space<vmem>>
    %dma_wait3A_264 = tpu.memref_squeeze %dma_wait3A_263 : memref<1x125xi32, #tpu.memory_space<vmem>> -> memref<125xi32, #tpu.memory_space<vmem>>
    %dma_wait3A_265 = arith.constant 0 : i32
    %dma_wait3A_266 = arith.constant 0 : i32
    %dma_wait3A_267 = tpu.memref_slice %arg15[%dma_wait3A_265, %dma_wait3A_266] : memref<10000x128xf32, #tpu.memory_space<vmem_shared>> -> memref<10000x128xf32, #tpu.memory_space<vmem_shared>>
    tpu.wait_indirect_dma semaphore(%arg21 : memref<!tpu.dma_semaphore, #tpu.memory_space<semaphore_mem>>) src(%arg13 : memref<125x128xf32, #tpu.memory_space<vmem>>) dst(%dma_wait3A_267 : memref<10000x128xf32, #tpu.memory_space<vmem_shared>>)
    %dma_start3A_268 = arith.constant 1 : i32
    %dma_start3A_269 = arith.constant 0 : i32
    %dma_start3A_270 = tpu.memref_slice %arg7[%dma_start3A_268, %dma_start3A_269] : memref<2x125xi32, #tpu.memory_space<vmem>> -> memref<1x125xi32, #tpu.memory_space<vmem>>
    %dma_start3A_271 = tpu.memref_squeeze %dma_start3A_270 : memref<1x125xi32, #tpu.memory_space<vmem>> -> memref<125xi32, #tpu.memory_space<vmem>>
    %dma_start3A_272 = arith.constant 0 : i32
    %dma_start3A_273 = arith.constant 0 : i32
    %dma_start3A_274 = tpu.memref_slice %arg2[%dma_start3A_272, %dma_start3A_273] : memref<10000x128xf32, #tpu.memory_space<hbm>> -> memref<10000x128xf32, #tpu.memory_space<hbm>>
    tpu.enqueue_indirect_dma source(%dma_start3A_274 : memref<10000x128xf32, #tpu.memory_space<hbm>>) target(%arg13 : memref<125x128xf32, #tpu.memory_space<vmem>>) offsets(%dma_start3A_271 : memref<125xi32, #tpu.memory_space<vmem>>) semaphore(%arg18 : memref<!tpu.dma_semaphore, #tpu.memory_space<semaphore_mem>>)
    %dma_wait3A_275 = arith.constant 1 : i32
    %dma_wait3A_276 = arith.constant 0 : i32
    %dma_wait3A_277 = tpu.memref_slice %arg7[%dma_wait3A_275, %dma_wait3A_276] : memref<2x125xi32, #tpu.memory_space<vmem>> -> memref<1x125xi32, #tpu.memory_space<vmem>>
    %dma_wait3A_278 = tpu.memref_squeeze %dma_wait3A_277 : memref<1x125xi32, #tpu.memory_space<vmem>> -> memref<125xi32, #tpu.memory_space<vmem>>
    %dma_wait3A_279 = arith.constant 0 : i32
    %dma_wait3A_280 = arith.constant 0 : i32
    %dma_wait3A_281 = tpu.memref_slice %arg2[%dma_wait3A_279, %dma_wait3A_280] : memref<10000x128xf32, #tpu.memory_space<hbm>> -> memref<10000x128xf32, #tpu.memory_space<hbm>>
    tpu.wait_indirect_dma semaphore(%arg18 : memref<!tpu.dma_semaphore, #tpu.memory_space<semaphore_mem>>) src(%dma_wait3A_281 : memref<10000x128xf32, #tpu.memory_space<hbm>>) dst(%arg13 : memref<125x128xf32, #tpu.memory_space<vmem>>)
    %dma_start3A_282 = arith.constant 1 : i32
    %dma_start3A_283 = arith.constant 0 : i32
    %dma_start3A_284 = tpu.memref_slice %arg9[%dma_start3A_282, %dma_start3A_283] : memref<2x125xi32, #tpu.memory_space<vmem>> -> memref<1x125xi32, #tpu.memory_space<vmem>>
    %dma_start3A_285 = tpu.memref_squeeze %dma_start3A_284 : memref<1x125xi32, #tpu.memory_space<vmem>> -> memref<125xi32, #tpu.memory_space<vmem>>
    %dma_start3A_286 = arith.constant 0 : i32
    %dma_start3A_287 = arith.constant 0 : i32
    %dma_start3A_288 = tpu.memref_slice %arg15[%dma_start3A_286, %dma_start3A_287] : memref<10000x128xf32, #tpu.memory_space<vmem_shared>> -> memref<10000x128xf32, #tpu.memory_space<vmem_shared>>
    tpu.enqueue_indirect_dma source(%arg13 : memref<125x128xf32, #tpu.memory_space<vmem>>) target(%dma_start3A_288 : memref<10000x128xf32, #tpu.memory_space<vmem_shared>>) offsets(%dma_start3A_285 : memref<125xi32, #tpu.memory_space<vmem>>) semaphore(%arg21 : memref<!tpu.dma_semaphore, #tpu.memory_space<semaphore_mem>>) {add = true}
    %dma_wait3A_289 = arith.constant 1 : i32
    %dma_wait3A_290 = arith.constant 0 : i32
    %dma_wait3A_291 = tpu.memref_slice %arg10[%dma_wait3A_289, %dma_wait3A_290] : memref<2x125xi32, #tpu.memory_space<vmem>> -> memref<1x125xi32, #tpu.memory_space<vmem>>
    %dma_wait3A_292 = tpu.memref_squeeze %dma_wait3A_291 : memref<1x125xi32, #tpu.memory_space<vmem>> -> memref<125xi32, #tpu.memory_space<vmem>>
    %dma_wait3A_293 = arith.constant 0 : i32
    %dma_wait3A_294 = arith.constant 0 : i32
    %dma_wait3A_295 = tpu.memref_slice %arg15[%dma_wait3A_293, %dma_wait3A_294] : memref<10000x128xf32, #tpu.memory_space<vmem_shared>> -> memref<10000x128xf32, #tpu.memory_space<vmem_shared>>
    tpu.wait_indirect_dma semaphore(%arg19 : memref<!tpu.dma_semaphore, #tpu.memory_space<semaphore_mem>>) src(%arg11 : memref<125x128xf32, #tpu.memory_space<vmem>>) dst(%dma_wait3A_295 : memref<10000x128xf32, #tpu.memory_space<vmem_shared>>)
    %mul3A_296 = arith.constant 40 : i32
    %mul3A_297 = arith.muli %add3A, %mul3A_296 : i32
    %add3A_298 = arith.constant 8 : i32
    %add3A_299 = arith.addi %mul3A_297, %add3A_298 : i32
    %dma_start3A_300 = arith.constant 0 : i32
    %dma_start3A_301 = tpu.memref_slice %arg3[%add3A_299, %dma_start3A_300] : memref<2560x125xi32, #tpu.memory_space<hbm>> -> memref<2x125xi32, #tpu.memory_space<hbm>>
    %dma_start3A_302 = arith.constant 0 : i32
    %dma_start3A_303 = tpu.memref_slice %arg3[%add3A_299, %dma_start3A_302] : memref<2560x125xi32, #tpu.memory_space<hbm>> -> memref<2x125xi32, #tpu.memory_space<hbm>>
    tpu.enqueue_dma source(%dma_start3A_303 : memref<2x125xi32, #tpu.memory_space<hbm>>) target(%arg7 : memref<2x125xi32, #tpu.memory_space<vmem>>) target_semaphore(%arg22 : memref<!tpu.dma_semaphore, #tpu.memory_space<semaphore_mem>>)
    %mul3A_304 = arith.constant 40 : i32
    %mul3A_305 = arith.muli %add3A, %mul3A_304 : i32
    %add3A_306 = arith.constant 1280 : i32
    %add3A_307 = arith.addi %add3A_306, %mul3A_305 : i32
    %add3A_308 = arith.constant 6 : i32
    %add3A_309 = arith.addi %add3A_307, %add3A_308 : i32
    %dma_start3A_310 = arith.constant 0 : i32
    %dma_start3A_311 = tpu.memref_slice %arg3[%add3A_309, %dma_start3A_310] : memref<2560x125xi32, #tpu.memory_space<hbm>> -> memref<2x125xi32, #tpu.memory_space<hbm>>
    %dma_start3A_312 = arith.constant 0 : i32
    %dma_start3A_313 = tpu.memref_slice %arg3[%add3A_309, %dma_start3A_312] : memref<2560x125xi32, #tpu.memory_space<hbm>> -> memref<2x125xi32, #tpu.memory_space<hbm>>
    tpu.enqueue_dma source(%dma_start3A_313 : memref<2x125xi32, #tpu.memory_space<hbm>>) target(%arg10 : memref<2x125xi32, #tpu.memory_space<vmem>>) target_semaphore(%arg25 : memref<!tpu.dma_semaphore, #tpu.memory_space<semaphore_mem>>)
    %mul3A_314 = arith.constant 40 : i32
    %mul3A_315 = arith.muli %add3A, %mul3A_314 : i32
    %add3A_316 = arith.constant 6 : i32
    %add3A_317 = arith.addi %mul3A_315, %add3A_316 : i32
    %dma_wait3A_318 = arith.constant 0 : i32
    %dma_wait3A_319 = tpu.memref_slice %arg3[%add3A_317, %dma_wait3A_318] : memref<2560x125xi32, #tpu.memory_space<hbm>> -> memref<2x125xi32, #tpu.memory_space<hbm>>
    %dma_wait3A_320 = arith.constant 0 : i32
    %dma_wait3A_321 = tpu.memref_slice %arg3[%add3A_317, %dma_wait3A_320] : memref<2560x125xi32, #tpu.memory_space<hbm>> -> memref<2x125xi32, #tpu.memory_space<hbm>>
    tpu.wait_dma2 semaphore(%arg23 : memref<!tpu.dma_semaphore, #tpu.memory_space<semaphore_mem>>) src(%dma_wait3A_321 : memref<2x125xi32, #tpu.memory_space<hbm>>) dst(%arg8 : memref<2x125xi32, #tpu.memory_space<vmem>>)
    %dma_start3A_322 = arith.constant 0 : i32
    %dma_start3A_323 = arith.constant 0 : i32
    %dma_start3A_324 = tpu.memref_slice %arg8[%dma_start3A_322, %dma_start3A_323] : memref<2x125xi32, #tpu.memory_space<vmem>> -> memref<1x125xi32, #tpu.memory_space<vmem>>
    %dma_start3A_325 = tpu.memref_squeeze %dma_start3A_324 : memref<1x125xi32, #tpu.memory_space<vmem>> -> memref<125xi32, #tpu.memory_space<vmem>>
    %dma_start3A_326 = arith.constant 0 : i32
    %dma_start3A_327 = arith.constant 0 : i32
    %dma_start3A_328 = tpu.memref_slice %arg2[%dma_start3A_326, %dma_start3A_327] : memref<10000x128xf32, #tpu.memory_space<hbm>> -> memref<10000x128xf32, #tpu.memory_space<hbm>>
    tpu.enqueue_indirect_dma source(%dma_start3A_328 : memref<10000x128xf32, #tpu.memory_space<hbm>>) target(%arg11 : memref<125x128xf32, #tpu.memory_space<vmem>>) offsets(%dma_start3A_325 : memref<125xi32, #tpu.memory_space<vmem>>) semaphore(%arg16 : memref<!tpu.dma_semaphore, #tpu.memory_space<semaphore_mem>>)
    %mul3A_329 = arith.constant 40 : i32
    %mul3A_330 = arith.muli %add3A, %mul3A_329 : i32
    %add3A_331 = arith.constant 1280 : i32
    %add3A_332 = arith.addi %add3A_331, %mul3A_330 : i32
    %add3A_333 = arith.constant 6 : i32
    %add3A_334 = arith.addi %add3A_332, %add3A_333 : i32
    %dma_wait3A_335 = arith.constant 0 : i32
    %dma_wait3A_336 = tpu.memref_slice %arg3[%add3A_334, %dma_wait3A_335] : memref<2560x125xi32, #tpu.memory_space<hbm>> -> memref<2x125xi32, #tpu.memory_space<hbm>>
    %dma_wait3A_337 = arith.constant 0 : i32
    %dma_wait3A_338 = tpu.memref_slice %arg3[%add3A_334, %dma_wait3A_337] : memref<2560x125xi32, #tpu.memory_space<hbm>> -> memref<2x125xi32, #tpu.memory_space<hbm>>
    tpu.wait_dma2 semaphore(%arg25 : memref<!tpu.dma_semaphore, #tpu.memory_space<semaphore_mem>>) src(%dma_wait3A_338 : memref<2x125xi32, #tpu.memory_space<hbm>>) dst(%arg10 : memref<2x125xi32, #tpu.memory_space<vmem>>)
    %dma_wait3A_339 = arith.constant 0 : i32
    %dma_wait3A_340 = arith.constant 0 : i32
    %dma_wait3A_341 = tpu.memref_slice %arg8[%dma_wait3A_339, %dma_wait3A_340] : memref<2x125xi32, #tpu.memory_space<vmem>> -> memref<1x125xi32, #tpu.memory_space<vmem>>
    %dma_wait3A_342 = tpu.memref_squeeze %dma_wait3A_341 : memref<1x125xi32, #tpu.memory_space<vmem>> -> memref<125xi32, #tpu.memory_space<vmem>>
    %dma_wait3A_343 = arith.constant 0 : i32
    %dma_wait3A_344 = arith.constant 0 : i32
    %dma_wait3A_345 = tpu.memref_slice %arg2[%dma_wait3A_343, %dma_wait3A_344] : memref<10000x128xf32, #tpu.memory_space<hbm>> -> memref<10000x128xf32, #tpu.memory_space<hbm>>
    tpu.wait_indirect_dma semaphore(%arg16 : memref<!tpu.dma_semaphore, #tpu.memory_space<semaphore_mem>>) src(%dma_wait3A_345 : memref<10000x128xf32, #tpu.memory_space<hbm>>) dst(%arg11 : memref<125x128xf32, #tpu.memory_space<vmem>>)
    %dma_start3A_346 = arith.constant 0 : i32
    %dma_start3A_347 = arith.constant 0 : i32
    %dma_start3A_348 = tpu.memref_slice %arg10[%dma_start3A_346, %dma_start3A_347] : memref<2x125xi32, #tpu.memory_space<vmem>> -> memref<1x125xi32, #tpu.memory_space<vmem>>
    %dma_start3A_349 = tpu.memref_squeeze %dma_start3A_348 : memref<1x125xi32, #tpu.memory_space<vmem>> -> memref<125xi32, #tpu.memory_space<vmem>>
    %dma_start3A_350 = arith.constant 0 : i32
    %dma_start3A_351 = arith.constant 0 : i32
    %dma_start3A_352 = tpu.memref_slice %arg15[%dma_start3A_350, %dma_start3A_351] : memref<10000x128xf32, #tpu.memory_space<vmem_shared>> -> memref<10000x128xf32, #tpu.memory_space<vmem_shared>>
    tpu.enqueue_indirect_dma source(%arg11 : memref<125x128xf32, #tpu.memory_space<vmem>>) target(%dma_start3A_352 : memref<10000x128xf32, #tpu.memory_space<vmem_shared>>) offsets(%dma_start3A_349 : memref<125xi32, #tpu.memory_space<vmem>>) semaphore(%arg19 : memref<!tpu.dma_semaphore, #tpu.memory_space<semaphore_mem>>) {add = true}
    %dma_wait3A_353 = arith.constant 0 : i32
    %dma_wait3A_354 = arith.constant 0 : i32
    %dma_wait3A_355 = tpu.memref_slice %arg9[%dma_wait3A_353, %dma_wait3A_354] : memref<2x125xi32, #tpu.memory_space<vmem>> -> memref<1x125xi32, #tpu.memory_space<vmem>>
    %dma_wait3A_356 = tpu.memref_squeeze %dma_wait3A_355 : memref<1x125xi32, #tpu.memory_space<vmem>> -> memref<125xi32, #tpu.memory_space<vmem>>
    %dma_wait3A_357 = arith.constant 0 : i32
    %dma_wait3A_358 = arith.constant 0 : i32
    %dma_wait3A_359 = tpu.memref_slice %arg15[%dma_wait3A_357, %dma_wait3A_358] : memref<10000x128xf32, #tpu.memory_space<vmem_shared>> -> memref<10000x128xf32, #tpu.memory_space<vmem_shared>>
    tpu.wait_indirect_dma semaphore(%arg20 : memref<!tpu.dma_semaphore, #tpu.memory_space<semaphore_mem>>) src(%arg12 : memref<125x128xf32, #tpu.memory_space<vmem>>) dst(%dma_wait3A_359 : memref<10000x128xf32, #tpu.memory_space<vmem_shared>>)
    %dma_start3A_360 = arith.constant 1 : i32
    %dma_start3A_361 = arith.constant 0 : i32
    %dma_start3A_362 = tpu.memref_slice %arg8[%dma_start3A_360, %dma_start3A_361] : memref<2x125xi32, #tpu.memory_space<vmem>> -> memref<1x125xi32, #tpu.memory_space<vmem>>
    %dma_start3A_363 = tpu.memref_squeeze %dma_start3A_362 : memref<1x125xi32, #tpu.memory_space<vmem>> -> memref<125xi32, #tpu.memory_space<vmem>>
    %dma_start3A_364 = arith.constant 0 : i32
    %dma_start3A_365 = arith.constant 0 : i32
    %dma_start3A_366 = tpu.memref_slice %arg2[%dma_start3A_364, %dma_start3A_365] : memref<10000x128xf32, #tpu.memory_space<hbm>> -> memref<10000x128xf32, #tpu.memory_space<hbm>>
    tpu.enqueue_indirect_dma source(%dma_start3A_366 : memref<10000x128xf32, #tpu.memory_space<hbm>>) target(%arg12 : memref<125x128xf32, #tpu.memory_space<vmem>>) offsets(%dma_start3A_363 : memref<125xi32, #tpu.memory_space<vmem>>) semaphore(%arg17 : memref<!tpu.dma_semaphore, #tpu.memory_space<semaphore_mem>>)
    %dma_wait3A_367 = arith.constant 1 : i32
    %dma_wait3A_368 = arith.constant 0 : i32
    %dma_wait3A_369 = tpu.memref_slice %arg8[%dma_wait3A_367, %dma_wait3A_368] : memref<2x125xi32, #tpu.memory_space<vmem>> -> memref<1x125xi32, #tpu.memory_space<vmem>>
    %dma_wait3A_370 = tpu.memref_squeeze %dma_wait3A_369 : memref<1x125xi32, #tpu.memory_space<vmem>> -> memref<125xi32, #tpu.memory_space<vmem>>
    %dma_wait3A_371 = arith.constant 0 : i32
    %dma_wait3A_372 = arith.constant 0 : i32
    %dma_wait3A_373 = tpu.memref_slice %arg2[%dma_wait3A_371, %dma_wait3A_372] : memref<10000x128xf32, #tpu.memory_space<hbm>> -> memref<10000x128xf32, #tpu.memory_space<hbm>>
    tpu.wait_indirect_dma semaphore(%arg17 : memref<!tpu.dma_semaphore, #tpu.memory_space<semaphore_mem>>) src(%dma_wait3A_373 : memref<10000x128xf32, #tpu.memory_space<hbm>>) dst(%arg12 : memref<125x128xf32, #tpu.memory_space<vmem>>)
    %dma_start3A_374 = arith.constant 1 : i32
    %dma_start3A_375 = arith.constant 0 : i32
    %dma_start3A_376 = tpu.memref_slice %arg10[%dma_start3A_374, %dma_start3A_375] : memref<2x125xi32, #tpu.memory_space<vmem>> -> memref<1x125xi32, #tpu.memory_space<vmem>>
    %dma_start3A_377 = tpu.memref_squeeze %dma_start3A_376 : memref<1x125xi32, #tpu.memory_space<vmem>> -> memref<125xi32, #tpu.memory_space<vmem>>
    %dma_start3A_378 = arith.constant 0 : i32
    %dma_start3A_379 = arith.constant 0 : i32
    %dma_start3A_380 = tpu.memref_slice %arg15[%dma_start3A_378, %dma_start3A_379] : memref<10000x128xf32, #tpu.memory_space<vmem_shared>> -> memref<10000x128xf32, #tpu.memory_space<vmem_shared>>
    tpu.enqueue_indirect_dma source(%arg12 : memref<125x128xf32, #tpu.memory_space<vmem>>) target(%dma_start3A_380 : memref<10000x128xf32, #tpu.memory_space<vmem_shared>>) offsets(%dma_start3A_377 : memref<125xi32, #tpu.memory_space<vmem>>) semaphore(%arg20 : memref<!tpu.dma_semaphore, #tpu.memory_space<semaphore_mem>>) {add = true}
    %dma_wait3A_381 = arith.constant 1 : i32
    %dma_wait3A_382 = arith.constant 0 : i32
    %dma_wait3A_383 = tpu.memref_slice %arg9[%dma_wait3A_381, %dma_wait3A_382] : memref<2x125xi32, #tpu.memory_space<vmem>> -> memref<1x125xi32, #tpu.memory_space<vmem>>
    %dma_wait3A_384 = tpu.memref_squeeze %dma_wait3A_383 : memref<1x125xi32, #tpu.memory_space<vmem>> -> memref<125xi32, #tpu.memory_space<vmem>>
    %dma_wait3A_385 = arith.constant 0 : i32
    %dma_wait3A_386 = arith.constant 0 : i32
    %dma_wait3A_387 = tpu.memref_slice %arg15[%dma_wait3A_385, %dma_wait3A_386] : memref<10000x128xf32, #tpu.memory_space<vmem_shared>> -> memref<10000x128xf32, #tpu.memory_space<vmem_shared>>
    tpu.wait_indirect_dma semaphore(%arg21 : memref<!tpu.dma_semaphore, #tpu.memory_space<semaphore_mem>>) src(%arg13 : memref<125x128xf32, #tpu.memory_space<vmem>>) dst(%dma_wait3A_387 : memref<10000x128xf32, #tpu.memory_space<vmem_shared>>)
    %mul3A_388 = arith.constant 40 : i32
    %mul3A_389 = arith.muli %add3A, %mul3A_388 : i32
    %add3A_390 = arith.constant 10 : i32
    %add3A_391 = arith.addi %mul3A_389, %add3A_390 : i32
    %dma_start3A_392 = arith.constant 0 : i32
    %dma_start3A_393 = tpu.memref_slice %arg3[%add3A_391, %dma_start3A_392] : memref<2560x125xi32, #tpu.memory_space<hbm>> -> memref<2x125xi32, #tpu.memory_space<hbm>>
    %dma_start3A_394 = arith.constant 0 : i32
    %dma_start3A_395 = tpu.memref_slice %arg3[%add3A_391, %dma_start3A_394] : memref<2560x125xi32, #tpu.memory_space<hbm>> -> memref<2x125xi32, #tpu.memory_space<hbm>>
    tpu.enqueue_dma source(%dma_start3A_395 : memref<2x125xi32, #tpu.memory_space<hbm>>) target(%arg8 : memref<2x125xi32, #tpu.memory_space<vmem>>) target_semaphore(%arg23 : memref<!tpu.dma_semaphore, #tpu.memory_space<semaphore_mem>>)
    %mul3A_396 = arith.constant 40 : i32
    %mul3A_397 = arith.muli %add3A, %mul3A_396 : i32
    %add3A_398 = arith.constant 1280 : i32
    %add3A_399 = arith.addi %add3A_398, %mul3A_397 : i32
    %add3A_400 = arith.constant 8 : i32
    %add3A_401 = arith.addi %add3A_399, %add3A_400 : i32
    %dma_start3A_402 = arith.constant 0 : i32
    %dma_start3A_403 = tpu.memref_slice %arg3[%add3A_401, %dma_start3A_402] : memref<2560x125xi32, #tpu.memory_space<hbm>> -> memref<2x125xi32, #tpu.memory_space<hbm>>
    %dma_start3A_404 = arith.constant 0 : i32
    %dma_start3A_405 = tpu.memref_slice %arg3[%add3A_401, %dma_start3A_404] : memref<2560x125xi32, #tpu.memory_space<hbm>> -> memref<2x125xi32, #tpu.memory_space<hbm>>
    tpu.enqueue_dma source(%dma_start3A_405 : memref<2x125xi32, #tpu.memory_space<hbm>>) target(%arg9 : memref<2x125xi32, #tpu.memory_space<vmem>>) target_semaphore(%arg24 : memref<!tpu.dma_semaphore, #tpu.memory_space<semaphore_mem>>)
    %mul3A_406 = arith.constant 40 : i32
    %mul3A_407 = arith.muli %add3A, %mul3A_406 : i32
    %add3A_408 = arith.constant 8 : i32
    %add3A_409 = arith.addi %mul3A_407, %add3A_408 : i32
    %dma_wait3A_410 = arith.constant 0 : i32
    %dma_wait3A_411 = tpu.memref_slice %arg3[%add3A_409, %dma_wait3A_410] : memref<2560x125xi32, #tpu.memory_space<hbm>> -> memref<2x125xi32, #tpu.memory_space<hbm>>
    %dma_wait3A_412 = arith.constant 0 : i32
    %dma_wait3A_413 = tpu.memref_slice %arg3[%add3A_409, %dma_wait3A_412] : memref<2560x125xi32, #tpu.memory_space<hbm>> -> memref<2x125xi32, #tpu.memory_space<hbm>>
    tpu.wait_dma2 semaphore(%arg22 : memref<!tpu.dma_semaphore, #tpu.memory_space<semaphore_mem>>) src(%dma_wait3A_413 : memref<2x125xi32, #tpu.memory_space<hbm>>) dst(%arg7 : memref<2x125xi32, #tpu.memory_space<vmem>>)
    %dma_start3A_414 = arith.constant 0 : i32
    %dma_start3A_415 = arith.constant 0 : i32
    %dma_start3A_416 = tpu.memref_slice %arg7[%dma_start3A_414, %dma_start3A_415] : memref<2x125xi32, #tpu.memory_space<vmem>> -> memref<1x125xi32, #tpu.memory_space<vmem>>
    %dma_start3A_417 = tpu.memref_squeeze %dma_start3A_416 : memref<1x125xi32, #tpu.memory_space<vmem>> -> memref<125xi32, #tpu.memory_space<vmem>>
    %dma_start3A_418 = arith.constant 0 : i32
    %dma_start3A_419 = arith.constant 0 : i32
    %dma_start3A_420 = tpu.memref_slice %arg2[%dma_start3A_418, %dma_start3A_419] : memref<10000x128xf32, #tpu.memory_space<hbm>> -> memref<10000x128xf32, #tpu.memory_space<hbm>>
    tpu.enqueue_indirect_dma source(%dma_start3A_420 : memref<10000x128xf32, #tpu.memory_space<hbm>>) target(%arg13 : memref<125x128xf32, #tpu.memory_space<vmem>>) offsets(%dma_start3A_417 : memref<125xi32, #tpu.memory_space<vmem>>) semaphore(%arg18 : memref<!tpu.dma_semaphore, #tpu.memory_space<semaphore_mem>>)
    %mul3A_421 = arith.constant 40 : i32
    %mul3A_422 = arith.muli %add3A, %mul3A_421 : i32
    %add3A_423 = arith.constant 1280 : i32
    %add3A_424 = arith.addi %add3A_423, %mul3A_422 : i32
    %add3A_425 = arith.constant 8 : i32
    %add3A_426 = arith.addi %add3A_424, %add3A_425 : i32
    %dma_wait3A_427 = arith.constant 0 : i32
    %dma_wait3A_428 = tpu.memref_slice %arg3[%add3A_426, %dma_wait3A_427] : memref<2560x125xi32, #tpu.memory_space<hbm>> -> memref<2x125xi32, #tpu.memory_space<hbm>>
    %dma_wait3A_429 = arith.constant 0 : i32
    %dma_wait3A_430 = tpu.memref_slice %arg3[%add3A_426, %dma_wait3A_429] : memref<2560x125xi32, #tpu.memory_space<hbm>> -> memref<2x125xi32, #tpu.memory_space<hbm>>
    tpu.wait_dma2 semaphore(%arg24 : memref<!tpu.dma_semaphore, #tpu.memory_space<semaphore_mem>>) src(%dma_wait3A_430 : memref<2x125xi32, #tpu.memory_space<hbm>>) dst(%arg9 : memref<2x125xi32, #tpu.memory_space<vmem>>)
    %dma_wait3A_431 = arith.constant 0 : i32
    %dma_wait3A_432 = arith.constant 0 : i32
    %dma_wait3A_433 = tpu.memref_slice %arg7[%dma_wait3A_431, %dma_wait3A_432] : memref<2x125xi32, #tpu.memory_space<vmem>> -> memref<1x125xi32, #tpu.memory_space<vmem>>
    %dma_wait3A_434 = tpu.memref_squeeze %dma_wait3A_433 : memref<1x125xi32, #tpu.memory_space<vmem>> -> memref<125xi32, #tpu.memory_space<vmem>>
    %dma_wait3A_435 = arith.constant 0 : i32
    %dma_wait3A_436 = arith.constant 0 : i32
    %dma_wait3A_437 = tpu.memref_slice %arg2[%dma_wait3A_435, %dma_wait3A_436] : memref<10000x128xf32, #tpu.memory_space<hbm>> -> memref<10000x128xf32, #tpu.memory_space<hbm>>
    tpu.wait_indirect_dma semaphore(%arg18 : memref<!tpu.dma_semaphore, #tpu.memory_space<semaphore_mem>>) src(%dma_wait3A_437 : memref<10000x128xf32, #tpu.memory_space<hbm>>) dst(%arg13 : memref<125x128xf32, #tpu.memory_space<vmem>>)
    %dma_start3A_438 = arith.constant 0 : i32
    %dma_start3A_439 = arith.constant 0 : i32
    %dma_start3A_440 = tpu.memref_slice %arg9[%dma_start3A_438, %dma_start3A_439] : memref<2x125xi32, #tpu.memory_space<vmem>> -> memref<1x125xi32, #tpu.memory_space<vmem>>
    %dma_start3A_441 = tpu.memref_squeeze %dma_start3A_440 : memref<1x125xi32, #tpu.memory_space<vmem>> -> memref<125xi32, #tpu.memory_space<vmem>>
    %dma_start3A_442 = arith.constant 0 : i32
    %dma_start3A_443 = arith.constant 0 : i32
    %dma_start3A_444 = tpu.memref_slice %arg15[%dma_start3A_442, %dma_start3A_443] : memref<10000x128xf32, #tpu.memory_space<vmem_shared>> -> memref<10000x128xf32, #tpu.memory_space<vmem_shared>>
    tpu.enqueue_indirect_dma source(%arg13 : memref<125x128xf32, #tpu.memory_space<vmem>>) target(%dma_start3A_444 : memref<10000x128xf32, #tpu.memory_space<vmem_shared>>) offsets(%dma_start3A_441 : memref<125xi32, #tpu.memory_space<vmem>>) semaphore(%arg21 : memref<!tpu.dma_semaphore, #tpu.memory_space<semaphore_mem>>) {add = true}
    %dma_wait3A_445 = arith.constant 0 : i32
    %dma_wait3A_446 = arith.constant 0 : i32
    %dma_wait3A_447 = tpu.memref_slice %arg10[%dma_wait3A_445, %dma_wait3A_446] : memref<2x125xi32, #tpu.memory_space<vmem>> -> memref<1x125xi32, #tpu.memory_space<vmem>>
    %dma_wait3A_448 = tpu.memref_squeeze %dma_wait3A_447 : memref<1x125xi32, #tpu.memory_space<vmem>> -> memref<125xi32, #tpu.memory_space<vmem>>
    %dma_wait3A_449 = arith.constant 0 : i32
    %dma_wait3A_450 = arith.constant 0 : i32
    %dma_wait3A_451 = tpu.memref_slice %arg15[%dma_wait3A_449, %dma_wait3A_450] : memref<10000x128xf32, #tpu.memory_space<vmem_shared>> -> memref<10000x128xf32, #tpu.memory_space<vmem_shared>>
    tpu.wait_indirect_dma semaphore(%arg19 : memref<!tpu.dma_semaphore, #tpu.memory_space<semaphore_mem>>) src(%arg11 : memref<125x128xf32, #tpu.memory_space<vmem>>) dst(%dma_wait3A_451 : memref<10000x128xf32, #tpu.memory_space<vmem_shared>>)
    %dma_start3A_452 = arith.constant 1 : i32
    %dma_start3A_453 = arith.constant 0 : i32
    %dma_start3A_454 = tpu.memref_slice %arg7[%dma_start3A_452, %dma_start3A_453] : memref<2x125xi32, #tpu.memory_space<vmem>> -> memref<1x125xi32, #tpu.memory_space<vmem>>
    %dma_start3A_455 = tpu.memref_squeeze %dma_start3A_454 : memref<1x125xi32, #tpu.memory_space<vmem>> -> memref<125xi32, #tpu.memory_space<vmem>>
    %dma_start3A_456 = arith.constant 0 : i32
    %dma_start3A_457 = arith.constant 0 : i32
    %dma_start3A_458 = tpu.memref_slice %arg2[%dma_start3A_456, %dma_start3A_457] : memref<10000x128xf32, #tpu.memory_space<hbm>> -> memref<10000x128xf32, #tpu.memory_space<hbm>>
    tpu.enqueue_indirect_dma source(%dma_start3A_458 : memref<10000x128xf32, #tpu.memory_space<hbm>>) target(%arg11 : memref<125x128xf32, #tpu.memory_space<vmem>>) offsets(%dma_start3A_455 : memref<125xi32, #tpu.memory_space<vmem>>) semaphore(%arg16 : memref<!tpu.dma_semaphore, #tpu.memory_space<semaphore_mem>>)
    %dma_wait3A_459 = arith.constant 1 : i32
    %dma_wait3A_460 = arith.constant 0 : i32
    %dma_wait3A_461 = tpu.memref_slice %arg7[%dma_wait3A_459, %dma_wait3A_460] : memref<2x125xi32, #tpu.memory_space<vmem>> -> memref<1x125xi32, #tpu.memory_space<vmem>>
    %dma_wait3A_462 = tpu.memref_squeeze %dma_wait3A_461 : memref<1x125xi32, #tpu.memory_space<vmem>> -> memref<125xi32, #tpu.memory_space<vmem>>
    %dma_wait3A_463 = arith.constant 0 : i32
    %dma_wait3A_464 = arith.constant 0 : i32
    %dma_wait3A_465 = tpu.memref_slice %arg2[%dma_wait3A_463, %dma_wait3A_464] : memref<10000x128xf32, #tpu.memory_space<hbm>> -> memref<10000x128xf32, #tpu.memory_space<hbm>>
    tpu.wait_indirect_dma semaphore(%arg16 : memref<!tpu.dma_semaphore, #tpu.memory_space<semaphore_mem>>) src(%dma_wait3A_465 : memref<10000x128xf32, #tpu.memory_space<hbm>>) dst(%arg11 : memref<125x128xf32, #tpu.memory_space<vmem>>)
    %dma_start3A_466 = arith.constant 1 : i32
    %dma_start3A_467 = arith.constant 0 : i32
    %dma_start3A_468 = tpu.memref_slice %arg9[%dma_start3A_466, %dma_start3A_467] : memref<2x125xi32, #tpu.memory_space<vmem>> -> memref<1x125xi32, #tpu.memory_space<vmem>>
    %dma_start3A_469 = tpu.memref_squeeze %dma_start3A_468 : memref<1x125xi32, #tpu.memory_space<vmem>> -> memref<125xi32, #tpu.memory_space<vmem>>
    %dma_start3A_470 = arith.constant 0 : i32
    %dma_start3A_471 = arith.constant 0 : i32
    %dma_start3A_472 = tpu.memref_slice %arg15[%dma_start3A_470, %dma_start3A_471] : memref<10000x128xf32, #tpu.memory_space<vmem_shared>> -> memref<10000x128xf32, #tpu.memory_space<vmem_shared>>
    tpu.enqueue_indirect_dma source(%arg11 : memref<125x128xf32, #tpu.memory_space<vmem>>) target(%dma_start3A_472 : memref<10000x128xf32, #tpu.memory_space<vmem_shared>>) offsets(%dma_start3A_469 : memref<125xi32, #tpu.memory_space<vmem>>) semaphore(%arg19 : memref<!tpu.dma_semaphore, #tpu.memory_space<semaphore_mem>>) {add = true}
    %dma_wait3A_473 = arith.constant 1 : i32
    %dma_wait3A_474 = arith.constant 0 : i32
    %dma_wait3A_475 = tpu.memref_slice %arg10[%dma_wait3A_473, %dma_wait3A_474] : memref<2x125xi32, #tpu.memory_space<vmem>> -> memref<1x125xi32, #tpu.memory_space<vmem>>
    %dma_wait3A_476 = tpu.memref_squeeze %dma_wait3A_475 : memref<1x125xi32, #tpu.memory_space<vmem>> -> memref<125xi32, #tpu.memory_space<vmem>>
    %dma_wait3A_477 = arith.constant 0 : i32
    %dma_wait3A_478 = arith.constant 0 : i32
    %dma_wait3A_479 = tpu.memref_slice %arg15[%dma_wait3A_477, %dma_wait3A_478] : memref<10000x128xf32, #tpu.memory_space<vmem_shared>> -> memref<10000x128xf32, #tpu.memory_space<vmem_shared>>
    tpu.wait_indirect_dma semaphore(%arg20 : memref<!tpu.dma_semaphore, #tpu.memory_space<semaphore_mem>>) src(%arg12 : memref<125x128xf32, #tpu.memory_space<vmem>>) dst(%dma_wait3A_479 : memref<10000x128xf32, #tpu.memory_space<vmem_shared>>)
    %mul3A_480 = arith.constant 40 : i32
    %mul3A_481 = arith.muli %add3A, %mul3A_480 : i32
    %add3A_482 = arith.constant 12 : i32
    %add3A_483 = arith.addi %mul3A_481, %add3A_482 : i32
    %dma_start3A_484 = arith.constant 0 : i32
    %dma_start3A_485 = tpu.memref_slice %arg3[%add3A_483, %dma_start3A_484] : memref<2560x125xi32, #tpu.memory_space<hbm>> -> memref<2x125xi32, #tpu.memory_space<hbm>>
    %dma_start3A_486 = arith.constant 0 : i32
    %dma_start3A_487 = tpu.memref_slice %arg3[%add3A_483, %dma_start3A_486] : memref<2560x125xi32, #tpu.memory_space<hbm>> -> memref<2x125xi32, #tpu.memory_space<hbm>>
    tpu.enqueue_dma source(%dma_start3A_487 : memref<2x125xi32, #tpu.memory_space<hbm>>) target(%arg7 : memref<2x125xi32, #tpu.memory_space<vmem>>) target_semaphore(%arg22 : memref<!tpu.dma_semaphore, #tpu.memory_space<semaphore_mem>>)
    %mul3A_488 = arith.constant 40 : i32
    %mul3A_489 = arith.muli %add3A, %mul3A_488 : i32
    %add3A_490 = arith.constant 1280 : i32
    %add3A_491 = arith.addi %add3A_490, %mul3A_489 : i32
    %add3A_492 = arith.constant 10 : i32
    %add3A_493 = arith.addi %add3A_491, %add3A_492 : i32
    %dma_start3A_494 = arith.constant 0 : i32
    %dma_start3A_495 = tpu.memref_slice %arg3[%add3A_493, %dma_start3A_494] : memref<2560x125xi32, #tpu.memory_space<hbm>> -> memref<2x125xi32, #tpu.memory_space<hbm>>
    %dma_start3A_496 = arith.constant 0 : i32
    %dma_start3A_497 = tpu.memref_slice %arg3[%add3A_493, %dma_start3A_496] : memref<2560x125xi32, #tpu.memory_space<hbm>> -> memref<2x125xi32, #tpu.memory_space<hbm>>
    tpu.enqueue_dma source(%dma_start3A_497 : memref<2x125xi32, #tpu.memory_space<hbm>>) target(%arg10 : memref<2x125xi32, #tpu.memory_space<vmem>>) target_semaphore(%arg25 : memref<!tpu.dma_semaphore, #tpu.memory_space<semaphore_mem>>)
    %mul3A_498 = arith.constant 40 : i32
    %mul3A_499 = arith.muli %add3A, %mul3A_498 : i32
    %add3A_500 = arith.constant 10 : i32
    %add3A_501 = arith.addi %mul3A_499, %add3A_500 : i32
    %dma_wait3A_502 = arith.constant 0 : i32
    %dma_wait3A_503 = tpu.memref_slice %arg3[%add3A_501, %dma_wait3A_502] : memref<2560x125xi32, #tpu.memory_space<hbm>> -> memref<2x125xi32, #tpu.memory_space<hbm>>
    %dma_wait3A_504 = arith.constant 0 : i32
    %dma_wait3A_505 = tpu.memref_slice %arg3[%add3A_501, %dma_wait3A_504] : memref<2560x125xi32, #tpu.memory_space<hbm>> -> memref<2x125xi32, #tpu.memory_space<hbm>>
    tpu.wait_dma2 semaphore(%arg23 : memref<!tpu.dma_semaphore, #tpu.memory_space<semaphore_mem>>) src(%dma_wait3A_505 : memref<2x125xi32, #tpu.memory_space<hbm>>) dst(%arg8 : memref<2x125xi32, #tpu.memory_space<vmem>>)
    %dma_start3A_506 = arith.constant 0 : i32
    %dma_start3A_507 = arith.constant 0 : i32
    %dma_start3A_508 = tpu.memref_slice %arg8[%dma_start3A_506, %dma_start3A_507] : memref<2x125xi32, #tpu.memory_space<vmem>> -> memref<1x125xi32, #tpu.memory_space<vmem>>
    %dma_start3A_509 = tpu.memref_squeeze %dma_start3A_508 : memref<1x125xi32, #tpu.memory_space<vmem>> -> memref<125xi32, #tpu.memory_space<vmem>>
    %dma_start3A_510 = arith.constant 0 : i32
    %dma_start3A_511 = arith.constant 0 : i32
    %dma_start3A_512 = tpu.memref_slice %arg2[%dma_start3A_510, %dma_start3A_511] : memref<10000x128xf32, #tpu.memory_space<hbm>> -> memref<10000x128xf32, #tpu.memory_space<hbm>>
    tpu.enqueue_indirect_dma source(%dma_start3A_512 : memref<10000x128xf32, #tpu.memory_space<hbm>>) target(%arg12 : memref<125x128xf32, #tpu.memory_space<vmem>>) offsets(%dma_start3A_509 : memref<125xi32, #tpu.memory_space<vmem>>) semaphore(%arg17 : memref<!tpu.dma_semaphore, #tpu.memory_space<semaphore_mem>>)
    %mul3A_513 = arith.constant 40 : i32
    %mul3A_514 = arith.muli %add3A, %mul3A_513 : i32
    %add3A_515 = arith.constant 1280 : i32
    %add3A_516 = arith.addi %add3A_515, %mul3A_514 : i32
    %add3A_517 = arith.constant 10 : i32
    %add3A_518 = arith.addi %add3A_516, %add3A_517 : i32
    %dma_wait3A_519 = arith.constant 0 : i32
    %dma_wait3A_520 = tpu.memref_slice %arg3[%add3A_518, %dma_wait3A_519] : memref<2560x125xi32, #tpu.memory_space<hbm>> -> memref<2x125xi32, #tpu.memory_space<hbm>>
    %dma_wait3A_521 = arith.constant 0 : i32
    %dma_wait3A_522 = tpu.memref_slice %arg3[%add3A_518, %dma_wait3A_521] : memref<2560x125xi32, #tpu.memory_space<hbm>> -> memref<2x125xi32, #tpu.memory_space<hbm>>
    tpu.wait_dma2 semaphore(%arg25 : memref<!tpu.dma_semaphore, #tpu.memory_space<semaphore_mem>>) src(%dma_wait3A_522 : memref<2x125xi32, #tpu.memory_space<hbm>>) dst(%arg10 : memref<2x125xi32, #tpu.memory_space<vmem>>)
    %dma_wait3A_523 = arith.constant 0 : i32
    %dma_wait3A_524 = arith.constant 0 : i32
    %dma_wait3A_525 = tpu.memref_slice %arg8[%dma_wait3A_523, %dma_wait3A_524] : memref<2x125xi32, #tpu.memory_space<vmem>> -> memref<1x125xi32, #tpu.memory_space<vmem>>
    %dma_wait3A_526 = tpu.memref_squeeze %dma_wait3A_525 : memref<1x125xi32, #tpu.memory_space<vmem>> -> memref<125xi32, #tpu.memory_space<vmem>>
    %dma_wait3A_527 = arith.constant 0 : i32
    %dma_wait3A_528 = arith.constant 0 : i32
    %dma_wait3A_529 = tpu.memref_slice %arg2[%dma_wait3A_527, %dma_wait3A_528] : memref<10000x128xf32, #tpu.memory_space<hbm>> -> memref<10000x128xf32, #tpu.memory_space<hbm>>
    tpu.wait_indirect_dma semaphore(%arg17 : memref<!tpu.dma_semaphore, #tpu.memory_space<semaphore_mem>>) src(%dma_wait3A_529 : memref<10000x128xf32, #tpu.memory_space<hbm>>) dst(%arg12 : memref<125x128xf32, #tpu.memory_space<vmem>>)
    %dma_start3A_530 = arith.constant 0 : i32
    %dma_start3A_531 = arith.constant 0 : i32
    %dma_start3A_532 = tpu.memref_slice %arg10[%dma_start3A_530, %dma_start3A_531] : memref<2x125xi32, #tpu.memory_space<vmem>> -> memref<1x125xi32, #tpu.memory_space<vmem>>
    %dma_start3A_533 = tpu.memref_squeeze %dma_start3A_532 : memref<1x125xi32, #tpu.memory_space<vmem>> -> memref<125xi32, #tpu.memory_space<vmem>>
    %dma_start3A_534 = arith.constant 0 : i32
    %dma_start3A_535 = arith.constant 0 : i32
    %dma_start3A_536 = tpu.memref_slice %arg15[%dma_start3A_534, %dma_start3A_535] : memref<10000x128xf32, #tpu.memory_space<vmem_shared>> -> memref<10000x128xf32, #tpu.memory_space<vmem_shared>>
    tpu.enqueue_indirect_dma source(%arg12 : memref<125x128xf32, #tpu.memory_space<vmem>>) target(%dma_start3A_536 : memref<10000x128xf32, #tpu.memory_space<vmem_shared>>) offsets(%dma_start3A_533 : memref<125xi32, #tpu.memory_space<vmem>>) semaphore(%arg20 : memref<!tpu.dma_semaphore, #tpu.memory_space<semaphore_mem>>) {add = true}
    %dma_wait3A_537 = arith.constant 0 : i32
    %dma_wait3A_538 = arith.constant 0 : i32
    %dma_wait3A_539 = tpu.memref_slice %arg9[%dma_wait3A_537, %dma_wait3A_538] : memref<2x125xi32, #tpu.memory_space<vmem>> -> memref<1x125xi32, #tpu.memory_space<vmem>>
    %dma_wait3A_540 = tpu.memref_squeeze %dma_wait3A_539 : memref<1x125xi32, #tpu.memory_space<vmem>> -> memref<125xi32, #tpu.memory_space<vmem>>
    %dma_wait3A_541 = arith.constant 0 : i32
    %dma_wait3A_542 = arith.constant 0 : i32
    %dma_wait3A_543 = tpu.memref_slice %arg15[%dma_wait3A_541, %dma_wait3A_542] : memref<10000x128xf32, #tpu.memory_space<vmem_shared>> -> memref<10000x128xf32, #tpu.memory_space<vmem_shared>>
    tpu.wait_indirect_dma semaphore(%arg21 : memref<!tpu.dma_semaphore, #tpu.memory_space<semaphore_mem>>) src(%arg13 : memref<125x128xf32, #tpu.memory_space<vmem>>) dst(%dma_wait3A_543 : memref<10000x128xf32, #tpu.memory_space<vmem_shared>>)
    %dma_start3A_544 = arith.constant 1 : i32
    %dma_start3A_545 = arith.constant 0 : i32
    %dma_start3A_546 = tpu.memref_slice %arg8[%dma_start3A_544, %dma_start3A_545] : memref<2x125xi32, #tpu.memory_space<vmem>> -> memref<1x125xi32, #tpu.memory_space<vmem>>
    %dma_start3A_547 = tpu.memref_squeeze %dma_start3A_546 : memref<1x125xi32, #tpu.memory_space<vmem>> -> memref<125xi32, #tpu.memory_space<vmem>>
    %dma_start3A_548 = arith.constant 0 : i32
    %dma_start3A_549 = arith.constant 0 : i32
    %dma_start3A_550 = tpu.memref_slice %arg2[%dma_start3A_548, %dma_start3A_549] : memref<10000x128xf32, #tpu.memory_space<hbm>> -> memref<10000x128xf32, #tpu.memory_space<hbm>>
    tpu.enqueue_indirect_dma source(%dma_start3A_550 : memref<10000x128xf32, #tpu.memory_space<hbm>>) target(%arg13 : memref<125x128xf32, #tpu.memory_space<vmem>>) offsets(%dma_start3A_547 : memref<125xi32, #tpu.memory_space<vmem>>) semaphore(%arg18 : memref<!tpu.dma_semaphore, #tpu.memory_space<semaphore_mem>>)
    %dma_wait3A_551 = arith.constant 1 : i32
    %dma_wait3A_552 = arith.constant 0 : i32
    %dma_wait3A_553 = tpu.memref_slice %arg8[%dma_wait3A_551, %dma_wait3A_552] : memref<2x125xi32, #tpu.memory_space<vmem>> -> memref<1x125xi32, #tpu.memory_space<vmem>>
    %dma_wait3A_554 = tpu.memref_squeeze %dma_wait3A_553 : memref<1x125xi32, #tpu.memory_space<vmem>> -> memref<125xi32, #tpu.memory_space<vmem>>
    %dma_wait3A_555 = arith.constant 0 : i32
    %dma_wait3A_556 = arith.constant 0 : i32
    %dma_wait3A_557 = tpu.memref_slice %arg2[%dma_wait3A_555, %dma_wait3A_556] : memref<10000x128xf32, #tpu.memory_space<hbm>> -> memref<10000x128xf32, #tpu.memory_space<hbm>>
    tpu.wait_indirect_dma semaphore(%arg18 : memref<!tpu.dma_semaphore, #tpu.memory_space<semaphore_mem>>) src(%dma_wait3A_557 : memref<10000x128xf32, #tpu.memory_space<hbm>>) dst(%arg13 : memref<125x128xf32, #tpu.memory_space<vmem>>)
    %dma_start3A_558 = arith.constant 1 : i32
    %dma_start3A_559 = arith.constant 0 : i32
    %dma_start3A_560 = tpu.memref_slice %arg10[%dma_start3A_558, %dma_start3A_559] : memref<2x125xi32, #tpu.memory_space<vmem>> -> memref<1x125xi32, #tpu.memory_space<vmem>>
    %dma_start3A_561 = tpu.memref_squeeze %dma_start3A_560 : memref<1x125xi32, #tpu.memory_space<vmem>> -> memref<125xi32, #tpu.memory_space<vmem>>
    %dma_start3A_562 = arith.constant 0 : i32
    %dma_start3A_563 = arith.constant 0 : i32
    %dma_start3A_564 = tpu.memref_slice %arg15[%dma_start3A_562, %dma_start3A_563] : memref<10000x128xf32, #tpu.memory_space<vmem_shared>> -> memref<10000x128xf32, #tpu.memory_space<vmem_shared>>
    tpu.enqueue_indirect_dma source(%arg13 : memref<125x128xf32, #tpu.memory_space<vmem>>) target(%dma_start3A_564 : memref<10000x128xf32, #tpu.memory_space<vmem_shared>>) offsets(%dma_start3A_561 : memref<125xi32, #tpu.memory_space<vmem>>) semaphore(%arg21 : memref<!tpu.dma_semaphore, #tpu.memory_space<semaphore_mem>>) {add = true}
    %dma_wait3A_565 = arith.constant 1 : i32
    %dma_wait3A_566 = arith.constant 0 : i32
    %dma_wait3A_567 = tpu.memref_slice %arg9[%dma_wait3A_565, %dma_wait3A_566] : memref<2x125xi32, #tpu.memory_space<vmem>> -> memref<1x125xi32, #tpu.memory_space<vmem>>
    %dma_wait3A_568 = tpu.memref_squeeze %dma_wait3A_567 : memref<1x125xi32, #tpu.memory_space<vmem>> -> memref<125xi32, #tpu.memory_space<vmem>>
    %dma_wait3A_569 = arith.constant 0 : i32
    %dma_wait3A_570 = arith.constant 0 : i32
    %dma_wait3A_571 = tpu.memref_slice %arg15[%dma_wait3A_569, %dma_wait3A_570] : memref<10000x128xf32, #tpu.memory_space<vmem_shared>> -> memref<10000x128xf32, #tpu.memory_space<vmem_shared>>
    tpu.wait_indirect_dma semaphore(%arg19 : memref<!tpu.dma_semaphore, #tpu.memory_space<semaphore_mem>>) src(%arg11 : memref<125x128xf32, #tpu.memory_space<vmem>>) dst(%dma_wait3A_571 : memref<10000x128xf32, #tpu.memory_space<vmem_shared>>)
    %mul3A_572 = arith.constant 40 : i32
    %mul3A_573 = arith.muli %add3A, %mul3A_572 : i32
    %add3A_574 = arith.constant 14 : i32
    %add3A_575 = arith.addi %mul3A_573, %add3A_574 : i32
    %dma_start3A_576 = arith.constant 0 : i32
    %dma_start3A_577 = tpu.memref_slice %arg3[%add3A_575, %dma_start3A_576] : memref<2560x125xi32, #tpu.memory_space<hbm>> -> memref<2x125xi32, #tpu.memory_space<hbm>>
    %dma_start3A_578 = arith.constant 0 : i32
    %dma_start3A_579 = tpu.memref_slice %arg3[%add3A_575, %dma_start3A_578] : memref<2560x125xi32, #tpu.memory_space<hbm>> -> memref<2x125xi32, #tpu.memory_space<hbm>>
    tpu.enqueue_dma source(%dma_start3A_579 : memref<2x125xi32, #tpu.memory_space<hbm>>) target(%arg8 : memref<2x125xi32, #tpu.memory_space<vmem>>) target_semaphore(%arg23 : memref<!tpu.dma_semaphore, #tpu.memory_space<semaphore_mem>>)
    %mul3A_580 = arith.constant 40 : i32
    %mul3A_581 = arith.muli %add3A, %mul3A_580 : i32
    %add3A_582 = arith.constant 1280 : i32
    %add3A_583 = arith.addi %add3A_582, %mul3A_581 : i32
    %add3A_584 = arith.constant 12 : i32
    %add3A_585 = arith.addi %add3A_583, %add3A_584 : i32
    %dma_start3A_586 = arith.constant 0 : i32
    %dma_start3A_587 = tpu.memref_slice %arg3[%add3A_585, %dma_start3A_586] : memref<2560x125xi32, #tpu.memory_space<hbm>> -> memref<2x125xi32, #tpu.memory_space<hbm>>
    %dma_start3A_588 = arith.constant 0 : i32
    %dma_start3A_589 = tpu.memref_slice %arg3[%add3A_585, %dma_start3A_588] : memref<2560x125xi32, #tpu.memory_space<hbm>> -> memref<2x125xi32, #tpu.memory_space<hbm>>
    tpu.enqueue_dma source(%dma_start3A_589 : memref<2x125xi32, #tpu.memory_space<hbm>>) target(%arg9 : memref<2x125xi32, #tpu.memory_space<vmem>>) target_semaphore(%arg24 : memref<!tpu.dma_semaphore, #tpu.memory_space<semaphore_mem>>)
    %mul3A_590 = arith.constant 40 : i32
    %mul3A_591 = arith.muli %add3A, %mul3A_590 : i32
    %add3A_592 = arith.constant 12 : i32
    %add3A_593 = arith.addi %mul3A_591, %add3A_592 : i32
    %dma_wait3A_594 = arith.constant 0 : i32
    %dma_wait3A_595 = tpu.memref_slice %arg3[%add3A_593, %dma_wait3A_594] : memref<2560x125xi32, #tpu.memory_space<hbm>> -> memref<2x125xi32, #tpu.memory_space<hbm>>
    %dma_wait3A_596 = arith.constant 0 : i32
    %dma_wait3A_597 = tpu.memref_slice %arg3[%add3A_593, %dma_wait3A_596] : memref<2560x125xi32, #tpu.memory_space<hbm>> -> memref<2x125xi32, #tpu.memory_space<hbm>>
    tpu.wait_dma2 semaphore(%arg22 : memref<!tpu.dma_semaphore, #tpu.memory_space<semaphore_mem>>) src(%dma_wait3A_597 : memref<2x125xi32, #tpu.memory_space<hbm>>) dst(%arg7 : memref<2x125xi32, #tpu.memory_space<vmem>>)
    %dma_start3A_598 = arith.constant 0 : i32
    %dma_start3A_599 = arith.constant 0 : i32
    %dma_start3A_600 = tpu.memref_slice %arg7[%dma_start3A_598, %dma_start3A_599] : memref<2x125xi32, #tpu.memory_space<vmem>> -> memref<1x125xi32, #tpu.memory_space<vmem>>
    %dma_start3A_601 = tpu.memref_squeeze %dma_start3A_600 : memref<1x125xi32, #tpu.memory_space<vmem>> -> memref<125xi32, #tpu.memory_space<vmem>>
    %dma_start3A_602 = arith.constant 0 : i32
    %dma_start3A_603 = arith.constant 0 : i32
    %dma_start3A_604 = tpu.memref_slice %arg2[%dma_start3A_602, %dma_start3A_603] : memref<10000x128xf32, #tpu.memory_space<hbm>> -> memref<10000x128xf32, #tpu.memory_space<hbm>>
    tpu.enqueue_indirect_dma source(%dma_start3A_604 : memref<10000x128xf32, #tpu.memory_space<hbm>>) target(%arg11 : memref<125x128xf32, #tpu.memory_space<vmem>>) offsets(%dma_start3A_601 : memref<125xi32, #tpu.memory_space<vmem>>) semaphore(%arg16 : memref<!tpu.dma_semaphore, #tpu.memory_space<semaphore_mem>>)
    %mul3A_605 = arith.constant 40 : i32
    %mul3A_606 = arith.muli %add3A, %mul3A_605 : i32
    %add3A_607 = arith.constant 1280 : i32
    %add3A_608 = arith.addi %add3A_607, %mul3A_606 : i32
    %add3A_609 = arith.constant 12 : i32
    %add3A_610 = arith.addi %add3A_608, %add3A_609 : i32
    %dma_wait3A_611 = arith.constant 0 : i32
    %dma_wait3A_612 = tpu.memref_slice %arg3[%add3A_610, %dma_wait3A_611] : memref<2560x125xi32, #tpu.memory_space<hbm>> -> memref<2x125xi32, #tpu.memory_space<hbm>>
    %dma_wait3A_613 = arith.constant 0 : i32
    %dma_wait3A_614 = tpu.memref_slice %arg3[%add3A_610, %dma_wait3A_613] : memref<2560x125xi32, #tpu.memory_space<hbm>> -> memref<2x125xi32, #tpu.memory_space<hbm>>
    tpu.wait_dma2 semaphore(%arg24 : memref<!tpu.dma_semaphore, #tpu.memory_space<semaphore_mem>>) src(%dma_wait3A_614 : memref<2x125xi32, #tpu.memory_space<hbm>>) dst(%arg9 : memref<2x125xi32, #tpu.memory_space<vmem>>)
    %dma_wait3A_615 = arith.constant 0 : i32
    %dma_wait3A_616 = arith.constant 0 : i32
    %dma_wait3A_617 = tpu.memref_slice %arg7[%dma_wait3A_615, %dma_wait3A_616] : memref<2x125xi32, #tpu.memory_space<vmem>> -> memref<1x125xi32, #tpu.memory_space<vmem>>
    %dma_wait3A_618 = tpu.memref_squeeze %dma_wait3A_617 : memref<1x125xi32, #tpu.memory_space<vmem>> -> memref<125xi32, #tpu.memory_space<vmem>>
    %dma_wait3A_619 = arith.constant 0 : i32
    %dma_wait3A_620 = arith.constant 0 : i32
    %dma_wait3A_621 = tpu.memref_slice %arg2[%dma_wait3A_619, %dma_wait3A_620] : memref<10000x128xf32, #tpu.memory_space<hbm>> -> memref<10000x128xf32, #tpu.memory_space<hbm>>
    tpu.wait_indirect_dma semaphore(%arg16 : memref<!tpu.dma_semaphore, #tpu.memory_space<semaphore_mem>>) src(%dma_wait3A_621 : memref<10000x128xf32, #tpu.memory_space<hbm>>) dst(%arg11 : memref<125x128xf32, #tpu.memory_space<vmem>>)
    %dma_start3A_622 = arith.constant 0 : i32
    %dma_start3A_623 = arith.constant 0 : i32
    %dma_start3A_624 = tpu.memref_slice %arg9[%dma_start3A_622, %dma_start3A_623] : memref<2x125xi32, #tpu.memory_space<vmem>> -> memref<1x125xi32, #tpu.memory_space<vmem>>
    %dma_start3A_625 = tpu.memref_squeeze %dma_start3A_624 : memref<1x125xi32, #tpu.memory_space<vmem>> -> memref<125xi32, #tpu.memory_space<vmem>>
    %dma_start3A_626 = arith.constant 0 : i32
    %dma_start3A_627 = arith.constant 0 : i32
    %dma_start3A_628 = tpu.memref_slice %arg15[%dma_start3A_626, %dma_start3A_627] : memref<10000x128xf32, #tpu.memory_space<vmem_shared>> -> memref<10000x128xf32, #tpu.memory_space<vmem_shared>>
    tpu.enqueue_indirect_dma source(%arg11 : memref<125x128xf32, #tpu.memory_space<vmem>>) target(%dma_start3A_628 : memref<10000x128xf32, #tpu.memory_space<vmem_shared>>) offsets(%dma_start3A_625 : memref<125xi32, #tpu.memory_space<vmem>>) semaphore(%arg19 : memref<!tpu.dma_semaphore, #tpu.memory_space<semaphore_mem>>) {add = true}
    %dma_wait3A_629 = arith.constant 0 : i32
    %dma_wait3A_630 = arith.constant 0 : i32
    %dma_wait3A_631 = tpu.memref_slice %arg10[%dma_wait3A_629, %dma_wait3A_630] : memref<2x125xi32, #tpu.memory_space<vmem>> -> memref<1x125xi32, #tpu.memory_space<vmem>>
    %dma_wait3A_632 = tpu.memref_squeeze %dma_wait3A_631 : memref<1x125xi32, #tpu.memory_space<vmem>> -> memref<125xi32, #tpu.memory_space<vmem>>
    %dma_wait3A_633 = arith.constant 0 : i32
    %dma_wait3A_634 = arith.constant 0 : i32
    %dma_wait3A_635 = tpu.memref_slice %arg15[%dma_wait3A_633, %dma_wait3A_634] : memref<10000x128xf32, #tpu.memory_space<vmem_shared>> -> memref<10000x128xf32, #tpu.memory_space<vmem_shared>>
    tpu.wait_indirect_dma semaphore(%arg20 : memref<!tpu.dma_semaphore, #tpu.memory_space<semaphore_mem>>) src(%arg12 : memref<125x128xf32, #tpu.memory_space<vmem>>) dst(%dma_wait3A_635 : memref<10000x128xf32, #tpu.memory_space<vmem_shared>>)
    %dma_start3A_636 = arith.constant 1 : i32
    %dma_start3A_637 = arith.constant 0 : i32
    %dma_start3A_638 = tpu.memref_slice %arg7[%dma_start3A_636, %dma_start3A_637] : memref<2x125xi32, #tpu.memory_space<vmem>> -> memref<1x125xi32, #tpu.memory_space<vmem>>
    %dma_start3A_639 = tpu.memref_squeeze %dma_start3A_638 : memref<1x125xi32, #tpu.memory_space<vmem>> -> memref<125xi32, #tpu.memory_space<vmem>>
    %dma_start3A_640 = arith.constant 0 : i32
    %dma_start3A_641 = arith.constant 0 : i32
    %dma_start3A_642 = tpu.memref_slice %arg2[%dma_start3A_640, %dma_start3A_641] : memref<10000x128xf32, #tpu.memory_space<hbm>> -> memref<10000x128xf32, #tpu.memory_space<hbm>>
    tpu.enqueue_indirect_dma source(%dma_start3A_642 : memref<10000x128xf32, #tpu.memory_space<hbm>>) target(%arg12 : memref<125x128xf32, #tpu.memory_space<vmem>>) offsets(%dma_start3A_639 : memref<125xi32, #tpu.memory_space<vmem>>) semaphore(%arg17 : memref<!tpu.dma_semaphore, #tpu.memory_space<semaphore_mem>>)
    %dma_wait3A_643 = arith.constant 1 : i32
    %dma_wait3A_644 = arith.constant 0 : i32
    %dma_wait3A_645 = tpu.memref_slice %arg7[%dma_wait3A_643, %dma_wait3A_644] : memref<2x125xi32, #tpu.memory_space<vmem>> -> memref<1x125xi32, #tpu.memory_space<vmem>>
    %dma_wait3A_646 = tpu.memref_squeeze %dma_wait3A_645 : memref<1x125xi32, #tpu.memory_space<vmem>> -> memref<125xi32, #tpu.memory_space<vmem>>
    %dma_wait3A_647 = arith.constant 0 : i32
    %dma_wait3A_648 = arith.constant 0 : i32
    %dma_wait3A_649 = tpu.memref_slice %arg2[%dma_wait3A_647, %dma_wait3A_648] : memref<10000x128xf32, #tpu.memory_space<hbm>> -> memref<10000x128xf32, #tpu.memory_space<hbm>>
    tpu.wait_indirect_dma semaphore(%arg17 : memref<!tpu.dma_semaphore, #tpu.memory_space<semaphore_mem>>) src(%dma_wait3A_649 : memref<10000x128xf32, #tpu.memory_space<hbm>>) dst(%arg12 : memref<125x128xf32, #tpu.memory_space<vmem>>)
    %dma_start3A_650 = arith.constant 1 : i32
    %dma_start3A_651 = arith.constant 0 : i32
    %dma_start3A_652 = tpu.memref_slice %arg9[%dma_start3A_650, %dma_start3A_651] : memref<2x125xi32, #tpu.memory_space<vmem>> -> memref<1x125xi32, #tpu.memory_space<vmem>>
    %dma_start3A_653 = tpu.memref_squeeze %dma_start3A_652 : memref<1x125xi32, #tpu.memory_space<vmem>> -> memref<125xi32, #tpu.memory_space<vmem>>
    %dma_start3A_654 = arith.constant 0 : i32
    %dma_start3A_655 = arith.constant 0 : i32
    %dma_start3A_656 = tpu.memref_slice %arg15[%dma_start3A_654, %dma_start3A_655] : memref<10000x128xf32, #tpu.memory_space<vmem_shared>> -> memref<10000x128xf32, #tpu.memory_space<vmem_shared>>
    tpu.enqueue_indirect_dma source(%arg12 : memref<125x128xf32, #tpu.memory_space<vmem>>) target(%dma_start3A_656 : memref<10000x128xf32, #tpu.memory_space<vmem_shared>>) offsets(%dma_start3A_653 : memref<125xi32, #tpu.memory_space<vmem>>) semaphore(%arg20 : memref<!tpu.dma_semaphore, #tpu.memory_space<semaphore_mem>>) {add = true}
    %dma_wait3A_657 = arith.constant 1 : i32
    %dma_wait3A_658 = arith.constant 0 : i32
    %dma_wait3A_659 = tpu.memref_slice %arg10[%dma_wait3A_657, %dma_wait3A_658] : memref<2x125xi32, #tpu.memory_space<vmem>> -> memref<1x125xi32, #tpu.memory_space<vmem>>
    %dma_wait3A_660 = tpu.memref_squeeze %dma_wait3A_659 : memref<1x125xi32, #tpu.memory_space<vmem>> -> memref<125xi32, #tpu.memory_space<vmem>>
    %dma_wait3A_661 = arith.constant 0 : i32
    %dma_wait3A_662 = arith.constant 0 : i32
    %dma_wait3A_663 = tpu.memref_slice %arg15[%dma_wait3A_661, %dma_wait3A_662] : memref<10000x128xf32, #tpu.memory_space<vmem_shared>> -> memref<10000x128xf32, #tpu.memory_space<vmem_shared>>
    tpu.wait_indirect_dma semaphore(%arg21 : memref<!tpu.dma_semaphore, #tpu.memory_space<semaphore_mem>>) src(%arg13 : memref<125x128xf32, #tpu.memory_space<vmem>>) dst(%dma_wait3A_663 : memref<10000x128xf32, #tpu.memory_space<vmem_shared>>)
    %mul3A_664 = arith.constant 40 : i32
    %mul3A_665 = arith.muli %add3A, %mul3A_664 : i32
    %add3A_666 = arith.constant 16 : i32
    %add3A_667 = arith.addi %mul3A_665, %add3A_666 : i32
    %dma_start3A_668 = arith.constant 0 : i32
    %dma_start3A_669 = tpu.memref_slice %arg3[%add3A_667, %dma_start3A_668] : memref<2560x125xi32, #tpu.memory_space<hbm>> -> memref<2x125xi32, #tpu.memory_space<hbm>>
    %dma_start3A_670 = arith.constant 0 : i32
    %dma_start3A_671 = tpu.memref_slice %arg3[%add3A_667, %dma_start3A_670] : memref<2560x125xi32, #tpu.memory_space<hbm>> -> memref<2x125xi32, #tpu.memory_space<hbm>>
    tpu.enqueue_dma source(%dma_start3A_671 : memref<2x125xi32, #tpu.memory_space<hbm>>) target(%arg7 : memref<2x125xi32, #tpu.memory_space<vmem>>) target_semaphore(%arg22 : memref<!tpu.dma_semaphore, #tpu.memory_space<semaphore_mem>>)
    %mul3A_672 = arith.constant 40 : i32
    %mul3A_673 = arith.muli %add3A, %mul3A_672 : i32
    %add3A_674 = arith.constant 1280 : i32
    %add3A_675 = arith.addi %add3A_674, %mul3A_673 : i32
    %add3A_676 = arith.constant 14 : i32
    %add3A_677 = arith.addi %add3A_675, %add3A_676 : i32
    %dma_start3A_678 = arith.constant 0 : i32
    %dma_start3A_679 = tpu.memref_slice %arg3[%add3A_677, %dma_start3A_678] : memref<2560x125xi32, #tpu.memory_space<hbm>> -> memref<2x125xi32, #tpu.memory_space<hbm>>
    %dma_start3A_680 = arith.constant 0 : i32
    %dma_start3A_681 = tpu.memref_slice %arg3[%add3A_677, %dma_start3A_680] : memref<2560x125xi32, #tpu.memory_space<hbm>> -> memref<2x125xi32, #tpu.memory_space<hbm>>
    tpu.enqueue_dma source(%dma_start3A_681 : memref<2x125xi32, #tpu.memory_space<hbm>>) target(%arg10 : memref<2x125xi32, #tpu.memory_space<vmem>>) target_semaphore(%arg25 : memref<!tpu.dma_semaphore, #tpu.memory_space<semaphore_mem>>)
    %mul3A_682 = arith.constant 40 : i32
    %mul3A_683 = arith.muli %add3A, %mul3A_682 : i32
    %add3A_684 = arith.constant 14 : i32
    %add3A_685 = arith.addi %mul3A_683, %add3A_684 : i32
    %dma_wait3A_686 = arith.constant 0 : i32
    %dma_wait3A_687 = tpu.memref_slice %arg3[%add3A_685, %dma_wait3A_686] : memref<2560x125xi32, #tpu.memory_space<hbm>> -> memref<2x125xi32, #tpu.memory_space<hbm>>
    %dma_wait3A_688 = arith.constant 0 : i32
    %dma_wait3A_689 = tpu.memref_slice %arg3[%add3A_685, %dma_wait3A_688] : memref<2560x125xi32, #tpu.memory_space<hbm>> -> memref<2x125xi32, #tpu.memory_space<hbm>>
    tpu.wait_dma2 semaphore(%arg23 : memref<!tpu.dma_semaphore, #tpu.memory_space<semaphore_mem>>) src(%dma_wait3A_689 : memref<2x125xi32, #tpu.memory_space<hbm>>) dst(%arg8 : memref<2x125xi32, #tpu.memory_space<vmem>>)
    %dma_start3A_690 = arith.constant 0 : i32
    %dma_start3A_691 = arith.constant 0 : i32
    %dma_start3A_692 = tpu.memref_slice %arg8[%dma_start3A_690, %dma_start3A_691] : memref<2x125xi32, #tpu.memory_space<vmem>> -> memref<1x125xi32, #tpu.memory_space<vmem>>
    %dma_start3A_693 = tpu.memref_squeeze %dma_start3A_692 : memref<1x125xi32, #tpu.memory_space<vmem>> -> memref<125xi32, #tpu.memory_space<vmem>>
    %dma_start3A_694 = arith.constant 0 : i32
    %dma_start3A_695 = arith.constant 0 : i32
    %dma_start3A_696 = tpu.memref_slice %arg2[%dma_start3A_694, %dma_start3A_695] : memref<10000x128xf32, #tpu.memory_space<hbm>> -> memref<10000x128xf32, #tpu.memory_space<hbm>>
    tpu.enqueue_indirect_dma source(%dma_start3A_696 : memref<10000x128xf32, #tpu.memory_space<hbm>>) target(%arg13 : memref<125x128xf32, #tpu.memory_space<vmem>>) offsets(%dma_start3A_693 : memref<125xi32, #tpu.memory_space<vmem>>) semaphore(%arg18 : memref<!tpu.dma_semaphore, #tpu.memory_space<semaphore_mem>>)
    %mul3A_697 = arith.constant 40 : i32
    %mul3A_698 = arith.muli %add3A, %mul3A_697 : i32
    %add3A_699 = arith.constant 1280 : i32
    %add3A_700 = arith.addi %add3A_699, %mul3A_698 : i32
    %add3A_701 = arith.constant 14 : i32
    %add3A_702 = arith.addi %add3A_700, %add3A_701 : i32
    %dma_wait3A_703 = arith.constant 0 : i32
    %dma_wait3A_704 = tpu.memref_slice %arg3[%add3A_702, %dma_wait3A_703] : memref<2560x125xi32, #tpu.memory_space<hbm>> -> memref<2x125xi32, #tpu.memory_space<hbm>>
    %dma_wait3A_705 = arith.constant 0 : i32
    %dma_wait3A_706 = tpu.memref_slice %arg3[%add3A_702, %dma_wait3A_705] : memref<2560x125xi32, #tpu.memory_space<hbm>> -> memref<2x125xi32, #tpu.memory_space<hbm>>
    tpu.wait_dma2 semaphore(%arg25 : memref<!tpu.dma_semaphore, #tpu.memory_space<semaphore_mem>>) src(%dma_wait3A_706 : memref<2x125xi32, #tpu.memory_space<hbm>>) dst(%arg10 : memref<2x125xi32, #tpu.memory_space<vmem>>)
    %dma_wait3A_707 = arith.constant 0 : i32
    %dma_wait3A_708 = arith.constant 0 : i32
    %dma_wait3A_709 = tpu.memref_slice %arg8[%dma_wait3A_707, %dma_wait3A_708] : memref<2x125xi32, #tpu.memory_space<vmem>> -> memref<1x125xi32, #tpu.memory_space<vmem>>
    %dma_wait3A_710 = tpu.memref_squeeze %dma_wait3A_709 : memref<1x125xi32, #tpu.memory_space<vmem>> -> memref<125xi32, #tpu.memory_space<vmem>>
    %dma_wait3A_711 = arith.constant 0 : i32
    %dma_wait3A_712 = arith.constant 0 : i32
    %dma_wait3A_713 = tpu.memref_slice %arg2[%dma_wait3A_711, %dma_wait3A_712] : memref<10000x128xf32, #tpu.memory_space<hbm>> -> memref<10000x128xf32, #tpu.memory_space<hbm>>
    tpu.wait_indirect_dma semaphore(%arg18 : memref<!tpu.dma_semaphore, #tpu.memory_space<semaphore_mem>>) src(%dma_wait3A_713 : memref<10000x128xf32, #tpu.memory_space<hbm>>) dst(%arg13 : memref<125x128xf32, #tpu.memory_space<vmem>>)
    %dma_start3A_714 = arith.constant 0 : i32
    %dma_start3A_715 = arith.constant 0 : i32
    %dma_start3A_716 = tpu.memref_slice %arg10[%dma_start3A_714, %dma_start3A_715] : memref<2x125xi32, #tpu.memory_space<vmem>> -> memref<1x125xi32, #tpu.memory_space<vmem>>
    %dma_start3A_717 = tpu.memref_squeeze %dma_start3A_716 : memref<1x125xi32, #tpu.memory_space<vmem>> -> memref<125xi32, #tpu.memory_space<vmem>>
    %dma_start3A_718 = arith.constant 0 : i32
    %dma_start3A_719 = arith.constant 0 : i32
    %dma_start3A_720 = tpu.memref_slice %arg15[%dma_start3A_718, %dma_start3A_719] : memref<10000x128xf32, #tpu.memory_space<vmem_shared>> -> memref<10000x128xf32, #tpu.memory_space<vmem_shared>>
    tpu.enqueue_indirect_dma source(%arg13 : memref<125x128xf32, #tpu.memory_space<vmem>>) target(%dma_start3A_720 : memref<10000x128xf32, #tpu.memory_space<vmem_shared>>) offsets(%dma_start3A_717 : memref<125xi32, #tpu.memory_space<vmem>>) semaphore(%arg21 : memref<!tpu.dma_semaphore, #tpu.memory_space<semaphore_mem>>) {add = true}
    %dma_wait3A_721 = arith.constant 0 : i32
    %dma_wait3A_722 = arith.constant 0 : i32
    %dma_wait3A_723 = tpu.memref_slice %arg9[%dma_wait3A_721, %dma_wait3A_722] : memref<2x125xi32, #tpu.memory_space<vmem>> -> memref<1x125xi32, #tpu.memory_space<vmem>>
    %dma_wait3A_724 = tpu.memref_squeeze %dma_wait3A_723 : memref<1x125xi32, #tpu.memory_space<vmem>> -> memref<125xi32, #tpu.memory_space<vmem>>
    %dma_wait3A_725 = arith.constant 0 : i32
    %dma_wait3A_726 = arith.constant 0 : i32
    %dma_wait3A_727 = tpu.memref_slice %arg15[%dma_wait3A_725, %dma_wait3A_726] : memref<10000x128xf32, #tpu.memory_space<vmem_shared>> -> memref<10000x128xf32, #tpu.memory_space<vmem_shared>>
    tpu.wait_indirect_dma semaphore(%arg19 : memref<!tpu.dma_semaphore, #tpu.memory_space<semaphore_mem>>) src(%arg11 : memref<125x128xf32, #tpu.memory_space<vmem>>) dst(%dma_wait3A_727 : memref<10000x128xf32, #tpu.memory_space<vmem_shared>>)
    %dma_start3A_728 = arith.constant 1 : i32
    %dma_start3A_729 = arith.constant 0 : i32
    %dma_start3A_730 = tpu.memref_slice %arg8[%dma_start3A_728, %dma_start3A_729] : memref<2x125xi32, #tpu.memory_space<vmem>> -> memref<1x125xi32, #tpu.memory_space<vmem>>
    %dma_start3A_731 = tpu.memref_squeeze %dma_start3A_730 : memref<1x125xi32, #tpu.memory_space<vmem>> -> memref<125xi32, #tpu.memory_space<vmem>>
    %dma_start3A_732 = arith.constant 0 : i32
    %dma_start3A_733 = arith.constant 0 : i32
    %dma_start3A_734 = tpu.memref_slice %arg2[%dma_start3A_732, %dma_start3A_733] : memref<10000x128xf32, #tpu.memory_space<hbm>> -> memref<10000x128xf32, #tpu.memory_space<hbm>>
    tpu.enqueue_indirect_dma source(%dma_start3A_734 : memref<10000x128xf32, #tpu.memory_space<hbm>>) target(%arg11 : memref<125x128xf32, #tpu.memory_space<vmem>>) offsets(%dma_start3A_731 : memref<125xi32, #tpu.memory_space<vmem>>) semaphore(%arg16 : memref<!tpu.dma_semaphore, #tpu.memory_space<semaphore_mem>>)
    %dma_wait3A_735 = arith.constant 1 : i32
    %dma_wait3A_736 = arith.constant 0 : i32
    %dma_wait3A_737 = tpu.memref_slice %arg8[%dma_wait3A_735, %dma_wait3A_736] : memref<2x125xi32, #tpu.memory_space<vmem>> -> memref<1x125xi32, #tpu.memory_space<vmem>>
    %dma_wait3A_738 = tpu.memref_squeeze %dma_wait3A_737 : memref<1x125xi32, #tpu.memory_space<vmem>> -> memref<125xi32, #tpu.memory_space<vmem>>
    %dma_wait3A_739 = arith.constant 0 : i32
    %dma_wait3A_740 = arith.constant 0 : i32
    %dma_wait3A_741 = tpu.memref_slice %arg2[%dma_wait3A_739, %dma_wait3A_740] : memref<10000x128xf32, #tpu.memory_space<hbm>> -> memref<10000x128xf32, #tpu.memory_space<hbm>>
    tpu.wait_indirect_dma semaphore(%arg16 : memref<!tpu.dma_semaphore, #tpu.memory_space<semaphore_mem>>) src(%dma_wait3A_741 : memref<10000x128xf32, #tpu.memory_space<hbm>>) dst(%arg11 : memref<125x128xf32, #tpu.memory_space<vmem>>)
    %dma_start3A_742 = arith.constant 1 : i32
    %dma_start3A_743 = arith.constant 0 : i32
    %dma_start3A_744 = tpu.memref_slice %arg10[%dma_start3A_742, %dma_start3A_743] : memref<2x125xi32, #tpu.memory_space<vmem>> -> memref<1x125xi32, #tpu.memory_space<vmem>>
    %dma_start3A_745 = tpu.memref_squeeze %dma_start3A_744 : memref<1x125xi32, #tpu.memory_space<vmem>> -> memref<125xi32, #tpu.memory_space<vmem>>
    %dma_start3A_746 = arith.constant 0 : i32
    %dma_start3A_747 = arith.constant 0 : i32
    %dma_start3A_748 = tpu.memref_slice %arg15[%dma_start3A_746, %dma_start3A_747] : memref<10000x128xf32, #tpu.memory_space<vmem_shared>> -> memref<10000x128xf32, #tpu.memory_space<vmem_shared>>
    tpu.enqueue_indirect_dma source(%arg11 : memref<125x128xf32, #tpu.memory_space<vmem>>) target(%dma_start3A_748 : memref<10000x128xf32, #tpu.memory_space<vmem_shared>>) offsets(%dma_start3A_745 : memref<125xi32, #tpu.memory_space<vmem>>) semaphore(%arg19 : memref<!tpu.dma_semaphore, #tpu.memory_space<semaphore_mem>>) {add = true}
    %dma_wait3A_749 = arith.constant 1 : i32
    %dma_wait3A_750 = arith.constant 0 : i32
    %dma_wait3A_751 = tpu.memref_slice %arg9[%dma_wait3A_749, %dma_wait3A_750] : memref<2x125xi32, #tpu.memory_space<vmem>> -> memref<1x125xi32, #tpu.memory_space<vmem>>
    %dma_wait3A_752 = tpu.memref_squeeze %dma_wait3A_751 : memref<1x125xi32, #tpu.memory_space<vmem>> -> memref<125xi32, #tpu.memory_space<vmem>>
    %dma_wait3A_753 = arith.constant 0 : i32
    %dma_wait3A_754 = arith.constant 0 : i32
    %dma_wait3A_755 = tpu.memref_slice %arg15[%dma_wait3A_753, %dma_wait3A_754] : memref<10000x128xf32, #tpu.memory_space<vmem_shared>> -> memref<10000x128xf32, #tpu.memory_space<vmem_shared>>
    tpu.wait_indirect_dma semaphore(%arg20 : memref<!tpu.dma_semaphore, #tpu.memory_space<semaphore_mem>>) src(%arg12 : memref<125x128xf32, #tpu.memory_space<vmem>>) dst(%dma_wait3A_755 : memref<10000x128xf32, #tpu.memory_space<vmem_shared>>)
    %mul3A_756 = arith.constant 40 : i32
    %mul3A_757 = arith.muli %add3A, %mul3A_756 : i32
    %add3A_758 = arith.constant 18 : i32
    %add3A_759 = arith.addi %mul3A_757, %add3A_758 : i32
    %dma_start3A_760 = arith.constant 0 : i32
    %dma_start3A_761 = tpu.memref_slice %arg3[%add3A_759, %dma_start3A_760] : memref<2560x125xi32, #tpu.memory_space<hbm>> -> memref<2x125xi32, #tpu.memory_space<hbm>>
    %dma_start3A_762 = arith.constant 0 : i32
    %dma_start3A_763 = tpu.memref_slice %arg3[%add3A_759, %dma_start3A_762] : memref<2560x125xi32, #tpu.memory_space<hbm>> -> memref<2x125xi32, #tpu.memory_space<hbm>>
    tpu.enqueue_dma source(%dma_start3A_763 : memref<2x125xi32, #tpu.memory_space<hbm>>) target(%arg8 : memref<2x125xi32, #tpu.memory_space<vmem>>) target_semaphore(%arg23 : memref<!tpu.dma_semaphore, #tpu.memory_space<semaphore_mem>>)
    %mul3A_764 = arith.constant 40 : i32
    %mul3A_765 = arith.muli %add3A, %mul3A_764 : i32
    %add3A_766 = arith.constant 1280 : i32
    %add3A_767 = arith.addi %add3A_766, %mul3A_765 : i32
    %add3A_768 = arith.constant 16 : i32
    %add3A_769 = arith.addi %add3A_767, %add3A_768 : i32
    %dma_start3A_770 = arith.constant 0 : i32
    %dma_start3A_771 = tpu.memref_slice %arg3[%add3A_769, %dma_start3A_770] : memref<2560x125xi32, #tpu.memory_space<hbm>> -> memref<2x125xi32, #tpu.memory_space<hbm>>
    %dma_start3A_772 = arith.constant 0 : i32
    %dma_start3A_773 = tpu.memref_slice %arg3[%add3A_769, %dma_start3A_772] : memref<2560x125xi32, #tpu.memory_space<hbm>> -> memref<2x125xi32, #tpu.memory_space<hbm>>
    tpu.enqueue_dma source(%dma_start3A_773 : memref<2x125xi32, #tpu.memory_space<hbm>>) target(%arg9 : memref<2x125xi32, #tpu.memory_space<vmem>>) target_semaphore(%arg24 : memref<!tpu.dma_semaphore, #tpu.memory_space<semaphore_mem>>)
    %mul3A_774 = arith.constant 40 : i32
    %mul3A_775 = arith.muli %add3A, %mul3A_774 : i32
    %add3A_776 = arith.constant 16 : i32
    %add3A_777 = arith.addi %mul3A_775, %add3A_776 : i32
    %dma_wait3A_778 = arith.constant 0 : i32
    %dma_wait3A_779 = tpu.memref_slice %arg3[%add3A_777, %dma_wait3A_778] : memref<2560x125xi32, #tpu.memory_space<hbm>> -> memref<2x125xi32, #tpu.memory_space<hbm>>
    %dma_wait3A_780 = arith.constant 0 : i32
    %dma_wait3A_781 = tpu.memref_slice %arg3[%add3A_777, %dma_wait3A_780] : memref<2560x125xi32, #tpu.memory_space<hbm>> -> memref<2x125xi32, #tpu.memory_space<hbm>>
    tpu.wait_dma2 semaphore(%arg22 : memref<!tpu.dma_semaphore, #tpu.memory_space<semaphore_mem>>) src(%dma_wait3A_781 : memref<2x125xi32, #tpu.memory_space<hbm>>) dst(%arg7 : memref<2x125xi32, #tpu.memory_space<vmem>>)
    %dma_start3A_782 = arith.constant 0 : i32
    %dma_start3A_783 = arith.constant 0 : i32
    %dma_start3A_784 = tpu.memref_slice %arg7[%dma_start3A_782, %dma_start3A_783] : memref<2x125xi32, #tpu.memory_space<vmem>> -> memref<1x125xi32, #tpu.memory_space<vmem>>
    %dma_start3A_785 = tpu.memref_squeeze %dma_start3A_784 : memref<1x125xi32, #tpu.memory_space<vmem>> -> memref<125xi32, #tpu.memory_space<vmem>>
    %dma_start3A_786 = arith.constant 0 : i32
    %dma_start3A_787 = arith.constant 0 : i32
    %dma_start3A_788 = tpu.memref_slice %arg2[%dma_start3A_786, %dma_start3A_787] : memref<10000x128xf32, #tpu.memory_space<hbm>> -> memref<10000x128xf32, #tpu.memory_space<hbm>>
    tpu.enqueue_indirect_dma source(%dma_start3A_788 : memref<10000x128xf32, #tpu.memory_space<hbm>>) target(%arg12 : memref<125x128xf32, #tpu.memory_space<vmem>>) offsets(%dma_start3A_785 : memref<125xi32, #tpu.memory_space<vmem>>) semaphore(%arg17 : memref<!tpu.dma_semaphore, #tpu.memory_space<semaphore_mem>>)
    %mul3A_789 = arith.constant 40 : i32
    %mul3A_790 = arith.muli %add3A, %mul3A_789 : i32
    %add3A_791 = arith.constant 1280 : i32
    %add3A_792 = arith.addi %add3A_791, %mul3A_790 : i32
    %add3A_793 = arith.constant 16 : i32
    %add3A_794 = arith.addi %add3A_792, %add3A_793 : i32
    %dma_wait3A_795 = arith.constant 0 : i32
    %dma_wait3A_796 = tpu.memref_slice %arg3[%add3A_794, %dma_wait3A_795] : memref<2560x125xi32, #tpu.memory_space<hbm>> -> memref<2x125xi32, #tpu.memory_space<hbm>>
    %dma_wait3A_797 = arith.constant 0 : i32
    %dma_wait3A_798 = tpu.memref_slice %arg3[%add3A_794, %dma_wait3A_797] : memref<2560x125xi32, #tpu.memory_space<hbm>> -> memref<2x125xi32, #tpu.memory_space<hbm>>
    tpu.wait_dma2 semaphore(%arg24 : memref<!tpu.dma_semaphore, #tpu.memory_space<semaphore_mem>>) src(%dma_wait3A_798 : memref<2x125xi32, #tpu.memory_space<hbm>>) dst(%arg9 : memref<2x125xi32, #tpu.memory_space<vmem>>)
    %dma_wait3A_799 = arith.constant 0 : i32
    %dma_wait3A_800 = arith.constant 0 : i32
    %dma_wait3A_801 = tpu.memref_slice %arg7[%dma_wait3A_799, %dma_wait3A_800] : memref<2x125xi32, #tpu.memory_space<vmem>> -> memref<1x125xi32, #tpu.memory_space<vmem>>
    %dma_wait3A_802 = tpu.memref_squeeze %dma_wait3A_801 : memref<1x125xi32, #tpu.memory_space<vmem>> -> memref<125xi32, #tpu.memory_space<vmem>>
    %dma_wait3A_803 = arith.constant 0 : i32
    %dma_wait3A_804 = arith.constant 0 : i32
    %dma_wait3A_805 = tpu.memref_slice %arg2[%dma_wait3A_803, %dma_wait3A_804] : memref<10000x128xf32, #tpu.memory_space<hbm>> -> memref<10000x128xf32, #tpu.memory_space<hbm>>
    tpu.wait_indirect_dma semaphore(%arg17 : memref<!tpu.dma_semaphore, #tpu.memory_space<semaphore_mem>>) src(%dma_wait3A_805 : memref<10000x128xf32, #tpu.memory_space<hbm>>) dst(%arg12 : memref<125x128xf32, #tpu.memory_space<vmem>>)
    %dma_start3A_806 = arith.constant 0 : i32
    %dma_start3A_807 = arith.constant 0 : i32
    %dma_start3A_808 = tpu.memref_slice %arg9[%dma_start3A_806, %dma_start3A_807] : memref<2x125xi32, #tpu.memory_space<vmem>> -> memref<1x125xi32, #tpu.memory_space<vmem>>
    %dma_start3A_809 = tpu.memref_squeeze %dma_start3A_808 : memref<1x125xi32, #tpu.memory_space<vmem>> -> memref<125xi32, #tpu.memory_space<vmem>>
    %dma_start3A_810 = arith.constant 0 : i32
    %dma_start3A_811 = arith.constant 0 : i32
    %dma_start3A_812 = tpu.memref_slice %arg15[%dma_start3A_810, %dma_start3A_811] : memref<10000x128xf32, #tpu.memory_space<vmem_shared>> -> memref<10000x128xf32, #tpu.memory_space<vmem_shared>>
    tpu.enqueue_indirect_dma source(%arg12 : memref<125x128xf32, #tpu.memory_space<vmem>>) target(%dma_start3A_812 : memref<10000x128xf32, #tpu.memory_space<vmem_shared>>) offsets(%dma_start3A_809 : memref<125xi32, #tpu.memory_space<vmem>>) semaphore(%arg20 : memref<!tpu.dma_semaphore, #tpu.memory_space<semaphore_mem>>) {add = true}
    %dma_wait3A_813 = arith.constant 0 : i32
    %dma_wait3A_814 = arith.constant 0 : i32
    %dma_wait3A_815 = tpu.memref_slice %arg10[%dma_wait3A_813, %dma_wait3A_814] : memref<2x125xi32, #tpu.memory_space<vmem>> -> memref<1x125xi32, #tpu.memory_space<vmem>>
    %dma_wait3A_816 = tpu.memref_squeeze %dma_wait3A_815 : memref<1x125xi32, #tpu.memory_space<vmem>> -> memref<125xi32, #tpu.memory_space<vmem>>
    %dma_wait3A_817 = arith.constant 0 : i32
    %dma_wait3A_818 = arith.constant 0 : i32
    %dma_wait3A_819 = tpu.memref_slice %arg15[%dma_wait3A_817, %dma_wait3A_818] : memref<10000x128xf32, #tpu.memory_space<vmem_shared>> -> memref<10000x128xf32, #tpu.memory_space<vmem_shared>>
    tpu.wait_indirect_dma semaphore(%arg21 : memref<!tpu.dma_semaphore, #tpu.memory_space<semaphore_mem>>) src(%arg13 : memref<125x128xf32, #tpu.memory_space<vmem>>) dst(%dma_wait3A_819 : memref<10000x128xf32, #tpu.memory_space<vmem_shared>>)
    %dma_start3A_820 = arith.constant 1 : i32
    %dma_start3A_821 = arith.constant 0 : i32
    %dma_start3A_822 = tpu.memref_slice %arg7[%dma_start3A_820, %dma_start3A_821] : memref<2x125xi32, #tpu.memory_space<vmem>> -> memref<1x125xi32, #tpu.memory_space<vmem>>
    %dma_start3A_823 = tpu.memref_squeeze %dma_start3A_822 : memref<1x125xi32, #tpu.memory_space<vmem>> -> memref<125xi32, #tpu.memory_space<vmem>>
    %dma_start3A_824 = arith.constant 0 : i32
    %dma_start3A_825 = arith.constant 0 : i32
    %dma_start3A_826 = tpu.memref_slice %arg2[%dma_start3A_824, %dma_start3A_825] : memref<10000x128xf32, #tpu.memory_space<hbm>> -> memref<10000x128xf32, #tpu.memory_space<hbm>>
    tpu.enqueue_indirect_dma source(%dma_start3A_826 : memref<10000x128xf32, #tpu.memory_space<hbm>>) target(%arg13 : memref<125x128xf32, #tpu.memory_space<vmem>>) offsets(%dma_start3A_823 : memref<125xi32, #tpu.memory_space<vmem>>) semaphore(%arg18 : memref<!tpu.dma_semaphore, #tpu.memory_space<semaphore_mem>>)
    %dma_wait3A_827 = arith.constant 1 : i32
    %dma_wait3A_828 = arith.constant 0 : i32
    %dma_wait3A_829 = tpu.memref_slice %arg7[%dma_wait3A_827, %dma_wait3A_828] : memref<2x125xi32, #tpu.memory_space<vmem>> -> memref<1x125xi32, #tpu.memory_space<vmem>>
    %dma_wait3A_830 = tpu.memref_squeeze %dma_wait3A_829 : memref<1x125xi32, #tpu.memory_space<vmem>> -> memref<125xi32, #tpu.memory_space<vmem>>
    %dma_wait3A_831 = arith.constant 0 : i32
    %dma_wait3A_832 = arith.constant 0 : i32
    %dma_wait3A_833 = tpu.memref_slice %arg2[%dma_wait3A_831, %dma_wait3A_832] : memref<10000x128xf32, #tpu.memory_space<hbm>> -> memref<10000x128xf32, #tpu.memory_space<hbm>>
    tpu.wait_indirect_dma semaphore(%arg18 : memref<!tpu.dma_semaphore, #tpu.memory_space<semaphore_mem>>) src(%dma_wait3A_833 : memref<10000x128xf32, #tpu.memory_space<hbm>>) dst(%arg13 : memref<125x128xf32, #tpu.memory_space<vmem>>)
    %dma_start3A_834 = arith.constant 1 : i32
    %dma_start3A_835 = arith.constant 0 : i32
    %dma_start3A_836 = tpu.memref_slice %arg9[%dma_start3A_834, %dma_start3A_835] : memref<2x125xi32, #tpu.memory_space<vmem>> -> memref<1x125xi32, #tpu.memory_space<vmem>>
    %dma_start3A_837 = tpu.memref_squeeze %dma_start3A_836 : memref<1x125xi32, #tpu.memory_space<vmem>> -> memref<125xi32, #tpu.memory_space<vmem>>
    %dma_start3A_838 = arith.constant 0 : i32
    %dma_start3A_839 = arith.constant 0 : i32
    %dma_start3A_840 = tpu.memref_slice %arg15[%dma_start3A_838, %dma_start3A_839] : memref<10000x128xf32, #tpu.memory_space<vmem_shared>> -> memref<10000x128xf32, #tpu.memory_space<vmem_shared>>
    tpu.enqueue_indirect_dma source(%arg13 : memref<125x128xf32, #tpu.memory_space<vmem>>) target(%dma_start3A_840 : memref<10000x128xf32, #tpu.memory_space<vmem_shared>>) offsets(%dma_start3A_837 : memref<125xi32, #tpu.memory_space<vmem>>) semaphore(%arg21 : memref<!tpu.dma_semaphore, #tpu.memory_space<semaphore_mem>>) {add = true}
    %dma_wait3A_841 = arith.constant 1 : i32
    %dma_wait3A_842 = arith.constant 0 : i32
    %dma_wait3A_843 = tpu.memref_slice %arg10[%dma_wait3A_841, %dma_wait3A_842] : memref<2x125xi32, #tpu.memory_space<vmem>> -> memref<1x125xi32, #tpu.memory_space<vmem>>
    %dma_wait3A_844 = tpu.memref_squeeze %dma_wait3A_843 : memref<1x125xi32, #tpu.memory_space<vmem>> -> memref<125xi32, #tpu.memory_space<vmem>>
    %dma_wait3A_845 = arith.constant 0 : i32
    %dma_wait3A_846 = arith.constant 0 : i32
    %dma_wait3A_847 = tpu.memref_slice %arg15[%dma_wait3A_845, %dma_wait3A_846] : memref<10000x128xf32, #tpu.memory_space<vmem_shared>> -> memref<10000x128xf32, #tpu.memory_space<vmem_shared>>
    tpu.wait_indirect_dma semaphore(%arg19 : memref<!tpu.dma_semaphore, #tpu.memory_space<semaphore_mem>>) src(%arg11 : memref<125x128xf32, #tpu.memory_space<vmem>>) dst(%dma_wait3A_847 : memref<10000x128xf32, #tpu.memory_space<vmem_shared>>)
    %mul3A_848 = arith.constant 40 : i32
    %mul3A_849 = arith.muli %add3A, %mul3A_848 : i32
    %add3A_850 = arith.constant 20 : i32
    %add3A_851 = arith.addi %mul3A_849, %add3A_850 : i32
    %dma_start3A_852 = arith.constant 0 : i32
    %dma_start3A_853 = tpu.memref_slice %arg3[%add3A_851, %dma_start3A_852] : memref<2560x125xi32, #tpu.memory_space<hbm>> -> memref<2x125xi32, #tpu.memory_space<hbm>>
    %dma_start3A_854 = arith.constant 0 : i32
    %dma_start3A_855 = tpu.memref_slice %arg3[%add3A_851, %dma_start3A_854] : memref<2560x125xi32, #tpu.memory_space<hbm>> -> memref<2x125xi32, #tpu.memory_space<hbm>>
    tpu.enqueue_dma source(%dma_start3A_855 : memref<2x125xi32, #tpu.memory_space<hbm>>) target(%arg7 : memref<2x125xi32, #tpu.memory_space<vmem>>) target_semaphore(%arg22 : memref<!tpu.dma_semaphore, #tpu.memory_space<semaphore_mem>>)
    %mul3A_856 = arith.constant 40 : i32
    %mul3A_857 = arith.muli %add3A, %mul3A_856 : i32
    %add3A_858 = arith.constant 1280 : i32
    %add3A_859 = arith.addi %add3A_858, %mul3A_857 : i32
    %add3A_860 = arith.constant 18 : i32
    %add3A_861 = arith.addi %add3A_859, %add3A_860 : i32
    %dma_start3A_862 = arith.constant 0 : i32
    %dma_start3A_863 = tpu.memref_slice %arg3[%add3A_861, %dma_start3A_862] : memref<2560x125xi32, #tpu.memory_space<hbm>> -> memref<2x125xi32, #tpu.memory_space<hbm>>
    %dma_start3A_864 = arith.constant 0 : i32
    %dma_start3A_865 = tpu.memref_slice %arg3[%add3A_861, %dma_start3A_864] : memref<2560x125xi32, #tpu.memory_space<hbm>> -> memref<2x125xi32, #tpu.memory_space<hbm>>
    tpu.enqueue_dma source(%dma_start3A_865 : memref<2x125xi32, #tpu.memory_space<hbm>>) target(%arg10 : memref<2x125xi32, #tpu.memory_space<vmem>>) target_semaphore(%arg25 : memref<!tpu.dma_semaphore, #tpu.memory_space<semaphore_mem>>)
    %mul3A_866 = arith.constant 40 : i32
    %mul3A_867 = arith.muli %add3A, %mul3A_866 : i32
    %add3A_868 = arith.constant 18 : i32
    %add3A_869 = arith.addi %mul3A_867, %add3A_868 : i32
    %dma_wait3A_870 = arith.constant 0 : i32
    %dma_wait3A_871 = tpu.memref_slice %arg3[%add3A_869, %dma_wait3A_870] : memref<2560x125xi32, #tpu.memory_space<hbm>> -> memref<2x125xi32, #tpu.memory_space<hbm>>
    %dma_wait3A_872 = arith.constant 0 : i32
    %dma_wait3A_873 = tpu.memref_slice %arg3[%add3A_869, %dma_wait3A_872] : memref<2560x125xi32, #tpu.memory_space<hbm>> -> memref<2x125xi32, #tpu.memory_space<hbm>>
    tpu.wait_dma2 semaphore(%arg23 : memref<!tpu.dma_semaphore, #tpu.memory_space<semaphore_mem>>) src(%dma_wait3A_873 : memref<2x125xi32, #tpu.memory_space<hbm>>) dst(%arg8 : memref<2x125xi32, #tpu.memory_space<vmem>>)
    %dma_start3A_874 = arith.constant 0 : i32
    %dma_start3A_875 = arith.constant 0 : i32
    %dma_start3A_876 = tpu.memref_slice %arg8[%dma_start3A_874, %dma_start3A_875] : memref<2x125xi32, #tpu.memory_space<vmem>> -> memref<1x125xi32, #tpu.memory_space<vmem>>
    %dma_start3A_877 = tpu.memref_squeeze %dma_start3A_876 : memref<1x125xi32, #tpu.memory_space<vmem>> -> memref<125xi32, #tpu.memory_space<vmem>>
    %dma_start3A_878 = arith.constant 0 : i32
    %dma_start3A_879 = arith.constant 0 : i32
    %dma_start3A_880 = tpu.memref_slice %arg2[%dma_start3A_878, %dma_start3A_879] : memref<10000x128xf32, #tpu.memory_space<hbm>> -> memref<10000x128xf32, #tpu.memory_space<hbm>>
    tpu.enqueue_indirect_dma source(%dma_start3A_880 : memref<10000x128xf32, #tpu.memory_space<hbm>>) target(%arg11 : memref<125x128xf32, #tpu.memory_space<vmem>>) offsets(%dma_start3A_877 : memref<125xi32, #tpu.memory_space<vmem>>) semaphore(%arg16 : memref<!tpu.dma_semaphore, #tpu.memory_space<semaphore_mem>>)
    %mul3A_881 = arith.constant 40 : i32
    %mul3A_882 = arith.muli %add3A, %mul3A_881 : i32
    %add3A_883 = arith.constant 1280 : i32
    %add3A_884 = arith.addi %add3A_883, %mul3A_882 : i32
    %add3A_885 = arith.constant 18 : i32
    %add3A_886 = arith.addi %add3A_884, %add3A_885 : i32
    %dma_wait3A_887 = arith.constant 0 : i32
    %dma_wait3A_888 = tpu.memref_slice %arg3[%add3A_886, %dma_wait3A_887] : memref<2560x125xi32, #tpu.memory_space<hbm>> -> memref<2x125xi32, #tpu.memory_space<hbm>>
    %dma_wait3A_889 = arith.constant 0 : i32
    %dma_wait3A_890 = tpu.memref_slice %arg3[%add3A_886, %dma_wait3A_889] : memref<2560x125xi32, #tpu.memory_space<hbm>> -> memref<2x125xi32, #tpu.memory_space<hbm>>
    tpu.wait_dma2 semaphore(%arg25 : memref<!tpu.dma_semaphore, #tpu.memory_space<semaphore_mem>>) src(%dma_wait3A_890 : memref<2x125xi32, #tpu.memory_space<hbm>>) dst(%arg10 : memref<2x125xi32, #tpu.memory_space<vmem>>)
    %dma_wait3A_891 = arith.constant 0 : i32
    %dma_wait3A_892 = arith.constant 0 : i32
    %dma_wait3A_893 = tpu.memref_slice %arg8[%dma_wait3A_891, %dma_wait3A_892] : memref<2x125xi32, #tpu.memory_space<vmem>> -> memref<1x125xi32, #tpu.memory_space<vmem>>
    %dma_wait3A_894 = tpu.memref_squeeze %dma_wait3A_893 : memref<1x125xi32, #tpu.memory_space<vmem>> -> memref<125xi32, #tpu.memory_space<vmem>>
    %dma_wait3A_895 = arith.constant 0 : i32
    %dma_wait3A_896 = arith.constant 0 : i32
    %dma_wait3A_897 = tpu.memref_slice %arg2[%dma_wait3A_895, %dma_wait3A_896] : memref<10000x128xf32, #tpu.memory_space<hbm>> -> memref<10000x128xf32, #tpu.memory_space<hbm>>
    tpu.wait_indirect_dma semaphore(%arg16 : memref<!tpu.dma_semaphore, #tpu.memory_space<semaphore_mem>>) src(%dma_wait3A_897 : memref<10000x128xf32, #tpu.memory_space<hbm>>) dst(%arg11 : memref<125x128xf32, #tpu.memory_space<vmem>>)
    %dma_start3A_898 = arith.constant 0 : i32
    %dma_start3A_899 = arith.constant 0 : i32
    %dma_start3A_900 = tpu.memref_slice %arg10[%dma_start3A_898, %dma_start3A_899] : memref<2x125xi32, #tpu.memory_space<vmem>> -> memref<1x125xi32, #tpu.memory_space<vmem>>
    %dma_start3A_901 = tpu.memref_squeeze %dma_start3A_900 : memref<1x125xi32, #tpu.memory_space<vmem>> -> memref<125xi32, #tpu.memory_space<vmem>>
    %dma_start3A_902 = arith.constant 0 : i32
    %dma_start3A_903 = arith.constant 0 : i32
    %dma_start3A_904 = tpu.memref_slice %arg15[%dma_start3A_902, %dma_start3A_903] : memref<10000x128xf32, #tpu.memory_space<vmem_shared>> -> memref<10000x128xf32, #tpu.memory_space<vmem_shared>>
    tpu.enqueue_indirect_dma source(%arg11 : memref<125x128xf32, #tpu.memory_space<vmem>>) target(%dma_start3A_904 : memref<10000x128xf32, #tpu.memory_space<vmem_shared>>) offsets(%dma_start3A_901 : memref<125xi32, #tpu.memory_space<vmem>>) semaphore(%arg19 : memref<!tpu.dma_semaphore, #tpu.memory_space<semaphore_mem>>) {add = true}
    %dma_wait3A_905 = arith.constant 0 : i32
    %dma_wait3A_906 = arith.constant 0 : i32
    %dma_wait3A_907 = tpu.memref_slice %arg9[%dma_wait3A_905, %dma_wait3A_906] : memref<2x125xi32, #tpu.memory_space<vmem>> -> memref<1x125xi32, #tpu.memory_space<vmem>>
    %dma_wait3A_908 = tpu.memref_squeeze %dma_wait3A_907 : memref<1x125xi32, #tpu.memory_space<vmem>> -> memref<125xi32, #tpu.memory_space<vmem>>
    %dma_wait3A_909 = arith.constant 0 : i32
    %dma_wait3A_910 = arith.constant 0 : i32
    %dma_wait3A_911 = tpu.memref_slice %arg15[%dma_wait3A_909, %dma_wait3A_910] : memref<10000x128xf32, #tpu.memory_space<vmem_shared>> -> memref<10000x128xf32, #tpu.memory_space<vmem_shared>>
    tpu.wait_indirect_dma semaphore(%arg20 : memref<!tpu.dma_semaphore, #tpu.memory_space<semaphore_mem>>) src(%arg12 : memref<125x128xf32, #tpu.memory_space<vmem>>) dst(%dma_wait3A_911 : memref<10000x128xf32, #tpu.memory_space<vmem_shared>>)
    %dma_start3A_912 = arith.constant 1 : i32
    %dma_start3A_913 = arith.constant 0 : i32
    %dma_start3A_914 = tpu.memref_slice %arg8[%dma_start3A_912, %dma_start3A_913] : memref<2x125xi32, #tpu.memory_space<vmem>> -> memref<1x125xi32, #tpu.memory_space<vmem>>
    %dma_start3A_915 = tpu.memref_squeeze %dma_start3A_914 : memref<1x125xi32, #tpu.memory_space<vmem>> -> memref<125xi32, #tpu.memory_space<vmem>>
    %dma_start3A_916 = arith.constant 0 : i32
    %dma_start3A_917 = arith.constant 0 : i32
    %dma_start3A_918 = tpu.memref_slice %arg2[%dma_start3A_916, %dma_start3A_917] : memref<10000x128xf32, #tpu.memory_space<hbm>> -> memref<10000x128xf32, #tpu.memory_space<hbm>>
    tpu.enqueue_indirect_dma source(%dma_start3A_918 : memref<10000x128xf32, #tpu.memory_space<hbm>>) target(%arg12 : memref<125x128xf32, #tpu.memory_space<vmem>>) offsets(%dma_start3A_915 : memref<125xi32, #tpu.memory_space<vmem>>) semaphore(%arg17 : memref<!tpu.dma_semaphore, #tpu.memory_space<semaphore_mem>>)
    %dma_wait3A_919 = arith.constant 1 : i32
    %dma_wait3A_920 = arith.constant 0 : i32
    %dma_wait3A_921 = tpu.memref_slice %arg8[%dma_wait3A_919, %dma_wait3A_920] : memref<2x125xi32, #tpu.memory_space<vmem>> -> memref<1x125xi32, #tpu.memory_space<vmem>>
    %dma_wait3A_922 = tpu.memref_squeeze %dma_wait3A_921 : memref<1x125xi32, #tpu.memory_space<vmem>> -> memref<125xi32, #tpu.memory_space<vmem>>
    %dma_wait3A_923 = arith.constant 0 : i32
    %dma_wait3A_924 = arith.constant 0 : i32
    %dma_wait3A_925 = tpu.memref_slice %arg2[%dma_wait3A_923, %dma_wait3A_924] : memref<10000x128xf32, #tpu.memory_space<hbm>> -> memref<10000x128xf32, #tpu.memory_space<hbm>>
    tpu.wait_indirect_dma semaphore(%arg17 : memref<!tpu.dma_semaphore, #tpu.memory_space<semaphore_mem>>) src(%dma_wait3A_925 : memref<10000x128xf32, #tpu.memory_space<hbm>>) dst(%arg12 : memref<125x128xf32, #tpu.memory_space<vmem>>)
    %dma_start3A_926 = arith.constant 1 : i32
    %dma_start3A_927 = arith.constant 0 : i32
    %dma_start3A_928 = tpu.memref_slice %arg10[%dma_start3A_926, %dma_start3A_927] : memref<2x125xi32, #tpu.memory_space<vmem>> -> memref<1x125xi32, #tpu.memory_space<vmem>>
    %dma_start3A_929 = tpu.memref_squeeze %dma_start3A_928 : memref<1x125xi32, #tpu.memory_space<vmem>> -> memref<125xi32, #tpu.memory_space<vmem>>
    %dma_start3A_930 = arith.constant 0 : i32
    %dma_start3A_931 = arith.constant 0 : i32
    %dma_start3A_932 = tpu.memref_slice %arg15[%dma_start3A_930, %dma_start3A_931] : memref<10000x128xf32, #tpu.memory_space<vmem_shared>> -> memref<10000x128xf32, #tpu.memory_space<vmem_shared>>
    tpu.enqueue_indirect_dma source(%arg12 : memref<125x128xf32, #tpu.memory_space<vmem>>) target(%dma_start3A_932 : memref<10000x128xf32, #tpu.memory_space<vmem_shared>>) offsets(%dma_start3A_929 : memref<125xi32, #tpu.memory_space<vmem>>) semaphore(%arg20 : memref<!tpu.dma_semaphore, #tpu.memory_space<semaphore_mem>>) {add = true}
    %dma_wait3A_933 = arith.constant 1 : i32
    %dma_wait3A_934 = arith.constant 0 : i32
    %dma_wait3A_935 = tpu.memref_slice %arg9[%dma_wait3A_933, %dma_wait3A_934] : memref<2x125xi32, #tpu.memory_space<vmem>> -> memref<1x125xi32, #tpu.memory_space<vmem>>
    %dma_wait3A_936 = tpu.memref_squeeze %dma_wait3A_935 : memref<1x125xi32, #tpu.memory_space<vmem>> -> memref<125xi32, #tpu.memory_space<vmem>>
    %dma_wait3A_937 = arith.constant 0 : i32
    %dma_wait3A_938 = arith.constant 0 : i32
    %dma_wait3A_939 = tpu.memref_slice %arg15[%dma_wait3A_937, %dma_wait3A_938] : memref<10000x128xf32, #tpu.memory_space<vmem_shared>> -> memref<10000x128xf32, #tpu.memory_space<vmem_shared>>
    tpu.wait_indirect_dma semaphore(%arg21 : memref<!tpu.dma_semaphore, #tpu.memory_space<semaphore_mem>>) src(%arg13 : memref<125x128xf32, #tpu.memory_space<vmem>>) dst(%dma_wait3A_939 : memref<10000x128xf32, #tpu.memory_space<vmem_shared>>)
    %mul3A_940 = arith.constant 40 : i32
    %mul3A_941 = arith.muli %add3A, %mul3A_940 : i32
    %add3A_942 = arith.constant 22 : i32
    %add3A_943 = arith.addi %mul3A_941, %add3A_942 : i32
    %dma_start3A_944 = arith.constant 0 : i32
    %dma_start3A_945 = tpu.memref_slice %arg3[%add3A_943, %dma_start3A_944] : memref<2560x125xi32, #tpu.memory_space<hbm>> -> memref<2x125xi32, #tpu.memory_space<hbm>>
    %dma_start3A_946 = arith.constant 0 : i32
    %dma_start3A_947 = tpu.memref_slice %arg3[%add3A_943, %dma_start3A_946] : memref<2560x125xi32, #tpu.memory_space<hbm>> -> memref<2x125xi32, #tpu.memory_space<hbm>>
    tpu.enqueue_dma source(%dma_start3A_947 : memref<2x125xi32, #tpu.memory_space<hbm>>) target(%arg8 : memref<2x125xi32, #tpu.memory_space<vmem>>) target_semaphore(%arg23 : memref<!tpu.dma_semaphore, #tpu.memory_space<semaphore_mem>>)
    %mul3A_948 = arith.constant 40 : i32
    %mul3A_949 = arith.muli %add3A, %mul3A_948 : i32
    %add3A_950 = arith.constant 1280 : i32
    %add3A_951 = arith.addi %add3A_950, %mul3A_949 : i32
    %add3A_952 = arith.constant 20 : i32
    %add3A_953 = arith.addi %add3A_951, %add3A_952 : i32
    %dma_start3A_954 = arith.constant 0 : i32
    %dma_start3A_955 = tpu.memref_slice %arg3[%add3A_953, %dma_start3A_954] : memref<2560x125xi32, #tpu.memory_space<hbm>> -> memref<2x125xi32, #tpu.memory_space<hbm>>
    %dma_start3A_956 = arith.constant 0 : i32
    %dma_start3A_957 = tpu.memref_slice %arg3[%add3A_953, %dma_start3A_956] : memref<2560x125xi32, #tpu.memory_space<hbm>> -> memref<2x125xi32, #tpu.memory_space<hbm>>
    tpu.enqueue_dma source(%dma_start3A_957 : memref<2x125xi32, #tpu.memory_space<hbm>>) target(%arg9 : memref<2x125xi32, #tpu.memory_space<vmem>>) target_semaphore(%arg24 : memref<!tpu.dma_semaphore, #tpu.memory_space<semaphore_mem>>)
    %mul3A_958 = arith.constant 40 : i32
    %mul3A_959 = arith.muli %add3A, %mul3A_958 : i32
    %add3A_960 = arith.constant 20 : i32
    %add3A_961 = arith.addi %mul3A_959, %add3A_960 : i32
    %dma_wait3A_962 = arith.constant 0 : i32
    %dma_wait3A_963 = tpu.memref_slice %arg3[%add3A_961, %dma_wait3A_962] : memref<2560x125xi32, #tpu.memory_space<hbm>> -> memref<2x125xi32, #tpu.memory_space<hbm>>
    %dma_wait3A_964 = arith.constant 0 : i32
    %dma_wait3A_965 = tpu.memref_slice %arg3[%add3A_961, %dma_wait3A_964] : memref<2560x125xi32, #tpu.memory_space<hbm>> -> memref<2x125xi32, #tpu.memory_space<hbm>>
    tpu.wait_dma2 semaphore(%arg22 : memref<!tpu.dma_semaphore, #tpu.memory_space<semaphore_mem>>) src(%dma_wait3A_965 : memref<2x125xi32, #tpu.memory_space<hbm>>) dst(%arg7 : memref<2x125xi32, #tpu.memory_space<vmem>>)
    %dma_start3A_966 = arith.constant 0 : i32
    %dma_start3A_967 = arith.constant 0 : i32
    %dma_start3A_968 = tpu.memref_slice %arg7[%dma_start3A_966, %dma_start3A_967] : memref<2x125xi32, #tpu.memory_space<vmem>> -> memref<1x125xi32, #tpu.memory_space<vmem>>
    %dma_start3A_969 = tpu.memref_squeeze %dma_start3A_968 : memref<1x125xi32, #tpu.memory_space<vmem>> -> memref<125xi32, #tpu.memory_space<vmem>>
    %dma_start3A_970 = arith.constant 0 : i32
    %dma_start3A_971 = arith.constant 0 : i32
    %dma_start3A_972 = tpu.memref_slice %arg2[%dma_start3A_970, %dma_start3A_971] : memref<10000x128xf32, #tpu.memory_space<hbm>> -> memref<10000x128xf32, #tpu.memory_space<hbm>>
    tpu.enqueue_indirect_dma source(%dma_start3A_972 : memref<10000x128xf32, #tpu.memory_space<hbm>>) target(%arg13 : memref<125x128xf32, #tpu.memory_space<vmem>>) offsets(%dma_start3A_969 : memref<125xi32, #tpu.memory_space<vmem>>) semaphore(%arg18 : memref<!tpu.dma_semaphore, #tpu.memory_space<semaphore_mem>>)
    %mul3A_973 = arith.constant 40 : i32
    %mul3A_974 = arith.muli %add3A, %mul3A_973 : i32
    %add3A_975 = arith.constant 1280 : i32
    %add3A_976 = arith.addi %add3A_975, %mul3A_974 : i32
    %add3A_977 = arith.constant 20 : i32
    %add3A_978 = arith.addi %add3A_976, %add3A_977 : i32
    %dma_wait3A_979 = arith.constant 0 : i32
    %dma_wait3A_980 = tpu.memref_slice %arg3[%add3A_978, %dma_wait3A_979] : memref<2560x125xi32, #tpu.memory_space<hbm>> -> memref<2x125xi32, #tpu.memory_space<hbm>>
    %dma_wait3A_981 = arith.constant 0 : i32
    %dma_wait3A_982 = tpu.memref_slice %arg3[%add3A_978, %dma_wait3A_981] : memref<2560x125xi32, #tpu.memory_space<hbm>> -> memref<2x125xi32, #tpu.memory_space<hbm>>
    tpu.wait_dma2 semaphore(%arg24 : memref<!tpu.dma_semaphore, #tpu.memory_space<semaphore_mem>>) src(%dma_wait3A_982 : memref<2x125xi32, #tpu.memory_space<hbm>>) dst(%arg9 : memref<2x125xi32, #tpu.memory_space<vmem>>)
    %dma_wait3A_983 = arith.constant 0 : i32
    %dma_wait3A_984 = arith.constant 0 : i32
    %dma_wait3A_985 = tpu.memref_slice %arg7[%dma_wait3A_983, %dma_wait3A_984] : memref<2x125xi32, #tpu.memory_space<vmem>> -> memref<1x125xi32, #tpu.memory_space<vmem>>
    %dma_wait3A_986 = tpu.memref_squeeze %dma_wait3A_985 : memref<1x125xi32, #tpu.memory_space<vmem>> -> memref<125xi32, #tpu.memory_space<vmem>>
    %dma_wait3A_987 = arith.constant 0 : i32
    %dma_wait3A_988 = arith.constant 0 : i32
    %dma_wait3A_989 = tpu.memref_slice %arg2[%dma_wait3A_987, %dma_wait3A_988] : memref<10000x128xf32, #tpu.memory_space<hbm>> -> memref<10000x128xf32, #tpu.memory_space<hbm>>
    tpu.wait_indirect_dma semaphore(%arg18 : memref<!tpu.dma_semaphore, #tpu.memory_space<semaphore_mem>>) src(%dma_wait3A_989 : memref<10000x128xf32, #tpu.memory_space<hbm>>) dst(%arg13 : memref<125x128xf32, #tpu.memory_space<vmem>>)
    %dma_start3A_990 = arith.constant 0 : i32
    %dma_start3A_991 = arith.constant 0 : i32
    %dma_start3A_992 = tpu.memref_slice %arg9[%dma_start3A_990, %dma_start3A_991] : memref<2x125xi32, #tpu.memory_space<vmem>> -> memref<1x125xi32, #tpu.memory_space<vmem>>
    %dma_start3A_993 = tpu.memref_squeeze %dma_start3A_992 : memref<1x125xi32, #tpu.memory_space<vmem>> -> memref<125xi32, #tpu.memory_space<vmem>>
    %dma_start3A_994 = arith.constant 0 : i32
    %dma_start3A_995 = arith.constant 0 : i32
    %dma_start3A_996 = tpu.memref_slice %arg15[%dma_start3A_994, %dma_start3A_995] : memref<10000x128xf32, #tpu.memory_space<vmem_shared>> -> memref<10000x128xf32, #tpu.memory_space<vmem_shared>>
    tpu.enqueue_indirect_dma source(%arg13 : memref<125x128xf32, #tpu.memory_space<vmem>>) target(%dma_start3A_996 : memref<10000x128xf32, #tpu.memory_space<vmem_shared>>) offsets(%dma_start3A_993 : memref<125xi32, #tpu.memory_space<vmem>>) semaphore(%arg21 : memref<!tpu.dma_semaphore, #tpu.memory_space<semaphore_mem>>) {add = true}
    %dma_wait3A_997 = arith.constant 0 : i32
    %dma_wait3A_998 = arith.constant 0 : i32
    %dma_wait3A_999 = tpu.memref_slice %arg10[%dma_wait3A_997, %dma_wait3A_998] : memref<2x125xi32, #tpu.memory_space<vmem>> -> memref<1x125xi32, #tpu.memory_space<vmem>>
    %dma_wait3A_1000 = tpu.memref_squeeze %dma_wait3A_999 : memref<1x125xi32, #tpu.memory_space<vmem>> -> memref<125xi32, #tpu.memory_space<vmem>>
    %dma_wait3A_1001 = arith.constant 0 : i32
    %dma_wait3A_1002 = arith.constant 0 : i32
    %dma_wait3A_1003 = tpu.memref_slice %arg15[%dma_wait3A_1001, %dma_wait3A_1002] : memref<10000x128xf32, #tpu.memory_space<vmem_shared>> -> memref<10000x128xf32, #tpu.memory_space<vmem_shared>>
    tpu.wait_indirect_dma semaphore(%arg19 : memref<!tpu.dma_semaphore, #tpu.memory_space<semaphore_mem>>) src(%arg11 : memref<125x128xf32, #tpu.memory_space<vmem>>) dst(%dma_wait3A_1003 : memref<10000x128xf32, #tpu.memory_space<vmem_shared>>)
    %dma_start3A_1004 = arith.constant 1 : i32
    %dma_start3A_1005 = arith.constant 0 : i32
    %dma_start3A_1006 = tpu.memref_slice %arg7[%dma_start3A_1004, %dma_start3A_1005] : memref<2x125xi32, #tpu.memory_space<vmem>> -> memref<1x125xi32, #tpu.memory_space<vmem>>
    %dma_start3A_1007 = tpu.memref_squeeze %dma_start3A_1006 : memref<1x125xi32, #tpu.memory_space<vmem>> -> memref<125xi32, #tpu.memory_space<vmem>>
    %dma_start3A_1008 = arith.constant 0 : i32
    %dma_start3A_1009 = arith.constant 0 : i32
    %dma_start3A_1010 = tpu.memref_slice %arg2[%dma_start3A_1008, %dma_start3A_1009] : memref<10000x128xf32, #tpu.memory_space<hbm>> -> memref<10000x128xf32, #tpu.memory_space<hbm>>
    tpu.enqueue_indirect_dma source(%dma_start3A_1010 : memref<10000x128xf32, #tpu.memory_space<hbm>>) target(%arg11 : memref<125x128xf32, #tpu.memory_space<vmem>>) offsets(%dma_start3A_1007 : memref<125xi32, #tpu.memory_space<vmem>>) semaphore(%arg16 : memref<!tpu.dma_semaphore, #tpu.memory_space<semaphore_mem>>)
    %dma_wait3A_1011 = arith.constant 1 : i32
    %dma_wait3A_1012 = arith.constant 0 : i32
    %dma_wait3A_1013 = tpu.memref_slice %arg7[%dma_wait3A_1011, %dma_wait3A_1012] : memref<2x125xi32, #tpu.memory_space<vmem>> -> memref<1x125xi32, #tpu.memory_space<vmem>>
    %dma_wait3A_1014 = tpu.memref_squeeze %dma_wait3A_1013 : memref<1x125xi32, #tpu.memory_space<vmem>> -> memref<125xi32, #tpu.memory_space<vmem>>
    %dma_wait3A_1015 = arith.constant 0 : i32
    %dma_wait3A_1016 = arith.constant 0 : i32
    %dma_wait3A_1017 = tpu.memref_slice %arg2[%dma_wait3A_1015, %dma_wait3A_1016] : memref<10000x128xf32, #tpu.memory_space<hbm>> -> memref<10000x128xf32, #tpu.memory_space<hbm>>
    tpu.wait_indirect_dma semaphore(%arg16 : memref<!tpu.dma_semaphore, #tpu.memory_space<semaphore_mem>>) src(%dma_wait3A_1017 : memref<10000x128xf32, #tpu.memory_space<hbm>>) dst(%arg11 : memref<125x128xf32, #tpu.memory_space<vmem>>)
    %dma_start3A_1018 = arith.constant 1 : i32
    %dma_start3A_1019 = arith.constant 0 : i32
    %dma_start3A_1020 = tpu.memref_slice %arg9[%dma_start3A_1018, %dma_start3A_1019] : memref<2x125xi32, #tpu.memory_space<vmem>> -> memref<1x125xi32, #tpu.memory_space<vmem>>
    %dma_start3A_1021 = tpu.memref_squeeze %dma_start3A_1020 : memref<1x125xi32, #tpu.memory_space<vmem>> -> memref<125xi32, #tpu.memory_space<vmem>>
    %dma_start3A_1022 = arith.constant 0 : i32
    %dma_start3A_1023 = arith.constant 0 : i32
    %dma_start3A_1024 = tpu.memref_slice %arg15[%dma_start3A_1022, %dma_start3A_1023] : memref<10000x128xf32, #tpu.memory_space<vmem_shared>> -> memref<10000x128xf32, #tpu.memory_space<vmem_shared>>
    tpu.enqueue_indirect_dma source(%arg11 : memref<125x128xf32, #tpu.memory_space<vmem>>) target(%dma_start3A_1024 : memref<10000x128xf32, #tpu.memory_space<vmem_shared>>) offsets(%dma_start3A_1021 : memref<125xi32, #tpu.memory_space<vmem>>) semaphore(%arg19 : memref<!tpu.dma_semaphore, #tpu.memory_space<semaphore_mem>>) {add = true}
    %dma_wait3A_1025 = arith.constant 1 : i32
    %dma_wait3A_1026 = arith.constant 0 : i32
    %dma_wait3A_1027 = tpu.memref_slice %arg10[%dma_wait3A_1025, %dma_wait3A_1026] : memref<2x125xi32, #tpu.memory_space<vmem>> -> memref<1x125xi32, #tpu.memory_space<vmem>>
    %dma_wait3A_1028 = tpu.memref_squeeze %dma_wait3A_1027 : memref<1x125xi32, #tpu.memory_space<vmem>> -> memref<125xi32, #tpu.memory_space<vmem>>
    %dma_wait3A_1029 = arith.constant 0 : i32
    %dma_wait3A_1030 = arith.constant 0 : i32
    %dma_wait3A_1031 = tpu.memref_slice %arg15[%dma_wait3A_1029, %dma_wait3A_1030] : memref<10000x128xf32, #tpu.memory_space<vmem_shared>> -> memref<10000x128xf32, #tpu.memory_space<vmem_shared>>
    tpu.wait_indirect_dma semaphore(%arg20 : memref<!tpu.dma_semaphore, #tpu.memory_space<semaphore_mem>>) src(%arg12 : memref<125x128xf32, #tpu.memory_space<vmem>>) dst(%dma_wait3A_1031 : memref<10000x128xf32, #tpu.memory_space<vmem_shared>>)
    %mul3A_1032 = arith.constant 40 : i32
    %mul3A_1033 = arith.muli %add3A, %mul3A_1032 : i32
    %add3A_1034 = arith.constant 24 : i32
    %add3A_1035 = arith.addi %mul3A_1033, %add3A_1034 : i32
    %dma_start3A_1036 = arith.constant 0 : i32
    %dma_start3A_1037 = tpu.memref_slice %arg3[%add3A_1035, %dma_start3A_1036] : memref<2560x125xi32, #tpu.memory_space<hbm>> -> memref<2x125xi32, #tpu.memory_space<hbm>>
    %dma_start3A_1038 = arith.constant 0 : i32
    %dma_start3A_1039 = tpu.memref_slice %arg3[%add3A_1035, %dma_start3A_1038] : memref<2560x125xi32, #tpu.memory_space<hbm>> -> memref<2x125xi32, #tpu.memory_space<hbm>>
    tpu.enqueue_dma source(%dma_start3A_1039 : memref<2x125xi32, #tpu.memory_space<hbm>>) target(%arg7 : memref<2x125xi32, #tpu.memory_space<vmem>>) target_semaphore(%arg22 : memref<!tpu.dma_semaphore, #tpu.memory_space<semaphore_mem>>)
    %mul3A_1040 = arith.constant 40 : i32
    %mul3A_1041 = arith.muli %add3A, %mul3A_1040 : i32
    %add3A_1042 = arith.constant 1280 : i32
    %add3A_1043 = arith.addi %add3A_1042, %mul3A_1041 : i32
    %add3A_1044 = arith.constant 22 : i32
    %add3A_1045 = arith.addi %add3A_1043, %add3A_1044 : i32
    %dma_start3A_1046 = arith.constant 0 : i32
    %dma_start3A_1047 = tpu.memref_slice %arg3[%add3A_1045, %dma_start3A_1046] : memref<2560x125xi32, #tpu.memory_space<hbm>> -> memref<2x125xi32, #tpu.memory_space<hbm>>
    %dma_start3A_1048 = arith.constant 0 : i32
    %dma_start3A_1049 = tpu.memref_slice %arg3[%add3A_1045, %dma_start3A_1048] : memref<2560x125xi32, #tpu.memory_space<hbm>> -> memref<2x125xi32, #tpu.memory_space<hbm>>
    tpu.enqueue_dma source(%dma_start3A_1049 : memref<2x125xi32, #tpu.memory_space<hbm>>) target(%arg10 : memref<2x125xi32, #tpu.memory_space<vmem>>) target_semaphore(%arg25 : memref<!tpu.dma_semaphore, #tpu.memory_space<semaphore_mem>>)
    %mul3A_1050 = arith.constant 40 : i32
    %mul3A_1051 = arith.muli %add3A, %mul3A_1050 : i32
    %add3A_1052 = arith.constant 22 : i32
    %add3A_1053 = arith.addi %mul3A_1051, %add3A_1052 : i32
    %dma_wait3A_1054 = arith.constant 0 : i32
    %dma_wait3A_1055 = tpu.memref_slice %arg3[%add3A_1053, %dma_wait3A_1054] : memref<2560x125xi32, #tpu.memory_space<hbm>> -> memref<2x125xi32, #tpu.memory_space<hbm>>
    %dma_wait3A_1056 = arith.constant 0 : i32
    %dma_wait3A_1057 = tpu.memref_slice %arg3[%add3A_1053, %dma_wait3A_1056] : memref<2560x125xi32, #tpu.memory_space<hbm>> -> memref<2x125xi32, #tpu.memory_space<hbm>>
    tpu.wait_dma2 semaphore(%arg23 : memref<!tpu.dma_semaphore, #tpu.memory_space<semaphore_mem>>) src(%dma_wait3A_1057 : memref<2x125xi32, #tpu.memory_space<hbm>>) dst(%arg8 : memref<2x125xi32, #tpu.memory_space<vmem>>)
    %dma_start3A_1058 = arith.constant 0 : i32
    %dma_start3A_1059 = arith.constant 0 : i32
    %dma_start3A_1060 = tpu.memref_slice %arg8[%dma_start3A_1058, %dma_start3A_1059] : memref<2x125xi32, #tpu.memory_space<vmem>> -> memref<1x125xi32, #tpu.memory_space<vmem>>
    %dma_start3A_1061 = tpu.memref_squeeze %dma_start3A_1060 : memref<1x125xi32, #tpu.memory_space<vmem>> -> memref<125xi32, #tpu.memory_space<vmem>>
    %dma_start3A_1062 = arith.constant 0 : i32
    %dma_start3A_1063 = arith.constant 0 : i32
    %dma_start3A_1064 = tpu.memref_slice %arg2[%dma_start3A_1062, %dma_start3A_1063] : memref<10000x128xf32, #tpu.memory_space<hbm>> -> memref<10000x128xf32, #tpu.memory_space<hbm>>
    tpu.enqueue_indirect_dma source(%dma_start3A_1064 : memref<10000x128xf32, #tpu.memory_space<hbm>>) target(%arg12 : memref<125x128xf32, #tpu.memory_space<vmem>>) offsets(%dma_start3A_1061 : memref<125xi32, #tpu.memory_space<vmem>>) semaphore(%arg17 : memref<!tpu.dma_semaphore, #tpu.memory_space<semaphore_mem>>)
    %mul3A_1065 = arith.constant 40 : i32
    %mul3A_1066 = arith.muli %add3A, %mul3A_1065 : i32
    %add3A_1067 = arith.constant 1280 : i32
    %add3A_1068 = arith.addi %add3A_1067, %mul3A_1066 : i32
    %add3A_1069 = arith.constant 22 : i32
    %add3A_1070 = arith.addi %add3A_1068, %add3A_1069 : i32
    %dma_wait3A_1071 = arith.constant 0 : i32
    %dma_wait3A_1072 = tpu.memref_slice %arg3[%add3A_1070, %dma_wait3A_1071] : memref<2560x125xi32, #tpu.memory_space<hbm>> -> memref<2x125xi32, #tpu.memory_space<hbm>>
    %dma_wait3A_1073 = arith.constant 0 : i32
    %dma_wait3A_1074 = tpu.memref_slice %arg3[%add3A_1070, %dma_wait3A_1073] : memref<2560x125xi32, #tpu.memory_space<hbm>> -> memref<2x125xi32, #tpu.memory_space<hbm>>
    tpu.wait_dma2 semaphore(%arg25 : memref<!tpu.dma_semaphore, #tpu.memory_space<semaphore_mem>>) src(%dma_wait3A_1074 : memref<2x125xi32, #tpu.memory_space<hbm>>) dst(%arg10 : memref<2x125xi32, #tpu.memory_space<vmem>>)
    %dma_wait3A_1075 = arith.constant 0 : i32
    %dma_wait3A_1076 = arith.constant 0 : i32
    %dma_wait3A_1077 = tpu.memref_slice %arg8[%dma_wait3A_1075, %dma_wait3A_1076] : memref<2x125xi32, #tpu.memory_space<vmem>> -> memref<1x125xi32, #tpu.memory_space<vmem>>
    %dma_wait3A_1078 = tpu.memref_squeeze %dma_wait3A_1077 : memref<1x125xi32, #tpu.memory_space<vmem>> -> memref<125xi32, #tpu.memory_space<vmem>>
    %dma_wait3A_1079 = arith.constant 0 : i32
    %dma_wait3A_1080 = arith.constant 0 : i32
    %dma_wait3A_1081 = tpu.memref_slice %arg2[%dma_wait3A_1079, %dma_wait3A_1080] : memref<10000x128xf32, #tpu.memory_space<hbm>> -> memref<10000x128xf32, #tpu.memory_space<hbm>>
    tpu.wait_indirect_dma semaphore(%arg17 : memref<!tpu.dma_semaphore, #tpu.memory_space<semaphore_mem>>) src(%dma_wait3A_1081 : memref<10000x128xf32, #tpu.memory_space<hbm>>) dst(%arg12 : memref<125x128xf32, #tpu.memory_space<vmem>>)
    %dma_start3A_1082 = arith.constant 0 : i32
    %dma_start3A_1083 = arith.constant 0 : i32
    %dma_start3A_1084 = tpu.memref_slice %arg10[%dma_start3A_1082, %dma_start3A_1083] : memref<2x125xi32, #tpu.memory_space<vmem>> -> memref<1x125xi32, #tpu.memory_space<vmem>>
    %dma_start3A_1085 = tpu.memref_squeeze %dma_start3A_1084 : memref<1x125xi32, #tpu.memory_space<vmem>> -> memref<125xi32, #tpu.memory_space<vmem>>
    %dma_start3A_1086 = arith.constant 0 : i32
    %dma_start3A_1087 = arith.constant 0 : i32
    %dma_start3A_1088 = tpu.memref_slice %arg15[%dma_start3A_1086, %dma_start3A_1087] : memref<10000x128xf32, #tpu.memory_space<vmem_shared>> -> memref<10000x128xf32, #tpu.memory_space<vmem_shared>>
    tpu.enqueue_indirect_dma source(%arg12 : memref<125x128xf32, #tpu.memory_space<vmem>>) target(%dma_start3A_1088 : memref<10000x128xf32, #tpu.memory_space<vmem_shared>>) offsets(%dma_start3A_1085 : memref<125xi32, #tpu.memory_space<vmem>>) semaphore(%arg20 : memref<!tpu.dma_semaphore, #tpu.memory_space<semaphore_mem>>) {add = true}
    %dma_wait3A_1089 = arith.constant 0 : i32
    %dma_wait3A_1090 = arith.constant 0 : i32
    %dma_wait3A_1091 = tpu.memref_slice %arg9[%dma_wait3A_1089, %dma_wait3A_1090] : memref<2x125xi32, #tpu.memory_space<vmem>> -> memref<1x125xi32, #tpu.memory_space<vmem>>
    %dma_wait3A_1092 = tpu.memref_squeeze %dma_wait3A_1091 : memref<1x125xi32, #tpu.memory_space<vmem>> -> memref<125xi32, #tpu.memory_space<vmem>>
    %dma_wait3A_1093 = arith.constant 0 : i32
    %dma_wait3A_1094 = arith.constant 0 : i32
    %dma_wait3A_1095 = tpu.memref_slice %arg15[%dma_wait3A_1093, %dma_wait3A_1094] : memref<10000x128xf32, #tpu.memory_space<vmem_shared>> -> memref<10000x128xf32, #tpu.memory_space<vmem_shared>>
    tpu.wait_indirect_dma semaphore(%arg21 : memref<!tpu.dma_semaphore, #tpu.memory_space<semaphore_mem>>) src(%arg13 : memref<125x128xf32, #tpu.memory_space<vmem>>) dst(%dma_wait3A_1095 : memref<10000x128xf32, #tpu.memory_space<vmem_shared>>)
    %dma_start3A_1096 = arith.constant 1 : i32
    %dma_start3A_1097 = arith.constant 0 : i32
    %dma_start3A_1098 = tpu.memref_slice %arg8[%dma_start3A_1096, %dma_start3A_1097] : memref<2x125xi32, #tpu.memory_space<vmem>> -> memref<1x125xi32, #tpu.memory_space<vmem>>
    %dma_start3A_1099 = tpu.memref_squeeze %dma_start3A_1098 : memref<1x125xi32, #tpu.memory_space<vmem>> -> memref<125xi32, #tpu.memory_space<vmem>>
    %dma_start3A_1100 = arith.constant 0 : i32
    %dma_start3A_1101 = arith.constant 0 : i32
    %dma_start3A_1102 = tpu.memref_slice %arg2[%dma_start3A_1100, %dma_start3A_1101] : memref<10000x128xf32, #tpu.memory_space<hbm>> -> memref<10000x128xf32, #tpu.memory_space<hbm>>
    tpu.enqueue_indirect_dma source(%dma_start3A_1102 : memref<10000x128xf32, #tpu.memory_space<hbm>>) target(%arg13 : memref<125x128xf32, #tpu.memory_space<vmem>>) offsets(%dma_start3A_1099 : memref<125xi32, #tpu.memory_space<vmem>>) semaphore(%arg18 : memref<!tpu.dma_semaphore, #tpu.memory_space<semaphore_mem>>)
    %dma_wait3A_1103 = arith.constant 1 : i32
    %dma_wait3A_1104 = arith.constant 0 : i32
    %dma_wait3A_1105 = tpu.memref_slice %arg8[%dma_wait3A_1103, %dma_wait3A_1104] : memref<2x125xi32, #tpu.memory_space<vmem>> -> memref<1x125xi32, #tpu.memory_space<vmem>>
    %dma_wait3A_1106 = tpu.memref_squeeze %dma_wait3A_1105 : memref<1x125xi32, #tpu.memory_space<vmem>> -> memref<125xi32, #tpu.memory_space<vmem>>
    %dma_wait3A_1107 = arith.constant 0 : i32
    %dma_wait3A_1108 = arith.constant 0 : i32
    %dma_wait3A_1109 = tpu.memref_slice %arg2[%dma_wait3A_1107, %dma_wait3A_1108] : memref<10000x128xf32, #tpu.memory_space<hbm>> -> memref<10000x128xf32, #tpu.memory_space<hbm>>
    tpu.wait_indirect_dma semaphore(%arg18 : memref<!tpu.dma_semaphore, #tpu.memory_space<semaphore_mem>>) src(%dma_wait3A_1109 : memref<10000x128xf32, #tpu.memory_space<hbm>>) dst(%arg13 : memref<125x128xf32, #tpu.memory_space<vmem>>)
    %dma_start3A_1110 = arith.constant 1 : i32
    %dma_start3A_1111 = arith.constant 0 : i32
    %dma_start3A_1112 = tpu.memref_slice %arg10[%dma_start3A_1110, %dma_start3A_1111] : memref<2x125xi32, #tpu.memory_space<vmem>> -> memref<1x125xi32, #tpu.memory_space<vmem>>
    %dma_start3A_1113 = tpu.memref_squeeze %dma_start3A_1112 : memref<1x125xi32, #tpu.memory_space<vmem>> -> memref<125xi32, #tpu.memory_space<vmem>>
    %dma_start3A_1114 = arith.constant 0 : i32
    %dma_start3A_1115 = arith.constant 0 : i32
    %dma_start3A_1116 = tpu.memref_slice %arg15[%dma_start3A_1114, %dma_start3A_1115] : memref<10000x128xf32, #tpu.memory_space<vmem_shared>> -> memref<10000x128xf32, #tpu.memory_space<vmem_shared>>
    tpu.enqueue_indirect_dma source(%arg13 : memref<125x128xf32, #tpu.memory_space<vmem>>) target(%dma_start3A_1116 : memref<10000x128xf32, #tpu.memory_space<vmem_shared>>) offsets(%dma_start3A_1113 : memref<125xi32, #tpu.memory_space<vmem>>) semaphore(%arg21 : memref<!tpu.dma_semaphore, #tpu.memory_space<semaphore_mem>>) {add = true}
    %dma_wait3A_1117 = arith.constant 1 : i32
    %dma_wait3A_1118 = arith.constant 0 : i32
    %dma_wait3A_1119 = tpu.memref_slice %arg9[%dma_wait3A_1117, %dma_wait3A_1118] : memref<2x125xi32, #tpu.memory_space<vmem>> -> memref<1x125xi32, #tpu.memory_space<vmem>>
    %dma_wait3A_1120 = tpu.memref_squeeze %dma_wait3A_1119 : memref<1x125xi32, #tpu.memory_space<vmem>> -> memref<125xi32, #tpu.memory_space<vmem>>
    %dma_wait3A_1121 = arith.constant 0 : i32
    %dma_wait3A_1122 = arith.constant 0 : i32
    %dma_wait3A_1123 = tpu.memref_slice %arg15[%dma_wait3A_1121, %dma_wait3A_1122] : memref<10000x128xf32, #tpu.memory_space<vmem_shared>> -> memref<10000x128xf32, #tpu.memory_space<vmem_shared>>
    tpu.wait_indirect_dma semaphore(%arg19 : memref<!tpu.dma_semaphore, #tpu.memory_space<semaphore_mem>>) src(%arg11 : memref<125x128xf32, #tpu.memory_space<vmem>>) dst(%dma_wait3A_1123 : memref<10000x128xf32, #tpu.memory_space<vmem_shared>>)
    %mul3A_1124 = arith.constant 40 : i32
    %mul3A_1125 = arith.muli %add3A, %mul3A_1124 : i32
    %add3A_1126 = arith.constant 26 : i32
    %add3A_1127 = arith.addi %mul3A_1125, %add3A_1126 : i32
    %dma_start3A_1128 = arith.constant 0 : i32
    %dma_start3A_1129 = tpu.memref_slice %arg3[%add3A_1127, %dma_start3A_1128] : memref<2560x125xi32, #tpu.memory_space<hbm>> -> memref<2x125xi32, #tpu.memory_space<hbm>>
    %dma_start3A_1130 = arith.constant 0 : i32
    %dma_start3A_1131 = tpu.memref_slice %arg3[%add3A_1127, %dma_start3A_1130] : memref<2560x125xi32, #tpu.memory_space<hbm>> -> memref<2x125xi32, #tpu.memory_space<hbm>>
    tpu.enqueue_dma source(%dma_start3A_1131 : memref<2x125xi32, #tpu.memory_space<hbm>>) target(%arg8 : memref<2x125xi32, #tpu.memory_space<vmem>>) target_semaphore(%arg23 : memref<!tpu.dma_semaphore, #tpu.memory_space<semaphore_mem>>)
    %mul3A_1132 = arith.constant 40 : i32
    %mul3A_1133 = arith.muli %add3A, %mul3A_1132 : i32
    %add3A_1134 = arith.constant 1280 : i32
    %add3A_1135 = arith.addi %add3A_1134, %mul3A_1133 : i32
    %add3A_1136 = arith.constant 24 : i32
    %add3A_1137 = arith.addi %add3A_1135, %add3A_1136 : i32
    %dma_start3A_1138 = arith.constant 0 : i32
    %dma_start3A_1139 = tpu.memref_slice %arg3[%add3A_1137, %dma_start3A_1138] : memref<2560x125xi32, #tpu.memory_space<hbm>> -> memref<2x125xi32, #tpu.memory_space<hbm>>
    %dma_start3A_1140 = arith.constant 0 : i32
    %dma_start3A_1141 = tpu.memref_slice %arg3[%add3A_1137, %dma_start3A_1140] : memref<2560x125xi32, #tpu.memory_space<hbm>> -> memref<2x125xi32, #tpu.memory_space<hbm>>
    tpu.enqueue_dma source(%dma_start3A_1141 : memref<2x125xi32, #tpu.memory_space<hbm>>) target(%arg9 : memref<2x125xi32, #tpu.memory_space<vmem>>) target_semaphore(%arg24 : memref<!tpu.dma_semaphore, #tpu.memory_space<semaphore_mem>>)
    %mul3A_1142 = arith.constant 40 : i32
    %mul3A_1143 = arith.muli %add3A, %mul3A_1142 : i32
    %add3A_1144 = arith.constant 24 : i32
    %add3A_1145 = arith.addi %mul3A_1143, %add3A_1144 : i32
    %dma_wait3A_1146 = arith.constant 0 : i32
    %dma_wait3A_1147 = tpu.memref_slice %arg3[%add3A_1145, %dma_wait3A_1146] : memref<2560x125xi32, #tpu.memory_space<hbm>> -> memref<2x125xi32, #tpu.memory_space<hbm>>
    %dma_wait3A_1148 = arith.constant 0 : i32
    %dma_wait3A_1149 = tpu.memref_slice %arg3[%add3A_1145, %dma_wait3A_1148] : memref<2560x125xi32, #tpu.memory_space<hbm>> -> memref<2x125xi32, #tpu.memory_space<hbm>>
    tpu.wait_dma2 semaphore(%arg22 : memref<!tpu.dma_semaphore, #tpu.memory_space<semaphore_mem>>) src(%dma_wait3A_1149 : memref<2x125xi32, #tpu.memory_space<hbm>>) dst(%arg7 : memref<2x125xi32, #tpu.memory_space<vmem>>)
    %dma_start3A_1150 = arith.constant 0 : i32
    %dma_start3A_1151 = arith.constant 0 : i32
    %dma_start3A_1152 = tpu.memref_slice %arg7[%dma_start3A_1150, %dma_start3A_1151] : memref<2x125xi32, #tpu.memory_space<vmem>> -> memref<1x125xi32, #tpu.memory_space<vmem>>
    %dma_start3A_1153 = tpu.memref_squeeze %dma_start3A_1152 : memref<1x125xi32, #tpu.memory_space<vmem>> -> memref<125xi32, #tpu.memory_space<vmem>>
    %dma_start3A_1154 = arith.constant 0 : i32
    %dma_start3A_1155 = arith.constant 0 : i32
    %dma_start3A_1156 = tpu.memref_slice %arg2[%dma_start3A_1154, %dma_start3A_1155] : memref<10000x128xf32, #tpu.memory_space<hbm>> -> memref<10000x128xf32, #tpu.memory_space<hbm>>
    tpu.enqueue_indirect_dma source(%dma_start3A_1156 : memref<10000x128xf32, #tpu.memory_space<hbm>>) target(%arg11 : memref<125x128xf32, #tpu.memory_space<vmem>>) offsets(%dma_start3A_1153 : memref<125xi32, #tpu.memory_space<vmem>>) semaphore(%arg16 : memref<!tpu.dma_semaphore, #tpu.memory_space<semaphore_mem>>)
    %mul3A_1157 = arith.constant 40 : i32
    %mul3A_1158 = arith.muli %add3A, %mul3A_1157 : i32
    %add3A_1159 = arith.constant 1280 : i32
    %add3A_1160 = arith.addi %add3A_1159, %mul3A_1158 : i32
    %add3A_1161 = arith.constant 24 : i32
    %add3A_1162 = arith.addi %add3A_1160, %add3A_1161 : i32
    %dma_wait3A_1163 = arith.constant 0 : i32
    %dma_wait3A_1164 = tpu.memref_slice %arg3[%add3A_1162, %dma_wait3A_1163] : memref<2560x125xi32, #tpu.memory_space<hbm>> -> memref<2x125xi32, #tpu.memory_space<hbm>>
    %dma_wait3A_1165 = arith.constant 0 : i32
    %dma_wait3A_1166 = tpu.memref_slice %arg3[%add3A_1162, %dma_wait3A_1165] : memref<2560x125xi32, #tpu.memory_space<hbm>> -> memref<2x125xi32, #tpu.memory_space<hbm>>
    tpu.wait_dma2 semaphore(%arg24 : memref<!tpu.dma_semaphore, #tpu.memory_space<semaphore_mem>>) src(%dma_wait3A_1166 : memref<2x125xi32, #tpu.memory_space<hbm>>) dst(%arg9 : memref<2x125xi32, #tpu.memory_space<vmem>>)
    %dma_wait3A_1167 = arith.constant 0 : i32
    %dma_wait3A_1168 = arith.constant 0 : i32
    %dma_wait3A_1169 = tpu.memref_slice %arg7[%dma_wait3A_1167, %dma_wait3A_1168] : memref<2x125xi32, #tpu.memory_space<vmem>> -> memref<1x125xi32, #tpu.memory_space<vmem>>
    %dma_wait3A_1170 = tpu.memref_squeeze %dma_wait3A_1169 : memref<1x125xi32, #tpu.memory_space<vmem>> -> memref<125xi32, #tpu.memory_space<vmem>>
    %dma_wait3A_1171 = arith.constant 0 : i32
    %dma_wait3A_1172 = arith.constant 0 : i32
    %dma_wait3A_1173 = tpu.memref_slice %arg2[%dma_wait3A_1171, %dma_wait3A_1172] : memref<10000x128xf32, #tpu.memory_space<hbm>> -> memref<10000x128xf32, #tpu.memory_space<hbm>>
    tpu.wait_indirect_dma semaphore(%arg16 : memref<!tpu.dma_semaphore, #tpu.memory_space<semaphore_mem>>) src(%dma_wait3A_1173 : memref<10000x128xf32, #tpu.memory_space<hbm>>) dst(%arg11 : memref<125x128xf32, #tpu.memory_space<vmem>>)
    %dma_start3A_1174 = arith.constant 0 : i32
    %dma_start3A_1175 = arith.constant 0 : i32
    %dma_start3A_1176 = tpu.memref_slice %arg9[%dma_start3A_1174, %dma_start3A_1175] : memref<2x125xi32, #tpu.memory_space<vmem>> -> memref<1x125xi32, #tpu.memory_space<vmem>>
    %dma_start3A_1177 = tpu.memref_squeeze %dma_start3A_1176 : memref<1x125xi32, #tpu.memory_space<vmem>> -> memref<125xi32, #tpu.memory_space<vmem>>
    %dma_start3A_1178 = arith.constant 0 : i32
    %dma_start3A_1179 = arith.constant 0 : i32
    %dma_start3A_1180 = tpu.memref_slice %arg15[%dma_start3A_1178, %dma_start3A_1179] : memref<10000x128xf32, #tpu.memory_space<vmem_shared>> -> memref<10000x128xf32, #tpu.memory_space<vmem_shared>>
    tpu.enqueue_indirect_dma source(%arg11 : memref<125x128xf32, #tpu.memory_space<vmem>>) target(%dma_start3A_1180 : memref<10000x128xf32, #tpu.memory_space<vmem_shared>>) offsets(%dma_start3A_1177 : memref<125xi32, #tpu.memory_space<vmem>>) semaphore(%arg19 : memref<!tpu.dma_semaphore, #tpu.memory_space<semaphore_mem>>) {add = true}
    %dma_wait3A_1181 = arith.constant 0 : i32
    %dma_wait3A_1182 = arith.constant 0 : i32
    %dma_wait3A_1183 = tpu.memref_slice %arg10[%dma_wait3A_1181, %dma_wait3A_1182] : memref<2x125xi32, #tpu.memory_space<vmem>> -> memref<1x125xi32, #tpu.memory_space<vmem>>
    %dma_wait3A_1184 = tpu.memref_squeeze %dma_wait3A_1183 : memref<1x125xi32, #tpu.memory_space<vmem>> -> memref<125xi32, #tpu.memory_space<vmem>>
    %dma_wait3A_1185 = arith.constant 0 : i32
    %dma_wait3A_1186 = arith.constant 0 : i32
    %dma_wait3A_1187 = tpu.memref_slice %arg15[%dma_wait3A_1185, %dma_wait3A_1186] : memref<10000x128xf32, #tpu.memory_space<vmem_shared>> -> memref<10000x128xf32, #tpu.memory_space<vmem_shared>>
    tpu.wait_indirect_dma semaphore(%arg20 : memref<!tpu.dma_semaphore, #tpu.memory_space<semaphore_mem>>) src(%arg12 : memref<125x128xf32, #tpu.memory_space<vmem>>) dst(%dma_wait3A_1187 : memref<10000x128xf32, #tpu.memory_space<vmem_shared>>)
    %dma_start3A_1188 = arith.constant 1 : i32
    %dma_start3A_1189 = arith.constant 0 : i32
    %dma_start3A_1190 = tpu.memref_slice %arg7[%dma_start3A_1188, %dma_start3A_1189] : memref<2x125xi32, #tpu.memory_space<vmem>> -> memref<1x125xi32, #tpu.memory_space<vmem>>
    %dma_start3A_1191 = tpu.memref_squeeze %dma_start3A_1190 : memref<1x125xi32, #tpu.memory_space<vmem>> -> memref<125xi32, #tpu.memory_space<vmem>>
    %dma_start3A_1192 = arith.constant 0 : i32
    %dma_start3A_1193 = arith.constant 0 : i32
    %dma_start3A_1194 = tpu.memref_slice %arg2[%dma_start3A_1192, %dma_start3A_1193] : memref<10000x128xf32, #tpu.memory_space<hbm>> -> memref<10000x128xf32, #tpu.memory_space<hbm>>
    tpu.enqueue_indirect_dma source(%dma_start3A_1194 : memref<10000x128xf32, #tpu.memory_space<hbm>>) target(%arg12 : memref<125x128xf32, #tpu.memory_space<vmem>>) offsets(%dma_start3A_1191 : memref<125xi32, #tpu.memory_space<vmem>>) semaphore(%arg17 : memref<!tpu.dma_semaphore, #tpu.memory_space<semaphore_mem>>)
    %dma_wait3A_1195 = arith.constant 1 : i32
    %dma_wait3A_1196 = arith.constant 0 : i32
    %dma_wait3A_1197 = tpu.memref_slice %arg7[%dma_wait3A_1195, %dma_wait3A_1196] : memref<2x125xi32, #tpu.memory_space<vmem>> -> memref<1x125xi32, #tpu.memory_space<vmem>>
    %dma_wait3A_1198 = tpu.memref_squeeze %dma_wait3A_1197 : memref<1x125xi32, #tpu.memory_space<vmem>> -> memref<125xi32, #tpu.memory_space<vmem>>
    %dma_wait3A_1199 = arith.constant 0 : i32
    %dma_wait3A_1200 = arith.constant 0 : i32
    %dma_wait3A_1201 = tpu.memref_slice %arg2[%dma_wait3A_1199, %dma_wait3A_1200] : memref<10000x128xf32, #tpu.memory_space<hbm>> -> memref<10000x128xf32, #tpu.memory_space<hbm>>
    tpu.wait_indirect_dma semaphore(%arg17 : memref<!tpu.dma_semaphore, #tpu.memory_space<semaphore_mem>>) src(%dma_wait3A_1201 : memref<10000x128xf32, #tpu.memory_space<hbm>>) dst(%arg12 : memref<125x128xf32, #tpu.memory_space<vmem>>)
    %dma_start3A_1202 = arith.constant 1 : i32
    %dma_start3A_1203 = arith.constant 0 : i32
    %dma_start3A_1204 = tpu.memref_slice %arg9[%dma_start3A_1202, %dma_start3A_1203] : memref<2x125xi32, #tpu.memory_space<vmem>> -> memref<1x125xi32, #tpu.memory_space<vmem>>
    %dma_start3A_1205 = tpu.memref_squeeze %dma_start3A_1204 : memref<1x125xi32, #tpu.memory_space<vmem>> -> memref<125xi32, #tpu.memory_space<vmem>>
    %dma_start3A_1206 = arith.constant 0 : i32
    %dma_start3A_1207 = arith.constant 0 : i32
    %dma_start3A_1208 = tpu.memref_slice %arg15[%dma_start3A_1206, %dma_start3A_1207] : memref<10000x128xf32, #tpu.memory_space<vmem_shared>> -> memref<10000x128xf32, #tpu.memory_space<vmem_shared>>
    tpu.enqueue_indirect_dma source(%arg12 : memref<125x128xf32, #tpu.memory_space<vmem>>) target(%dma_start3A_1208 : memref<10000x128xf32, #tpu.memory_space<vmem_shared>>) offsets(%dma_start3A_1205 : memref<125xi32, #tpu.memory_space<vmem>>) semaphore(%arg20 : memref<!tpu.dma_semaphore, #tpu.memory_space<semaphore_mem>>) {add = true}
    %dma_wait3A_1209 = arith.constant 1 : i32
    %dma_wait3A_1210 = arith.constant 0 : i32
    %dma_wait3A_1211 = tpu.memref_slice %arg10[%dma_wait3A_1209, %dma_wait3A_1210] : memref<2x125xi32, #tpu.memory_space<vmem>> -> memref<1x125xi32, #tpu.memory_space<vmem>>
    %dma_wait3A_1212 = tpu.memref_squeeze %dma_wait3A_1211 : memref<1x125xi32, #tpu.memory_space<vmem>> -> memref<125xi32, #tpu.memory_space<vmem>>
    %dma_wait3A_1213 = arith.constant 0 : i32
    %dma_wait3A_1214 = arith.constant 0 : i32
    %dma_wait3A_1215 = tpu.memref_slice %arg15[%dma_wait3A_1213, %dma_wait3A_1214] : memref<10000x128xf32, #tpu.memory_space<vmem_shared>> -> memref<10000x128xf32, #tpu.memory_space<vmem_shared>>
    tpu.wait_indirect_dma semaphore(%arg21 : memref<!tpu.dma_semaphore, #tpu.memory_space<semaphore_mem>>) src(%arg13 : memref<125x128xf32, #tpu.memory_space<vmem>>) dst(%dma_wait3A_1215 : memref<10000x128xf32, #tpu.memory_space<vmem_shared>>)
    %mul3A_1216 = arith.constant 40 : i32
    %mul3A_1217 = arith.muli %add3A, %mul3A_1216 : i32
    %add3A_1218 = arith.constant 28 : i32
    %add3A_1219 = arith.addi %mul3A_1217, %add3A_1218 : i32
    %dma_start3A_1220 = arith.constant 0 : i32
    %dma_start3A_1221 = tpu.memref_slice %arg3[%add3A_1219, %dma_start3A_1220] : memref<2560x125xi32, #tpu.memory_space<hbm>> -> memref<2x125xi32, #tpu.memory_space<hbm>>
    %dma_start3A_1222 = arith.constant 0 : i32
    %dma_start3A_1223 = tpu.memref_slice %arg3[%add3A_1219, %dma_start3A_1222] : memref<2560x125xi32, #tpu.memory_space<hbm>> -> memref<2x125xi32, #tpu.memory_space<hbm>>
    tpu.enqueue_dma source(%dma_start3A_1223 : memref<2x125xi32, #tpu.memory_space<hbm>>) target(%arg7 : memref<2x125xi32, #tpu.memory_space<vmem>>) target_semaphore(%arg22 : memref<!tpu.dma_semaphore, #tpu.memory_space<semaphore_mem>>)
    %mul3A_1224 = arith.constant 40 : i32
    %mul3A_1225 = arith.muli %add3A, %mul3A_1224 : i32
    %add3A_1226 = arith.constant 1280 : i32
    %add3A_1227 = arith.addi %add3A_1226, %mul3A_1225 : i32
    %add3A_1228 = arith.constant 26 : i32
    %add3A_1229 = arith.addi %add3A_1227, %add3A_1228 : i32
    %dma_start3A_1230 = arith.constant 0 : i32
    %dma_start3A_1231 = tpu.memref_slice %arg3[%add3A_1229, %dma_start3A_1230] : memref<2560x125xi32, #tpu.memory_space<hbm>> -> memref<2x125xi32, #tpu.memory_space<hbm>>
    %dma_start3A_1232 = arith.constant 0 : i32
    %dma_start3A_1233 = tpu.memref_slice %arg3[%add3A_1229, %dma_start3A_1232] : memref<2560x125xi32, #tpu.memory_space<hbm>> -> memref<2x125xi32, #tpu.memory_space<hbm>>
    tpu.enqueue_dma source(%dma_start3A_1233 : memref<2x125xi32, #tpu.memory_space<hbm>>) target(%arg10 : memref<2x125xi32, #tpu.memory_space<vmem>>) target_semaphore(%arg25 : memref<!tpu.dma_semaphore, #tpu.memory_space<semaphore_mem>>)
    %mul3A_1234 = arith.constant 40 : i32
    %mul3A_1235 = arith.muli %add3A, %mul3A_1234 : i32
    %add3A_1236 = arith.constant 26 : i32
    %add3A_1237 = arith.addi %mul3A_1235, %add3A_1236 : i32
    %dma_wait3A_1238 = arith.constant 0 : i32
    %dma_wait3A_1239 = tpu.memref_slice %arg3[%add3A_1237, %dma_wait3A_1238] : memref<2560x125xi32, #tpu.memory_space<hbm>> -> memref<2x125xi32, #tpu.memory_space<hbm>>
    %dma_wait3A_1240 = arith.constant 0 : i32
    %dma_wait3A_1241 = tpu.memref_slice %arg3[%add3A_1237, %dma_wait3A_1240] : memref<2560x125xi32, #tpu.memory_space<hbm>> -> memref<2x125xi32, #tpu.memory_space<hbm>>
    tpu.wait_dma2 semaphore(%arg23 : memref<!tpu.dma_semaphore, #tpu.memory_space<semaphore_mem>>) src(%dma_wait3A_1241 : memref<2x125xi32, #tpu.memory_space<hbm>>) dst(%arg8 : memref<2x125xi32, #tpu.memory_space<vmem>>)
    %dma_start3A_1242 = arith.constant 0 : i32
    %dma_start3A_1243 = arith.constant 0 : i32
    %dma_start3A_1244 = tpu.memref_slice %arg8[%dma_start3A_1242, %dma_start3A_1243] : memref<2x125xi32, #tpu.memory_space<vmem>> -> memref<1x125xi32, #tpu.memory_space<vmem>>
    %dma_start3A_1245 = tpu.memref_squeeze %dma_start3A_1244 : memref<1x125xi32, #tpu.memory_space<vmem>> -> memref<125xi32, #tpu.memory_space<vmem>>
    %dma_start3A_1246 = arith.constant 0 : i32
    %dma_start3A_1247 = arith.constant 0 : i32
    %dma_start3A_1248 = tpu.memref_slice %arg2[%dma_start3A_1246, %dma_start3A_1247] : memref<10000x128xf32, #tpu.memory_space<hbm>> -> memref<10000x128xf32, #tpu.memory_space<hbm>>
    tpu.enqueue_indirect_dma source(%dma_start3A_1248 : memref<10000x128xf32, #tpu.memory_space<hbm>>) target(%arg13 : memref<125x128xf32, #tpu.memory_space<vmem>>) offsets(%dma_start3A_1245 : memref<125xi32, #tpu.memory_space<vmem>>) semaphore(%arg18 : memref<!tpu.dma_semaphore, #tpu.memory_space<semaphore_mem>>)
    %mul3A_1249 = arith.constant 40 : i32
    %mul3A_1250 = arith.muli %add3A, %mul3A_1249 : i32
    %add3A_1251 = arith.constant 1280 : i32
    %add3A_1252 = arith.addi %add3A_1251, %mul3A_1250 : i32
    %add3A_1253 = arith.constant 26 : i32
    %add3A_1254 = arith.addi %add3A_1252, %add3A_1253 : i32
    %dma_wait3A_1255 = arith.constant 0 : i32
    %dma_wait3A_1256 = tpu.memref_slice %arg3[%add3A_1254, %dma_wait3A_1255] : memref<2560x125xi32, #tpu.memory_space<hbm>> -> memref<2x125xi32, #tpu.memory_space<hbm>>
    %dma_wait3A_1257 = arith.constant 0 : i32
    %dma_wait3A_1258 = tpu.memref_slice %arg3[%add3A_1254, %dma_wait3A_1257] : memref<2560x125xi32, #tpu.memory_space<hbm>> -> memref<2x125xi32, #tpu.memory_space<hbm>>
    tpu.wait_dma2 semaphore(%arg25 : memref<!tpu.dma_semaphore, #tpu.memory_space<semaphore_mem>>) src(%dma_wait3A_1258 : memref<2x125xi32, #tpu.memory_space<hbm>>) dst(%arg10 : memref<2x125xi32, #tpu.memory_space<vmem>>)
    %dma_wait3A_1259 = arith.constant 0 : i32
    %dma_wait3A_1260 = arith.constant 0 : i32
    %dma_wait3A_1261 = tpu.memref_slice %arg8[%dma_wait3A_1259, %dma_wait3A_1260] : memref<2x125xi32, #tpu.memory_space<vmem>> -> memref<1x125xi32, #tpu.memory_space<vmem>>
    %dma_wait3A_1262 = tpu.memref_squeeze %dma_wait3A_1261 : memref<1x125xi32, #tpu.memory_space<vmem>> -> memref<125xi32, #tpu.memory_space<vmem>>
    %dma_wait3A_1263 = arith.constant 0 : i32
    %dma_wait3A_1264 = arith.constant 0 : i32
    %dma_wait3A_1265 = tpu.memref_slice %arg2[%dma_wait3A_1263, %dma_wait3A_1264] : memref<10000x128xf32, #tpu.memory_space<hbm>> -> memref<10000x128xf32, #tpu.memory_space<hbm>>
    tpu.wait_indirect_dma semaphore(%arg18 : memref<!tpu.dma_semaphore, #tpu.memory_space<semaphore_mem>>) src(%dma_wait3A_1265 : memref<10000x128xf32, #tpu.memory_space<hbm>>) dst(%arg13 : memref<125x128xf32, #tpu.memory_space<vmem>>)
    %dma_start3A_1266 = arith.constant 0 : i32
    %dma_start3A_1267 = arith.constant 0 : i32
    %dma_start3A_1268 = tpu.memref_slice %arg10[%dma_start3A_1266, %dma_start3A_1267] : memref<2x125xi32, #tpu.memory_space<vmem>> -> memref<1x125xi32, #tpu.memory_space<vmem>>
    %dma_start3A_1269 = tpu.memref_squeeze %dma_start3A_1268 : memref<1x125xi32, #tpu.memory_space<vmem>> -> memref<125xi32, #tpu.memory_space<vmem>>
    %dma_start3A_1270 = arith.constant 0 : i32
    %dma_start3A_1271 = arith.constant 0 : i32
    %dma_start3A_1272 = tpu.memref_slice %arg15[%dma_start3A_1270, %dma_start3A_1271] : memref<10000x128xf32, #tpu.memory_space<vmem_shared>> -> memref<10000x128xf32, #tpu.memory_space<vmem_shared>>
    tpu.enqueue_indirect_dma source(%arg13 : memref<125x128xf32, #tpu.memory_space<vmem>>) target(%dma_start3A_1272 : memref<10000x128xf32, #tpu.memory_space<vmem_shared>>) offsets(%dma_start3A_1269 : memref<125xi32, #tpu.memory_space<vmem>>) semaphore(%arg21 : memref<!tpu.dma_semaphore, #tpu.memory_space<semaphore_mem>>) {add = true}
    %dma_wait3A_1273 = arith.constant 0 : i32
    %dma_wait3A_1274 = arith.constant 0 : i32
    %dma_wait3A_1275 = tpu.memref_slice %arg9[%dma_wait3A_1273, %dma_wait3A_1274] : memref<2x125xi32, #tpu.memory_space<vmem>> -> memref<1x125xi32, #tpu.memory_space<vmem>>
    %dma_wait3A_1276 = tpu.memref_squeeze %dma_wait3A_1275 : memref<1x125xi32, #tpu.memory_space<vmem>> -> memref<125xi32, #tpu.memory_space<vmem>>
    %dma_wait3A_1277 = arith.constant 0 : i32
    %dma_wait3A_1278 = arith.constant 0 : i32
    %dma_wait3A_1279 = tpu.memref_slice %arg15[%dma_wait3A_1277, %dma_wait3A_1278] : memref<10000x128xf32, #tpu.memory_space<vmem_shared>> -> memref<10000x128xf32, #tpu.memory_space<vmem_shared>>
    tpu.wait_indirect_dma semaphore(%arg19 : memref<!tpu.dma_semaphore, #tpu.memory_space<semaphore_mem>>) src(%arg11 : memref<125x128xf32, #tpu.memory_space<vmem>>) dst(%dma_wait3A_1279 : memref<10000x128xf32, #tpu.memory_space<vmem_shared>>)
    %dma_start3A_1280 = arith.constant 1 : i32
    %dma_start3A_1281 = arith.constant 0 : i32
    %dma_start3A_1282 = tpu.memref_slice %arg8[%dma_start3A_1280, %dma_start3A_1281] : memref<2x125xi32, #tpu.memory_space<vmem>> -> memref<1x125xi32, #tpu.memory_space<vmem>>
    %dma_start3A_1283 = tpu.memref_squeeze %dma_start3A_1282 : memref<1x125xi32, #tpu.memory_space<vmem>> -> memref<125xi32, #tpu.memory_space<vmem>>
    %dma_start3A_1284 = arith.constant 0 : i32
    %dma_start3A_1285 = arith.constant 0 : i32
    %dma_start3A_1286 = tpu.memref_slice %arg2[%dma_start3A_1284, %dma_start3A_1285] : memref<10000x128xf32, #tpu.memory_space<hbm>> -> memref<10000x128xf32, #tpu.memory_space<hbm>>
    tpu.enqueue_indirect_dma source(%dma_start3A_1286 : memref<10000x128xf32, #tpu.memory_space<hbm>>) target(%arg11 : memref<125x128xf32, #tpu.memory_space<vmem>>) offsets(%dma_start3A_1283 : memref<125xi32, #tpu.memory_space<vmem>>) semaphore(%arg16 : memref<!tpu.dma_semaphore, #tpu.memory_space<semaphore_mem>>)
    %dma_wait3A_1287 = arith.constant 1 : i32
    %dma_wait3A_1288 = arith.constant 0 : i32
    %dma_wait3A_1289 = tpu.memref_slice %arg8[%dma_wait3A_1287, %dma_wait3A_1288] : memref<2x125xi32, #tpu.memory_space<vmem>> -> memref<1x125xi32, #tpu.memory_space<vmem>>
    %dma_wait3A_1290 = tpu.memref_squeeze %dma_wait3A_1289 : memref<1x125xi32, #tpu.memory_space<vmem>> -> memref<125xi32, #tpu.memory_space<vmem>>
    %dma_wait3A_1291 = arith.constant 0 : i32
    %dma_wait3A_1292 = arith.constant 0 : i32
    %dma_wait3A_1293 = tpu.memref_slice %arg2[%dma_wait3A_1291, %dma_wait3A_1292] : memref<10000x128xf32, #tpu.memory_space<hbm>> -> memref<10000x128xf32, #tpu.memory_space<hbm>>
    tpu.wait_indirect_dma semaphore(%arg16 : memref<!tpu.dma_semaphore, #tpu.memory_space<semaphore_mem>>) src(%dma_wait3A_1293 : memref<10000x128xf32, #tpu.memory_space<hbm>>) dst(%arg11 : memref<125x128xf32, #tpu.memory_space<vmem>>)
    %dma_start3A_1294 = arith.constant 1 : i32
    %dma_start3A_1295 = arith.constant 0 : i32
    %dma_start3A_1296 = tpu.memref_slice %arg10[%dma_start3A_1294, %dma_start3A_1295] : memref<2x125xi32, #tpu.memory_space<vmem>> -> memref<1x125xi32, #tpu.memory_space<vmem>>
    %dma_start3A_1297 = tpu.memref_squeeze %dma_start3A_1296 : memref<1x125xi32, #tpu.memory_space<vmem>> -> memref<125xi32, #tpu.memory_space<vmem>>
    %dma_start3A_1298 = arith.constant 0 : i32
    %dma_start3A_1299 = arith.constant 0 : i32
    %dma_start3A_1300 = tpu.memref_slice %arg15[%dma_start3A_1298, %dma_start3A_1299] : memref<10000x128xf32, #tpu.memory_space<vmem_shared>> -> memref<10000x128xf32, #tpu.memory_space<vmem_shared>>
    tpu.enqueue_indirect_dma source(%arg11 : memref<125x128xf32, #tpu.memory_space<vmem>>) target(%dma_start3A_1300 : memref<10000x128xf32, #tpu.memory_space<vmem_shared>>) offsets(%dma_start3A_1297 : memref<125xi32, #tpu.memory_space<vmem>>) semaphore(%arg19 : memref<!tpu.dma_semaphore, #tpu.memory_space<semaphore_mem>>) {add = true}
    %dma_wait3A_1301 = arith.constant 1 : i32
    %dma_wait3A_1302 = arith.constant 0 : i32
    %dma_wait3A_1303 = tpu.memref_slice %arg9[%dma_wait3A_1301, %dma_wait3A_1302] : memref<2x125xi32, #tpu.memory_space<vmem>> -> memref<1x125xi32, #tpu.memory_space<vmem>>
    %dma_wait3A_1304 = tpu.memref_squeeze %dma_wait3A_1303 : memref<1x125xi32, #tpu.memory_space<vmem>> -> memref<125xi32, #tpu.memory_space<vmem>>
    %dma_wait3A_1305 = arith.constant 0 : i32
    %dma_wait3A_1306 = arith.constant 0 : i32
    %dma_wait3A_1307 = tpu.memref_slice %arg15[%dma_wait3A_1305, %dma_wait3A_1306] : memref<10000x128xf32, #tpu.memory_space<vmem_shared>> -> memref<10000x128xf32, #tpu.memory_space<vmem_shared>>
    tpu.wait_indirect_dma semaphore(%arg20 : memref<!tpu.dma_semaphore, #tpu.memory_space<semaphore_mem>>) src(%arg12 : memref<125x128xf32, #tpu.memory_space<vmem>>) dst(%dma_wait3A_1307 : memref<10000x128xf32, #tpu.memory_space<vmem_shared>>)
    %mul3A_1308 = arith.constant 40 : i32
    %mul3A_1309 = arith.muli %add3A, %mul3A_1308 : i32
    %add3A_1310 = arith.constant 30 : i32
    %add3A_1311 = arith.addi %mul3A_1309, %add3A_1310 : i32
    %dma_start3A_1312 = arith.constant 0 : i32
    %dma_start3A_1313 = tpu.memref_slice %arg3[%add3A_1311, %dma_start3A_1312] : memref<2560x125xi32, #tpu.memory_space<hbm>> -> memref<2x125xi32, #tpu.memory_space<hbm>>
    %dma_start3A_1314 = arith.constant 0 : i32
    %dma_start3A_1315 = tpu.memref_slice %arg3[%add3A_1311, %dma_start3A_1314] : memref<2560x125xi32, #tpu.memory_space<hbm>> -> memref<2x125xi32, #tpu.memory_space<hbm>>
    tpu.enqueue_dma source(%dma_start3A_1315 : memref<2x125xi32, #tpu.memory_space<hbm>>) target(%arg8 : memref<2x125xi32, #tpu.memory_space<vmem>>) target_semaphore(%arg23 : memref<!tpu.dma_semaphore, #tpu.memory_space<semaphore_mem>>)
    %mul3A_1316 = arith.constant 40 : i32
    %mul3A_1317 = arith.muli %add3A, %mul3A_1316 : i32
    %add3A_1318 = arith.constant 1280 : i32
    %add3A_1319 = arith.addi %add3A_1318, %mul3A_1317 : i32
    %add3A_1320 = arith.constant 28 : i32
    %add3A_1321 = arith.addi %add3A_1319, %add3A_1320 : i32
    %dma_start3A_1322 = arith.constant 0 : i32
    %dma_start3A_1323 = tpu.memref_slice %arg3[%add3A_1321, %dma_start3A_1322] : memref<2560x125xi32, #tpu.memory_space<hbm>> -> memref<2x125xi32, #tpu.memory_space<hbm>>
    %dma_start3A_1324 = arith.constant 0 : i32
    %dma_start3A_1325 = tpu.memref_slice %arg3[%add3A_1321, %dma_start3A_1324] : memref<2560x125xi32, #tpu.memory_space<hbm>> -> memref<2x125xi32, #tpu.memory_space<hbm>>
    tpu.enqueue_dma source(%dma_start3A_1325 : memref<2x125xi32, #tpu.memory_space<hbm>>) target(%arg9 : memref<2x125xi32, #tpu.memory_space<vmem>>) target_semaphore(%arg24 : memref<!tpu.dma_semaphore, #tpu.memory_space<semaphore_mem>>)
    %mul3A_1326 = arith.constant 40 : i32
    %mul3A_1327 = arith.muli %add3A, %mul3A_1326 : i32
    %add3A_1328 = arith.constant 28 : i32
    %add3A_1329 = arith.addi %mul3A_1327, %add3A_1328 : i32
    %dma_wait3A_1330 = arith.constant 0 : i32
    %dma_wait3A_1331 = tpu.memref_slice %arg3[%add3A_1329, %dma_wait3A_1330] : memref<2560x125xi32, #tpu.memory_space<hbm>> -> memref<2x125xi32, #tpu.memory_space<hbm>>
    %dma_wait3A_1332 = arith.constant 0 : i32
    %dma_wait3A_1333 = tpu.memref_slice %arg3[%add3A_1329, %dma_wait3A_1332] : memref<2560x125xi32, #tpu.memory_space<hbm>> -> memref<2x125xi32, #tpu.memory_space<hbm>>
    tpu.wait_dma2 semaphore(%arg22 : memref<!tpu.dma_semaphore, #tpu.memory_space<semaphore_mem>>) src(%dma_wait3A_1333 : memref<2x125xi32, #tpu.memory_space<hbm>>) dst(%arg7 : memref<2x125xi32, #tpu.memory_space<vmem>>)
    %dma_start3A_1334 = arith.constant 0 : i32
    %dma_start3A_1335 = arith.constant 0 : i32
    %dma_start3A_1336 = tpu.memref_slice %arg7[%dma_start3A_1334, %dma_start3A_1335] : memref<2x125xi32, #tpu.memory_space<vmem>> -> memref<1x125xi32, #tpu.memory_space<vmem>>
    %dma_start3A_1337 = tpu.memref_squeeze %dma_start3A_1336 : memref<1x125xi32, #tpu.memory_space<vmem>> -> memref<125xi32, #tpu.memory_space<vmem>>
    %dma_start3A_1338 = arith.constant 0 : i32
    %dma_start3A_1339 = arith.constant 0 : i32
    %dma_start3A_1340 = tpu.memref_slice %arg2[%dma_start3A_1338, %dma_start3A_1339] : memref<10000x128xf32, #tpu.memory_space<hbm>> -> memref<10000x128xf32, #tpu.memory_space<hbm>>
    tpu.enqueue_indirect_dma source(%dma_start3A_1340 : memref<10000x128xf32, #tpu.memory_space<hbm>>) target(%arg12 : memref<125x128xf32, #tpu.memory_space<vmem>>) offsets(%dma_start3A_1337 : memref<125xi32, #tpu.memory_space<vmem>>) semaphore(%arg17 : memref<!tpu.dma_semaphore, #tpu.memory_space<semaphore_mem>>)
    %mul3A_1341 = arith.constant 40 : i32
    %mul3A_1342 = arith.muli %add3A, %mul3A_1341 : i32
    %add3A_1343 = arith.constant 1280 : i32
    %add3A_1344 = arith.addi %add3A_1343, %mul3A_1342 : i32
    %add3A_1345 = arith.constant 28 : i32
    %add3A_1346 = arith.addi %add3A_1344, %add3A_1345 : i32
    %dma_wait3A_1347 = arith.constant 0 : i32
    %dma_wait3A_1348 = tpu.memref_slice %arg3[%add3A_1346, %dma_wait3A_1347] : memref<2560x125xi32, #tpu.memory_space<hbm>> -> memref<2x125xi32, #tpu.memory_space<hbm>>
    %dma_wait3A_1349 = arith.constant 0 : i32
    %dma_wait3A_1350 = tpu.memref_slice %arg3[%add3A_1346, %dma_wait3A_1349] : memref<2560x125xi32, #tpu.memory_space<hbm>> -> memref<2x125xi32, #tpu.memory_space<hbm>>
    tpu.wait_dma2 semaphore(%arg24 : memref<!tpu.dma_semaphore, #tpu.memory_space<semaphore_mem>>) src(%dma_wait3A_1350 : memref<2x125xi32, #tpu.memory_space<hbm>>) dst(%arg9 : memref<2x125xi32, #tpu.memory_space<vmem>>)
    %dma_wait3A_1351 = arith.constant 0 : i32
    %dma_wait3A_1352 = arith.constant 0 : i32
    %dma_wait3A_1353 = tpu.memref_slice %arg7[%dma_wait3A_1351, %dma_wait3A_1352] : memref<2x125xi32, #tpu.memory_space<vmem>> -> memref<1x125xi32, #tpu.memory_space<vmem>>
    %dma_wait3A_1354 = tpu.memref_squeeze %dma_wait3A_1353 : memref<1x125xi32, #tpu.memory_space<vmem>> -> memref<125xi32, #tpu.memory_space<vmem>>
    %dma_wait3A_1355 = arith.constant 0 : i32
    %dma_wait3A_1356 = arith.constant 0 : i32
    %dma_wait3A_1357 = tpu.memref_slice %arg2[%dma_wait3A_1355, %dma_wait3A_1356] : memref<10000x128xf32, #tpu.memory_space<hbm>> -> memref<10000x128xf32, #tpu.memory_space<hbm>>
    tpu.wait_indirect_dma semaphore(%arg17 : memref<!tpu.dma_semaphore, #tpu.memory_space<semaphore_mem>>) src(%dma_wait3A_1357 : memref<10000x128xf32, #tpu.memory_space<hbm>>) dst(%arg12 : memref<125x128xf32, #tpu.memory_space<vmem>>)
    %dma_start3A_1358 = arith.constant 0 : i32
    %dma_start3A_1359 = arith.constant 0 : i32
    %dma_start3A_1360 = tpu.memref_slice %arg9[%dma_start3A_1358, %dma_start3A_1359] : memref<2x125xi32, #tpu.memory_space<vmem>> -> memref<1x125xi32, #tpu.memory_space<vmem>>
    %dma_start3A_1361 = tpu.memref_squeeze %dma_start3A_1360 : memref<1x125xi32, #tpu.memory_space<vmem>> -> memref<125xi32, #tpu.memory_space<vmem>>
    %dma_start3A_1362 = arith.constant 0 : i32
    %dma_start3A_1363 = arith.constant 0 : i32
    %dma_start3A_1364 = tpu.memref_slice %arg15[%dma_start3A_1362, %dma_start3A_1363] : memref<10000x128xf32, #tpu.memory_space<vmem_shared>> -> memref<10000x128xf32, #tpu.memory_space<vmem_shared>>
    tpu.enqueue_indirect_dma source(%arg12 : memref<125x128xf32, #tpu.memory_space<vmem>>) target(%dma_start3A_1364 : memref<10000x128xf32, #tpu.memory_space<vmem_shared>>) offsets(%dma_start3A_1361 : memref<125xi32, #tpu.memory_space<vmem>>) semaphore(%arg20 : memref<!tpu.dma_semaphore, #tpu.memory_space<semaphore_mem>>) {add = true}
    %dma_wait3A_1365 = arith.constant 0 : i32
    %dma_wait3A_1366 = arith.constant 0 : i32
    %dma_wait3A_1367 = tpu.memref_slice %arg10[%dma_wait3A_1365, %dma_wait3A_1366] : memref<2x125xi32, #tpu.memory_space<vmem>> -> memref<1x125xi32, #tpu.memory_space<vmem>>
    %dma_wait3A_1368 = tpu.memref_squeeze %dma_wait3A_1367 : memref<1x125xi32, #tpu.memory_space<vmem>> -> memref<125xi32, #tpu.memory_space<vmem>>
    %dma_wait3A_1369 = arith.constant 0 : i32
    %dma_wait3A_1370 = arith.constant 0 : i32
    %dma_wait3A_1371 = tpu.memref_slice %arg15[%dma_wait3A_1369, %dma_wait3A_1370] : memref<10000x128xf32, #tpu.memory_space<vmem_shared>> -> memref<10000x128xf32, #tpu.memory_space<vmem_shared>>
    tpu.wait_indirect_dma semaphore(%arg21 : memref<!tpu.dma_semaphore, #tpu.memory_space<semaphore_mem>>) src(%arg13 : memref<125x128xf32, #tpu.memory_space<vmem>>) dst(%dma_wait3A_1371 : memref<10000x128xf32, #tpu.memory_space<vmem_shared>>)
    %dma_start3A_1372 = arith.constant 1 : i32
    %dma_start3A_1373 = arith.constant 0 : i32
    %dma_start3A_1374 = tpu.memref_slice %arg7[%dma_start3A_1372, %dma_start3A_1373] : memref<2x125xi32, #tpu.memory_space<vmem>> -> memref<1x125xi32, #tpu.memory_space<vmem>>
    %dma_start3A_1375 = tpu.memref_squeeze %dma_start3A_1374 : memref<1x125xi32, #tpu.memory_space<vmem>> -> memref<125xi32, #tpu.memory_space<vmem>>
    %dma_start3A_1376 = arith.constant 0 : i32
    %dma_start3A_1377 = arith.constant 0 : i32
    %dma_start3A_1378 = tpu.memref_slice %arg2[%dma_start3A_1376, %dma_start3A_1377] : memref<10000x128xf32, #tpu.memory_space<hbm>> -> memref<10000x128xf32, #tpu.memory_space<hbm>>
    tpu.enqueue_indirect_dma source(%dma_start3A_1378 : memref<10000x128xf32, #tpu.memory_space<hbm>>) target(%arg13 : memref<125x128xf32, #tpu.memory_space<vmem>>) offsets(%dma_start3A_1375 : memref<125xi32, #tpu.memory_space<vmem>>) semaphore(%arg18 : memref<!tpu.dma_semaphore, #tpu.memory_space<semaphore_mem>>)
    %dma_wait3A_1379 = arith.constant 1 : i32
    %dma_wait3A_1380 = arith.constant 0 : i32
    %dma_wait3A_1381 = tpu.memref_slice %arg7[%dma_wait3A_1379, %dma_wait3A_1380] : memref<2x125xi32, #tpu.memory_space<vmem>> -> memref<1x125xi32, #tpu.memory_space<vmem>>
    %dma_wait3A_1382 = tpu.memref_squeeze %dma_wait3A_1381 : memref<1x125xi32, #tpu.memory_space<vmem>> -> memref<125xi32, #tpu.memory_space<vmem>>
    %dma_wait3A_1383 = arith.constant 0 : i32
    %dma_wait3A_1384 = arith.constant 0 : i32
    %dma_wait3A_1385 = tpu.memref_slice %arg2[%dma_wait3A_1383, %dma_wait3A_1384] : memref<10000x128xf32, #tpu.memory_space<hbm>> -> memref<10000x128xf32, #tpu.memory_space<hbm>>
    tpu.wait_indirect_dma semaphore(%arg18 : memref<!tpu.dma_semaphore, #tpu.memory_space<semaphore_mem>>) src(%dma_wait3A_1385 : memref<10000x128xf32, #tpu.memory_space<hbm>>) dst(%arg13 : memref<125x128xf32, #tpu.memory_space<vmem>>)
    %dma_start3A_1386 = arith.constant 1 : i32
    %dma_start3A_1387 = arith.constant 0 : i32
    %dma_start3A_1388 = tpu.memref_slice %arg9[%dma_start3A_1386, %dma_start3A_1387] : memref<2x125xi32, #tpu.memory_space<vmem>> -> memref<1x125xi32, #tpu.memory_space<vmem>>
    %dma_start3A_1389 = tpu.memref_squeeze %dma_start3A_1388 : memref<1x125xi32, #tpu.memory_space<vmem>> -> memref<125xi32, #tpu.memory_space<vmem>>
    %dma_start3A_1390 = arith.constant 0 : i32
    %dma_start3A_1391 = arith.constant 0 : i32
    %dma_start3A_1392 = tpu.memref_slice %arg15[%dma_start3A_1390, %dma_start3A_1391] : memref<10000x128xf32, #tpu.memory_space<vmem_shared>> -> memref<10000x128xf32, #tpu.memory_space<vmem_shared>>
    tpu.enqueue_indirect_dma source(%arg13 : memref<125x128xf32, #tpu.memory_space<vmem>>) target(%dma_start3A_1392 : memref<10000x128xf32, #tpu.memory_space<vmem_shared>>) offsets(%dma_start3A_1389 : memref<125xi32, #tpu.memory_space<vmem>>) semaphore(%arg21 : memref<!tpu.dma_semaphore, #tpu.memory_space<semaphore_mem>>) {add = true}
    %dma_wait3A_1393 = arith.constant 1 : i32
    %dma_wait3A_1394 = arith.constant 0 : i32
    %dma_wait3A_1395 = tpu.memref_slice %arg10[%dma_wait3A_1393, %dma_wait3A_1394] : memref<2x125xi32, #tpu.memory_space<vmem>> -> memref<1x125xi32, #tpu.memory_space<vmem>>
    %dma_wait3A_1396 = tpu.memref_squeeze %dma_wait3A_1395 : memref<1x125xi32, #tpu.memory_space<vmem>> -> memref<125xi32, #tpu.memory_space<vmem>>
    %dma_wait3A_1397 = arith.constant 0 : i32
    %dma_wait3A_1398 = arith.constant 0 : i32
    %dma_wait3A_1399 = tpu.memref_slice %arg15[%dma_wait3A_1397, %dma_wait3A_1398] : memref<10000x128xf32, #tpu.memory_space<vmem_shared>> -> memref<10000x128xf32, #tpu.memory_space<vmem_shared>>
    tpu.wait_indirect_dma semaphore(%arg19 : memref<!tpu.dma_semaphore, #tpu.memory_space<semaphore_mem>>) src(%arg11 : memref<125x128xf32, #tpu.memory_space<vmem>>) dst(%dma_wait3A_1399 : memref<10000x128xf32, #tpu.memory_space<vmem_shared>>)
    %mul3A_1400 = arith.constant 40 : i32
    %mul3A_1401 = arith.muli %add3A, %mul3A_1400 : i32
    %add3A_1402 = arith.constant 32 : i32
    %add3A_1403 = arith.addi %mul3A_1401, %add3A_1402 : i32
    %dma_start3A_1404 = arith.constant 0 : i32
    %dma_start3A_1405 = tpu.memref_slice %arg3[%add3A_1403, %dma_start3A_1404] : memref<2560x125xi32, #tpu.memory_space<hbm>> -> memref<2x125xi32, #tpu.memory_space<hbm>>
    %dma_start3A_1406 = arith.constant 0 : i32
    %dma_start3A_1407 = tpu.memref_slice %arg3[%add3A_1403, %dma_start3A_1406] : memref<2560x125xi32, #tpu.memory_space<hbm>> -> memref<2x125xi32, #tpu.memory_space<hbm>>
    tpu.enqueue_dma source(%dma_start3A_1407 : memref<2x125xi32, #tpu.memory_space<hbm>>) target(%arg7 : memref<2x125xi32, #tpu.memory_space<vmem>>) target_semaphore(%arg22 : memref<!tpu.dma_semaphore, #tpu.memory_space<semaphore_mem>>)
    %mul3A_1408 = arith.constant 40 : i32
    %mul3A_1409 = arith.muli %add3A, %mul3A_1408 : i32
    %add3A_1410 = arith.constant 1280 : i32
    %add3A_1411 = arith.addi %add3A_1410, %mul3A_1409 : i32
    %add3A_1412 = arith.constant 30 : i32
    %add3A_1413 = arith.addi %add3A_1411, %add3A_1412 : i32
    %dma_start3A_1414 = arith.constant 0 : i32
    %dma_start3A_1415 = tpu.memref_slice %arg3[%add3A_1413, %dma_start3A_1414] : memref<2560x125xi32, #tpu.memory_space<hbm>> -> memref<2x125xi32, #tpu.memory_space<hbm>>
    %dma_start3A_1416 = arith.constant 0 : i32
    %dma_start3A_1417 = tpu.memref_slice %arg3[%add3A_1413, %dma_start3A_1416] : memref<2560x125xi32, #tpu.memory_space<hbm>> -> memref<2x125xi32, #tpu.memory_space<hbm>>
    tpu.enqueue_dma source(%dma_start3A_1417 : memref<2x125xi32, #tpu.memory_space<hbm>>) target(%arg10 : memref<2x125xi32, #tpu.memory_space<vmem>>) target_semaphore(%arg25 : memref<!tpu.dma_semaphore, #tpu.memory_space<semaphore_mem>>)
    %mul3A_1418 = arith.constant 40 : i32
    %mul3A_1419 = arith.muli %add3A, %mul3A_1418 : i32
    %add3A_1420 = arith.constant 30 : i32
    %add3A_1421 = arith.addi %mul3A_1419, %add3A_1420 : i32
    %dma_wait3A_1422 = arith.constant 0 : i32
    %dma_wait3A_1423 = tpu.memref_slice %arg3[%add3A_1421, %dma_wait3A_1422] : memref<2560x125xi32, #tpu.memory_space<hbm>> -> memref<2x125xi32, #tpu.memory_space<hbm>>
    %dma_wait3A_1424 = arith.constant 0 : i32
    %dma_wait3A_1425 = tpu.memref_slice %arg3[%add3A_1421, %dma_wait3A_1424] : memref<2560x125xi32, #tpu.memory_space<hbm>> -> memref<2x125xi32, #tpu.memory_space<hbm>>
    tpu.wait_dma2 semaphore(%arg23 : memref<!tpu.dma_semaphore, #tpu.memory_space<semaphore_mem>>) src(%dma_wait3A_1425 : memref<2x125xi32, #tpu.memory_space<hbm>>) dst(%arg8 : memref<2x125xi32, #tpu.memory_space<vmem>>)
    %dma_start3A_1426 = arith.constant 0 : i32
    %dma_start3A_1427 = arith.constant 0 : i32
    %dma_start3A_1428 = tpu.memref_slice %arg8[%dma_start3A_1426, %dma_start3A_1427] : memref<2x125xi32, #tpu.memory_space<vmem>> -> memref<1x125xi32, #tpu.memory_space<vmem>>
    %dma_start3A_1429 = tpu.memref_squeeze %dma_start3A_1428 : memref<1x125xi32, #tpu.memory_space<vmem>> -> memref<125xi32, #tpu.memory_space<vmem>>
    %dma_start3A_1430 = arith.constant 0 : i32
    %dma_start3A_1431 = arith.constant 0 : i32
    %dma_start3A_1432 = tpu.memref_slice %arg2[%dma_start3A_1430, %dma_start3A_1431] : memref<10000x128xf32, #tpu.memory_space<hbm>> -> memref<10000x128xf32, #tpu.memory_space<hbm>>
    tpu.enqueue_indirect_dma source(%dma_start3A_1432 : memref<10000x128xf32, #tpu.memory_space<hbm>>) target(%arg11 : memref<125x128xf32, #tpu.memory_space<vmem>>) offsets(%dma_start3A_1429 : memref<125xi32, #tpu.memory_space<vmem>>) semaphore(%arg16 : memref<!tpu.dma_semaphore, #tpu.memory_space<semaphore_mem>>)
    %mul3A_1433 = arith.constant 40 : i32
    %mul3A_1434 = arith.muli %add3A, %mul3A_1433 : i32
    %add3A_1435 = arith.constant 1280 : i32
    %add3A_1436 = arith.addi %add3A_1435, %mul3A_1434 : i32
    %add3A_1437 = arith.constant 30 : i32
    %add3A_1438 = arith.addi %add3A_1436, %add3A_1437 : i32
    %dma_wait3A_1439 = arith.constant 0 : i32
    %dma_wait3A_1440 = tpu.memref_slice %arg3[%add3A_1438, %dma_wait3A_1439] : memref<2560x125xi32, #tpu.memory_space<hbm>> -> memref<2x125xi32, #tpu.memory_space<hbm>>
    %dma_wait3A_1441 = arith.constant 0 : i32
    %dma_wait3A_1442 = tpu.memref_slice %arg3[%add3A_1438, %dma_wait3A_1441] : memref<2560x125xi32, #tpu.memory_space<hbm>> -> memref<2x125xi32, #tpu.memory_space<hbm>>
    tpu.wait_dma2 semaphore(%arg25 : memref<!tpu.dma_semaphore, #tpu.memory_space<semaphore_mem>>) src(%dma_wait3A_1442 : memref<2x125xi32, #tpu.memory_space<hbm>>) dst(%arg10 : memref<2x125xi32, #tpu.memory_space<vmem>>)
    %dma_wait3A_1443 = arith.constant 0 : i32
    %dma_wait3A_1444 = arith.constant 0 : i32
    %dma_wait3A_1445 = tpu.memref_slice %arg8[%dma_wait3A_1443, %dma_wait3A_1444] : memref<2x125xi32, #tpu.memory_space<vmem>> -> memref<1x125xi32, #tpu.memory_space<vmem>>
    %dma_wait3A_1446 = tpu.memref_squeeze %dma_wait3A_1445 : memref<1x125xi32, #tpu.memory_space<vmem>> -> memref<125xi32, #tpu.memory_space<vmem>>
    %dma_wait3A_1447 = arith.constant 0 : i32
    %dma_wait3A_1448 = arith.constant 0 : i32
    %dma_wait3A_1449 = tpu.memref_slice %arg2[%dma_wait3A_1447, %dma_wait3A_1448] : memref<10000x128xf32, #tpu.memory_space<hbm>> -> memref<10000x128xf32, #tpu.memory_space<hbm>>
    tpu.wait_indirect_dma semaphore(%arg16 : memref<!tpu.dma_semaphore, #tpu.memory_space<semaphore_mem>>) src(%dma_wait3A_1449 : memref<10000x128xf32, #tpu.memory_space<hbm>>) dst(%arg11 : memref<125x128xf32, #tpu.memory_space<vmem>>)
    %dma_start3A_1450 = arith.constant 0 : i32
    %dma_start3A_1451 = arith.constant 0 : i32
    %dma_start3A_1452 = tpu.memref_slice %arg10[%dma_start3A_1450, %dma_start3A_1451] : memref<2x125xi32, #tpu.memory_space<vmem>> -> memref<1x125xi32, #tpu.memory_space<vmem>>
    %dma_start3A_1453 = tpu.memref_squeeze %dma_start3A_1452 : memref<1x125xi32, #tpu.memory_space<vmem>> -> memref<125xi32, #tpu.memory_space<vmem>>
    %dma_start3A_1454 = arith.constant 0 : i32
    %dma_start3A_1455 = arith.constant 0 : i32
    %dma_start3A_1456 = tpu.memref_slice %arg15[%dma_start3A_1454, %dma_start3A_1455] : memref<10000x128xf32, #tpu.memory_space<vmem_shared>> -> memref<10000x128xf32, #tpu.memory_space<vmem_shared>>
    tpu.enqueue_indirect_dma source(%arg11 : memref<125x128xf32, #tpu.memory_space<vmem>>) target(%dma_start3A_1456 : memref<10000x128xf32, #tpu.memory_space<vmem_shared>>) offsets(%dma_start3A_1453 : memref<125xi32, #tpu.memory_space<vmem>>) semaphore(%arg19 : memref<!tpu.dma_semaphore, #tpu.memory_space<semaphore_mem>>) {add = true}
    %dma_wait3A_1457 = arith.constant 0 : i32
    %dma_wait3A_1458 = arith.constant 0 : i32
    %dma_wait3A_1459 = tpu.memref_slice %arg9[%dma_wait3A_1457, %dma_wait3A_1458] : memref<2x125xi32, #tpu.memory_space<vmem>> -> memref<1x125xi32, #tpu.memory_space<vmem>>
    %dma_wait3A_1460 = tpu.memref_squeeze %dma_wait3A_1459 : memref<1x125xi32, #tpu.memory_space<vmem>> -> memref<125xi32, #tpu.memory_space<vmem>>
    %dma_wait3A_1461 = arith.constant 0 : i32
    %dma_wait3A_1462 = arith.constant 0 : i32
    %dma_wait3A_1463 = tpu.memref_slice %arg15[%dma_wait3A_1461, %dma_wait3A_1462] : memref<10000x128xf32, #tpu.memory_space<vmem_shared>> -> memref<10000x128xf32, #tpu.memory_space<vmem_shared>>
    tpu.wait_indirect_dma semaphore(%arg20 : memref<!tpu.dma_semaphore, #tpu.memory_space<semaphore_mem>>) src(%arg12 : memref<125x128xf32, #tpu.memory_space<vmem>>) dst(%dma_wait3A_1463 : memref<10000x128xf32, #tpu.memory_space<vmem_shared>>)
    %dma_start3A_1464 = arith.constant 1 : i32
    %dma_start3A_1465 = arith.constant 0 : i32
    %dma_start3A_1466 = tpu.memref_slice %arg8[%dma_start3A_1464, %dma_start3A_1465] : memref<2x125xi32, #tpu.memory_space<vmem>> -> memref<1x125xi32, #tpu.memory_space<vmem>>
    %dma_start3A_1467 = tpu.memref_squeeze %dma_start3A_1466 : memref<1x125xi32, #tpu.memory_space<vmem>> -> memref<125xi32, #tpu.memory_space<vmem>>
    %dma_start3A_1468 = arith.constant 0 : i32
    %dma_start3A_1469 = arith.constant 0 : i32
    %dma_start3A_1470 = tpu.memref_slice %arg2[%dma_start3A_1468, %dma_start3A_1469] : memref<10000x128xf32, #tpu.memory_space<hbm>> -> memref<10000x128xf32, #tpu.memory_space<hbm>>
    tpu.enqueue_indirect_dma source(%dma_start3A_1470 : memref<10000x128xf32, #tpu.memory_space<hbm>>) target(%arg12 : memref<125x128xf32, #tpu.memory_space<vmem>>) offsets(%dma_start3A_1467 : memref<125xi32, #tpu.memory_space<vmem>>) semaphore(%arg17 : memref<!tpu.dma_semaphore, #tpu.memory_space<semaphore_mem>>)
    %dma_wait3A_1471 = arith.constant 1 : i32
    %dma_wait3A_1472 = arith.constant 0 : i32
    %dma_wait3A_1473 = tpu.memref_slice %arg8[%dma_wait3A_1471, %dma_wait3A_1472] : memref<2x125xi32, #tpu.memory_space<vmem>> -> memref<1x125xi32, #tpu.memory_space<vmem>>
    %dma_wait3A_1474 = tpu.memref_squeeze %dma_wait3A_1473 : memref<1x125xi32, #tpu.memory_space<vmem>> -> memref<125xi32, #tpu.memory_space<vmem>>
    %dma_wait3A_1475 = arith.constant 0 : i32
    %dma_wait3A_1476 = arith.constant 0 : i32
    %dma_wait3A_1477 = tpu.memref_slice %arg2[%dma_wait3A_1475, %dma_wait3A_1476] : memref<10000x128xf32, #tpu.memory_space<hbm>> -> memref<10000x128xf32, #tpu.memory_space<hbm>>
    tpu.wait_indirect_dma semaphore(%arg17 : memref<!tpu.dma_semaphore, #tpu.memory_space<semaphore_mem>>) src(%dma_wait3A_1477 : memref<10000x128xf32, #tpu.memory_space<hbm>>) dst(%arg12 : memref<125x128xf32, #tpu.memory_space<vmem>>)
    %dma_start3A_1478 = arith.constant 1 : i32
    %dma_start3A_1479 = arith.constant 0 : i32
    %dma_start3A_1480 = tpu.memref_slice %arg10[%dma_start3A_1478, %dma_start3A_1479] : memref<2x125xi32, #tpu.memory_space<vmem>> -> memref<1x125xi32, #tpu.memory_space<vmem>>
    %dma_start3A_1481 = tpu.memref_squeeze %dma_start3A_1480 : memref<1x125xi32, #tpu.memory_space<vmem>> -> memref<125xi32, #tpu.memory_space<vmem>>
    %dma_start3A_1482 = arith.constant 0 : i32
    %dma_start3A_1483 = arith.constant 0 : i32
    %dma_start3A_1484 = tpu.memref_slice %arg15[%dma_start3A_1482, %dma_start3A_1483] : memref<10000x128xf32, #tpu.memory_space<vmem_shared>> -> memref<10000x128xf32, #tpu.memory_space<vmem_shared>>
    tpu.enqueue_indirect_dma source(%arg12 : memref<125x128xf32, #tpu.memory_space<vmem>>) target(%dma_start3A_1484 : memref<10000x128xf32, #tpu.memory_space<vmem_shared>>) offsets(%dma_start3A_1481 : memref<125xi32, #tpu.memory_space<vmem>>) semaphore(%arg20 : memref<!tpu.dma_semaphore, #tpu.memory_space<semaphore_mem>>) {add = true}
    %dma_wait3A_1485 = arith.constant 1 : i32
    %dma_wait3A_1486 = arith.constant 0 : i32
    %dma_wait3A_1487 = tpu.memref_slice %arg9[%dma_wait3A_1485, %dma_wait3A_1486] : memref<2x125xi32, #tpu.memory_space<vmem>> -> memref<1x125xi32, #tpu.memory_space<vmem>>
    %dma_wait3A_1488 = tpu.memref_squeeze %dma_wait3A_1487 : memref<1x125xi32, #tpu.memory_space<vmem>> -> memref<125xi32, #tpu.memory_space<vmem>>
    %dma_wait3A_1489 = arith.constant 0 : i32
    %dma_wait3A_1490 = arith.constant 0 : i32
    %dma_wait3A_1491 = tpu.memref_slice %arg15[%dma_wait3A_1489, %dma_wait3A_1490] : memref<10000x128xf32, #tpu.memory_space<vmem_shared>> -> memref<10000x128xf32, #tpu.memory_space<vmem_shared>>
    tpu.wait_indirect_dma semaphore(%arg21 : memref<!tpu.dma_semaphore, #tpu.memory_space<semaphore_mem>>) src(%arg13 : memref<125x128xf32, #tpu.memory_space<vmem>>) dst(%dma_wait3A_1491 : memref<10000x128xf32, #tpu.memory_space<vmem_shared>>)
    %mul3A_1492 = arith.constant 40 : i32
    %mul3A_1493 = arith.muli %add3A, %mul3A_1492 : i32
    %add3A_1494 = arith.constant 34 : i32
    %add3A_1495 = arith.addi %mul3A_1493, %add3A_1494 : i32
    %dma_start3A_1496 = arith.constant 0 : i32
    %dma_start3A_1497 = tpu.memref_slice %arg3[%add3A_1495, %dma_start3A_1496] : memref<2560x125xi32, #tpu.memory_space<hbm>> -> memref<2x125xi32, #tpu.memory_space<hbm>>
    %dma_start3A_1498 = arith.constant 0 : i32
    %dma_start3A_1499 = tpu.memref_slice %arg3[%add3A_1495, %dma_start3A_1498] : memref<2560x125xi32, #tpu.memory_space<hbm>> -> memref<2x125xi32, #tpu.memory_space<hbm>>
    tpu.enqueue_dma source(%dma_start3A_1499 : memref<2x125xi32, #tpu.memory_space<hbm>>) target(%arg8 : memref<2x125xi32, #tpu.memory_space<vmem>>) target_semaphore(%arg23 : memref<!tpu.dma_semaphore, #tpu.memory_space<semaphore_mem>>)
    %mul3A_1500 = arith.constant 40 : i32
    %mul3A_1501 = arith.muli %add3A, %mul3A_1500 : i32
    %add3A_1502 = arith.constant 1280 : i32
    %add3A_1503 = arith.addi %add3A_1502, %mul3A_1501 : i32
    %add3A_1504 = arith.constant 32 : i32
    %add3A_1505 = arith.addi %add3A_1503, %add3A_1504 : i32
    %dma_start3A_1506 = arith.constant 0 : i32
    %dma_start3A_1507 = tpu.memref_slice %arg3[%add3A_1505, %dma_start3A_1506] : memref<2560x125xi32, #tpu.memory_space<hbm>> -> memref<2x125xi32, #tpu.memory_space<hbm>>
    %dma_start3A_1508 = arith.constant 0 : i32
    %dma_start3A_1509 = tpu.memref_slice %arg3[%add3A_1505, %dma_start3A_1508] : memref<2560x125xi32, #tpu.memory_space<hbm>> -> memref<2x125xi32, #tpu.memory_space<hbm>>
    tpu.enqueue_dma source(%dma_start3A_1509 : memref<2x125xi32, #tpu.memory_space<hbm>>) target(%arg9 : memref<2x125xi32, #tpu.memory_space<vmem>>) target_semaphore(%arg24 : memref<!tpu.dma_semaphore, #tpu.memory_space<semaphore_mem>>)
    %mul3A_1510 = arith.constant 40 : i32
    %mul3A_1511 = arith.muli %add3A, %mul3A_1510 : i32
    %add3A_1512 = arith.constant 32 : i32
    %add3A_1513 = arith.addi %mul3A_1511, %add3A_1512 : i32
    %dma_wait3A_1514 = arith.constant 0 : i32
    %dma_wait3A_1515 = tpu.memref_slice %arg3[%add3A_1513, %dma_wait3A_1514] : memref<2560x125xi32, #tpu.memory_space<hbm>> -> memref<2x125xi32, #tpu.memory_space<hbm>>
    %dma_wait3A_1516 = arith.constant 0 : i32
    %dma_wait3A_1517 = tpu.memref_slice %arg3[%add3A_1513, %dma_wait3A_1516] : memref<2560x125xi32, #tpu.memory_space<hbm>> -> memref<2x125xi32, #tpu.memory_space<hbm>>
    tpu.wait_dma2 semaphore(%arg22 : memref<!tpu.dma_semaphore, #tpu.memory_space<semaphore_mem>>) src(%dma_wait3A_1517 : memref<2x125xi32, #tpu.memory_space<hbm>>) dst(%arg7 : memref<2x125xi32, #tpu.memory_space<vmem>>)
    %dma_start3A_1518 = arith.constant 0 : i32
    %dma_start3A_1519 = arith.constant 0 : i32
    %dma_start3A_1520 = tpu.memref_slice %arg7[%dma_start3A_1518, %dma_start3A_1519] : memref<2x125xi32, #tpu.memory_space<vmem>> -> memref<1x125xi32, #tpu.memory_space<vmem>>
    %dma_start3A_1521 = tpu.memref_squeeze %dma_start3A_1520 : memref<1x125xi32, #tpu.memory_space<vmem>> -> memref<125xi32, #tpu.memory_space<vmem>>
    %dma_start3A_1522 = arith.constant 0 : i32
    %dma_start3A_1523 = arith.constant 0 : i32
    %dma_start3A_1524 = tpu.memref_slice %arg2[%dma_start3A_1522, %dma_start3A_1523] : memref<10000x128xf32, #tpu.memory_space<hbm>> -> memref<10000x128xf32, #tpu.memory_space<hbm>>
    tpu.enqueue_indirect_dma source(%dma_start3A_1524 : memref<10000x128xf32, #tpu.memory_space<hbm>>) target(%arg13 : memref<125x128xf32, #tpu.memory_space<vmem>>) offsets(%dma_start3A_1521 : memref<125xi32, #tpu.memory_space<vmem>>) semaphore(%arg18 : memref<!tpu.dma_semaphore, #tpu.memory_space<semaphore_mem>>)
    %mul3A_1525 = arith.constant 40 : i32
    %mul3A_1526 = arith.muli %add3A, %mul3A_1525 : i32
    %add3A_1527 = arith.constant 1280 : i32
    %add3A_1528 = arith.addi %add3A_1527, %mul3A_1526 : i32
    %add3A_1529 = arith.constant 32 : i32
    %add3A_1530 = arith.addi %add3A_1528, %add3A_1529 : i32
    %dma_wait3A_1531 = arith.constant 0 : i32
    %dma_wait3A_1532 = tpu.memref_slice %arg3[%add3A_1530, %dma_wait3A_1531] : memref<2560x125xi32, #tpu.memory_space<hbm>> -> memref<2x125xi32, #tpu.memory_space<hbm>>
    %dma_wait3A_1533 = arith.constant 0 : i32
    %dma_wait3A_1534 = tpu.memref_slice %arg3[%add3A_1530, %dma_wait3A_1533] : memref<2560x125xi32, #tpu.memory_space<hbm>> -> memref<2x125xi32, #tpu.memory_space<hbm>>
    tpu.wait_dma2 semaphore(%arg24 : memref<!tpu.dma_semaphore, #tpu.memory_space<semaphore_mem>>) src(%dma_wait3A_1534 : memref<2x125xi32, #tpu.memory_space<hbm>>) dst(%arg9 : memref<2x125xi32, #tpu.memory_space<vmem>>)
    %dma_wait3A_1535 = arith.constant 0 : i32
    %dma_wait3A_1536 = arith.constant 0 : i32
    %dma_wait3A_1537 = tpu.memref_slice %arg7[%dma_wait3A_1535, %dma_wait3A_1536] : memref<2x125xi32, #tpu.memory_space<vmem>> -> memref<1x125xi32, #tpu.memory_space<vmem>>
    %dma_wait3A_1538 = tpu.memref_squeeze %dma_wait3A_1537 : memref<1x125xi32, #tpu.memory_space<vmem>> -> memref<125xi32, #tpu.memory_space<vmem>>
    %dma_wait3A_1539 = arith.constant 0 : i32
    %dma_wait3A_1540 = arith.constant 0 : i32
    %dma_wait3A_1541 = tpu.memref_slice %arg2[%dma_wait3A_1539, %dma_wait3A_1540] : memref<10000x128xf32, #tpu.memory_space<hbm>> -> memref<10000x128xf32, #tpu.memory_space<hbm>>
    tpu.wait_indirect_dma semaphore(%arg18 : memref<!tpu.dma_semaphore, #tpu.memory_space<semaphore_mem>>) src(%dma_wait3A_1541 : memref<10000x128xf32, #tpu.memory_space<hbm>>) dst(%arg13 : memref<125x128xf32, #tpu.memory_space<vmem>>)
    %dma_start3A_1542 = arith.constant 0 : i32
    %dma_start3A_1543 = arith.constant 0 : i32
    %dma_start3A_1544 = tpu.memref_slice %arg9[%dma_start3A_1542, %dma_start3A_1543] : memref<2x125xi32, #tpu.memory_space<vmem>> -> memref<1x125xi32, #tpu.memory_space<vmem>>
    %dma_start3A_1545 = tpu.memref_squeeze %dma_start3A_1544 : memref<1x125xi32, #tpu.memory_space<vmem>> -> memref<125xi32, #tpu.memory_space<vmem>>
    %dma_start3A_1546 = arith.constant 0 : i32
    %dma_start3A_1547 = arith.constant 0 : i32
    %dma_start3A_1548 = tpu.memref_slice %arg15[%dma_start3A_1546, %dma_start3A_1547] : memref<10000x128xf32, #tpu.memory_space<vmem_shared>> -> memref<10000x128xf32, #tpu.memory_space<vmem_shared>>
    tpu.enqueue_indirect_dma source(%arg13 : memref<125x128xf32, #tpu.memory_space<vmem>>) target(%dma_start3A_1548 : memref<10000x128xf32, #tpu.memory_space<vmem_shared>>) offsets(%dma_start3A_1545 : memref<125xi32, #tpu.memory_space<vmem>>) semaphore(%arg21 : memref<!tpu.dma_semaphore, #tpu.memory_space<semaphore_mem>>) {add = true}
    %dma_wait3A_1549 = arith.constant 0 : i32
    %dma_wait3A_1550 = arith.constant 0 : i32
    %dma_wait3A_1551 = tpu.memref_slice %arg10[%dma_wait3A_1549, %dma_wait3A_1550] : memref<2x125xi32, #tpu.memory_space<vmem>> -> memref<1x125xi32, #tpu.memory_space<vmem>>
    %dma_wait3A_1552 = tpu.memref_squeeze %dma_wait3A_1551 : memref<1x125xi32, #tpu.memory_space<vmem>> -> memref<125xi32, #tpu.memory_space<vmem>>
    %dma_wait3A_1553 = arith.constant 0 : i32
    %dma_wait3A_1554 = arith.constant 0 : i32
    %dma_wait3A_1555 = tpu.memref_slice %arg15[%dma_wait3A_1553, %dma_wait3A_1554] : memref<10000x128xf32, #tpu.memory_space<vmem_shared>> -> memref<10000x128xf32, #tpu.memory_space<vmem_shared>>
    tpu.wait_indirect_dma semaphore(%arg19 : memref<!tpu.dma_semaphore, #tpu.memory_space<semaphore_mem>>) src(%arg11 : memref<125x128xf32, #tpu.memory_space<vmem>>) dst(%dma_wait3A_1555 : memref<10000x128xf32, #tpu.memory_space<vmem_shared>>)
    %dma_start3A_1556 = arith.constant 1 : i32
    %dma_start3A_1557 = arith.constant 0 : i32
    %dma_start3A_1558 = tpu.memref_slice %arg7[%dma_start3A_1556, %dma_start3A_1557] : memref<2x125xi32, #tpu.memory_space<vmem>> -> memref<1x125xi32, #tpu.memory_space<vmem>>
    %dma_start3A_1559 = tpu.memref_squeeze %dma_start3A_1558 : memref<1x125xi32, #tpu.memory_space<vmem>> -> memref<125xi32, #tpu.memory_space<vmem>>
    %dma_start3A_1560 = arith.constant 0 : i32
    %dma_start3A_1561 = arith.constant 0 : i32
    %dma_start3A_1562 = tpu.memref_slice %arg2[%dma_start3A_1560, %dma_start3A_1561] : memref<10000x128xf32, #tpu.memory_space<hbm>> -> memref<10000x128xf32, #tpu.memory_space<hbm>>
    tpu.enqueue_indirect_dma source(%dma_start3A_1562 : memref<10000x128xf32, #tpu.memory_space<hbm>>) target(%arg11 : memref<125x128xf32, #tpu.memory_space<vmem>>) offsets(%dma_start3A_1559 : memref<125xi32, #tpu.memory_space<vmem>>) semaphore(%arg16 : memref<!tpu.dma_semaphore, #tpu.memory_space<semaphore_mem>>)
    %dma_wait3A_1563 = arith.constant 1 : i32
    %dma_wait3A_1564 = arith.constant 0 : i32
    %dma_wait3A_1565 = tpu.memref_slice %arg7[%dma_wait3A_1563, %dma_wait3A_1564] : memref<2x125xi32, #tpu.memory_space<vmem>> -> memref<1x125xi32, #tpu.memory_space<vmem>>
    %dma_wait3A_1566 = tpu.memref_squeeze %dma_wait3A_1565 : memref<1x125xi32, #tpu.memory_space<vmem>> -> memref<125xi32, #tpu.memory_space<vmem>>
    %dma_wait3A_1567 = arith.constant 0 : i32
    %dma_wait3A_1568 = arith.constant 0 : i32
    %dma_wait3A_1569 = tpu.memref_slice %arg2[%dma_wait3A_1567, %dma_wait3A_1568] : memref<10000x128xf32, #tpu.memory_space<hbm>> -> memref<10000x128xf32, #tpu.memory_space<hbm>>
    tpu.wait_indirect_dma semaphore(%arg16 : memref<!tpu.dma_semaphore, #tpu.memory_space<semaphore_mem>>) src(%dma_wait3A_1569 : memref<10000x128xf32, #tpu.memory_space<hbm>>) dst(%arg11 : memref<125x128xf32, #tpu.memory_space<vmem>>)
    %dma_start3A_1570 = arith.constant 1 : i32
    %dma_start3A_1571 = arith.constant 0 : i32
    %dma_start3A_1572 = tpu.memref_slice %arg9[%dma_start3A_1570, %dma_start3A_1571] : memref<2x125xi32, #tpu.memory_space<vmem>> -> memref<1x125xi32, #tpu.memory_space<vmem>>
    %dma_start3A_1573 = tpu.memref_squeeze %dma_start3A_1572 : memref<1x125xi32, #tpu.memory_space<vmem>> -> memref<125xi32, #tpu.memory_space<vmem>>
    %dma_start3A_1574 = arith.constant 0 : i32
    %dma_start3A_1575 = arith.constant 0 : i32
    %dma_start3A_1576 = tpu.memref_slice %arg15[%dma_start3A_1574, %dma_start3A_1575] : memref<10000x128xf32, #tpu.memory_space<vmem_shared>> -> memref<10000x128xf32, #tpu.memory_space<vmem_shared>>
    tpu.enqueue_indirect_dma source(%arg11 : memref<125x128xf32, #tpu.memory_space<vmem>>) target(%dma_start3A_1576 : memref<10000x128xf32, #tpu.memory_space<vmem_shared>>) offsets(%dma_start3A_1573 : memref<125xi32, #tpu.memory_space<vmem>>) semaphore(%arg19 : memref<!tpu.dma_semaphore, #tpu.memory_space<semaphore_mem>>) {add = true}
    %dma_wait3A_1577 = arith.constant 1 : i32
    %dma_wait3A_1578 = arith.constant 0 : i32
    %dma_wait3A_1579 = tpu.memref_slice %arg10[%dma_wait3A_1577, %dma_wait3A_1578] : memref<2x125xi32, #tpu.memory_space<vmem>> -> memref<1x125xi32, #tpu.memory_space<vmem>>
    %dma_wait3A_1580 = tpu.memref_squeeze %dma_wait3A_1579 : memref<1x125xi32, #tpu.memory_space<vmem>> -> memref<125xi32, #tpu.memory_space<vmem>>
    %dma_wait3A_1581 = arith.constant 0 : i32
    %dma_wait3A_1582 = arith.constant 0 : i32
    %dma_wait3A_1583 = tpu.memref_slice %arg15[%dma_wait3A_1581, %dma_wait3A_1582] : memref<10000x128xf32, #tpu.memory_space<vmem_shared>> -> memref<10000x128xf32, #tpu.memory_space<vmem_shared>>
    tpu.wait_indirect_dma semaphore(%arg20 : memref<!tpu.dma_semaphore, #tpu.memory_space<semaphore_mem>>) src(%arg12 : memref<125x128xf32, #tpu.memory_space<vmem>>) dst(%dma_wait3A_1583 : memref<10000x128xf32, #tpu.memory_space<vmem_shared>>)
    %mul3A_1584 = arith.constant 40 : i32
    %mul3A_1585 = arith.muli %add3A, %mul3A_1584 : i32
    %add3A_1586 = arith.constant 36 : i32
    %add3A_1587 = arith.addi %mul3A_1585, %add3A_1586 : i32
    %dma_start3A_1588 = arith.constant 0 : i32
    %dma_start3A_1589 = tpu.memref_slice %arg3[%add3A_1587, %dma_start3A_1588] : memref<2560x125xi32, #tpu.memory_space<hbm>> -> memref<2x125xi32, #tpu.memory_space<hbm>>
    %dma_start3A_1590 = arith.constant 0 : i32
    %dma_start3A_1591 = tpu.memref_slice %arg3[%add3A_1587, %dma_start3A_1590] : memref<2560x125xi32, #tpu.memory_space<hbm>> -> memref<2x125xi32, #tpu.memory_space<hbm>>
    tpu.enqueue_dma source(%dma_start3A_1591 : memref<2x125xi32, #tpu.memory_space<hbm>>) target(%arg7 : memref<2x125xi32, #tpu.memory_space<vmem>>) target_semaphore(%arg22 : memref<!tpu.dma_semaphore, #tpu.memory_space<semaphore_mem>>)
    %mul3A_1592 = arith.constant 40 : i32
    %mul3A_1593 = arith.muli %add3A, %mul3A_1592 : i32
    %add3A_1594 = arith.constant 1280 : i32
    %add3A_1595 = arith.addi %add3A_1594, %mul3A_1593 : i32
    %add3A_1596 = arith.constant 34 : i32
    %add3A_1597 = arith.addi %add3A_1595, %add3A_1596 : i32
    %dma_start3A_1598 = arith.constant 0 : i32
    %dma_start3A_1599 = tpu.memref_slice %arg3[%add3A_1597, %dma_start3A_1598] : memref<2560x125xi32, #tpu.memory_space<hbm>> -> memref<2x125xi32, #tpu.memory_space<hbm>>
    %dma_start3A_1600 = arith.constant 0 : i32
    %dma_start3A_1601 = tpu.memref_slice %arg3[%add3A_1597, %dma_start3A_1600] : memref<2560x125xi32, #tpu.memory_space<hbm>> -> memref<2x125xi32, #tpu.memory_space<hbm>>
    tpu.enqueue_dma source(%dma_start3A_1601 : memref<2x125xi32, #tpu.memory_space<hbm>>) target(%arg10 : memref<2x125xi32, #tpu.memory_space<vmem>>) target_semaphore(%arg25 : memref<!tpu.dma_semaphore, #tpu.memory_space<semaphore_mem>>)
    %mul3A_1602 = arith.constant 40 : i32
    %mul3A_1603 = arith.muli %add3A, %mul3A_1602 : i32
    %add3A_1604 = arith.constant 34 : i32
    %add3A_1605 = arith.addi %mul3A_1603, %add3A_1604 : i32
    %dma_wait3A_1606 = arith.constant 0 : i32
    %dma_wait3A_1607 = tpu.memref_slice %arg3[%add3A_1605, %dma_wait3A_1606] : memref<2560x125xi32, #tpu.memory_space<hbm>> -> memref<2x125xi32, #tpu.memory_space<hbm>>
    %dma_wait3A_1608 = arith.constant 0 : i32
    %dma_wait3A_1609 = tpu.memref_slice %arg3[%add3A_1605, %dma_wait3A_1608] : memref<2560x125xi32, #tpu.memory_space<hbm>> -> memref<2x125xi32, #tpu.memory_space<hbm>>
    tpu.wait_dma2 semaphore(%arg23 : memref<!tpu.dma_semaphore, #tpu.memory_space<semaphore_mem>>) src(%dma_wait3A_1609 : memref<2x125xi32, #tpu.memory_space<hbm>>) dst(%arg8 : memref<2x125xi32, #tpu.memory_space<vmem>>)
    %dma_start3A_1610 = arith.constant 0 : i32
    %dma_start3A_1611 = arith.constant 0 : i32
    %dma_start3A_1612 = tpu.memref_slice %arg8[%dma_start3A_1610, %dma_start3A_1611] : memref<2x125xi32, #tpu.memory_space<vmem>> -> memref<1x125xi32, #tpu.memory_space<vmem>>
    %dma_start3A_1613 = tpu.memref_squeeze %dma_start3A_1612 : memref<1x125xi32, #tpu.memory_space<vmem>> -> memref<125xi32, #tpu.memory_space<vmem>>
    %dma_start3A_1614 = arith.constant 0 : i32
    %dma_start3A_1615 = arith.constant 0 : i32
    %dma_start3A_1616 = tpu.memref_slice %arg2[%dma_start3A_1614, %dma_start3A_1615] : memref<10000x128xf32, #tpu.memory_space<hbm>> -> memref<10000x128xf32, #tpu.memory_space<hbm>>
    tpu.enqueue_indirect_dma source(%dma_start3A_1616 : memref<10000x128xf32, #tpu.memory_space<hbm>>) target(%arg12 : memref<125x128xf32, #tpu.memory_space<vmem>>) offsets(%dma_start3A_1613 : memref<125xi32, #tpu.memory_space<vmem>>) semaphore(%arg17 : memref<!tpu.dma_semaphore, #tpu.memory_space<semaphore_mem>>)
    %mul3A_1617 = arith.constant 40 : i32
    %mul3A_1618 = arith.muli %add3A, %mul3A_1617 : i32
    %add3A_1619 = arith.constant 1280 : i32
    %add3A_1620 = arith.addi %add3A_1619, %mul3A_1618 : i32
    %add3A_1621 = arith.constant 34 : i32
    %add3A_1622 = arith.addi %add3A_1620, %add3A_1621 : i32
    %dma_wait3A_1623 = arith.constant 0 : i32
    %dma_wait3A_1624 = tpu.memref_slice %arg3[%add3A_1622, %dma_wait3A_1623] : memref<2560x125xi32, #tpu.memory_space<hbm>> -> memref<2x125xi32, #tpu.memory_space<hbm>>
    %dma_wait3A_1625 = arith.constant 0 : i32
    %dma_wait3A_1626 = tpu.memref_slice %arg3[%add3A_1622, %dma_wait3A_1625] : memref<2560x125xi32, #tpu.memory_space<hbm>> -> memref<2x125xi32, #tpu.memory_space<hbm>>
    tpu.wait_dma2 semaphore(%arg25 : memref<!tpu.dma_semaphore, #tpu.memory_space<semaphore_mem>>) src(%dma_wait3A_1626 : memref<2x125xi32, #tpu.memory_space<hbm>>) dst(%arg10 : memref<2x125xi32, #tpu.memory_space<vmem>>)
    %dma_wait3A_1627 = arith.constant 0 : i32
    %dma_wait3A_1628 = arith.constant 0 : i32
    %dma_wait3A_1629 = tpu.memref_slice %arg8[%dma_wait3A_1627, %dma_wait3A_1628] : memref<2x125xi32, #tpu.memory_space<vmem>> -> memref<1x125xi32, #tpu.memory_space<vmem>>
    %dma_wait3A_1630 = tpu.memref_squeeze %dma_wait3A_1629 : memref<1x125xi32, #tpu.memory_space<vmem>> -> memref<125xi32, #tpu.memory_space<vmem>>
    %dma_wait3A_1631 = arith.constant 0 : i32
    %dma_wait3A_1632 = arith.constant 0 : i32
    %dma_wait3A_1633 = tpu.memref_slice %arg2[%dma_wait3A_1631, %dma_wait3A_1632] : memref<10000x128xf32, #tpu.memory_space<hbm>> -> memref<10000x128xf32, #tpu.memory_space<hbm>>
    tpu.wait_indirect_dma semaphore(%arg17 : memref<!tpu.dma_semaphore, #tpu.memory_space<semaphore_mem>>) src(%dma_wait3A_1633 : memref<10000x128xf32, #tpu.memory_space<hbm>>) dst(%arg12 : memref<125x128xf32, #tpu.memory_space<vmem>>)
    %dma_start3A_1634 = arith.constant 0 : i32
    %dma_start3A_1635 = arith.constant 0 : i32
    %dma_start3A_1636 = tpu.memref_slice %arg10[%dma_start3A_1634, %dma_start3A_1635] : memref<2x125xi32, #tpu.memory_space<vmem>> -> memref<1x125xi32, #tpu.memory_space<vmem>>
    %dma_start3A_1637 = tpu.memref_squeeze %dma_start3A_1636 : memref<1x125xi32, #tpu.memory_space<vmem>> -> memref<125xi32, #tpu.memory_space<vmem>>
    %dma_start3A_1638 = arith.constant 0 : i32
    %dma_start3A_1639 = arith.constant 0 : i32
    %dma_start3A_1640 = tpu.memref_slice %arg15[%dma_start3A_1638, %dma_start3A_1639] : memref<10000x128xf32, #tpu.memory_space<vmem_shared>> -> memref<10000x128xf32, #tpu.memory_space<vmem_shared>>
    tpu.enqueue_indirect_dma source(%arg12 : memref<125x128xf32, #tpu.memory_space<vmem>>) target(%dma_start3A_1640 : memref<10000x128xf32, #tpu.memory_space<vmem_shared>>) offsets(%dma_start3A_1637 : memref<125xi32, #tpu.memory_space<vmem>>) semaphore(%arg20 : memref<!tpu.dma_semaphore, #tpu.memory_space<semaphore_mem>>) {add = true}
    %dma_wait3A_1641 = arith.constant 0 : i32
    %dma_wait3A_1642 = arith.constant 0 : i32
    %dma_wait3A_1643 = tpu.memref_slice %arg9[%dma_wait3A_1641, %dma_wait3A_1642] : memref<2x125xi32, #tpu.memory_space<vmem>> -> memref<1x125xi32, #tpu.memory_space<vmem>>
    %dma_wait3A_1644 = tpu.memref_squeeze %dma_wait3A_1643 : memref<1x125xi32, #tpu.memory_space<vmem>> -> memref<125xi32, #tpu.memory_space<vmem>>
    %dma_wait3A_1645 = arith.constant 0 : i32
    %dma_wait3A_1646 = arith.constant 0 : i32
    %dma_wait3A_1647 = tpu.memref_slice %arg15[%dma_wait3A_1645, %dma_wait3A_1646] : memref<10000x128xf32, #tpu.memory_space<vmem_shared>> -> memref<10000x128xf32, #tpu.memory_space<vmem_shared>>
    tpu.wait_indirect_dma semaphore(%arg21 : memref<!tpu.dma_semaphore, #tpu.memory_space<semaphore_mem>>) src(%arg13 : memref<125x128xf32, #tpu.memory_space<vmem>>) dst(%dma_wait3A_1647 : memref<10000x128xf32, #tpu.memory_space<vmem_shared>>)
    %dma_start3A_1648 = arith.constant 1 : i32
    %dma_start3A_1649 = arith.constant 0 : i32
    %dma_start3A_1650 = tpu.memref_slice %arg8[%dma_start3A_1648, %dma_start3A_1649] : memref<2x125xi32, #tpu.memory_space<vmem>> -> memref<1x125xi32, #tpu.memory_space<vmem>>
    %dma_start3A_1651 = tpu.memref_squeeze %dma_start3A_1650 : memref<1x125xi32, #tpu.memory_space<vmem>> -> memref<125xi32, #tpu.memory_space<vmem>>
    %dma_start3A_1652 = arith.constant 0 : i32
    %dma_start3A_1653 = arith.constant 0 : i32
    %dma_start3A_1654 = tpu.memref_slice %arg2[%dma_start3A_1652, %dma_start3A_1653] : memref<10000x128xf32, #tpu.memory_space<hbm>> -> memref<10000x128xf32, #tpu.memory_space<hbm>>
    tpu.enqueue_indirect_dma source(%dma_start3A_1654 : memref<10000x128xf32, #tpu.memory_space<hbm>>) target(%arg13 : memref<125x128xf32, #tpu.memory_space<vmem>>) offsets(%dma_start3A_1651 : memref<125xi32, #tpu.memory_space<vmem>>) semaphore(%arg18 : memref<!tpu.dma_semaphore, #tpu.memory_space<semaphore_mem>>)
    %dma_wait3A_1655 = arith.constant 1 : i32
    %dma_wait3A_1656 = arith.constant 0 : i32
    %dma_wait3A_1657 = tpu.memref_slice %arg8[%dma_wait3A_1655, %dma_wait3A_1656] : memref<2x125xi32, #tpu.memory_space<vmem>> -> memref<1x125xi32, #tpu.memory_space<vmem>>
    %dma_wait3A_1658 = tpu.memref_squeeze %dma_wait3A_1657 : memref<1x125xi32, #tpu.memory_space<vmem>> -> memref<125xi32, #tpu.memory_space<vmem>>
    %dma_wait3A_1659 = arith.constant 0 : i32
    %dma_wait3A_1660 = arith.constant 0 : i32
    %dma_wait3A_1661 = tpu.memref_slice %arg2[%dma_wait3A_1659, %dma_wait3A_1660] : memref<10000x128xf32, #tpu.memory_space<hbm>> -> memref<10000x128xf32, #tpu.memory_space<hbm>>
    tpu.wait_indirect_dma semaphore(%arg18 : memref<!tpu.dma_semaphore, #tpu.memory_space<semaphore_mem>>) src(%dma_wait3A_1661 : memref<10000x128xf32, #tpu.memory_space<hbm>>) dst(%arg13 : memref<125x128xf32, #tpu.memory_space<vmem>>)
    %dma_start3A_1662 = arith.constant 1 : i32
    %dma_start3A_1663 = arith.constant 0 : i32
    %dma_start3A_1664 = tpu.memref_slice %arg10[%dma_start3A_1662, %dma_start3A_1663] : memref<2x125xi32, #tpu.memory_space<vmem>> -> memref<1x125xi32, #tpu.memory_space<vmem>>
    %dma_start3A_1665 = tpu.memref_squeeze %dma_start3A_1664 : memref<1x125xi32, #tpu.memory_space<vmem>> -> memref<125xi32, #tpu.memory_space<vmem>>
    %dma_start3A_1666 = arith.constant 0 : i32
    %dma_start3A_1667 = arith.constant 0 : i32
    %dma_start3A_1668 = tpu.memref_slice %arg15[%dma_start3A_1666, %dma_start3A_1667] : memref<10000x128xf32, #tpu.memory_space<vmem_shared>> -> memref<10000x128xf32, #tpu.memory_space<vmem_shared>>
    tpu.enqueue_indirect_dma source(%arg13 : memref<125x128xf32, #tpu.memory_space<vmem>>) target(%dma_start3A_1668 : memref<10000x128xf32, #tpu.memory_space<vmem_shared>>) offsets(%dma_start3A_1665 : memref<125xi32, #tpu.memory_space<vmem>>) semaphore(%arg21 : memref<!tpu.dma_semaphore, #tpu.memory_space<semaphore_mem>>) {add = true}
    %dma_wait3A_1669 = arith.constant 1 : i32
    %dma_wait3A_1670 = arith.constant 0 : i32
    %dma_wait3A_1671 = tpu.memref_slice %arg9[%dma_wait3A_1669, %dma_wait3A_1670] : memref<2x125xi32, #tpu.memory_space<vmem>> -> memref<1x125xi32, #tpu.memory_space<vmem>>
    %dma_wait3A_1672 = tpu.memref_squeeze %dma_wait3A_1671 : memref<1x125xi32, #tpu.memory_space<vmem>> -> memref<125xi32, #tpu.memory_space<vmem>>
    %dma_wait3A_1673 = arith.constant 0 : i32
    %dma_wait3A_1674 = arith.constant 0 : i32
    %dma_wait3A_1675 = tpu.memref_slice %arg15[%dma_wait3A_1673, %dma_wait3A_1674] : memref<10000x128xf32, #tpu.memory_space<vmem_shared>> -> memref<10000x128xf32, #tpu.memory_space<vmem_shared>>
    tpu.wait_indirect_dma semaphore(%arg19 : memref<!tpu.dma_semaphore, #tpu.memory_space<semaphore_mem>>) src(%arg11 : memref<125x128xf32, #tpu.memory_space<vmem>>) dst(%dma_wait3A_1675 : memref<10000x128xf32, #tpu.memory_space<vmem_shared>>)
    %mul3A_1676 = arith.constant 40 : i32
    %mul3A_1677 = arith.muli %add3A, %mul3A_1676 : i32
    %add3A_1678 = arith.constant 38 : i32
    %add3A_1679 = arith.addi %mul3A_1677, %add3A_1678 : i32
    %dma_start3A_1680 = arith.constant 0 : i32
    %dma_start3A_1681 = tpu.memref_slice %arg3[%add3A_1679, %dma_start3A_1680] : memref<2560x125xi32, #tpu.memory_space<hbm>> -> memref<2x125xi32, #tpu.memory_space<hbm>>
    %dma_start3A_1682 = arith.constant 0 : i32
    %dma_start3A_1683 = tpu.memref_slice %arg3[%add3A_1679, %dma_start3A_1682] : memref<2560x125xi32, #tpu.memory_space<hbm>> -> memref<2x125xi32, #tpu.memory_space<hbm>>
    tpu.enqueue_dma source(%dma_start3A_1683 : memref<2x125xi32, #tpu.memory_space<hbm>>) target(%arg8 : memref<2x125xi32, #tpu.memory_space<vmem>>) target_semaphore(%arg23 : memref<!tpu.dma_semaphore, #tpu.memory_space<semaphore_mem>>)
    %mul3A_1684 = arith.constant 40 : i32
    %mul3A_1685 = arith.muli %add3A, %mul3A_1684 : i32
    %add3A_1686 = arith.constant 1280 : i32
    %add3A_1687 = arith.addi %add3A_1686, %mul3A_1685 : i32
    %add3A_1688 = arith.constant 36 : i32
    %add3A_1689 = arith.addi %add3A_1687, %add3A_1688 : i32
    %dma_start3A_1690 = arith.constant 0 : i32
    %dma_start3A_1691 = tpu.memref_slice %arg3[%add3A_1689, %dma_start3A_1690] : memref<2560x125xi32, #tpu.memory_space<hbm>> -> memref<2x125xi32, #tpu.memory_space<hbm>>
    %dma_start3A_1692 = arith.constant 0 : i32
    %dma_start3A_1693 = tpu.memref_slice %arg3[%add3A_1689, %dma_start3A_1692] : memref<2560x125xi32, #tpu.memory_space<hbm>> -> memref<2x125xi32, #tpu.memory_space<hbm>>
    tpu.enqueue_dma source(%dma_start3A_1693 : memref<2x125xi32, #tpu.memory_space<hbm>>) target(%arg9 : memref<2x125xi32, #tpu.memory_space<vmem>>) target_semaphore(%arg24 : memref<!tpu.dma_semaphore, #tpu.memory_space<semaphore_mem>>)
    %mul3A_1694 = arith.constant 40 : i32
    %mul3A_1695 = arith.muli %add3A, %mul3A_1694 : i32
    %add3A_1696 = arith.constant 36 : i32
    %add3A_1697 = arith.addi %mul3A_1695, %add3A_1696 : i32
    %dma_wait3A_1698 = arith.constant 0 : i32
    %dma_wait3A_1699 = tpu.memref_slice %arg3[%add3A_1697, %dma_wait3A_1698] : memref<2560x125xi32, #tpu.memory_space<hbm>> -> memref<2x125xi32, #tpu.memory_space<hbm>>
    %dma_wait3A_1700 = arith.constant 0 : i32
    %dma_wait3A_1701 = tpu.memref_slice %arg3[%add3A_1697, %dma_wait3A_1700] : memref<2560x125xi32, #tpu.memory_space<hbm>> -> memref<2x125xi32, #tpu.memory_space<hbm>>
    tpu.wait_dma2 semaphore(%arg22 : memref<!tpu.dma_semaphore, #tpu.memory_space<semaphore_mem>>) src(%dma_wait3A_1701 : memref<2x125xi32, #tpu.memory_space<hbm>>) dst(%arg7 : memref<2x125xi32, #tpu.memory_space<vmem>>)
    %dma_start3A_1702 = arith.constant 0 : i32
    %dma_start3A_1703 = arith.constant 0 : i32
    %dma_start3A_1704 = tpu.memref_slice %arg7[%dma_start3A_1702, %dma_start3A_1703] : memref<2x125xi32, #tpu.memory_space<vmem>> -> memref<1x125xi32, #tpu.memory_space<vmem>>
    %dma_start3A_1705 = tpu.memref_squeeze %dma_start3A_1704 : memref<1x125xi32, #tpu.memory_space<vmem>> -> memref<125xi32, #tpu.memory_space<vmem>>
    %dma_start3A_1706 = arith.constant 0 : i32
    %dma_start3A_1707 = arith.constant 0 : i32
    %dma_start3A_1708 = tpu.memref_slice %arg2[%dma_start3A_1706, %dma_start3A_1707] : memref<10000x128xf32, #tpu.memory_space<hbm>> -> memref<10000x128xf32, #tpu.memory_space<hbm>>
    tpu.enqueue_indirect_dma source(%dma_start3A_1708 : memref<10000x128xf32, #tpu.memory_space<hbm>>) target(%arg11 : memref<125x128xf32, #tpu.memory_space<vmem>>) offsets(%dma_start3A_1705 : memref<125xi32, #tpu.memory_space<vmem>>) semaphore(%arg16 : memref<!tpu.dma_semaphore, #tpu.memory_space<semaphore_mem>>)
    %mul3A_1709 = arith.constant 40 : i32
    %mul3A_1710 = arith.muli %add3A, %mul3A_1709 : i32
    %add3A_1711 = arith.constant 1280 : i32
    %add3A_1712 = arith.addi %add3A_1711, %mul3A_1710 : i32
    %add3A_1713 = arith.constant 36 : i32
    %add3A_1714 = arith.addi %add3A_1712, %add3A_1713 : i32
    %dma_wait3A_1715 = arith.constant 0 : i32
    %dma_wait3A_1716 = tpu.memref_slice %arg3[%add3A_1714, %dma_wait3A_1715] : memref<2560x125xi32, #tpu.memory_space<hbm>> -> memref<2x125xi32, #tpu.memory_space<hbm>>
    %dma_wait3A_1717 = arith.constant 0 : i32
    %dma_wait3A_1718 = tpu.memref_slice %arg3[%add3A_1714, %dma_wait3A_1717] : memref<2560x125xi32, #tpu.memory_space<hbm>> -> memref<2x125xi32, #tpu.memory_space<hbm>>
    tpu.wait_dma2 semaphore(%arg24 : memref<!tpu.dma_semaphore, #tpu.memory_space<semaphore_mem>>) src(%dma_wait3A_1718 : memref<2x125xi32, #tpu.memory_space<hbm>>) dst(%arg9 : memref<2x125xi32, #tpu.memory_space<vmem>>)
    %dma_wait3A_1719 = arith.constant 0 : i32
    %dma_wait3A_1720 = arith.constant 0 : i32
    %dma_wait3A_1721 = tpu.memref_slice %arg7[%dma_wait3A_1719, %dma_wait3A_1720] : memref<2x125xi32, #tpu.memory_space<vmem>> -> memref<1x125xi32, #tpu.memory_space<vmem>>
    %dma_wait3A_1722 = tpu.memref_squeeze %dma_wait3A_1721 : memref<1x125xi32, #tpu.memory_space<vmem>> -> memref<125xi32, #tpu.memory_space<vmem>>
    %dma_wait3A_1723 = arith.constant 0 : i32
    %dma_wait3A_1724 = arith.constant 0 : i32
    %dma_wait3A_1725 = tpu.memref_slice %arg2[%dma_wait3A_1723, %dma_wait3A_1724] : memref<10000x128xf32, #tpu.memory_space<hbm>> -> memref<10000x128xf32, #tpu.memory_space<hbm>>
    tpu.wait_indirect_dma semaphore(%arg16 : memref<!tpu.dma_semaphore, #tpu.memory_space<semaphore_mem>>) src(%dma_wait3A_1725 : memref<10000x128xf32, #tpu.memory_space<hbm>>) dst(%arg11 : memref<125x128xf32, #tpu.memory_space<vmem>>)
    %dma_start3A_1726 = arith.constant 0 : i32
    %dma_start3A_1727 = arith.constant 0 : i32
    %dma_start3A_1728 = tpu.memref_slice %arg9[%dma_start3A_1726, %dma_start3A_1727] : memref<2x125xi32, #tpu.memory_space<vmem>> -> memref<1x125xi32, #tpu.memory_space<vmem>>
    %dma_start3A_1729 = tpu.memref_squeeze %dma_start3A_1728 : memref<1x125xi32, #tpu.memory_space<vmem>> -> memref<125xi32, #tpu.memory_space<vmem>>
    %dma_start3A_1730 = arith.constant 0 : i32
    %dma_start3A_1731 = arith.constant 0 : i32
    %dma_start3A_1732 = tpu.memref_slice %arg15[%dma_start3A_1730, %dma_start3A_1731] : memref<10000x128xf32, #tpu.memory_space<vmem_shared>> -> memref<10000x128xf32, #tpu.memory_space<vmem_shared>>
    tpu.enqueue_indirect_dma source(%arg11 : memref<125x128xf32, #tpu.memory_space<vmem>>) target(%dma_start3A_1732 : memref<10000x128xf32, #tpu.memory_space<vmem_shared>>) offsets(%dma_start3A_1729 : memref<125xi32, #tpu.memory_space<vmem>>) semaphore(%arg19 : memref<!tpu.dma_semaphore, #tpu.memory_space<semaphore_mem>>) {add = true}
    %dma_wait3A_1733 = arith.constant 0 : i32
    %dma_wait3A_1734 = arith.constant 0 : i32
    %dma_wait3A_1735 = tpu.memref_slice %arg10[%dma_wait3A_1733, %dma_wait3A_1734] : memref<2x125xi32, #tpu.memory_space<vmem>> -> memref<1x125xi32, #tpu.memory_space<vmem>>
    %dma_wait3A_1736 = tpu.memref_squeeze %dma_wait3A_1735 : memref<1x125xi32, #tpu.memory_space<vmem>> -> memref<125xi32, #tpu.memory_space<vmem>>
    %dma_wait3A_1737 = arith.constant 0 : i32
    %dma_wait3A_1738 = arith.constant 0 : i32
    %dma_wait3A_1739 = tpu.memref_slice %arg15[%dma_wait3A_1737, %dma_wait3A_1738] : memref<10000x128xf32, #tpu.memory_space<vmem_shared>> -> memref<10000x128xf32, #tpu.memory_space<vmem_shared>>
    tpu.wait_indirect_dma semaphore(%arg20 : memref<!tpu.dma_semaphore, #tpu.memory_space<semaphore_mem>>) src(%arg12 : memref<125x128xf32, #tpu.memory_space<vmem>>) dst(%dma_wait3A_1739 : memref<10000x128xf32, #tpu.memory_space<vmem_shared>>)
    %dma_start3A_1740 = arith.constant 1 : i32
    %dma_start3A_1741 = arith.constant 0 : i32
    %dma_start3A_1742 = tpu.memref_slice %arg7[%dma_start3A_1740, %dma_start3A_1741] : memref<2x125xi32, #tpu.memory_space<vmem>> -> memref<1x125xi32, #tpu.memory_space<vmem>>
    %dma_start3A_1743 = tpu.memref_squeeze %dma_start3A_1742 : memref<1x125xi32, #tpu.memory_space<vmem>> -> memref<125xi32, #tpu.memory_space<vmem>>
    %dma_start3A_1744 = arith.constant 0 : i32
    %dma_start3A_1745 = arith.constant 0 : i32
    %dma_start3A_1746 = tpu.memref_slice %arg2[%dma_start3A_1744, %dma_start3A_1745] : memref<10000x128xf32, #tpu.memory_space<hbm>> -> memref<10000x128xf32, #tpu.memory_space<hbm>>
    tpu.enqueue_indirect_dma source(%dma_start3A_1746 : memref<10000x128xf32, #tpu.memory_space<hbm>>) target(%arg12 : memref<125x128xf32, #tpu.memory_space<vmem>>) offsets(%dma_start3A_1743 : memref<125xi32, #tpu.memory_space<vmem>>) semaphore(%arg17 : memref<!tpu.dma_semaphore, #tpu.memory_space<semaphore_mem>>)
    %dma_wait3A_1747 = arith.constant 1 : i32
    %dma_wait3A_1748 = arith.constant 0 : i32
    %dma_wait3A_1749 = tpu.memref_slice %arg7[%dma_wait3A_1747, %dma_wait3A_1748] : memref<2x125xi32, #tpu.memory_space<vmem>> -> memref<1x125xi32, #tpu.memory_space<vmem>>
    %dma_wait3A_1750 = tpu.memref_squeeze %dma_wait3A_1749 : memref<1x125xi32, #tpu.memory_space<vmem>> -> memref<125xi32, #tpu.memory_space<vmem>>
    %dma_wait3A_1751 = arith.constant 0 : i32
    %dma_wait3A_1752 = arith.constant 0 : i32
    %dma_wait3A_1753 = tpu.memref_slice %arg2[%dma_wait3A_1751, %dma_wait3A_1752] : memref<10000x128xf32, #tpu.memory_space<hbm>> -> memref<10000x128xf32, #tpu.memory_space<hbm>>
    tpu.wait_indirect_dma semaphore(%arg17 : memref<!tpu.dma_semaphore, #tpu.memory_space<semaphore_mem>>) src(%dma_wait3A_1753 : memref<10000x128xf32, #tpu.memory_space<hbm>>) dst(%arg12 : memref<125x128xf32, #tpu.memory_space<vmem>>)
    %dma_start3A_1754 = arith.constant 1 : i32
    %dma_start3A_1755 = arith.constant 0 : i32
    %dma_start3A_1756 = tpu.memref_slice %arg9[%dma_start3A_1754, %dma_start3A_1755] : memref<2x125xi32, #tpu.memory_space<vmem>> -> memref<1x125xi32, #tpu.memory_space<vmem>>
    %dma_start3A_1757 = tpu.memref_squeeze %dma_start3A_1756 : memref<1x125xi32, #tpu.memory_space<vmem>> -> memref<125xi32, #tpu.memory_space<vmem>>
    %dma_start3A_1758 = arith.constant 0 : i32
    %dma_start3A_1759 = arith.constant 0 : i32
    %dma_start3A_1760 = tpu.memref_slice %arg15[%dma_start3A_1758, %dma_start3A_1759] : memref<10000x128xf32, #tpu.memory_space<vmem_shared>> -> memref<10000x128xf32, #tpu.memory_space<vmem_shared>>
    tpu.enqueue_indirect_dma source(%arg12 : memref<125x128xf32, #tpu.memory_space<vmem>>) target(%dma_start3A_1760 : memref<10000x128xf32, #tpu.memory_space<vmem_shared>>) offsets(%dma_start3A_1757 : memref<125xi32, #tpu.memory_space<vmem>>) semaphore(%arg20 : memref<!tpu.dma_semaphore, #tpu.memory_space<semaphore_mem>>) {add = true}
    %dma_wait3A_1761 = arith.constant 1 : i32
    %dma_wait3A_1762 = arith.constant 0 : i32
    %dma_wait3A_1763 = tpu.memref_slice %arg10[%dma_wait3A_1761, %dma_wait3A_1762] : memref<2x125xi32, #tpu.memory_space<vmem>> -> memref<1x125xi32, #tpu.memory_space<vmem>>
    %dma_wait3A_1764 = tpu.memref_squeeze %dma_wait3A_1763 : memref<1x125xi32, #tpu.memory_space<vmem>> -> memref<125xi32, #tpu.memory_space<vmem>>
    %dma_wait3A_1765 = arith.constant 0 : i32
    %dma_wait3A_1766 = arith.constant 0 : i32
    %dma_wait3A_1767 = tpu.memref_slice %arg15[%dma_wait3A_1765, %dma_wait3A_1766] : memref<10000x128xf32, #tpu.memory_space<vmem_shared>> -> memref<10000x128xf32, #tpu.memory_space<vmem_shared>>
    tpu.wait_indirect_dma semaphore(%arg21 : memref<!tpu.dma_semaphore, #tpu.memory_space<semaphore_mem>>) src(%arg13 : memref<125x128xf32, #tpu.memory_space<vmem>>) dst(%dma_wait3A_1767 : memref<10000x128xf32, #tpu.memory_space<vmem_shared>>)
    %mul3A_1768 = arith.constant 40 : i32
    %mul3A_1769 = arith.muli %add3A, %mul3A_1768 : i32
    %add3A_1770 = arith.constant 1280 : i32
    %add3A_1771 = arith.addi %add3A_1770, %mul3A_1769 : i32
    %add3A_1772 = arith.constant 38 : i32
    %add3A_1773 = arith.addi %add3A_1771, %add3A_1772 : i32
    %dma_start3A_1774 = arith.constant 0 : i32
    %dma_start3A_1775 = tpu.memref_slice %arg3[%add3A_1773, %dma_start3A_1774] : memref<2560x125xi32, #tpu.memory_space<hbm>> -> memref<2x125xi32, #tpu.memory_space<hbm>>
    %dma_start3A_1776 = arith.constant 0 : i32
    %dma_start3A_1777 = tpu.memref_slice %arg3[%add3A_1773, %dma_start3A_1776] : memref<2560x125xi32, #tpu.memory_space<hbm>> -> memref<2x125xi32, #tpu.memory_space<hbm>>
    tpu.enqueue_dma source(%dma_start3A_1777 : memref<2x125xi32, #tpu.memory_space<hbm>>) target(%arg10 : memref<2x125xi32, #tpu.memory_space<vmem>>) target_semaphore(%arg25 : memref<!tpu.dma_semaphore, #tpu.memory_space<semaphore_mem>>)
    %mul3A_1778 = arith.constant 40 : i32
    %mul3A_1779 = arith.muli %add3A, %mul3A_1778 : i32
    %add3A_1780 = arith.constant 38 : i32
    %add3A_1781 = arith.addi %mul3A_1779, %add3A_1780 : i32
    %dma_wait3A_1782 = arith.constant 0 : i32
    %dma_wait3A_1783 = tpu.memref_slice %arg3[%add3A_1781, %dma_wait3A_1782] : memref<2560x125xi32, #tpu.memory_space<hbm>> -> memref<2x125xi32, #tpu.memory_space<hbm>>
    %dma_wait3A_1784 = arith.constant 0 : i32
    %dma_wait3A_1785 = tpu.memref_slice %arg3[%add3A_1781, %dma_wait3A_1784] : memref<2560x125xi32, #tpu.memory_space<hbm>> -> memref<2x125xi32, #tpu.memory_space<hbm>>
    tpu.wait_dma2 semaphore(%arg23 : memref<!tpu.dma_semaphore, #tpu.memory_space<semaphore_mem>>) src(%dma_wait3A_1785 : memref<2x125xi32, #tpu.memory_space<hbm>>) dst(%arg8 : memref<2x125xi32, #tpu.memory_space<vmem>>)
    %dma_start3A_1786 = arith.constant 0 : i32
    %dma_start3A_1787 = arith.constant 0 : i32
    %dma_start3A_1788 = tpu.memref_slice %arg8[%dma_start3A_1786, %dma_start3A_1787] : memref<2x125xi32, #tpu.memory_space<vmem>> -> memref<1x125xi32, #tpu.memory_space<vmem>>
    %dma_start3A_1789 = tpu.memref_squeeze %dma_start3A_1788 : memref<1x125xi32, #tpu.memory_space<vmem>> -> memref<125xi32, #tpu.memory_space<vmem>>
    %dma_start3A_1790 = arith.constant 0 : i32
    %dma_start3A_1791 = arith.constant 0 : i32
    %dma_start3A_1792 = tpu.memref_slice %arg2[%dma_start3A_1790, %dma_start3A_1791] : memref<10000x128xf32, #tpu.memory_space<hbm>> -> memref<10000x128xf32, #tpu.memory_space<hbm>>
    tpu.enqueue_indirect_dma source(%dma_start3A_1792 : memref<10000x128xf32, #tpu.memory_space<hbm>>) target(%arg13 : memref<125x128xf32, #tpu.memory_space<vmem>>) offsets(%dma_start3A_1789 : memref<125xi32, #tpu.memory_space<vmem>>) semaphore(%arg18 : memref<!tpu.dma_semaphore, #tpu.memory_space<semaphore_mem>>)
    %mul3A_1793 = arith.constant 40 : i32
    %mul3A_1794 = arith.muli %add3A, %mul3A_1793 : i32
    %add3A_1795 = arith.constant 1280 : i32
    %add3A_1796 = arith.addi %add3A_1795, %mul3A_1794 : i32
    %add3A_1797 = arith.constant 38 : i32
    %add3A_1798 = arith.addi %add3A_1796, %add3A_1797 : i32
    %dma_wait3A_1799 = arith.constant 0 : i32
    %dma_wait3A_1800 = tpu.memref_slice %arg3[%add3A_1798, %dma_wait3A_1799] : memref<2560x125xi32, #tpu.memory_space<hbm>> -> memref<2x125xi32, #tpu.memory_space<hbm>>
    %dma_wait3A_1801 = arith.constant 0 : i32
    %dma_wait3A_1802 = tpu.memref_slice %arg3[%add3A_1798, %dma_wait3A_1801] : memref<2560x125xi32, #tpu.memory_space<hbm>> -> memref<2x125xi32, #tpu.memory_space<hbm>>
    tpu.wait_dma2 semaphore(%arg25 : memref<!tpu.dma_semaphore, #tpu.memory_space<semaphore_mem>>) src(%dma_wait3A_1802 : memref<2x125xi32, #tpu.memory_space<hbm>>) dst(%arg10 : memref<2x125xi32, #tpu.memory_space<vmem>>)
    %dma_wait3A_1803 = arith.constant 0 : i32
    %dma_wait3A_1804 = arith.constant 0 : i32
    %dma_wait3A_1805 = tpu.memref_slice %arg8[%dma_wait3A_1803, %dma_wait3A_1804] : memref<2x125xi32, #tpu.memory_space<vmem>> -> memref<1x125xi32, #tpu.memory_space<vmem>>
    %dma_wait3A_1806 = tpu.memref_squeeze %dma_wait3A_1805 : memref<1x125xi32, #tpu.memory_space<vmem>> -> memref<125xi32, #tpu.memory_space<vmem>>
    %dma_wait3A_1807 = arith.constant 0 : i32
    %dma_wait3A_1808 = arith.constant 0 : i32
    %dma_wait3A_1809 = tpu.memref_slice %arg2[%dma_wait3A_1807, %dma_wait3A_1808] : memref<10000x128xf32, #tpu.memory_space<hbm>> -> memref<10000x128xf32, #tpu.memory_space<hbm>>
    tpu.wait_indirect_dma semaphore(%arg18 : memref<!tpu.dma_semaphore, #tpu.memory_space<semaphore_mem>>) src(%dma_wait3A_1809 : memref<10000x128xf32, #tpu.memory_space<hbm>>) dst(%arg13 : memref<125x128xf32, #tpu.memory_space<vmem>>)
    %dma_start3A_1810 = arith.constant 0 : i32
    %dma_start3A_1811 = arith.constant 0 : i32
    %dma_start3A_1812 = tpu.memref_slice %arg10[%dma_start3A_1810, %dma_start3A_1811] : memref<2x125xi32, #tpu.memory_space<vmem>> -> memref<1x125xi32, #tpu.memory_space<vmem>>
    %dma_start3A_1813 = tpu.memref_squeeze %dma_start3A_1812 : memref<1x125xi32, #tpu.memory_space<vmem>> -> memref<125xi32, #tpu.memory_space<vmem>>
    %dma_start3A_1814 = arith.constant 0 : i32
    %dma_start3A_1815 = arith.constant 0 : i32
    %dma_start3A_1816 = tpu.memref_slice %arg15[%dma_start3A_1814, %dma_start3A_1815] : memref<10000x128xf32, #tpu.memory_space<vmem_shared>> -> memref<10000x128xf32, #tpu.memory_space<vmem_shared>>
    tpu.enqueue_indirect_dma source(%arg13 : memref<125x128xf32, #tpu.memory_space<vmem>>) target(%dma_start3A_1816 : memref<10000x128xf32, #tpu.memory_space<vmem_shared>>) offsets(%dma_start3A_1813 : memref<125xi32, #tpu.memory_space<vmem>>) semaphore(%arg21 : memref<!tpu.dma_semaphore, #tpu.memory_space<semaphore_mem>>) {add = true}
    %dma_wait3A_1817 = arith.constant 0 : i32
    %dma_wait3A_1818 = arith.constant 0 : i32
    %dma_wait3A_1819 = tpu.memref_slice %arg9[%dma_wait3A_1817, %dma_wait3A_1818] : memref<2x125xi32, #tpu.memory_space<vmem>> -> memref<1x125xi32, #tpu.memory_space<vmem>>
    %dma_wait3A_1820 = tpu.memref_squeeze %dma_wait3A_1819 : memref<1x125xi32, #tpu.memory_space<vmem>> -> memref<125xi32, #tpu.memory_space<vmem>>
    %dma_wait3A_1821 = arith.constant 0 : i32
    %dma_wait3A_1822 = arith.constant 0 : i32
    %dma_wait3A_1823 = tpu.memref_slice %arg15[%dma_wait3A_1821, %dma_wait3A_1822] : memref<10000x128xf32, #tpu.memory_space<vmem_shared>> -> memref<10000x128xf32, #tpu.memory_space<vmem_shared>>
    tpu.wait_indirect_dma semaphore(%arg19 : memref<!tpu.dma_semaphore, #tpu.memory_space<semaphore_mem>>) src(%arg11 : memref<125x128xf32, #tpu.memory_space<vmem>>) dst(%dma_wait3A_1823 : memref<10000x128xf32, #tpu.memory_space<vmem_shared>>)
    %dma_start3A_1824 = arith.constant 1 : i32
    %dma_start3A_1825 = arith.constant 0 : i32
    %dma_start3A_1826 = tpu.memref_slice %arg8[%dma_start3A_1824, %dma_start3A_1825] : memref<2x125xi32, #tpu.memory_space<vmem>> -> memref<1x125xi32, #tpu.memory_space<vmem>>
    %dma_start3A_1827 = tpu.memref_squeeze %dma_start3A_1826 : memref<1x125xi32, #tpu.memory_space<vmem>> -> memref<125xi32, #tpu.memory_space<vmem>>
    %dma_start3A_1828 = arith.constant 0 : i32
    %dma_start3A_1829 = arith.constant 0 : i32
    %dma_start3A_1830 = tpu.memref_slice %arg2[%dma_start3A_1828, %dma_start3A_1829] : memref<10000x128xf32, #tpu.memory_space<hbm>> -> memref<10000x128xf32, #tpu.memory_space<hbm>>
    tpu.enqueue_indirect_dma source(%dma_start3A_1830 : memref<10000x128xf32, #tpu.memory_space<hbm>>) target(%arg11 : memref<125x128xf32, #tpu.memory_space<vmem>>) offsets(%dma_start3A_1827 : memref<125xi32, #tpu.memory_space<vmem>>) semaphore(%arg16 : memref<!tpu.dma_semaphore, #tpu.memory_space<semaphore_mem>>)
    %dma_wait3A_1831 = arith.constant 1 : i32
    %dma_wait3A_1832 = arith.constant 0 : i32
    %dma_wait3A_1833 = tpu.memref_slice %arg8[%dma_wait3A_1831, %dma_wait3A_1832] : memref<2x125xi32, #tpu.memory_space<vmem>> -> memref<1x125xi32, #tpu.memory_space<vmem>>
    %dma_wait3A_1834 = tpu.memref_squeeze %dma_wait3A_1833 : memref<1x125xi32, #tpu.memory_space<vmem>> -> memref<125xi32, #tpu.memory_space<vmem>>
    %dma_wait3A_1835 = arith.constant 0 : i32
    %dma_wait3A_1836 = arith.constant 0 : i32
    %dma_wait3A_1837 = tpu.memref_slice %arg2[%dma_wait3A_1835, %dma_wait3A_1836] : memref<10000x128xf32, #tpu.memory_space<hbm>> -> memref<10000x128xf32, #tpu.memory_space<hbm>>
    tpu.wait_indirect_dma semaphore(%arg16 : memref<!tpu.dma_semaphore, #tpu.memory_space<semaphore_mem>>) src(%dma_wait3A_1837 : memref<10000x128xf32, #tpu.memory_space<hbm>>) dst(%arg11 : memref<125x128xf32, #tpu.memory_space<vmem>>)
    %dma_start3A_1838 = arith.constant 1 : i32
    %dma_start3A_1839 = arith.constant 0 : i32
    %dma_start3A_1840 = tpu.memref_slice %arg10[%dma_start3A_1838, %dma_start3A_1839] : memref<2x125xi32, #tpu.memory_space<vmem>> -> memref<1x125xi32, #tpu.memory_space<vmem>>
    %dma_start3A_1841 = tpu.memref_squeeze %dma_start3A_1840 : memref<1x125xi32, #tpu.memory_space<vmem>> -> memref<125xi32, #tpu.memory_space<vmem>>
    %dma_start3A_1842 = arith.constant 0 : i32
    %dma_start3A_1843 = arith.constant 0 : i32
    %dma_start3A_1844 = tpu.memref_slice %arg15[%dma_start3A_1842, %dma_start3A_1843] : memref<10000x128xf32, #tpu.memory_space<vmem_shared>> -> memref<10000x128xf32, #tpu.memory_space<vmem_shared>>
    tpu.enqueue_indirect_dma source(%arg11 : memref<125x128xf32, #tpu.memory_space<vmem>>) target(%dma_start3A_1844 : memref<10000x128xf32, #tpu.memory_space<vmem_shared>>) offsets(%dma_start3A_1841 : memref<125xi32, #tpu.memory_space<vmem>>) semaphore(%arg19 : memref<!tpu.dma_semaphore, #tpu.memory_space<semaphore_mem>>) {add = true}
    %dma_wait3A_1845 = arith.constant 1 : i32
    %dma_wait3A_1846 = arith.constant 0 : i32
    %dma_wait3A_1847 = tpu.memref_slice %arg9[%dma_wait3A_1845, %dma_wait3A_1846] : memref<2x125xi32, #tpu.memory_space<vmem>> -> memref<1x125xi32, #tpu.memory_space<vmem>>
    %dma_wait3A_1848 = tpu.memref_squeeze %dma_wait3A_1847 : memref<1x125xi32, #tpu.memory_space<vmem>> -> memref<125xi32, #tpu.memory_space<vmem>>
    %dma_wait3A_1849 = arith.constant 0 : i32
    %dma_wait3A_1850 = arith.constant 0 : i32
    %dma_wait3A_1851 = tpu.memref_slice %arg15[%dma_wait3A_1849, %dma_wait3A_1850] : memref<10000x128xf32, #tpu.memory_space<vmem_shared>> -> memref<10000x128xf32, #tpu.memory_space<vmem_shared>>
    tpu.wait_indirect_dma semaphore(%arg20 : memref<!tpu.dma_semaphore, #tpu.memory_space<semaphore_mem>>) src(%arg12 : memref<125x128xf32, #tpu.memory_space<vmem>>) dst(%dma_wait3A_1851 : memref<10000x128xf32, #tpu.memory_space<vmem_shared>>)
    %dma_wait3A_1852 = arith.constant 0 : i32
    %dma_wait3A_1853 = arith.constant 0 : i32
    %dma_wait3A_1854 = tpu.memref_slice %arg10[%dma_wait3A_1852, %dma_wait3A_1853] : memref<2x125xi32, #tpu.memory_space<vmem>> -> memref<1x125xi32, #tpu.memory_space<vmem>>
    %dma_wait3A_1855 = tpu.memref_squeeze %dma_wait3A_1854 : memref<1x125xi32, #tpu.memory_space<vmem>> -> memref<125xi32, #tpu.memory_space<vmem>>
    %dma_wait3A_1856 = arith.constant 0 : i32
    %dma_wait3A_1857 = arith.constant 0 : i32
    %dma_wait3A_1858 = tpu.memref_slice %arg15[%dma_wait3A_1856, %dma_wait3A_1857] : memref<10000x128xf32, #tpu.memory_space<vmem_shared>> -> memref<10000x128xf32, #tpu.memory_space<vmem_shared>>
    tpu.wait_indirect_dma semaphore(%arg21 : memref<!tpu.dma_semaphore, #tpu.memory_space<semaphore_mem>>) src(%arg13 : memref<125x128xf32, #tpu.memory_space<vmem>>) dst(%dma_wait3A_1858 : memref<10000x128xf32, #tpu.memory_space<vmem_shared>>)
    %dma_wait3A_1859 = arith.constant 1 : i32
    %dma_wait3A_1860 = arith.constant 0 : i32
    %dma_wait3A_1861 = tpu.memref_slice %arg10[%dma_wait3A_1859, %dma_wait3A_1860] : memref<2x125xi32, #tpu.memory_space<vmem>> -> memref<1x125xi32, #tpu.memory_space<vmem>>
    %dma_wait3A_1862 = tpu.memref_squeeze %dma_wait3A_1861 : memref<1x125xi32, #tpu.memory_space<vmem>> -> memref<125xi32, #tpu.memory_space<vmem>>
    %dma_wait3A_1863 = arith.constant 0 : i32
    %dma_wait3A_1864 = arith.constant 0 : i32
    %dma_wait3A_1865 = tpu.memref_slice %arg15[%dma_wait3A_1863, %dma_wait3A_1864] : memref<10000x128xf32, #tpu.memory_space<vmem_shared>> -> memref<10000x128xf32, #tpu.memory_space<vmem_shared>>
    tpu.wait_indirect_dma semaphore(%arg19 : memref<!tpu.dma_semaphore, #tpu.memory_space<semaphore_mem>>) src(%arg11 : memref<125x128xf32, #tpu.memory_space<vmem>>) dst(%dma_wait3A_1865 : memref<10000x128xf32, #tpu.memory_space<vmem_shared>>)
    %barrier3A_1866 = arith.constant 0 : index
    tpu.barrier barrier_id(%barrier3A_1866)
    %mul3A_1867 = arith.constant 632 : i32
    %mul3A_1868 = arith.muli %arg1, %mul3A_1867 : i32
    %mul3A_1869 = arith.constant 10112 : i32
    %mul3A_1870 = arith.muli %arg0, %mul3A_1869 : i32
    %mul3A_1871 = arith.constant 632 : i32
    %mul3A_1872 = arith.muli %arg1, %mul3A_1871 : i32
    %add3A_1873 = arith.addi %mul3A_1870, %mul3A_1872 : i32
    %dma_start3A_1874 = arith.constant 0 : i32
    %dma_start3A_1875 = tpu.memref_slice %arg5[%add3A_1873, %dma_start3A_1874] : memref<20224x128xf32, #tpu.memory_space<hbm>> -> memref<520x128xf32, #tpu.memory_space<hbm>>
    %dma_start3A_1876 = arith.constant 0 : i32
    %dma_start3A_1877 = tpu.memref_slice %arg15[%mul3A_1868, %dma_start3A_1876] : memref<10000x128xf32, #tpu.memory_space<vmem_shared>> -> memref<520x128xf32, #tpu.memory_space<vmem_shared>>
    tpu.enqueue_dma source(%dma_start3A_1877 : memref<520x128xf32, #tpu.memory_space<vmem_shared>>) target(%dma_start3A_1875 : memref<520x128xf32, #tpu.memory_space<hbm>>) target_semaphore(%arg16 : memref<!tpu.dma_semaphore, #tpu.memory_space<semaphore_mem>>)
    %lt3A_1878 = arith.constant 15 : i32
    %lt3A_1879 = arith.cmpi slt, %arg1, %lt3A_1878 : i32
    %convert_element_type3A_1880 = arith.extui %lt3A_1879 : i1 to i32
    %cond3A_1881 = arith.constant 0 : i32
    %cond3A_1882 = arith.cmpi ne, %convert_element_type3A_1880, %cond3A_1881 : i32
    scf.if %cond3A_1882 {
      %mul3A_1911 = arith.constant 632 : i32
      %mul3A_1912 = arith.muli %arg1, %mul3A_1911 : i32
      %add3A_1913 = arith.constant 520 : i32
      %add3A_1914 = arith.addi %mul3A_1912, %add3A_1913 : i32
      %mul3A_1915 = arith.constant 10112 : i32
      %mul3A_1916 = arith.muli %arg0, %mul3A_1915 : i32
      %mul3A_1917 = arith.constant 632 : i32
      %mul3A_1918 = arith.muli %arg1, %mul3A_1917 : i32
      %add3A_1919 = arith.addi %mul3A_1916, %mul3A_1918 : i32
      %add3A_1920 = arith.constant 520 : i32
      %add3A_1921 = arith.addi %add3A_1919, %add3A_1920 : i32
      %dma_start3A_1922 = arith.constant 0 : i32
      %dma_start3A_1923 = tpu.memref_slice %arg5[%add3A_1921, %dma_start3A_1922] : memref<20224x128xf32, #tpu.memory_space<hbm>> -> memref<112x128xf32, #tpu.memory_space<hbm>>
      %dma_start3A_1924 = arith.constant 0 : i32
      %dma_start3A_1925 = tpu.memref_slice %arg15[%add3A_1914, %dma_start3A_1924] : memref<10000x128xf32, #tpu.memory_space<vmem_shared>> -> memref<112x128xf32, #tpu.memory_space<vmem_shared>>
      tpu.enqueue_dma source(%dma_start3A_1925 : memref<112x128xf32, #tpu.memory_space<vmem_shared>>) target(%dma_start3A_1923 : memref<112x128xf32, #tpu.memory_space<hbm>>) target_semaphore(%arg17 : memref<!tpu.dma_semaphore, #tpu.memory_space<semaphore_mem>>)
    } else {
    }
    %mul3A_1883 = arith.constant 64 : i32
    %mul3A_1884 = arith.muli %arg1, %mul3A_1883 : i32
    "tpu.region"() ({
      %run_scoped3A = tpu.sem_alloc : memref<!tpu.dma_semaphore, #tpu.memory_space<semaphore_mem>>
      %dma_start3A_1911 = tpu.memref_slice %arg4[%mul3A_1884] : memref<1024xi32, #tpu.memory_space<hbm>> -> memref<64xi32, #tpu.memory_space<hbm>>
      %dma_start3A_1912 = tpu.memref_slice %arg4[%mul3A_1884] : memref<1024xi32, #tpu.memory_space<hbm>> -> memref<64xi32, #tpu.memory_space<hbm>>
      tpu.enqueue_dma source(%dma_start3A_1912 : memref<64xi32, #tpu.memory_space<hbm>>) target(%arg14 : memref<64xi32, #tpu.memory_space<vmem>>) target_semaphore(%run_scoped3A : memref<!tpu.dma_semaphore, #tpu.memory_space<semaphore_mem>>)
      %dma_wait3A_1913 = tpu.memref_slice %arg4[%mul3A_1884] : memref<1024xi32, #tpu.memory_space<hbm>> -> memref<64xi32, #tpu.memory_space<hbm>>
      %dma_wait3A_1914 = tpu.memref_slice %arg4[%mul3A_1884] : memref<1024xi32, #tpu.memory_space<hbm>> -> memref<64xi32, #tpu.memory_space<hbm>>
      tpu.wait_dma2 semaphore(%run_scoped3A : memref<!tpu.dma_semaphore, #tpu.memory_space<semaphore_mem>>) src(%dma_wait3A_1914 : memref<64xi32, #tpu.memory_space<hbm>>) dst(%arg14 : memref<64xi32, #tpu.memory_space<vmem>>)
      tpu.yield
    }) : () -> ()
    %dma_start3A_1885 = arith.constant 0 : i32
    %dma_start3A_1886 = arith.constant 0 : i32
    %dma_start3A_1887 = tpu.memref_slice %arg11[%dma_start3A_1885, %dma_start3A_1886] : memref<125x128xf32, #tpu.memory_space<vmem>> -> memref<64x128xf32, #tpu.memory_space<vmem>>
    %dma_start3A_1888 = arith.constant 0 : i32
    %dma_start3A_1889 = arith.constant 0 : i32
    %dma_start3A_1890 = tpu.memref_slice %arg15[%dma_start3A_1888, %dma_start3A_1889] : memref<10000x128xf32, #tpu.memory_space<vmem_shared>> -> memref<10000x128xf32, #tpu.memory_space<vmem_shared>>
    tpu.enqueue_indirect_dma source(%dma_start3A_1890 : memref<10000x128xf32, #tpu.memory_space<vmem_shared>>) target(%dma_start3A_1887 : memref<64x128xf32, #tpu.memory_space<vmem>>) offsets(%arg14 : memref<64xi32, #tpu.memory_space<vmem>>) semaphore(%arg26 : memref<!tpu.dma_semaphore, #tpu.memory_space<semaphore_mem>>)
    %dma_wait3A_1891 = arith.constant 0 : i32
    %dma_wait3A_1892 = arith.constant 0 : i32
    %dma_wait3A_1893 = tpu.memref_slice %arg11[%dma_wait3A_1891, %dma_wait3A_1892] : memref<125x128xf32, #tpu.memory_space<vmem>> -> memref<64x128xf32, #tpu.memory_space<vmem>>
    %dma_wait3A_1894 = arith.constant 0 : i32
    %dma_wait3A_1895 = arith.constant 0 : i32
    %dma_wait3A_1896 = tpu.memref_slice %arg15[%dma_wait3A_1894, %dma_wait3A_1895] : memref<10000x128xf32, #tpu.memory_space<vmem_shared>> -> memref<10000x128xf32, #tpu.memory_space<vmem_shared>>
    tpu.wait_indirect_dma semaphore(%arg26 : memref<!tpu.dma_semaphore, #tpu.memory_space<semaphore_mem>>) src(%dma_wait3A_1896 : memref<10000x128xf32, #tpu.memory_space<vmem_shared>>) dst(%dma_wait3A_1893 : memref<64x128xf32, #tpu.memory_space<vmem>>)
    %mul3A_1897 = arith.constant 1024 : i32
    %mul3A_1898 = arith.muli %arg0, %mul3A_1897 : i32
    %mul3A_1899 = arith.constant 64 : i32
    %mul3A_1900 = arith.muli %arg1, %mul3A_1899 : i32
    %add3A_1901 = arith.addi %mul3A_1898, %mul3A_1900 : i32
    "tpu.region"() ({
      %run_scoped3A = tpu.sem_alloc : memref<!tpu.dma_semaphore, #tpu.memory_space<semaphore_mem>>
      %dma_start3A_1911 = arith.constant 0 : i32
      %dma_start3A_1912 = arith.constant 0 : i32
      %dma_start3A_1913 = tpu.memref_slice %arg11[%dma_start3A_1911, %dma_start3A_1912] : memref<125x128xf32, #tpu.memory_space<vmem>> -> memref<64x128xf32, #tpu.memory_space<vmem>>
      %dma_start3A_1914 = arith.constant 0 : i32
      %dma_start3A_1915 = tpu.memref_slice %arg6[%add3A_1901, %dma_start3A_1914] : memref<2048x128xf32, #tpu.memory_space<hbm>> -> memref<64x128xf32, #tpu.memory_space<hbm>>
      %dma_start3A_1916 = arith.constant 0 : i32
      %dma_start3A_1917 = tpu.memref_slice %arg6[%add3A_1901, %dma_start3A_1916] : memref<2048x128xf32, #tpu.memory_space<hbm>> -> memref<64x128xf32, #tpu.memory_space<hbm>>
      %dma_start3A_1918 = arith.constant 0 : i32
      %dma_start3A_1919 = arith.constant 0 : i32
      %dma_start3A_1920 = tpu.memref_slice %arg11[%dma_start3A_1918, %dma_start3A_1919] : memref<125x128xf32, #tpu.memory_space<vmem>> -> memref<64x128xf32, #tpu.memory_space<vmem>>
      tpu.enqueue_dma source(%dma_start3A_1920 : memref<64x128xf32, #tpu.memory_space<vmem>>) target(%dma_start3A_1917 : memref<64x128xf32, #tpu.memory_space<hbm>>) target_semaphore(%run_scoped3A : memref<!tpu.dma_semaphore, #tpu.memory_space<semaphore_mem>>)
      %dma_wait3A_1921 = arith.constant 0 : i32
      %dma_wait3A_1922 = arith.constant 0 : i32
      %dma_wait3A_1923 = tpu.memref_slice %arg11[%dma_wait3A_1921, %dma_wait3A_1922] : memref<125x128xf32, #tpu.memory_space<vmem>> -> memref<64x128xf32, #tpu.memory_space<vmem>>
      %dma_wait3A_1924 = arith.constant 0 : i32
      %dma_wait3A_1925 = tpu.memref_slice %arg6[%add3A_1901, %dma_wait3A_1924] : memref<2048x128xf32, #tpu.memory_space<hbm>> -> memref<64x128xf32, #tpu.memory_space<hbm>>
      %dma_wait3A_1926 = arith.constant 0 : i32
      %dma_wait3A_1927 = tpu.memref_slice %arg6[%add3A_1901, %dma_wait3A_1926] : memref<2048x128xf32, #tpu.memory_space<hbm>> -> memref<64x128xf32, #tpu.memory_space<hbm>>
      %dma_wait3A_1928 = arith.constant 0 : i32
      %dma_wait3A_1929 = arith.constant 0 : i32
      %dma_wait3A_1930 = tpu.memref_slice %arg11[%dma_wait3A_1928, %dma_wait3A_1929] : memref<125x128xf32, #tpu.memory_space<vmem>> -> memref<64x128xf32, #tpu.memory_space<vmem>>
      tpu.wait_dma2 semaphore(%run_scoped3A : memref<!tpu.dma_semaphore, #tpu.memory_space<semaphore_mem>>) src(%dma_wait3A_1930 : memref<64x128xf32, #tpu.memory_space<vmem>>) dst(%dma_wait3A_1927 : memref<64x128xf32, #tpu.memory_space<hbm>>)
      tpu.yield
    }) : () -> ()
    %dma_wait3A_1902 = arith.constant 0 : i32
    %dma_wait3A_1903 = tpu.memref_slice %arg5[%add3A_1873, %dma_wait3A_1902] : memref<20224x128xf32, #tpu.memory_space<hbm>> -> memref<520x128xf32, #tpu.memory_space<hbm>>
    %dma_wait3A_1904 = arith.constant 0 : i32
    %dma_wait3A_1905 = tpu.memref_slice %arg15[%mul3A_1868, %dma_wait3A_1904] : memref<10000x128xf32, #tpu.memory_space<vmem_shared>> -> memref<520x128xf32, #tpu.memory_space<vmem_shared>>
    tpu.wait_dma2 semaphore(%arg16 : memref<!tpu.dma_semaphore, #tpu.memory_space<semaphore_mem>>) src(%dma_wait3A_1905 : memref<520x128xf32, #tpu.memory_space<vmem_shared>>) dst(%dma_wait3A_1903 : memref<520x128xf32, #tpu.memory_space<hbm>>)
    %lt3A_1906 = arith.constant 15 : i32
    %lt3A_1907 = arith.cmpi slt, %arg1, %lt3A_1906 : i32
    %convert_element_type3A_1908 = arith.extui %lt3A_1907 : i1 to i32
    %cond3A_1909 = arith.constant 0 : i32
    %cond3A_1910 = arith.cmpi ne, %convert_element_type3A_1908, %cond3A_1909 : i32
    scf.if %cond3A_1910 {
      %mul3A_1911 = arith.constant 632 : i32
      %mul3A_1912 = arith.muli %arg1, %mul3A_1911 : i32
      %add3A_1913 = arith.constant 520 : i32
      %add3A_1914 = arith.addi %mul3A_1912, %add3A_1913 : i32
      %mul3A_1915 = arith.constant 10112 : i32
      %mul3A_1916 = arith.muli %arg0, %mul3A_1915 : i32
      %mul3A_1917 = arith.constant 632 : i32
      %mul3A_1918 = arith.muli %arg1, %mul3A_1917 : i32
      %add3A_1919 = arith.addi %mul3A_1916, %mul3A_1918 : i32
      %add3A_1920 = arith.constant 520 : i32
      %add3A_1921 = arith.addi %add3A_1919, %add3A_1920 : i32
      %dma_wait3A_1922 = arith.constant 0 : i32
      %dma_wait3A_1923 = tpu.memref_slice %arg5[%add3A_1921, %dma_wait3A_1922] : memref<20224x128xf32, #tpu.memory_space<hbm>> -> memref<112x128xf32, #tpu.memory_space<hbm>>
      %dma_wait3A_1924 = arith.constant 0 : i32
      %dma_wait3A_1925 = tpu.memref_slice %arg15[%add3A_1914, %dma_wait3A_1924] : memref<10000x128xf32, #tpu.memory_space<vmem_shared>> -> memref<112x128xf32, #tpu.memory_space<vmem_shared>>
      tpu.wait_dma2 semaphore(%arg17 : memref<!tpu.dma_semaphore, #tpu.memory_space<semaphore_mem>>) src(%dma_wait3A_1925 : memref<112x128xf32, #tpu.memory_space<vmem_shared>>) dst(%dma_wait3A_1923 : memref<112x128xf32, #tpu.memory_space<hbm>>)
    } else {
    }
    return
  }
}

module attributes {stable_mosaic.version = 14 : i64} {
  func.func @_dec_body(%arg0: memref<20224x128xf32, #tpu.memory_space<vmem>>, %arg1: memref<2048x128xf32, #tpu.memory_space<vmem>>, %arg2: memref<10000x128xf32, #tpu.memory_space<vmem>>, %arg3: memref<1000x1000xf32, #tpu.memory_space<vmem>>, %arg4: memref<1000x1000xf32, #tpu.memory_space<vmem>>) attributes {dimension_semantics = [], scalar_prefetch = 0 : i64, scratch_operands = 0 : i64, tpu.core_type = #tpu.core_type<tc>} {
    %get3A = arith.constant 0 : index
    %get3A_0 = arith.constant 0 : index
    %get3A_1 = vector.load %arg0[%get3A, %get3A_0] : memref<20224x128xf32, #tpu.memory_space<vmem>>, vector<20224x128xf32>
    %slice3A = vector.extract_strided_slice %get3A_1 {offsets = [0, 0], sizes = [10000, 128], strides = [1, 1]} : vector<20224x128xf32> to vector<10000x128xf32>
    %slice3A_2 = vector.extract_strided_slice %get3A_1 {offsets = [10112, 0], sizes = [10000, 128], strides = [1, 1]} : vector<20224x128xf32> to vector<10000x128xf32>
    %add3A = arith.addf %slice3A, %slice3A_2 : vector<10000x128xf32>
    %swap3A = arith.constant 0 : index
    %swap3A_3 = arith.constant 0 : index
    %swap3A_4 = vector.load %arg2[%swap3A, %swap3A_3] : memref<10000x128xf32, #tpu.memory_space<vmem>>, vector<10000x128xf32>
    tpu.vector_store %arg2[%swap3A, %swap3A_3], %add3A {strides = array<i32>} : memref<10000x128xf32, #tpu.memory_space<vmem>>, vector<10000x128xf32>,
    %get3A_5 = arith.constant 0 : index
    %get3A_6 = arith.constant 0 : index
    %get3A_7 = vector.load %arg1[%get3A_5, %get3A_6] : memref<2048x128xf32, #tpu.memory_space<vmem>>, vector<2048x128xf32>
    %slice3A_8 = vector.extract_strided_slice %get3A_7 {offsets = [0, 0], sizes = [1000, 128], strides = [1, 1]} : vector<2048x128xf32> to vector<1000x128xf32>
    %slice3A_9 = vector.extract_strided_slice %get3A_7 {offsets = [1024, 0], sizes = [1000, 128], strides = [1, 1]} : vector<2048x128xf32> to vector<1000x128xf32>
    %add3A_10 = arith.addf %slice3A_8, %slice3A_9 : vector<1000x128xf32>
    %dot_general3A = arith.constant dense<0.000000e+00> : vector<1000x1000xf32>
    %dot_general3A_11 = tpu.matmul %add3A_10, %add3A_10, %dot_general3A {dimension_numbers = #tpu.dot_dimension_numbers<[1], [1], [0], [0], [0, 0, 1, 0], [], []>, transpose_lhs_hint = false} : vector<1000x128xf32>, vector<1000x128xf32>, vector<1000x1000xf32> -> vector<1000x1000xf32>
    %swap3A_12 = arith.constant 0 : index
    %swap3A_13 = arith.constant 0 : index
    %swap3A_14 = vector.load %arg3[%swap3A_12, %swap3A_13] : memref<1000x1000xf32, #tpu.memory_space<vmem>>, vector<1000x1000xf32>
    tpu.vector_store %arg3[%swap3A_12, %swap3A_13], %dot_general3A_11 {strides = array<i32>} : memref<1000x1000xf32, #tpu.memory_space<vmem>>, vector<1000x1000xf32>,
    %mul3A = arith.mulf %add3A_10, %add3A_10 : vector<1000x128xf32>
    %reduce_sum3A = arith.constant dense<0.000000e+00> : vector<1000xf32>
    %reduce_sum3A_15 = vector.multi_reduction <add>, %mul3A, %reduce_sum3A [1] : vector<1000x128xf32> to vector<1000xf32>
    %broadcast_in_dim3A = vector.shape_cast %reduce_sum3A_15 : vector<1000xf32> to vector<1000x1xf32>
    %mul3A_16 = arith.constant 2.000000e+00 : f32
    %mul3A_17 = vector.broadcast %mul3A_16 : f32 to vector<1000x1000xf32>
    %mul3A_18 = arith.mulf %mul3A_17, %dot_general3A_11 : vector<1000x1000xf32>
    %sub3A = vector.broadcast %broadcast_in_dim3A : vector<1000x1xf32> to vector<1000x1000xf32>
    %sub3A_19 = arith.subf %sub3A, %mul3A_18 : vector<1000x1000xf32>
    %broadcast_in_dim3A_20 = vector.shape_cast %reduce_sum3A_15 : vector<1000xf32> to vector<1x1000xf32>
    %add3A_21 = vector.broadcast %broadcast_in_dim3A_20 : vector<1x1000xf32> to vector<1000x1000xf32>
    %add3A_22 = arith.addf %sub3A_19, %add3A_21 : vector<1000x1000xf32>
    %swap3A_23 = arith.constant 0 : index
    %swap3A_24 = arith.constant 0 : index
    %swap3A_25 = vector.load %arg4[%swap3A_23, %swap3A_24] : memref<1000x1000xf32, #tpu.memory_space<vmem>>, vector<1000x1000xf32>
    tpu.vector_store %arg4[%swap3A_23, %swap3A_24], %add3A_22 {strides = array<i32>} : memref<1000x1000xf32, #tpu.memory_space<vmem>>, vector<1000x1000xf32>,
    return
  }
}

module attributes {stable_mosaic.version = 14 : i64} {
  func.func @_mm_body(%arg0: i32, %arg1: memref<2000x256xf32, #tpu.memory_space<vmem>>, %arg2: memref<256x128xf32, #tpu.memory_space<vmem>>, %arg3: memref<2000x128xf32, #tpu.memory_space<vmem>>) attributes {dimension_semantics = [#tpu.dimension_semantics<arbitrary>], iteration_bounds = array<i64: 5>, scalar_prefetch = 0 : i64, scratch_operands = 0 : i64, tpu.core_type = #tpu.core_type<tc>, window_params = [{transform_indices = @transform_0, window_bounds = array<i64: 2000, 256>}, {pipeline_mode = #tpu.pipeline_mode<synchronous>, transform_indices = @transform_1, window_bounds = array<i64: 256, 128>}, {transform_indices = @transform_2, window_bounds = array<i64: 2000, 128>}]} {
    %get3A = arith.constant 0 : index
    %get3A_0 = arith.constant 0 : index
    %get3A_1 = vector.load %arg1[%get3A, %get3A_0] : memref<2000x256xf32, #tpu.memory_space<vmem>>, vector<2000x256xf32>
    %get3A_2 = arith.constant 0 : index
    %get3A_3 = arith.constant 0 : index
    %get3A_4 = vector.load %arg2[%get3A_2, %get3A_3] : memref<256x128xf32, #tpu.memory_space<vmem>>, vector<256x128xf32>
    %dot_general3A = arith.constant dense<0.000000e+00> : vector<2000x128xf32>
    %dot_general3A_5 = tpu.matmul %get3A_1, %get3A_4, %dot_general3A {dimension_numbers = #tpu.dot_dimension_numbers<[1], [0], [0], [1], [0, 0, 1, 1], [], []>, transpose_lhs_hint = false} : vector<2000x256xf32>, vector<256x128xf32>, vector<2000x128xf32> -> vector<2000x128xf32>
    %swap3A = arith.constant 0 : index
    %swap3A_6 = arith.constant 0 : index
    %swap3A_7 = vector.load %arg3[%swap3A, %swap3A_6] : memref<2000x128xf32, #tpu.memory_space<vmem>>, vector<2000x128xf32>
    tpu.vector_store %arg3[%swap3A, %swap3A_6], %dot_general3A_5 {strides = array<i32>} : memref<2000x128xf32, #tpu.memory_space<vmem>>, vector<2000x128xf32>,
    return
  }
  func.func @transform_0(%arg0: i32) -> (i32, i32) {
    %c0_i32 = arith.constant 0 : i32
    %c0_i32_0 = arith.constant 0 : i32
    return %arg0, %c0_i32 : i32, i32
  }
  func.func @transform_1(%arg0: i32) -> (i32, i32) {
    %c0_i32 = arith.constant 0 : i32
    %c0_i32_0 = arith.constant 0 : i32
    %c0_i32_1 = arith.constant 0 : i32
    return %c0_i32, %c0_i32_0 : i32, i32
  }
  func.func @transform_2(%arg0: i32) -> (i32, i32) {
    %c0_i32 = arith.constant 0 : i32
    %c0_i32_0 = arith.constant 0 : i32
    return %arg0, %c0_i32 : i32, i32
  }
}

</mosaic_0001>

<sc_bundles>
// kernel: kernel.5.cloned.1.call-start
scs
__scs_entry_jumppad:
0x0: {  	(pc) =	sbr.rel $0x88, $3  }
0x1: {  	(tag) =	ssettag $0x0;
	lr =	simm.s32 $0x1  }
0x2: {  	[smem:$0x3F9D] =	sst lr;
	_ =	strace $0xD0000000  }
0x3: {  	_ = 	snop  }
0x4: {  	_ = 	snop  }
0x5: {  	_ = 	snop  }
0x6: {  	_ = 	snop  }
0x7: {  	_ = 	snop  }
__scs_overlays_trampoline_lowered:
0x8: {  	[smem:$0x3FAC] =	sst s0  }
0x9: {  	[smem:$0x3FAD] =	sst s1  }
0xa: {  	[smem:$0x3FAE] =	sst s2  }
0xb: {  	[smem:$0x3FAF] =	sst s3  }
0xc: {  	[smem:$0x3FB0] =	sst s4  }
0xd: {  	[smem:$0x3FB1] =	sst s5  }
0xe: {  	[smem:$0x3FB2] =	sst s6  }
0xf: {  	[smem:$0x3FB3] =	sst s7  }
0x10: {  	[smem:$0x3FB4] =	sst s8  }
0x11: {  	[smem:$0x3FB5] =	sst s9;
	s0 =	simm.s32 @!p0 $0x0  }
0x12: {  	s1 =	sld [smem:$0x3F9B];
	s0 =	simm.s32 @p0 $0x1  }
0x13: {  	[smem:$0x3FB6] =	sst s0;
	s0 =	simm.s32 @!p1 $0x0  }
0x14: {  	s2 =	sld [smem:$0x3F9A];
	s0 =	simm.s32 @p1 $0x1  }
0x15: {  	[smem:$0x3FB7] =	sst s0;
	s0 =	simm.s32 @!p2 $0x0  }
0x16: {  	s3 =	sld [smem:$0x3FDB];
	s0 =	simm.s32 @p2 $0x1  }
0x17: {  	s4 =	simm.s32 $0x1BF5;
	[smem:$0x3FB9] =	sst s0  }
0x18: {  	s0 =	sld [smem:$0x3F9C];
	_ =	swait.ge [sflag:s4], $0x0  }
0x19: {  	s7 =	sld [smem:$0x3F9D]  }
0x1a: {  	s8 =	sadd.s32 $0xFFFFE003, lr  }
0x1b: {  	s9 =	sadd.s32 $0xFFFFFEF7, lr;
	s5 =	simm.s32 $0xFFFFFFFF;
	p2 =	slt.u32 s8, $0xFFFFF086  }
0x1c: {  	p1 =	slt.u32 s9, $0xF7A;
	s5 =	simm.s32 @!p2 $0x0  }
0x1d: {  	s5 =	simm.s32 @p1 $0x1;
	p0 =	seq.s32 s7, s2  }
0x1e: {  	s7 =	smul.u32 @!p0 $0xF7A, s2;
	p2 =	seq.s32 @!p0 s5, $0x0  }
0x1f: {  	s9 =	smul.u32 $0xF7A, s1;
	s8 =	simm.s32 @!p0 $0x1BF5;
	p2 =	por !p2, p0  }
0x20: {  	[sflag:s8] =	ssyncset.s32 @!p0 $0xFFFFF086;
	s6 =	sadd.s32 @!p0 s3, s7;
	s7 =	simm.s32 @!p0 $0x108  }
0x21: {  	s3 =	sadd.s32 s3, s9;
	s6 =	sadd.s32 @!p0 $0x88, s6;
	s7 =	simm.s32 @p2 $0x1082  }
0x22: {  	[simem:s7], [sflag:s8] =	dma.local @!p0 [hbm:s6], $0xF7A  }
0x23: {  	s9 =	sor.u32 $0xD0000000, s2;
	s6 =	simm.s32 $0x108;
	_ =	swait.ge @!p0 [sflag:s8], $0x0  }
0x24: {  	s3 =	sadd.s32 $0x88, s3;
	s6 =	simm.s32 @!p1 $0x1082;
	[sflag:s4] =	ssyncset.s32 $0xFFFFF086  }
0x25: {  	[simem:s6], [sflag:s4] =	dma.local [hbm:s3], $0xF7A  }
0x26: {  	[smem:$0x3F9D] =	sst s1;
	(tag) =	ssettag s2;
	_ =	strace s9  }
0x27: {  	s1 =	sld [smem:$0x3FAD]  }
0x28: {  	s2 =	sld [smem:$0x3FAE]  }
0x29: {  	s4 =	sld [smem:$0x3FB0]  }
0x2a: {  	p0 =	seq.s32 s5, $0x0;
	s5 =	sld [smem:$0x3FB1]  }
0x2b: {  	s6 =	sld [smem:$0x3FB2]  }
0x2c: {  	s7 =	sld [smem:$0x3FB3]  }
0x2d: {  	s3 =	simm.s32 $0x108;
	s8 =	sld [smem:$0x3FB4]  }
0x2e: {  	s3 =	simm.s32 @!p0 $0x1082;
	s9 =	sld [smem:$0x3FB5]  }
0x2f: {  	lr =	sadd.s32 s0, s3;
	s0 =	sld [smem:$0x3FAC]  }
0x30: {  	s3 =	sld [smem:$0x3FAF]  }
0x31: {  	[smem:$0x3FB8] =	sst s10  }
0x32: {  	s10 =	sld [smem:$0x3FB6];
	_ =	sdelay $0x3  }
0x33: {  	p0 =	seq.s32 s10, $0x1;
	s10 =	sld [smem:$0x3FB8];
	_ =	sdelay $0x3  }
0x34: {  	[smem:$0x3FB8] =	sst s10  }
0x35: {  	s10 =	sld [smem:$0x3FB7];
	_ =	sdelay $0x3  }
0x36: {  	p1 =	seq.s32 s10, $0x1;
	s10 =	sld [smem:$0x3FB8];
	_ =	sdelay $0x3  }
0x37: {  	[smem:$0x3FB8] =	sst s10  }
0x38: {  	s10 =	sld [smem:$0x3FB9]  }
0x39: {  	_ = 	snop;
	(pc) =	sbr.ind lr, $3  }
0x3a: {  	_ = 	snop  }
0x3b: {  	_ = 	snop  }
0x3c: {  	p2 =	seq.s32 s10, $0x1;
	s10 =	sld [smem:$0x3FB8]  }
0x3d: {  	_ =	shalt  }
0x3e: {  	_ =	shalt  }
0x3f: {  	_ =	shalt  }
0x40: {  	_ =	shalt  }
0x41: {  	_ =	shalt  }
0x42: {  	_ =	shalt  }
0x43: {  	_ =	shalt  }
0x44: {  	_ =	shalt  }
0x45: {  	_ =	shalt  }
0x46: {  	_ =	shalt  }
0x47: {  	_ =	shalt  }
0x48: {  	_ =	shalt  }
0x49: {  	_ =	shalt  }
0x4a: {  	_ =	shalt  }
0x4b: {  	_ =	shalt  }
0x4c: {  	_ =	shalt  }
0x4d: {  	_ =	shalt  }
0x4e: {  	_ =	shalt  }
0x4f: {  	_ =	shalt  }
0x50: {  	_ =	shalt  }
0x51: {  	_ =	shalt  }
0x52: {  	_ =	shalt  }
0x53: {  	_ =	shalt  }
0x54: {  	_ =	shalt  }
0x55: {  	_ =	shalt  }
0x56: {  	_ =	shalt  }
0x57: {  	_ =	shalt  }
0x58: {  	_ =	shalt  }
0x59: {  	_ =	shalt  }
0x5a: {  	_ =	shalt  }
0x5b: {  	_ =	shalt  }
0x5c: {  	_ =	shalt  }
0x5d: {  	_ =	shalt  }
0x5e: {  	_ =	shalt  }
0x5f: {  	_ =	shalt  }
0x60: {  	_ =	shalt  }
0x61: {  	_ =	shalt  }
0x62: {  	_ =	shalt  }
0x63: {  	_ =	shalt  }
0x64: {  	_ =	shalt  }
0x65: {  	_ =	shalt  }
0x66: {  	_ =	shalt  }
0x67: {  	_ =	shalt  }
0x68: {  	_ =	shalt  }
0x69: {  	_ =	shalt  }
0x6a: {  	_ =	shalt  }
0x6b: {  	_ =	shalt  }
0x6c: {  	_ =	shalt  }
0x6d: {  	_ =	shalt  }
0x6e: {  	_ =	shalt  }
0x6f: {  	_ =	shalt  }
0x70: {  	_ =	shalt  }
0x71: {  	_ =	shalt  }
0x72: {  	_ =	shalt  }
0x73: {  	_ =	shalt  }
0x74: {  	_ =	shalt  }
0x75: {  	_ =	shalt  }
0x76: {  	_ =	shalt  }
0x77: {  	_ =	shalt  }
0x78: {  	_ =	shalt  }
0x79: {  	_ =	shalt  }
0x7a: {  	_ =	shalt  }
0x7b: {  	_ =	shalt  }
0x7c: {  	_ =	shalt  }
0x7d: {  	_ =	shalt  }
0x7e: {  	_ =	shalt  }
0x7f: {  	_ =	shalt  }
0x80: {  	_ =	shalt  }
0x81: {  	_ =	shalt  }
0x82: {  	_ =	shalt  }
0x83: {  	_ =	shalt  }
0x84: {  	_ =	shalt  }
0x85: {  	_ =	shalt  }
0x86: {  	_ =	shalt  }
0x87: {  	_ =	shalt  }
.Lfunc_end0:
.L_simem_size_0:
called_computation_lowered:
.L_overlay_start_0:
0x88: {  	s2 =	sld [smem:$0x3FD9]  }
0x89: {  	s3 =	sld [smem:$0x3FFE];
	_ =	sdelay $0x1  }
0x8a: {  	s1 =	srdreg.scid  }
0x8b: {  	s0 =	sand.u32 $0x1, s1  }
0x8c: {  	s14 =	sshll.u32 s0, $0xA;
	s2 =	sadd.s32 s3, s2  }
0x8d: {  	s2 =	sadd.s32 s2, s14  }
0x8e: {  	[smem:$0x3FC4] =	sst s2  }
0x8f: {  	_ = 	snop  }
0x90: {  	s2 =	sld [smem:$0x3FD0];
	_ =	sdelay $0x2  }
0x91: {  	s15 =	simm.s32 $0xA;
	s4 =	simm.s32 $0x10  }
0x92: {  	[smem:s4], [sflag:s15] =	dma.local [hbm:s2], $0x1  }
0x93: {  	_ =	swait.eq [sflag:s15], $0x1  }
0x94: {  	s16 =	sld [smem:$0x10];
	[sflag:s15] =	ssyncset.done $0x0  }
0x95: {  	s17 =	sld [smem:$0x11];
	[sflag:s15] =	ssyncadd.s32 $0xFFFFFFFF  }
0x96: {  	s18 =	sld [smem:$0x12];
	(tm) =	ssettm $0x1  }
0x97: {  	s5 =	sld [smem:$0x3FFB];
	_ =	sdelay $0x3  }
0x98: {  	_ =	strace s5  }
0x99: {  	s5 =	sld [smem:$0x3FFC];
	_ =	sdelay $0x3  }
0x9a: {  	_ =	strace s5  }
0x9b: {  	s5 =	sld [smem:$0x3FFD];
	_ =	sdelay $0x3  }
0x9c: {  	_ =	strace s5  }
0x9d: {  	_ =	strace $0x8FFFFFFF  }
0x9e: {  	s19 =	sld [smem:$0x3FDB];
	_ =	sdelay $0x1  }
0x9f: {  	s6 =	simm.s32 $_scs_section_size  }
0xa0: {  	s7 =	simm.s32 $_size__tile_overlayer_lowered;
	s8 =	simm.s32 $_tile_overlayer_lowered  }
0xa1: {  	s22 =	simm.s32 $0x1BFF;
	s21 =	sshll.u32 s8, $0x1;
	s5 =	sadd.s32 s6, s19  }
0xa2: {  	s9 =	simm.s32 $0x0;
	s20 =	sshll.u32 s7, $0x1;
	s7 =	sadd.s32 s21, s5  }
0xa3: {  	[timem:s9], [sflag:s22] =	dma.local [hbm:s7], s20  }
0xa4: {  	_ =	swait.ge [sflag:s22], s20  }
0xa5: {  	s6 =	ssub.s32 $0x0, s20;
	[sflag:s22] =	ssyncset.done $0x0  }
0xa6: {  	[sflag:s22] =	ssyncadd.s32 s6;
	_ =	sdelay $0x1  }
0xa7: {  	s23 =	simm.s32 $0x1B8B  }
0xa8: {  	_ =	swait.ge [sflag:s23], $0x1  }
0xa9: {  	[sflag:s23] =	ssyncset.done $0x0  }
0xaa: {  	s25 =	simm.s32 $0x1B8E;
	s24 =	sld [smem:$0x3FFE];
	[sflag:s23] =	ssyncadd.s32 $0xFFFFFFFF  }
0xab: {  	s26 =	simm.s32 $execute0_lowered;
	[smem:$0x3FD2] =	sst s25  }
0xac: {  	s7 =	sshll.u32 s26, $0x1;
	_ =	strace $0x80000046;
	[dreg:$0x1] =	wrdreg $0xFFFFFFFF  }
0xad: {  	s28 =	simm.s32 $_size_execute0_lowered;
	s5 =	sadd.s32 s5, s7;
	[dreg:$0x0] =	wrdreg $0x0  }
0xae: {  	s7 =	sshll.u32 s28, $0x1;
	[dreg:$0x2] =	wrdreg s5  }
0xaf: {  	[dreg:$0x3] =	wrdreg s7  }
0xb0: {  	[dreg:$0x4] =	wrdreg $0xC0  }
0xb1: {  	_ =	task [dreg:s9], $0x5FFFF  }
0xb2: {  	[dreg:$0x1] =	wrdreg $0xFFFFFFFF  }
0xb3: {  	[dreg:$0x0] =	wrdreg $0x60  }
0xb4: {  	[dreg:$0x2] =	wrdreg s16  }
0xb5: {  	[dreg:$0x3] =	wrdreg s18  }
0xb6: {  	[dreg:$0x4] =	wrdreg s24  }
0xb7: {  	[dreg:$0x5] =	wrdreg s17  }
0xb8: {  	[dreg:$0x6] =	wrdreg $0xC4800  }
0xb9: {  	[dreg:$0x7] =	wrdreg $0x9  }
0xba: {  	_ =	task.clear_ibuf [dreg:s9], $0x8FFFF;
	_ =	strace $0x90000046  }
0xbb: {  	s29 =	simm.s32 $0x9;
	_ =	strace $0x80000048  }
0xbc: {  	_ =	swait.ge [sflag:s29], $0x1  }
0xbd: {  	[sflag:s29] =	ssyncadd.s32 $0xFFFFFFFF  }
0xbe: {  	_ =	strace $0x90000048  }
0xbf: {  	_ =	sfence  }
0xc0: {  	s30 =	sld [smem:$0x0];
	_ =	sdelay $0x2  }
0xc1: {  	s31 =	sshll.u32 s1, $0xD;
	s1 =	sshrl.u32 s1, $0x2  }
0xc2: {  	s3 =	sand.u32 $0x4000, s31;
	s1 =	sadd.s32 s1, s30  }
0xc3: {  	s0 =	sor.u32 s3, s0;
	s1 =	sshll.u32 s1, $0x11  }
0xc4: {  	s0 =	sor.u32 s1, s0  }
0xc5: {  	s0 =	sadd.s32 $0x8F2B, s0  }
0xc6: {  	[sflag:s0] =	ssyncadd.remote.s32 $0x1  }
0xc7: {  	_ =	sfence.sel $0xFFFF  }
0xc8: {  	[dreg:$0x0] =	wrdreg $0xFFFFFFFF;
	(pc) =	sbr.abs _section_cstart, $3  }
0xc9: {  	[dreg:$0x1] =	wrdreg $0xFFFFFFFF  }
0xca: {  	_ =	task.clear_ibuf [dreg:s9], $0x2FFFF;
	_ =	strace $0x9FFFFFFF  }
0xcb: {  	(tm) =	ssettm $0x7FFFFFFF  }
tec
execute0_lowered:
.L_overlay_start_1:
0x0: {  	(tag) =	ssettag $0x1  }
0x1: {  	s1 =	rddreg [dreg:$0x0]  }
0x2: {  	s0 =	rddreg [dreg:$0x1]  }
0x3: {  	s2 =	rddreg [dreg:$0x2]  }
0x4: {  	s13 =	stileid.u32;
	s5 =	srdreg.scid  }
0x5: {  	s7 =	sand.u32 $0x1, s5;
	s25 =	smul.u32 $0x278, s13;
	s9 =	sshll.u32 s13, $0x1  }
0x6: {  	s6 =	rddreg [dreg:$0x3];
	s8 =	smul.u32 $0x2780, s7;
	s26 =	sor.u32 s7, s9  }
0x7: {  	s3 =	rddreg [dreg:$0x4];
	s30 =	smul.u32 $0x1400, s26  }
0x8: {  	s10 =	sshll.u32 s13, $0x3;
	s5 =	sadd.s32 s25, s8;
	s8 =	smul.u32 $0x280, s26  }
0x9: {  	s4 =	simm.s32 $0x0;
	s9 =	sadd.s32 s10, s2;
	s10 =	sshrl.u32 s30, $0x3  }
0xa: {  	[smem:$0x7FF] =	sst s4;
	s10 =	sadd.s32 s0, s10;
	s8 =	sadd.s32 s0, s8  }
0xb: {  	_ =	strace $0x80000047;
	s14 =	sadd.s32 $0x5000, s10;
	[dreg:$0x6] =	wrdreg s8  }
0xc: {  	s15 =	sadd.s32 $0x5020, s10;
	[dreg:$0x7] =	wrdreg s14  }
0xd: {  	s16 =	sadd.s32 $0x5040, s10;
	[dreg:$0x8] =	wrdreg s15  }
0xe: {  	s17 =	sadd.s32 $0x80, s10;
	[dreg:$0x9] =	wrdreg s16  }
0xf: {  	s18 =	sadd.s32 $0x5060, s10;
	[dreg:$0xa] =	wrdreg s17  }
0x10: {  	s19 =	sadd.s32 $0xA0, s10;
	[dreg:$0xb] =	wrdreg s18  }
0x11: {  	s11 =	smul.u32 $0x4F000, s13;
	s20 =	sadd.s32 $0x5080, s10;
	[dreg:$0xc] =	wrdreg s19  }
0x12: {  	s31 =	ssub.s32 $0x2, s7;
	s21 =	sadd.s32 $0xC0, s10;
	[dreg:$0xd] =	wrdreg s20  }
0x13: {  	s12 =	sshrl.u32 s31, $0x1;
	s22 =	sadd.s32 $0x50A0, s10;
	[dreg:$0xe] =	wrdreg s21  }
0x14: {  	s12 =	ssub.s32 s31, s12;
	s23 =	sadd.s32 $0xE0, s10;
	[dreg:$0xf] =	wrdreg s22  }
0x15: {  	s26 =	sshll.u32 s13, $0xA;
	s24 =	sadd.s32 $0x50C0, s10;
	[dreg:$0x10] =	wrdreg s23  }
0x16: {  	s31 =	sshll.u32 s7, $0xE;
	s25 =	sadd.s32 $0x100, s10;
	[dreg:$0x11] =	wrdreg s24  }
0x17: {  	s0 =	sadd.s32 s6, s26;
	s30 =	sadd.s32 $0x50E0, s10;
	[dreg:$0x12] =	wrdreg s25  }
0x18: {  	s11 =	sshrl.u32 s11, $0x2;
	s0 =	sadd.s32 s31, s0;
	[dreg:$0x13] =	wrdreg s30  }
0x19: {  	s5 =	sshll.u32 s5, $0x4;
	s6 =	sadd.s32 $0x120, s10;
	[dreg:$0x14] =	wrdreg s0  }
0x1a: {  	s2 =	sadd.s32 s5, s2;
	s7 =	sadd.s32 $0x5100, s10;
	[dreg:$0x15] =	wrdreg s6  }
0x1b: {  	s5 =	sadd.s32 s11, s3;
	s11 =	sadd.s32 $0x140, s10;
	[dreg:$0x16] =	wrdreg s7  }
0x1c: {  	s26 =	sadd.s32 $0x51E0, s10;
	[dreg:$0x17] =	wrdreg s11  }
0x1d: {  	s31 =	sadd.s32 $0x5200, s10;
	[smem:$0x7E8] =	sst s26  }
0x1e: {  	s14 =	sadd.s32 $0x5120, s10;
	[smem:$0x7EA] =	sst s31  }
0x1f: {  	s15 =	sadd.s32 $0x160, s10;
	[dreg:$0x18] =	wrdreg s14  }
0x20: {  	s16 =	sadd.s32 $0x5140, s10;
	[dreg:$0x19] =	wrdreg s15  }
0x21: {  	s17 =	sadd.s32 $0x180, s10;
	[dreg:$0x1a] =	wrdreg s16  }
0x22: {  	s18 =	sadd.s32 $0x5160, s10;
	[dreg:$0x1b] =	wrdreg s17  }
0x23: {  	s19 =	sadd.s32 $0x1A0, s10;
	[dreg:$0x1c] =	wrdreg s18  }
0x24: {  	s20 =	sadd.s32 $0x5180, s10;
	[dreg:$0x1d] =	wrdreg s19  }
0x25: {  	s21 =	sadd.s32 $0x1C0, s10;
	[dreg:$0x1e] =	wrdreg s20  }
0x26: {  	s22 =	sadd.s32 $0x51A0, s10;
	[dreg:$0x1f] =	wrdreg s21  }
0x27: {  	s23 =	sadd.s32 $0x1E0, s10;
	[smem:$0x7E4] =	sst s22  }
0x28: {  	s24 =	sadd.s32 $0x51C0, s10;
	[smem:$0x7E5] =	sst s23  }
0x29: {  	s25 =	sadd.s32 $0x200, s10;
	[smem:$0x7E6] =	sst s24  }
0x2a: {  	s30 =	sadd.s32 $0x220, s10;
	[smem:$0x7E7] =	sst s25  }
0x2b: {  	s6 =	sadd.s32 $0x240, s10;
	[smem:$0x7E9] =	sst s30  }
0x2c: {  	s7 =	sadd.s32 $0x5220, s10;
	[smem:$0x7EB] =	sst s6  }
0x2d: {  	s11 =	sadd.s32 $0x260, s10;
	[smem:$0x7EC] =	sst s7  }
0x2e: {  	s26 =	sadd.s32 $0x20, s8;
	[smem:$0x7ED] =	sst s11  }
0x2f: {  	s31 =	sadd.s32 $0x60, s8;
	[smem:$0x7FB] =	sst s26  }
0x30: {  	s14 =	sadd.s32 $0x5240, s10;
	[smem:$0x7FD] =	sst s31  }
0x31: {  	s15 =	sadd.s32 $0x5260, s10;
	[smem:$0x7EE] =	sst s14  }
0x32: {  	s16 =	sadd.s32 $0x1600, s2;
	[smem:$0x7EF] =	sst s15  }
0x33: {  	s28 =	simm.s32 $0x5;
	s17 =	sadd.s32 $0x3680, s2;
	[smem:$0x7F0] =	sst s16  }
0x34: {  	p0 =	seq.s32 s13, $0xF;
	s18 =	sadd.s32 $0x1400, s9;
	[smem:$0x7F1] =	sst s17  }
0x35: {  	s0 =	sadd.s32 $0x10400, s5;
	s19 =	smax.u32 s12, $0x1;
	[smem:$0x7F2] =	sst s18  }
0x36: {  	s29 =	simm.s32 $0x6;
	s0 =	sshrl.u32 @!p0 s0, $0x3;
	[smem:$0x7F3] =	sst s19  }
0x37: {  	s13 =	simm.s32 $0x7D;
	s20 =	sadd.s32 $0x3C00, s5;
	[smem:$0x7F4] =	sst s0  }
0x38: {  	s21 =	sadd.s32 $0x7800, s5;
	s22 =	sadd.s32 $0xB400, s5;
	[smem:$0x7F5] =	sst s20  }
0x39: {  	s23 =	sadd.s32 $0xF000, s5;
	s24 =	sadd.s32 $0x12C00, s5;
	[smem:$0x7F6] =	sst s21  }
0x3a: {  	s25 =	sadd.s32 $0x137400, s3;
	s30 =	sadd.s32 $0x40, s8;
	[smem:$0x7F7] =	sst s22  }
0x3b: {  	s8 =	simm.s32 $0x400;
	s2 =	simm.s32 $0xC;
	[smem:$0x7F8] =	sst s23  }
0x3c: {  	s9 =	simm.s32 $0x100;
	s10 =	simm.s32 $0x200;
	[smem:$0x7F9] =	sst s24  }
0x3d: {  	s11 =	simm.s32 $0x300;
	s12 =	simm.s32 $0x7;
	[smem:$0x7FA] =	sst s25  }
0x3e: {  	s26 =	simm.s32 $0x380;
	[smem:$0x7FC] =	sst s30;
	s14 =	simm.s32 $0x9  }
0x3f: {  	s15 =	simm.s32 $0x1;
	s16 =	simm.s32 $0x80;
	s17 =	simm.s32 $0x4400  }
0x40: {  	s18 =	simm.s32 $0x2;
	s19 =	simm.s32 $0x280;
	s20 =	simm.s32 $0x8  }
0x41: {  	s21 =	simm.s32 $0x8400;
	s22 =	simm.s32 $0xA;
	s23 =	simm.s32 $0x3  }
0x42: {  	v0 =	vimm.f32 $0.0e+00;
	s24 =	simm.s32 $0x4;
	s25 =	simm.s32 $0x180;
	s0 =	simm.s32 $0x0  }
.LBB2_1:
0x43: {  	s7 =	simm.s32 $0x0;
	s6 =	simm.s32 $0x200  }
.LBB2_2:
0x44: {  	p1 =	sne.s32 s6, $0xEE00;
	[tilespmem:s7+$0x470] =	vst v0  }
0x45: {  	[tilespmem:s7+$0x400] =	vst v0  }
0x46: {  	[tilespmem:s7+$0x410] =	vst v0  }
.Ltmp0:
0x47: {  	[tilespmem:s7+$0x420] =	vst v0;
	(pc) =	sbr.rel @p1 .LBB2_2-.Ltmp0, $4  }
0x48: {  	[tilespmem:s7+$0x430] =	vst v0  }
0x49: {  	[tilespmem:s7+$0x440] =	vst v0  }
0x4a: {  	[tilespmem:s7+$0x450] =	vst v0  }
0x4b: {  	[tilespmem:s7+$0x460] =	vst v0;
	s7 =	sshra.s32 s6, $0x2;
	s6 =	sadd.s32 $0x200, s6  }
0x4c: {  	[tilespmem:s7+$0x470] =	vst v0  }
0x4d: {  	[tilespmem:s7+$0x400] =	vst v0  }
0x4e: {  	[tilespmem:s7+$0x410] =	vst v0  }
0x4f: {  	[tilespmem:s7+$0x420] =	vst v0  }
0x50: {  	[tilespmem:s7+$0x430] =	vst v0  }
0x51: {  	[tilespmem:s7+$0x440] =	vst v0  }
0x52: {  	[tilespmem:s7+$0x450] =	vst v0  }
0x53: {  	[tilespmem:s7+$0x460] =	vst v0  }
0x54: {  	[spmem:s5] =	stream.linear.scatter [tilespmem:s8], [sflag:$0xC], $0x3C00, $0x38;
	[tilespmem:$0x1FD00] =	vst v63  }
0x55: {  	_ =	swait.ge [sflag:s2], $0x3C00  }
0x56: {  	s6 =	sld [smem:$0x7F5]  }
0x57: {  	[sflag:s2] =	ssyncset.done $0x0  }
0x58: {  	[sflag:s2] =	ssyncadd.s32 $0xFFFFC400  }
0x59: {  	[spmem:s6] =	stream.linear.scatter [tilespmem:s8], [sflag:$0xC], $0x3C00, $0x38;
	[tilespmem:$0x1FD00] =	vst v63  }
0x5a: {  	_ =	swait.ge [sflag:s2], $0x3C00  }
0x5b: {  	s7 =	sld [smem:$0x7F6]  }
0x5c: {  	[sflag:s2] =	ssyncset.done $0x0  }
0x5d: {  	[sflag:s2] =	ssyncadd.s32 $0xFFFFC400  }
0x5e: {  	[spmem:s7] =	stream.linear.scatter [tilespmem:s8], [sflag:$0xC], $0x3C00, $0x38;
	[tilespmem:$0x1FD00] =	vst v63  }
0x5f: {  	_ =	swait.ge [sflag:s2], $0x3C00  }
0x60: {  	s30 =	sld [smem:$0x7F7]  }
0x61: {  	[sflag:s2] =	ssyncset.done $0x0  }
0x62: {  	[sflag:s2] =	ssyncadd.s32 $0xFFFFC400  }
0x63: {  	[spmem:s30] =	stream.linear.scatter [tilespmem:s8], [sflag:$0xC], $0x3C00, $0x38;
	[tilespmem:$0x1FD00] =	vst v63  }
0x64: {  	_ =	swait.ge [sflag:s2], $0x3C00  }
0x65: {  	s7 =	sld [smem:$0x7FA]  }
0x66: {  	[sflag:s2] =	ssyncset.done $0x0  }
0x67: {  	s6 =	simm.s32 @p0 $0x400;
	[sflag:s2] =	ssyncadd.s32 $0xFFFFC400  }
0x68: {  	[spmem:s7] =	stream.linear.scatter @p0 [tilespmem:s6], [sflag:$0xC], $0x1400, $0x38;
	[tilespmem:$0x1FD00] =	vst v63  }
0x69: {  	s6 =	simm.s32 @p0 $0xC  }
0x6a: {  	_ =	swait.ge @p0 [sflag:s6], $0x1400  }
0x6b: {  	s7 =	sld [smem:$0x7F8]  }
0x6c: {  	[sflag:s6] =	ssyncset.done @p0 $0x0  }
0x6d: {  	[sflag:s6] =	ssyncadd.s32 @p0 $0xFFFFEC00;
	s6 =	simm.s32 @!p0 $0x400  }
0x6e: {  	[spmem:s7] =	stream.linear.scatter @!p0 [tilespmem:s6], [sflag:$0xC], $0x3C00, $0x38;
	[tilespmem:$0x1FD00] =	vst v63  }
0x6f: {  	s7 =	simm.s32 @!p0 $0xC  }
0x70: {  	_ =	swait.ge @!p0 [sflag:s7], $0x3C00  }
0x71: {  	s30 =	sld [smem:$0x7F9]  }
0x72: {  	[sflag:s7] =	ssyncset.done @!p0 $0x0  }
0x73: {  	[sflag:s7] =	ssyncadd.s32 @!p0 $0xFFFFC400  }
0x74: {  	[spmem:s30] =	stream.linear.scatter @!p0 [tilespmem:s6], [sflag:$0xC], $0x1000, $0x38;
	[tilespmem:$0x1FD00] =	vst v63  }
0x75: {  	_ =	swait.ge @!p0 [sflag:s7], $0x1000  }
0x76: {  	[sflag:s7] =	ssyncset.done @!p0 $0x0;
	s31 =	rddreg [dreg:$0x6]  }
0x77: {  	[sflag:s7] =	ssyncadd.s32 @!p0 $0xFFFFF000;
	s7 =	sld [smem:$0x7FB]  }
0x78: {  	[tilespmem:s4], [sflag:$0x7] =	stream.linear.gather [hbm4b:s31+s4], $0x100, $0x38;
	[tilespmem:$0x1FD00] =	vst v63  }
0x79: {  	_ = 	snop  }
0x7a: {  	[tilespmem:s9], [sflag:$0x8] =	stream.linear.gather [hbm4b:s7+s4], $0x100, $0x38;
	[tilespmem:$0x1FD00] =	vst v63  }
0x7b: {  	s30 =	rddreg [dreg:$0x7]  }
0x7c: {  	[tilespmem:s10], [sflag:$0x9] =	stream.linear.gather [hbm4b:s30+s4], $0x100, $0x38;
	[tilespmem:$0x1FD00] =	vst v63  }
0x7d: {  	s31 =	rddreg [dreg:$0x8]  }
0x7e: {  	[tilespmem:s11], [sflag:$0xA] =	stream.linear.gather [hbm4b:s31+s4], $0x100, $0x38;
	[tilespmem:$0x1FD00] =	vst v63  }
0x7f: {  	[bflag:$0x0] =	sbarrier.arrive $0xFFFF  }
0x80: {  	_ =	swait.ge [sflag:s12], $0x100  }
0x81: {  	[sflag:s12] =	ssyncset.done $0x0  }
0x82: {  	[sflag:s12] =	ssyncadd.s32 $0xFFFFFF00  }
0x83: {  	[tilespmem:s8], [sflag:$0x1] =	stream.indirect.gather [hbm4b:s1+s13], $0x80, s4, s13, $0xb8;
	[tilespmem:$0x1FD00] =	vst v63  }
0x84: {  	_ =	swait.ge [sflag:s14], $0x100  }
0x85: {  	[sflag:s14] =	ssyncset.done $0x0  }
0x86: {  	[sflag:s14] =	ssyncadd.s32 $0xFFFFFF00  }
0x87: {  	_ =	swait.ge [sflag:s15], $0x3E80  }
0x88: {  	[sflag:s15] =	ssyncset.done $0x0  }
0x89: {  	[sflag:s15] =	ssyncadd.s32 $0xFFFFC180  }
0x8a: {  	[spmem:s3] =	stream.indirect.scatter.add.f32 [tilespmem:s8], [sflag:$0x4], $0x80, s10, s13, $0xb8;
	[tilespmem:$0x1FD00] =	vst v63  }
0x8b: {  	_ = 	snop  }
0x8c: {  	[tilespmem:s17], [sflag:$0x2] =	stream.indirect.gather [hbm4b:s1+s13], $0x80, s16, s13, $0xb8;
	[tilespmem:$0x1FD00] =	vst v63  }
0x8d: {  	_ =	swait.ge [sflag:s18], $0x3E80  }
0x8e: {  	[sflag:s18] =	ssyncset.done $0x0  }
0x8f: {  	s7 =	sld [smem:$0x7FC];
	[sflag:s18] =	ssyncadd.s32 $0xFFFFC180  }
0x90: {  	[spmem:s3] =	stream.indirect.scatter.add.f32 [tilespmem:s17], [sflag:$0x5], $0x80, s19, s13, $0xb8;
	[tilespmem:$0x1FD00] =	vst v63  }
0x91: {  	_ = 	snop  }
0x92: {  	[tilespmem:s4], [sflag:$0x7] =	stream.linear.gather [hbm4b:s7+s4], $0x100, $0x38;
	[tilespmem:$0x1FD00] =	vst v63  }
0x93: {  	_ =	swait.ge [sflag:s20], $0x100  }
0x94: {  	[sflag:s20] =	ssyncset.done $0x0  }
0x95: {  	[sflag:s20] =	ssyncadd.s32 $0xFFFFFF00  }
0x96: {  	[tilespmem:s21], [sflag:$0x3] =	stream.indirect.gather [hbm4b:s1+s13], $0x80, s9, s13, $0xb8;
	[tilespmem:$0x1FD00] =	vst v63  }
0x97: {  	_ =	swait.ge [sflag:s22], $0x100  }
0x98: {  	[sflag:s22] =	ssyncset.done $0x0  }
0x99: {  	[sflag:s22] =	ssyncadd.s32 $0xFFFFFF00  }
0x9a: {  	_ =	swait.ge [sflag:s23], $0x3E80  }
0x9b: {  	[sflag:s23] =	ssyncset.done $0x0  }
0x9c: {  	[sflag:s23] =	ssyncadd.s32 $0xFFFFC180  }
0x9d: {  	[spmem:s3] =	stream.indirect.scatter.add.f32 [tilespmem:s21], [sflag:$0x6], $0x80, s11, s13, $0xb8;
	[tilespmem:$0x1FD00] =	vst v63  }
0x9e: {  	_ =	swait.ge [sflag:s24], $0x3E80  }
0x9f: {  	[sflag:s24] =	ssyncset.done $0x0  }
0xa0: {  	[sflag:s24] =	ssyncadd.s32 $0xFFFFC180  }
0xa1: {  	[tilespmem:s8], [sflag:$0x1] =	stream.indirect.gather [hbm4b:s1+s13], $0x80, s25, s13, $0xb8;
	[tilespmem:$0x1FD00] =	vst v63  }
0xa2: {  	_ =	swait.ge [sflag:s15], $0x3E80  }
0xa3: {  	[sflag:s15] =	ssyncset.done $0x0  }
0xa4: {  	[sflag:s15] =	ssyncadd.s32 $0xFFFFC180  }
0xa5: {  	[spmem:s3] =	stream.indirect.scatter.add.f32 [tilespmem:s8], [sflag:$0x4], $0x80, s26, s13, $0xb8;
	[tilespmem:$0x1FD00] =	vst v63  }
0xa6: {  	_ =	swait.ge [sflag:s28], $0x3E80  }
0xa7: {  	s30 =	sld [smem:$0x7FD]  }
0xa8: {  	[sflag:s28] =	ssyncset.done $0x0  }
0xa9: {  	[sflag:s28] =	ssyncadd.s32 $0xFFFFC180  }
0xaa: {  	[tilespmem:s9], [sflag:$0x8] =	stream.linear.gather [hbm4b:s30+s4], $0x100, $0x38;
	[tilespmem:$0x1FD00] =	vst v63  }
0xab: {  	s31 =	rddreg [dreg:$0x9]  }
0xac: {  	[tilespmem:s10], [sflag:$0x9] =	stream.linear.gather [hbm4b:s31+s4], $0x100, $0x38;
	[tilespmem:$0x1FD00] =	vst v63  }
0xad: {  	_ =	swait.ge [sflag:s12], $0x100  }
0xae: {  	[sflag:s12] =	ssyncset.done $0x0  }
0xaf: {  	[sflag:s12] =	ssyncadd.s32 $0xFFFFFF00  }
0xb0: {  	[tilespmem:s17], [sflag:$0x2] =	stream.indirect.gather [hbm4b:s1+s13], $0x80, s4, s13, $0xb8;
	[tilespmem:$0x1FD00] =	vst v63  }
0xb1: {  	_ =	swait.ge [sflag:s14], $0x100  }
0xb2: {  	[sflag:s14] =	ssyncset.done $0x0  }
0xb3: {  	[sflag:s14] =	ssyncadd.s32 $0xFFFFFF00  }
0xb4: {  	_ =	swait.ge [sflag:s18], $0x3E80  }
0xb5: {  	[sflag:s18] =	ssyncset.done $0x0  }
0xb6: {  	[sflag:s18] =	ssyncadd.s32 $0xFFFFC180  }
0xb7: {  	[spmem:s3] =	stream.indirect.scatter.add.f32 [tilespmem:s17], [sflag:$0x5], $0x80, s10, s13, $0xb8;
	[tilespmem:$0x1FD00] =	vst v63  }
0xb8: {  	_ =	swait.ge [sflag:s29], $0x3E80  }
0xb9: {  	[sflag:s29] =	ssyncset.done $0x0  }
0xba: {  	[sflag:s29] =	ssyncadd.s32 $0xFFFFC180  }
0xbb: {  	[tilespmem:s21], [sflag:$0x3] =	stream.indirect.gather [hbm4b:s1+s13], $0x80, s16, s13, $0xb8;
	[tilespmem:$0x1FD00] =	vst v63  }
0xbc: {  	_ =	swait.ge [sflag:s23], $0x3E80  }
0xbd: {  	[sflag:s23] =	ssyncset.done $0x0  }
0xbe: {  	[sflag:s23] =	ssyncadd.s32 $0xFFFFC180  }
0xbf: {  	[spmem:s3] =	stream.indirect.scatter.add.f32 [tilespmem:s21], [sflag:$0x6], $0x80, s19, s13, $0xb8;
	[tilespmem:$0x1FD00] =	vst v63  }
0xc0: {  	_ =	swait.ge [sflag:s24], $0x3E80  }
0xc1: {  	[sflag:s24] =	ssyncset.done $0x0  }
0xc2: {  	s7 =	rddreg [dreg:$0xa];
	[sflag:s24] =	ssyncadd.s32 $0xFFFFC180  }
0xc3: {  	[tilespmem:s4], [sflag:$0x7] =	stream.linear.gather [hbm4b:s7+s4], $0x100, $0x38;
	[tilespmem:$0x1FD00] =	vst v63  }
0xc4: {  	s30 =	rddreg [dreg:$0xb]  }
0xc5: {  	[tilespmem:s11], [sflag:$0xA] =	stream.linear.gather [hbm4b:s30+s4], $0x100, $0x38;
	[tilespmem:$0x1FD00] =	vst v63  }
0xc6: {  	_ =	swait.ge [sflag:s20], $0x100  }
0xc7: {  	[sflag:s20] =	ssyncset.done $0x0  }
0xc8: {  	[sflag:s20] =	ssyncadd.s32 $0xFFFFFF00  }
0xc9: {  	[tilespmem:s8], [sflag:$0x1] =	stream.indirect.gather [hbm4b:s1+s13], $0x80, s9, s13, $0xb8;
	[tilespmem:$0x1FD00] =	vst v63  }
0xca: {  	_ =	swait.ge [sflag:s22], $0x100  }
0xcb: {  	[sflag:s22] =	ssyncset.done $0x0  }
0xcc: {  	[sflag:s22] =	ssyncadd.s32 $0xFFFFFF00  }
0xcd: {  	_ =	swait.ge [sflag:s15], $0x3E80  }
0xce: {  	[sflag:s15] =	ssyncset.done $0x0  }
0xcf: {  	[sflag:s15] =	ssyncadd.s32 $0xFFFFC180  }
0xd0: {  	[spmem:s3] =	stream.indirect.scatter.add.f32 [tilespmem:s8], [sflag:$0x4], $0x80, s11, s13, $0xb8;
	[tilespmem:$0x1FD00] =	vst v63  }
0xd1: {  	_ =	swait.ge [sflag:s28], $0x3E80  }
0xd2: {  	[sflag:s28] =	ssyncset.done $0x0  }
0xd3: {  	[sflag:s28] =	ssyncadd.s32 $0xFFFFC180  }
0xd4: {  	[tilespmem:s17], [sflag:$0x2] =	stream.indirect.gather [hbm4b:s1+s13], $0x80, s25, s13, $0xb8;
	[tilespmem:$0x1FD00] =	vst v63  }
0xd5: {  	_ =	swait.ge [sflag:s18], $0x3E80  }
0xd6: {  	[sflag:s18] =	ssyncset.done $0x0  }
0xd7: {  	[sflag:s18] =	ssyncadd.s32 $0xFFFFC180  }
0xd8: {  	[spmem:s3] =	stream.indirect.scatter.add.f32 [tilespmem:s17], [sflag:$0x5], $0x80, s26, s13, $0xb8;
	[tilespmem:$0x1FD00] =	vst v63  }
0xd9: {  	_ =	swait.ge [sflag:s29], $0x3E80  }
0xda: {  	[sflag:s29] =	ssyncset.done $0x0  }
0xdb: {  	s31 =	rddreg [dreg:$0xc];
	[sflag:s29] =	ssyncadd.s32 $0xFFFFC180  }
0xdc: {  	[tilespmem:s9], [sflag:$0x8] =	stream.linear.gather [hbm4b:s31+s4], $0x100, $0x38;
	[tilespmem:$0x1FD00] =	vst v63  }
0xdd: {  	s7 =	rddreg [dreg:$0xd]  }
0xde: {  	[tilespmem:s10], [sflag:$0x9] =	stream.linear.gather [hbm4b:s7+s4], $0x100, $0x38;
	[tilespmem:$0x1FD00] =	vst v63  }
0xdf: {  	_ =	swait.ge [sflag:s12], $0x100  }
0xe0: {  	[sflag:s12] =	ssyncset.done $0x0  }
0xe1: {  	[sflag:s12] =	ssyncadd.s32 $0xFFFFFF00  }
0xe2: {  	[tilespmem:s21], [sflag:$0x3] =	stream.indirect.gather [hbm4b:s1+s13], $0x80, s4, s13, $0xb8;
	[tilespmem:$0x1FD00] =	vst v63  }
0xe3: {  	_ =	swait.ge [sflag:s14], $0x100  }
0xe4: {  	[sflag:s14] =	ssyncset.done $0x0  }
0xe5: {  	[sflag:s14] =	ssyncadd.s32 $0xFFFFFF00  }
0xe6: {  	_ =	swait.ge [sflag:s23], $0x3E80  }
0xe7: {  	[sflag:s23] =	ssyncset.done $0x0  }
0xe8: {  	[sflag:s23] =	ssyncadd.s32 $0xFFFFC180  }
0xe9: {  	[spmem:s3] =	stream.indirect.scatter.add.f32 [tilespmem:s21], [sflag:$0x6], $0x80, s10, s13, $0xb8;
	[tilespmem:$0x1FD00] =	vst v63  }
0xea: {  	_ =	swait.ge [sflag:s24], $0x3E80  }
0xeb: {  	[sflag:s24] =	ssyncset.done $0x0  }
0xec: {  	[sflag:s24] =	ssyncadd.s32 $0xFFFFC180  }
0xed: {  	[tilespmem:s8], [sflag:$0x1] =	stream.indirect.gather [hbm4b:s1+s13], $0x80, s16, s13, $0xb8;
	[tilespmem:$0x1FD00] =	vst v63  }
0xee: {  	_ =	swait.ge [sflag:s15], $0x3E80  }
0xef: {  	[sflag:s15] =	ssyncset.done $0x0  }
0xf0: {  	[sflag:s15] =	ssyncadd.s32 $0xFFFFC180  }
0xf1: {  	[spmem:s3] =	stream.indirect.scatter.add.f32 [tilespmem:s8], [sflag:$0x4], $0x80, s19, s13, $0xb8;
	[tilespmem:$0x1FD00] =	vst v63  }
0xf2: {  	_ =	swait.ge [sflag:s28], $0x3E80  }
0xf3: {  	[sflag:s28] =	ssyncset.done $0x0  }
0xf4: {  	s30 =	rddreg [dreg:$0xe];
	[sflag:s28] =	ssyncadd.s32 $0xFFFFC180  }
0xf5: {  	[tilespmem:s4], [sflag:$0x7] =	stream.linear.gather [hbm4b:s30+s4], $0x100, $0x38;
	[tilespmem:$0x1FD00] =	vst v63  }
0xf6: {  	s31 =	rddreg [dreg:$0xf]  }
0xf7: {  	[tilespmem:s11], [sflag:$0xA] =	stream.linear.gather [hbm4b:s31+s4], $0x100, $0x38;
	[tilespmem:$0x1FD00] =	vst v63  }
0xf8: {  	_ =	swait.ge [sflag:s20], $0x100  }
0xf9: {  	[sflag:s20] =	ssyncset.done $0x0  }
0xfa: {  	[sflag:s20] =	ssyncadd.s32 $0xFFFFFF00  }
0xfb: {  	[tilespmem:s17], [sflag:$0x2] =	stream.indirect.gather [hbm4b:s1+s13], $0x80, s9, s13, $0xb8;
	[tilespmem:$0x1FD00] =	vst v63  }
0xfc: {  	_ =	swait.ge [sflag:s22], $0x100  }
0xfd: {  	[sflag:s22] =	ssyncset.done $0x0  }
0xfe: {  	[sflag:s22] =	ssyncadd.s32 $0xFFFFFF00  }
0xff: {  	_ =	swait.ge [sflag:s18], $0x3E80  }
0x100: {  	[sflag:s18] =	ssyncset.done $0x0  }
0x101: {  	[sflag:s18] =	ssyncadd.s32 $0xFFFFC180  }
0x102: {  	[spmem:s3] =	stream.indirect.scatter.add.f32 [tilespmem:s17], [sflag:$0x5], $0x80, s11, s13, $0xb8;
	[tilespmem:$0x1FD00] =	vst v63  }
0x103: {  	_ =	swait.ge [sflag:s29], $0x3E80  }
0x104: {  	[sflag:s29] =	ssyncset.done $0x0  }
0x105: {  	[sflag:s29] =	ssyncadd.s32 $0xFFFFC180  }
0x106: {  	[tilespmem:s21], [sflag:$0x3] =	stream.indirect.gather [hbm4b:s1+s13], $0x80, s25, s13, $0xb8;
	[tilespmem:$0x1FD00] =	vst v63  }
0x107: {  	_ =	swait.ge [sflag:s23], $0x3E80  }
0x108: {  	[sflag:s23] =	ssyncset.done $0x0  }
0x109: {  	[sflag:s23] =	ssyncadd.s32 $0xFFFFC180  }
0x10a: {  	[spmem:s3] =	stream.indirect.scatter.add.f32 [tilespmem:s21], [sflag:$0x6], $0x80, s26, s13, $0xb8;
	[tilespmem:$0x1FD00] =	vst v63  }
0x10b: {  	_ =	swait.ge [sflag:s24], $0x3E80  }
0x10c: {  	[sflag:s24] =	ssyncset.done $0x0  }
0x10d: {  	s7 =	rddreg [dreg:$0x10];
	[sflag:s24] =	ssyncadd.s32 $0xFFFFC180  }
0x10e: {  	[tilespmem:s9], [sflag:$0x8] =	stream.linear.gather [hbm4b:s7+s4], $0x100, $0x38;
	[tilespmem:$0x1FD00] =	vst v63  }
0x10f: {  	s30 =	rddreg [dreg:$0x11]  }
0x110: {  	[tilespmem:s10], [sflag:$0x9] =	stream.linear.gather [hbm4b:s30+s4], $0x100, $0x38;
	[tilespmem:$0x1FD00] =	vst v63  }
0x111: {  	_ =	swait.ge [sflag:s12], $0x100  }
0x112: {  	[sflag:s12] =	ssyncset.done $0x0  }
0x113: {  	[sflag:s12] =	ssyncadd.s32 $0xFFFFFF00  }
0x114: {  	[tilespmem:s8], [sflag:$0x1] =	stream.indirect.gather [hbm4b:s1+s13], $0x80, s4, s13, $0xb8;
	[tilespmem:$0x1FD00] =	vst v63  }
0x115: {  	_ =	swait.ge [sflag:s14], $0x100  }
0x116: {  	[sflag:s14] =	ssyncset.done $0x0  }
0x117: {  	[sflag:s14] =	ssyncadd.s32 $0xFFFFFF00  }
0x118: {  	_ =	swait.ge [sflag:s15], $0x3E80  }
0x119: {  	[sflag:s15] =	ssyncset.done $0x0  }
0x11a: {  	[sflag:s15] =	ssyncadd.s32 $0xFFFFC180  }
0x11b: {  	[spmem:s3] =	stream.indirect.scatter.add.f32 [tilespmem:s8], [sflag:$0x4], $0x80, s10, s13, $0xb8;
	[tilespmem:$0x1FD00] =	vst v63  }
0x11c: {  	_ =	swait.ge [sflag:s28], $0x3E80  }
0x11d: {  	[sflag:s28] =	ssyncset.done $0x0  }
0x11e: {  	[sflag:s28] =	ssyncadd.s32 $0xFFFFC180  }
0x11f: {  	[tilespmem:s17], [sflag:$0x2] =	stream.indirect.gather [hbm4b:s1+s13], $0x80, s16, s13, $0xb8;
	[tilespmem:$0x1FD00] =	vst v63  }
0x120: {  	_ =	swait.ge [sflag:s18], $0x3E80  }
0x121: {  	[sflag:s18] =	ssyncset.done $0x0  }
0x122: {  	[sflag:s18] =	ssyncadd.s32 $0xFFFFC180  }
0x123: {  	[spmem:s3] =	stream.indirect.scatter.add.f32 [tilespmem:s17], [sflag:$0x5], $0x80, s19, s13, $0xb8;
	[tilespmem:$0x1FD00] =	vst v63  }
0x124: {  	_ =	swait.ge [sflag:s29], $0x3E80  }
0x125: {  	[sflag:s29] =	ssyncset.done $0x0  }
0x126: {  	s31 =	rddreg [dreg:$0x12];
	[sflag:s29] =	ssyncadd.s32 $0xFFFFC180  }
0x127: {  	[tilespmem:s4], [sflag:$0x7] =	stream.linear.gather [hbm4b:s31+s4], $0x100, $0x38;
	[tilespmem:$0x1FD00] =	vst v63  }
0x128: {  	s7 =	rddreg [dreg:$0x13]  }
0x129: {  	[tilespmem:s11], [sflag:$0xA] =	stream.linear.gather [hbm4b:s7+s4], $0x100, $0x38;
	[tilespmem:$0x1FD00] =	vst v63  }
0x12a: {  	_ =	swait.ge [sflag:s20], $0x100  }
0x12b: {  	[sflag:s20] =	ssyncset.done $0x0  }
0x12c: {  	[sflag:s20] =	ssyncadd.s32 $0xFFFFFF00  }
0x12d: {  	[tilespmem:s21], [sflag:$0x3] =	stream.indirect.gather [hbm4b:s1+s13], $0x80, s9, s13, $0xb8;
	[tilespmem:$0x1FD00] =	vst v63  }
0x12e: {  	_ =	swait.ge [sflag:s22], $0x100  }
0x12f: {  	[sflag:s22] =	ssyncset.done $0x0  }
0x130: {  	[sflag:s22] =	ssyncadd.s32 $0xFFFFFF00  }
0x131: {  	_ =	swait.ge [sflag:s23], $0x3E80  }
0x132: {  	[sflag:s23] =	ssyncset.done $0x0  }
0x133: {  	[sflag:s23] =	ssyncadd.s32 $0xFFFFC180  }
0x134: {  	[spmem:s3] =	stream.indirect.scatter.add.f32 [tilespmem:s21], [sflag:$0x6], $0x80, s11, s13, $0xb8;
	[tilespmem:$0x1FD00] =	vst v63  }
0x135: {  	_ =	swait.ge [sflag:s24], $0x3E80  }
0x136: {  	[sflag:s24] =	ssyncset.done $0x0  }
0x137: {  	[sflag:s24] =	ssyncadd.s32 $0xFFFFC180  }
0x138: {  	[tilespmem:s8], [sflag:$0x1] =	stream.indirect.gather [hbm4b:s1+s13], $0x80, s25, s13, $0xb8;
	[tilespmem:$0x1FD00] =	vst v63  }
0x139: {  	_ =	swait.ge [sflag:s15], $0x3E80  }
0x13a: {  	[sflag:s15] =	ssyncset.done $0x0  }
0x13b: {  	[sflag:s15] =	ssyncadd.s32 $0xFFFFC180  }
0x13c: {  	[spmem:s3] =	stream.indirect.scatter.add.f32 [tilespmem:s8], [sflag:$0x4], $0x80, s26, s13, $0xb8;
	[tilespmem:$0x1FD00] =	vst v63  }
0x13d: {  	_ =	swait.ge [sflag:s28], $0x3E80  }
0x13e: {  	[sflag:s28] =	ssyncset.done $0x0  }
0x13f: {  	s30 =	rddreg [dreg:$0x15];
	[sflag:s28] =	ssyncadd.s32 $0xFFFFC180  }
0x140: {  	[tilespmem:s9], [sflag:$0x8] =	stream.linear.gather [hbm4b:s30+s4], $0x100, $0x38;
	[tilespmem:$0x1FD00] =	vst v63  }
0x141: {  	s31 =	rddreg [dreg:$0x16]  }
0x142: {  	[tilespmem:s10], [sflag:$0x9] =	stream.linear.gather [hbm4b:s31+s4], $0x100, $0x38;
	[tilespmem:$0x1FD00] =	vst v63  }
0x143: {  	_ =	swait.ge [sflag:s12], $0x100  }
0x144: {  	[sflag:s12] =	ssyncset.done $0x0  }
0x145: {  	[sflag:s12] =	ssyncadd.s32 $0xFFFFFF00  }
0x146: {  	[tilespmem:s17], [sflag:$0x2] =	stream.indirect.gather [hbm4b:s1+s13], $0x80, s4, s13, $0xb8;
	[tilespmem:$0x1FD00] =	vst v63  }
0x147: {  	_ =	swait.ge [sflag:s14], $0x100  }
0x148: {  	[sflag:s14] =	ssyncset.done $0x0  }
0x149: {  	[sflag:s14] =	ssyncadd.s32 $0xFFFFFF00  }
0x14a: {  	_ =	swait.ge [sflag:s18], $0x3E80  }
0x14b: {  	[sflag:s18] =	ssyncset.done $0x0  }
0x14c: {  	[sflag:s18] =	ssyncadd.s32 $0xFFFFC180  }
0x14d: {  	[spmem:s3] =	stream.indirect.scatter.add.f32 [tilespmem:s17], [sflag:$0x5], $0x80, s10, s13, $0xb8;
	[tilespmem:$0x1FD00] =	vst v63  }
0x14e: {  	_ =	swait.ge [sflag:s29], $0x3E80  }
0x14f: {  	[sflag:s29] =	ssyncset.done $0x0  }
0x150: {  	[sflag:s29] =	ssyncadd.s32 $0xFFFFC180  }
0x151: {  	[tilespmem:s21], [sflag:$0x3] =	stream.indirect.gather [hbm4b:s1+s13], $0x80, s16, s13, $0xb8;
	[tilespmem:$0x1FD00] =	vst v63  }
0x152: {  	_ =	swait.ge [sflag:s23], $0x3E80  }
0x153: {  	[sflag:s23] =	ssyncset.done $0x0  }
0x154: {  	[sflag:s23] =	ssyncadd.s32 $0xFFFFC180  }
0x155: {  	[spmem:s3] =	stream.indirect.scatter.add.f32 [tilespmem:s21], [sflag:$0x6], $0x80, s19, s13, $0xb8;
	[tilespmem:$0x1FD00] =	vst v63  }
0x156: {  	_ =	swait.ge [sflag:s24], $0x3E80  }
0x157: {  	[sflag:s24] =	ssyncset.done $0x0  }
0x158: {  	s7 =	rddreg [dreg:$0x17];
	[sflag:s24] =	ssyncadd.s32 $0xFFFFC180  }
0x159: {  	[tilespmem:s4], [sflag:$0x7] =	stream.linear.gather [hbm4b:s7+s4], $0x100, $0x38;
	[tilespmem:$0x1FD00] =	vst v63  }
0x15a: {  	s30 =	rddreg [dreg:$0x18]  }
0x15b: {  	[tilespmem:s11], [sflag:$0xA] =	stream.linear.gather [hbm4b:s30+s4], $0x100, $0x38;
	[tilespmem:$0x1FD00] =	vst v63  }
0x15c: {  	_ =	swait.ge [sflag:s20], $0x100  }
0x15d: {  	[sflag:s20] =	ssyncset.done $0x0  }
0x15e: {  	[sflag:s20] =	ssyncadd.s32 $0xFFFFFF00  }
0x15f: {  	[tilespmem:s8], [sflag:$0x1] =	stream.indirect.gather [hbm4b:s1+s13], $0x80, s9, s13, $0xb8;
	[tilespmem:$0x1FD00] =	vst v63  }
0x160: {  	_ =	swait.ge [sflag:s22], $0x100  }
0x161: {  	[sflag:s22] =	ssyncset.done $0x0  }
0x162: {  	[sflag:s22] =	ssyncadd.s32 $0xFFFFFF00  }
0x163: {  	_ =	swait.ge [sflag:s15], $0x3E80  }
0x164: {  	[sflag:s15] =	ssyncset.done $0x0  }
0x165: {  	[sflag:s15] =	ssyncadd.s32 $0xFFFFC180  }
0x166: {  	[spmem:s3] =	stream.indirect.scatter.add.f32 [tilespmem:s8], [sflag:$0x4], $0x80, s11, s13, $0xb8;
	[tilespmem:$0x1FD00] =	vst v63  }
0x167: {  	_ =	swait.ge [sflag:s28], $0x3E80  }
0x168: {  	[sflag:s28] =	ssyncset.done $0x0  }
0x169: {  	[sflag:s28] =	ssyncadd.s32 $0xFFFFC180  }
0x16a: {  	[tilespmem:s17], [sflag:$0x2] =	stream.indirect.gather [hbm4b:s1+s13], $0x80, s25, s13, $0xb8;
	[tilespmem:$0x1FD00] =	vst v63  }
0x16b: {  	_ =	swait.ge [sflag:s18], $0x3E80  }
0x16c: {  	[sflag:s18] =	ssyncset.done $0x0  }
0x16d: {  	[sflag:s18] =	ssyncadd.s32 $0xFFFFC180  }
0x16e: {  	[spmem:s3] =	stream.indirect.scatter.add.f32 [tilespmem:s17], [sflag:$0x5], $0x80, s26, s13, $0xb8;
	[tilespmem:$0x1FD00] =	vst v63  }
0x16f: {  	_ =	swait.ge [sflag:s29], $0x3E80  }
0x170: {  	[sflag:s29] =	ssyncset.done $0x0  }
0x171: {  	s31 =	rddreg [dreg:$0x19];
	[sflag:s29] =	ssyncadd.s32 $0xFFFFC180  }
0x172: {  	[tilespmem:s9], [sflag:$0x8] =	stream.linear.gather [hbm4b:s31+s4], $0x100, $0x38;
	[tilespmem:$0x1FD00] =	vst v63  }
0x173: {  	s7 =	rddreg [dreg:$0x1a]  }
0x174: {  	[tilespmem:s10], [sflag:$0x9] =	stream.linear.gather [hbm4b:s7+s4], $0x100, $0x38;
	[tilespmem:$0x1FD00] =	vst v63  }
0x175: {  	_ =	swait.ge [sflag:s12], $0x100  }
0x176: {  	[sflag:s12] =	ssyncset.done $0x0  }
0x177: {  	[sflag:s12] =	ssyncadd.s32 $0xFFFFFF00  }
0x178: {  	[tilespmem:s21], [sflag:$0x3] =	stream.indirect.gather [hbm4b:s1+s13], $0x80, s4, s13, $0xb8;
	[tilespmem:$0x1FD00] =	vst v63  }
0x179: {  	_ =	swait.ge [sflag:s14], $0x100  }
0x17a: {  	[sflag:s14] =	ssyncset.done $0x0  }
0x17b: {  	[sflag:s14] =	ssyncadd.s32 $0xFFFFFF00  }
0x17c: {  	_ =	swait.ge [sflag:s23], $0x3E80  }
0x17d: {  	[sflag:s23] =	ssyncset.done $0x0  }
0x17e: {  	[sflag:s23] =	ssyncadd.s32 $0xFFFFC180  }
0x17f: {  	[spmem:s3] =	stream.indirect.scatter.add.f32 [tilespmem:s21], [sflag:$0x6], $0x80, s10, s13, $0xb8;
	[tilespmem:$0x1FD00] =	vst v63  }
0x180: {  	_ =	swait.ge [sflag:s24], $0x3E80  }
0x181: {  	[sflag:s24] =	ssyncset.done $0x0  }
0x182: {  	[sflag:s24] =	ssyncadd.s32 $0xFFFFC180  }
0x183: {  	[tilespmem:s8], [sflag:$0x1] =	stream.indirect.gather [hbm4b:s1+s13], $0x80, s16, s13, $0xb8;
	[tilespmem:$0x1FD00] =	vst v63  }
0x184: {  	_ =	swait.ge [sflag:s15], $0x3E80  }
0x185: {  	[sflag:s15] =	ssyncset.done $0x0  }
0x186: {  	[sflag:s15] =	ssyncadd.s32 $0xFFFFC180  }
0x187: {  	[spmem:s3] =	stream.indirect.scatter.add.f32 [tilespmem:s8], [sflag:$0x4], $0x80, s19, s13, $0xb8;
	[tilespmem:$0x1FD00] =	vst v63  }
0x188: {  	_ =	swait.ge [sflag:s28], $0x3E80  }
0x189: {  	[sflag:s28] =	ssyncset.done $0x0  }
0x18a: {  	s30 =	rddreg [dreg:$0x1b];
	[sflag:s28] =	ssyncadd.s32 $0xFFFFC180  }
0x18b: {  	[tilespmem:s4], [sflag:$0x7] =	stream.linear.gather [hbm4b:s30+s4], $0x100, $0x38;
	[tilespmem:$0x1FD00] =	vst v63  }
0x18c: {  	s31 =	rddreg [dreg:$0x1c]  }
0x18d: {  	[tilespmem:s11], [sflag:$0xA] =	stream.linear.gather [hbm4b:s31+s4], $0x100, $0x38;
	[tilespmem:$0x1FD00] =	vst v63  }
0x18e: {  	_ =	swait.ge [sflag:s20], $0x100  }
0x18f: {  	[sflag:s20] =	ssyncset.done $0x0  }
0x190: {  	[sflag:s20] =	ssyncadd.s32 $0xFFFFFF00  }
0x191: {  	[tilespmem:s17], [sflag:$0x2] =	stream.indirect.gather [hbm4b:s1+s13], $0x80, s9, s13, $0xb8;
	[tilespmem:$0x1FD00] =	vst v63  }
0x192: {  	_ =	swait.ge [sflag:s22], $0x100  }
0x193: {  	[sflag:s22] =	ssyncset.done $0x0  }
0x194: {  	[sflag:s22] =	ssyncadd.s32 $0xFFFFFF00  }
0x195: {  	_ =	swait.ge [sflag:s18], $0x3E80  }
0x196: {  	[sflag:s18] =	ssyncset.done $0x0  }
0x197: {  	[sflag:s18] =	ssyncadd.s32 $0xFFFFC180  }
0x198: {  	[spmem:s3] =	stream.indirect.scatter.add.f32 [tilespmem:s17], [sflag:$0x5], $0x80, s11, s13, $0xb8;
	[tilespmem:$0x1FD00] =	vst v63  }
0x199: {  	_ =	swait.ge [sflag:s29], $0x3E80  }
0x19a: {  	[sflag:s29] =	ssyncset.done $0x0  }
0x19b: {  	[sflag:s29] =	ssyncadd.s32 $0xFFFFC180  }
0x19c: {  	[tilespmem:s21], [sflag:$0x3] =	stream.indirect.gather [hbm4b:s1+s13], $0x80, s25, s13, $0xb8;
	[tilespmem:$0x1FD00] =	vst v63  }
0x19d: {  	_ =	swait.ge [sflag:s23], $0x3E80  }
0x19e: {  	[sflag:s23] =	ssyncset.done $0x0  }
0x19f: {  	[sflag:s23] =	ssyncadd.s32 $0xFFFFC180  }
0x1a0: {  	[spmem:s3] =	stream.indirect.scatter.add.f32 [tilespmem:s21], [sflag:$0x6], $0x80, s26, s13, $0xb8;
	[tilespmem:$0x1FD00] =	vst v63  }
0x1a1: {  	_ =	swait.ge [sflag:s24], $0x3E80  }
0x1a2: {  	[sflag:s24] =	ssyncset.done $0x0  }
0x1a3: {  	s7 =	rddreg [dreg:$0x1d];
	[sflag:s24] =	ssyncadd.s32 $0xFFFFC180  }
0x1a4: {  	[tilespmem:s9], [sflag:$0x8] =	stream.linear.gather [hbm4b:s7+s4], $0x100, $0x38;
	[tilespmem:$0x1FD00] =	vst v63  }
0x1a5: {  	s30 =	rddreg [dreg:$0x1e]  }
0x1a6: {  	[tilespmem:s10], [sflag:$0x9] =	stream.linear.gather [hbm4b:s30+s4], $0x100, $0x38;
	[tilespmem:$0x1FD00] =	vst v63  }
0x1a7: {  	_ =	swait.ge [sflag:s12], $0x100  }
0x1a8: {  	[sflag:s12] =	ssyncset.done $0x0  }
0x1a9: {  	[sflag:s12] =	ssyncadd.s32 $0xFFFFFF00  }
0x1aa: {  	[tilespmem:s8], [sflag:$0x1] =	stream.indirect.gather [hbm4b:s1+s13], $0x80, s4, s13, $0xb8;
	[tilespmem:$0x1FD00] =	vst v63  }
0x1ab: {  	_ =	swait.ge [sflag:s14], $0x100  }
0x1ac: {  	[sflag:s14] =	ssyncset.done $0x0  }
0x1ad: {  	[sflag:s14] =	ssyncadd.s32 $0xFFFFFF00  }
0x1ae: {  	_ =	swait.ge [sflag:s15], $0x3E80  }
0x1af: {  	[sflag:s15] =	ssyncset.done $0x0  }
0x1b0: {  	[sflag:s15] =	ssyncadd.s32 $0xFFFFC180  }
0x1b1: {  	[spmem:s3] =	stream.indirect.scatter.add.f32 [tilespmem:s8], [sflag:$0x4], $0x80, s10, s13, $0xb8;
	[tilespmem:$0x1FD00] =	vst v63  }
0x1b2: {  	_ =	swait.ge [sflag:s28], $0x3E80  }
0x1b3: {  	[sflag:s28] =	ssyncset.done $0x0  }
0x1b4: {  	[sflag:s28] =	ssyncadd.s32 $0xFFFFC180  }
0x1b5: {  	[tilespmem:s17], [sflag:$0x2] =	stream.indirect.gather [hbm4b:s1+s13], $0x80, s16, s13, $0xb8;
	[tilespmem:$0x1FD00] =	vst v63  }
0x1b6: {  	_ =	swait.ge [sflag:s18], $0x3E80  }
0x1b7: {  	[sflag:s18] =	ssyncset.done $0x0  }
0x1b8: {  	[sflag:s18] =	ssyncadd.s32 $0xFFFFC180  }
0x1b9: {  	[spmem:s3] =	stream.indirect.scatter.add.f32 [tilespmem:s17], [sflag:$0x5], $0x80, s19, s13, $0xb8;
	[tilespmem:$0x1FD00] =	vst v63  }
0x1ba: {  	_ =	swait.ge [sflag:s29], $0x3E80  }
0x1bb: {  	[sflag:s29] =	ssyncset.done $0x0;
	s31 =	rddreg [dreg:$0x1f]  }
0x1bc: {  	s7 =	sld [smem:$0x7E4];
	[sflag:s29] =	ssyncadd.s32 $0xFFFFC180  }
0x1bd: {  	[tilespmem:s4], [sflag:$0x7] =	stream.linear.gather [hbm4b:s31+s4], $0x100, $0x38;
	[tilespmem:$0x1FD00] =	vst v63  }
0x1be: {  	_ = 	snop  }
0x1bf: {  	[tilespmem:s11], [sflag:$0xA] =	stream.linear.gather [hbm4b:s7+s4], $0x100, $0x38;
	[tilespmem:$0x1FD00] =	vst v63  }
0x1c0: {  	_ =	swait.ge [sflag:s20], $0x100  }
0x1c1: {  	[sflag:s20] =	ssyncset.done $0x0  }
0x1c2: {  	[sflag:s20] =	ssyncadd.s32 $0xFFFFFF00  }
0x1c3: {  	[tilespmem:s21], [sflag:$0x3] =	stream.indirect.gather [hbm4b:s1+s13], $0x80, s9, s13, $0xb8;
	[tilespmem:$0x1FD00] =	vst v63  }
0x1c4: {  	_ =	swait.ge [sflag:s22], $0x100  }
0x1c5: {  	[sflag:s22] =	ssyncset.done $0x0  }
0x1c6: {  	[sflag:s22] =	ssyncadd.s32 $0xFFFFFF00  }
0x1c7: {  	_ =	swait.ge [sflag:s23], $0x3E80  }
0x1c8: {  	[sflag:s23] =	ssyncset.done $0x0  }
0x1c9: {  	[sflag:s23] =	ssyncadd.s32 $0xFFFFC180  }
0x1ca: {  	[spmem:s3] =	stream.indirect.scatter.add.f32 [tilespmem:s21], [sflag:$0x6], $0x80, s11, s13, $0xb8;
	[tilespmem:$0x1FD00] =	vst v63  }
0x1cb: {  	_ =	swait.ge [sflag:s24], $0x3E80  }
0x1cc: {  	[sflag:s24] =	ssyncset.done $0x0  }
0x1cd: {  	[sflag:s24] =	ssyncadd.s32 $0xFFFFC180  }
0x1ce: {  	[tilespmem:s8], [sflag:$0x1] =	stream.indirect.gather [hbm4b:s1+s13], $0x80, s25, s13, $0xb8;
	[tilespmem:$0x1FD00] =	vst v63  }
0x1cf: {  	_ =	swait.ge [sflag:s15], $0x3E80  }
0x1d0: {  	[sflag:s15] =	ssyncset.done $0x0  }
0x1d1: {  	[sflag:s15] =	ssyncadd.s32 $0xFFFFC180  }
0x1d2: {  	[spmem:s3] =	stream.indirect.scatter.add.f32 [tilespmem:s8], [sflag:$0x4], $0x80, s26, s13, $0xb8;
	[tilespmem:$0x1FD00] =	vst v63  }
0x1d3: {  	_ =	swait.ge [sflag:s28], $0x3E80  }
0x1d4: {  	s30 =	sld [smem:$0x7E5]  }
0x1d5: {  	[sflag:s28] =	ssyncset.done $0x0  }
0x1d6: {  	s31 =	sld [smem:$0x7E6];
	[sflag:s28] =	ssyncadd.s32 $0xFFFFC180  }
0x1d7: {  	[tilespmem:s9], [sflag:$0x8] =	stream.linear.gather [hbm4b:s30+s4], $0x100, $0x38;
	[tilespmem:$0x1FD00] =	vst v63  }
0x1d8: {  	_ = 	snop  }
0x1d9: {  	[tilespmem:s10], [sflag:$0x9] =	stream.linear.gather [hbm4b:s31+s4], $0x100, $0x38;
	[tilespmem:$0x1FD00] =	vst v63  }
0x1da: {  	_ =	swait.ge [sflag:s12], $0x100  }
0x1db: {  	[sflag:s12] =	ssyncset.done $0x0  }
0x1dc: {  	[sflag:s12] =	ssyncadd.s32 $0xFFFFFF00  }
0x1dd: {  	[tilespmem:s17], [sflag:$0x2] =	stream.indirect.gather [hbm4b:s1+s13], $0x80, s4, s13, $0xb8;
	[tilespmem:$0x1FD00] =	vst v63  }
0x1de: {  	_ =	swait.ge [sflag:s14], $0x100  }
0x1df: {  	[sflag:s14] =	ssyncset.done $0x0  }
0x1e0: {  	[sflag:s14] =	ssyncadd.s32 $0xFFFFFF00  }
0x1e1: {  	_ =	swait.ge [sflag:s18], $0x3E80  }
0x1e2: {  	[sflag:s18] =	ssyncset.done $0x0  }
0x1e3: {  	[sflag:s18] =	ssyncadd.s32 $0xFFFFC180  }
0x1e4: {  	[spmem:s3] =	stream.indirect.scatter.add.f32 [tilespmem:s17], [sflag:$0x5], $0x80, s10, s13, $0xb8;
	[tilespmem:$0x1FD00] =	vst v63  }
0x1e5: {  	_ =	swait.ge [sflag:s29], $0x3E80  }
0x1e6: {  	[sflag:s29] =	ssyncset.done $0x0  }
0x1e7: {  	[sflag:s29] =	ssyncadd.s32 $0xFFFFC180  }
0x1e8: {  	[tilespmem:s21], [sflag:$0x3] =	stream.indirect.gather [hbm4b:s1+s13], $0x80, s16, s13, $0xb8;
	[tilespmem:$0x1FD00] =	vst v63  }
0x1e9: {  	_ =	swait.ge [sflag:s23], $0x3E80  }
0x1ea: {  	[sflag:s23] =	ssyncset.done $0x0  }
0x1eb: {  	[sflag:s23] =	ssyncadd.s32 $0xFFFFC180  }
0x1ec: {  	[spmem:s3] =	stream.indirect.scatter.add.f32 [tilespmem:s21], [sflag:$0x6], $0x80, s19, s13, $0xb8;
	[tilespmem:$0x1FD00] =	vst v63  }
0x1ed: {  	_ =	swait.ge [sflag:s24], $0x3E80  }
0x1ee: {  	s7 =	sld [smem:$0x7E7]  }
0x1ef: {  	[sflag:s24] =	ssyncset.done $0x0  }
0x1f0: {  	s30 =	sld [smem:$0x7E8];
	[sflag:s24] =	ssyncadd.s32 $0xFFFFC180  }
0x1f1: {  	[tilespmem:s4], [sflag:$0x7] =	stream.linear.gather [hbm4b:s7+s4], $0x100, $0x38;
	[tilespmem:$0x1FD00] =	vst v63  }
0x1f2: {  	_ = 	snop  }
0x1f3: {  	[tilespmem:s11], [sflag:$0xA] =	stream.linear.gather [hbm4b:s30+s4], $0x100, $0x38;
	[tilespmem:$0x1FD00] =	vst v63  }
0x1f4: {  	_ =	swait.ge [sflag:s20], $0x100  }
0x1f5: {  	[sflag:s20] =	ssyncset.done $0x0  }
0x1f6: {  	[sflag:s20] =	ssyncadd.s32 $0xFFFFFF00  }
0x1f7: {  	[tilespmem:s8], [sflag:$0x1] =	stream.indirect.gather [hbm4b:s1+s13], $0x80, s9, s13, $0xb8;
	[tilespmem:$0x1FD00] =	vst v63  }
0x1f8: {  	_ =	swait.ge [sflag:s22], $0x100  }
0x1f9: {  	[sflag:s22] =	ssyncset.done $0x0  }
0x1fa: {  	[sflag:s22] =	ssyncadd.s32 $0xFFFFFF00  }
0x1fb: {  	_ =	swait.ge [sflag:s15], $0x3E80  }
0x1fc: {  	[sflag:s15] =	ssyncset.done $0x0  }
0x1fd: {  	[sflag:s15] =	ssyncadd.s32 $0xFFFFC180  }
0x1fe: {  	[spmem:s3] =	stream.indirect.scatter.add.f32 [tilespmem:s8], [sflag:$0x4], $0x80, s11, s13, $0xb8;
	[tilespmem:$0x1FD00] =	vst v63  }
0x1ff: {  	_ =	swait.ge [sflag:s28], $0x3E80  }
0x200: {  	[sflag:s28] =	ssyncset.done $0x0  }
0x201: {  	[sflag:s28] =	ssyncadd.s32 $0xFFFFC180  }
0x202: {  	[tilespmem:s17], [sflag:$0x2] =	stream.indirect.gather [hbm4b:s1+s13], $0x80, s25, s13, $0xb8;
	[tilespmem:$0x1FD00] =	vst v63  }
0x203: {  	_ =	swait.ge [sflag:s18], $0x3E80  }
0x204: {  	[sflag:s18] =	ssyncset.done $0x0  }
0x205: {  	[sflag:s18] =	ssyncadd.s32 $0xFFFFC180  }
0x206: {  	[spmem:s3] =	stream.indirect.scatter.add.f32 [tilespmem:s17], [sflag:$0x5], $0x80, s26, s13, $0xb8;
	[tilespmem:$0x1FD00] =	vst v63  }
0x207: {  	_ =	swait.ge [sflag:s29], $0x3E80  }
0x208: {  	s31 =	sld [smem:$0x7E9]  }
0x209: {  	[sflag:s29] =	ssyncset.done $0x0  }
0x20a: {  	s7 =	sld [smem:$0x7EA];
	[sflag:s29] =	ssyncadd.s32 $0xFFFFC180  }
0x20b: {  	[tilespmem:s9], [sflag:$0x8] =	stream.linear.gather [hbm4b:s31+s4], $0x100, $0x38;
	[tilespmem:$0x1FD00] =	vst v63  }
0x20c: {  	_ = 	snop  }
0x20d: {  	[tilespmem:s10], [sflag:$0x9] =	stream.linear.gather [hbm4b:s7+s4], $0x100, $0x38;
	[tilespmem:$0x1FD00] =	vst v63  }
0x20e: {  	_ =	swait.ge [sflag:s12], $0x100  }
0x20f: {  	[sflag:s12] =	ssyncset.done $0x0  }
0x210: {  	[sflag:s12] =	ssyncadd.s32 $0xFFFFFF00  }
0x211: {  	[tilespmem:s21], [sflag:$0x3] =	stream.indirect.gather [hbm4b:s1+s13], $0x80, s4, s13, $0xb8;
	[tilespmem:$0x1FD00] =	vst v63  }
0x212: {  	_ =	swait.ge [sflag:s14], $0x100  }
0x213: {  	[sflag:s14] =	ssyncset.done $0x0  }
0x214: {  	[sflag:s14] =	ssyncadd.s32 $0xFFFFFF00  }
0x215: {  	_ =	swait.ge [sflag:s23], $0x3E80  }
0x216: {  	[sflag:s23] =	ssyncset.done $0x0  }
0x217: {  	[sflag:s23] =	ssyncadd.s32 $0xFFFFC180  }
0x218: {  	[spmem:s3] =	stream.indirect.scatter.add.f32 [tilespmem:s21], [sflag:$0x6], $0x80, s10, s13, $0xb8;
	[tilespmem:$0x1FD00] =	vst v63  }
0x219: {  	_ =	swait.ge [sflag:s24], $0x3E80  }
0x21a: {  	[sflag:s24] =	ssyncset.done $0x0  }
0x21b: {  	[sflag:s24] =	ssyncadd.s32 $0xFFFFC180  }
0x21c: {  	[tilespmem:s8], [sflag:$0x1] =	stream.indirect.gather [hbm4b:s1+s13], $0x80, s16, s13, $0xb8;
	[tilespmem:$0x1FD00] =	vst v63  }
0x21d: {  	_ =	swait.ge [sflag:s15], $0x3E80  }
0x21e: {  	[sflag:s15] =	ssyncset.done $0x0  }
0x21f: {  	[sflag:s15] =	ssyncadd.s32 $0xFFFFC180  }
0x220: {  	[spmem:s3] =	stream.indirect.scatter.add.f32 [tilespmem:s8], [sflag:$0x4], $0x80, s19, s13, $0xb8;
	[tilespmem:$0x1FD00] =	vst v63  }
0x221: {  	_ =	swait.ge [sflag:s28], $0x3E80  }
0x222: {  	s30 =	sld [smem:$0x7EB]  }
0x223: {  	[sflag:s28] =	ssyncset.done $0x0  }
0x224: {  	s31 =	sld [smem:$0x7EC];
	[sflag:s28] =	ssyncadd.s32 $0xFFFFC180  }
0x225: {  	[tilespmem:s4], [sflag:$0x7] =	stream.linear.gather [hbm4b:s30+s4], $0x100, $0x38;
	[tilespmem:$0x1FD00] =	vst v63  }
0x226: {  	_ = 	snop  }
0x227: {  	[tilespmem:s11], [sflag:$0xA] =	stream.linear.gather [hbm4b:s31+s4], $0x100, $0x38;
	[tilespmem:$0x1FD00] =	vst v63  }
0x228: {  	_ =	swait.ge [sflag:s20], $0x100  }
0x229: {  	[sflag:s20] =	ssyncset.done $0x0  }
0x22a: {  	[sflag:s20] =	ssyncadd.s32 $0xFFFFFF00  }
0x22b: {  	[tilespmem:s17], [sflag:$0x2] =	stream.indirect.gather [hbm4b:s1+s13], $0x80, s9, s13, $0xb8;
	[tilespmem:$0x1FD00] =	vst v63  }
0x22c: {  	_ =	swait.ge [sflag:s22], $0x100  }
0x22d: {  	[sflag:s22] =	ssyncset.done $0x0  }
0x22e: {  	[sflag:s22] =	ssyncadd.s32 $0xFFFFFF00  }
0x22f: {  	_ =	swait.ge [sflag:s18], $0x3E80  }
0x230: {  	[sflag:s18] =	ssyncset.done $0x0  }
0x231: {  	[sflag:s18] =	ssyncadd.s32 $0xFFFFC180  }
0x232: {  	[spmem:s3] =	stream.indirect.scatter.add.f32 [tilespmem:s17], [sflag:$0x5], $0x80, s11, s13, $0xb8;
	[tilespmem:$0x1FD00] =	vst v63  }
0x233: {  	_ =	swait.ge [sflag:s29], $0x3E80  }
0x234: {  	[sflag:s29] =	ssyncset.done $0x0  }
0x235: {  	[sflag:s29] =	ssyncadd.s32 $0xFFFFC180  }
0x236: {  	[tilespmem:s21], [sflag:$0x3] =	stream.indirect.gather [hbm4b:s1+s13], $0x80, s25, s13, $0xb8;
	[tilespmem:$0x1FD00] =	vst v63  }
0x237: {  	_ =	swait.ge [sflag:s23], $0x3E80  }
0x238: {  	[sflag:s23] =	ssyncset.done $0x0  }
0x239: {  	[sflag:s23] =	ssyncadd.s32 $0xFFFFC180  }
0x23a: {  	[spmem:s3] =	stream.indirect.scatter.add.f32 [tilespmem:s21], [sflag:$0x6], $0x80, s26, s13, $0xb8;
	[tilespmem:$0x1FD00] =	vst v63  }
0x23b: {  	_ =	swait.ge [sflag:s24], $0x3E80  }
0x23c: {  	s7 =	sld [smem:$0x7ED]  }
0x23d: {  	[sflag:s24] =	ssyncset.done $0x0  }
0x23e: {  	s30 =	sld [smem:$0x7EE];
	[sflag:s24] =	ssyncadd.s32 $0xFFFFC180  }
0x23f: {  	[tilespmem:s9], [sflag:$0x8] =	stream.linear.gather [hbm4b:s7+s4], $0x100, $0x38;
	[tilespmem:$0x1FD00] =	vst v63  }
0x240: {  	_ = 	snop  }
0x241: {  	[tilespmem:s10], [sflag:$0x9] =	stream.linear.gather [hbm4b:s30+s4], $0x100, $0x38;
	[tilespmem:$0x1FD00] =	vst v63  }
0x242: {  	_ =	swait.ge [sflag:s12], $0x100  }
0x243: {  	[sflag:s12] =	ssyncset.done $0x0  }
0x244: {  	[sflag:s12] =	ssyncadd.s32 $0xFFFFFF00  }
0x245: {  	[tilespmem:s8], [sflag:$0x1] =	stream.indirect.gather [hbm4b:s1+s13], $0x80, s4, s13, $0xb8;
	[tilespmem:$0x1FD00] =	vst v63  }
0x246: {  	_ =	swait.ge [sflag:s14], $0x100  }
0x247: {  	[sflag:s14] =	ssyncset.done $0x0  }
0x248: {  	[sflag:s14] =	ssyncadd.s32 $0xFFFFFF00  }
0x249: {  	_ =	swait.ge [sflag:s15], $0x3E80  }
0x24a: {  	[sflag:s15] =	ssyncset.done $0x0  }
0x24b: {  	[sflag:s15] =	ssyncadd.s32 $0xFFFFC180  }
0x24c: {  	[spmem:s3] =	stream.indirect.scatter.add.f32 [tilespmem:s8], [sflag:$0x4], $0x80, s10, s13, $0xb8;
	[tilespmem:$0x1FD00] =	vst v63  }
0x24d: {  	_ =	swait.ge [sflag:s28], $0x3E80  }
0x24e: {  	[sflag:s28] =	ssyncset.done $0x0  }
0x24f: {  	[sflag:s28] =	ssyncadd.s32 $0xFFFFC180  }
0x250: {  	[tilespmem:s17], [sflag:$0x2] =	stream.indirect.gather [hbm4b:s1+s13], $0x80, s16, s13, $0xb8;
	[tilespmem:$0x1FD00] =	vst v63  }
0x251: {  	_ =	swait.ge [sflag:s18], $0x3E80  }
0x252: {  	[sflag:s18] =	ssyncset.done $0x0  }
0x253: {  	[sflag:s18] =	ssyncadd.s32 $0xFFFFC180  }
0x254: {  	[spmem:s3] =	stream.indirect.scatter.add.f32 [tilespmem:s17], [sflag:$0x5], $0x80, s19, s13, $0xb8;
	[tilespmem:$0x1FD00] =	vst v63  }
0x255: {  	_ =	swait.ge [sflag:s29], $0x3E80  }
0x256: {  	s31 =	sld [smem:$0x7EF]  }
0x257: {  	[sflag:s29] =	ssyncset.done $0x0  }
0x258: {  	[sflag:s29] =	ssyncadd.s32 $0xFFFFC180  }
0x259: {  	[tilespmem:s11], [sflag:$0xA] =	stream.linear.gather [hbm4b:s31+s4], $0x100, $0x38;
	[tilespmem:$0x1FD00] =	vst v63  }
0x25a: {  	_ =	swait.ge [sflag:s20], $0x100  }
0x25b: {  	[sflag:s20] =	ssyncset.done $0x0  }
0x25c: {  	[sflag:s20] =	ssyncadd.s32 $0xFFFFFF00  }
0x25d: {  	[tilespmem:s21], [sflag:$0x3] =	stream.indirect.gather [hbm4b:s1+s13], $0x80, s9, s13, $0xb8;
	[tilespmem:$0x1FD00] =	vst v63  }
0x25e: {  	_ =	swait.ge [sflag:s22], $0x100  }
0x25f: {  	[sflag:s22] =	ssyncset.done $0x0  }
0x260: {  	[sflag:s22] =	ssyncadd.s32 $0xFFFFFF00  }
0x261: {  	_ =	swait.ge [sflag:s23], $0x3E80  }
0x262: {  	[sflag:s23] =	ssyncset.done $0x0  }
0x263: {  	[sflag:s23] =	ssyncadd.s32 $0xFFFFC180  }
0x264: {  	[spmem:s3] =	stream.indirect.scatter.add.f32 [tilespmem:s21], [sflag:$0x6], $0x80, s11, s13, $0xb8;
	[tilespmem:$0x1FD00] =	vst v63  }
0x265: {  	_ =	swait.ge [sflag:s24], $0x3E80  }
0x266: {  	[sflag:s24] =	ssyncset.done $0x0  }
0x267: {  	[sflag:s24] =	ssyncadd.s32 $0xFFFFC180  }
0x268: {  	[tilespmem:s8], [sflag:$0x1] =	stream.indirect.gather [hbm4b:s1+s13], $0x80, s25, s13, $0xb8;
	[tilespmem:$0x1FD00] =	vst v63  }
0x269: {  	_ =	swait.ge [sflag:s15], $0x3E80  }
0x26a: {  	[sflag:s15] =	ssyncset.done $0x0  }
0x26b: {  	[sflag:s15] =	ssyncadd.s32 $0xFFFFC180  }
0x26c: {  	[spmem:s3] =	stream.indirect.scatter.add.f32 [tilespmem:s8], [sflag:$0x4], $0x80, s26, s13, $0xb8;
	[tilespmem:$0x1FD00] =	vst v63  }
0x26d: {  	_ =	swait.ge [sflag:s28], $0x3E80  }
0x26e: {  	[sflag:s28] =	ssyncset.done $0x0  }
0x26f: {  	[sflag:s28] =	ssyncadd.s32 $0xFFFFC180  }
0x270: {  	_ =	swait.ge [sflag:s29], $0x3E80  }
0x271: {  	[sflag:s29] =	ssyncset.done $0x0  }
0x272: {  	[sflag:s29] =	ssyncadd.s32 $0xFFFFC180  }
0x273: {  	_ =	swait.ge [sflag:s24], $0x3E80  }
0x274: {  	[sflag:s24] =	ssyncset.done $0x0  }
0x275: {  	[sflag:s24] =	ssyncadd.s32 $0xFFFFC180  }
0x276: {  	[bflag:$0x0] =	sbarrier.arrive $0xFFFF  }
0x277: {  	s30 =	stileid.u32;
	s31 =	sld [smem:$0x7F0]  }
0x278: {  	s7 =	sshll.u32 s30, $0x6  }
0x279: {  	s6 =	sor.u32 $0x1C01, s7;
	s7 =	sshrl.u32 s5, $0x3  }
0x27a: {  	[hbm:s31], [sflag:s6] =	dma.local [spmem:s7], $0x2080  }
0x27b: {  	s6 =	sshll.u32 @!p0 s30, $0x6;
	s30 =	sld [smem:$0x7F1]  }
0x27c: {  	s31 =	sld [smem:$0x7F4];
	_ =	sdelay $0x1  }
0x27d: {  	s6 =	sor.u32 @!p0 $0x1C02, s6  }
0x27e: {  	[hbm:s30], [sflag:s6] =	dma.local @!p0 [spmem:s31], $0x700  }
0x27f: {  	s6 =	sld [smem:$0x7F2];
	_ =	sdelay $0x1  }
0x280: {  	s30 =	simm.s32 $0xC400  }
0x281: {  	[tilespmem:s30], [sflag:$0xC] =	stream.linear.gather [hbm4b:s6+s4], $0x40, $0x38;
	[tilespmem:$0x1FD00] =	vst v63  }
0x282: {  	_ =	swait.ge [sflag:s2], $0x40  }
0x283: {  	[sflag:s2] =	ssyncset.done $0x0  }
0x284: {  	s31 =	simm.s32 $0x40;
	[sflag:s2] =	ssyncadd.s32 $0xFFFFFFC0  }
0x285: {  	[tilespmem:s8], [sflag:$0xB] =	stream.indirect.gather [spmem:s3], $0x80, s30, s31, $0xb8;
	[tilespmem:$0x1FD00] =	vst v63  }
0x286: {  	s31 =	simm.s32 $0xB  }
0x287: {  	_ =	swait.ge [sflag:s31], $0x2000  }
0x288: {  	[sflag:s31] =	ssyncset.done $0x0  }
0x289: {  	s30 =	rddreg [dreg:$0x14];
	[sflag:s31] =	ssyncadd.s32 $0xFFFFE000  }
0x28a: {  	[hbm4b:s30+s4] =	stream.linear.scatter [tilespmem:s8], [sflag:$0xC], $0x2000, $0x38;
	[tilespmem:$0x1FD00] =	vst v63  }
0x28b: {  	_ =	swait.ge [sflag:s2], $0x2000  }
0x28c: {  	[sflag:s2] =	ssyncset.done $0x0  }
0x28d: {  	[sflag:s2] =	ssyncadd.s32 $0xFFFFE000  }
0x28e: {  	_ =	swait.ge [sflag:s15], $0x2080  }
0x28f: {  	[sflag:s15] =	ssyncset.done $0x0  }
0x290: {  	s6 =	simm.s32 @!p0 $0x2;
	[sflag:s15] =	ssyncadd.s32 $0xFFFFDF80  }
0x291: {  	_ =	swait.ge @!p0 [sflag:s6], $0x700  }
0x292: {  	s31 =	sld [smem:$0x7F3];
	_ =	sdelay $0x1  }
0x293: {  	s0 =	sadd.s32 $0x1, s0  }
0x294: {  	p1 =	sne.s32 s0, s31  }
.Ltmp1:
0x295: {  	_ = 	snop;
	(pc) =	sbr.rel @p1 .LBB2_1-.Ltmp1, $3  }
0x296: {  	_ =	sdelay $0x1  }
0x297: {  	[sflag:s6] =	ssyncset.done @!p0 $0x0  }
0x298: {  	s7 =	stileid.u32;
	[sflag:s6] =	ssyncadd.s32 @!p0 $0xFFFFF900  }
0x299: {  	_ =	sfence.sel $0x180000  }
0x29a: {  	[bflag:$0x0] =	sbarrier.arrive $0xFFFF  }
0x29b: {  	_ =	strace $0x90000047  }
0x29c: {  	[bflag:$0x2] =	sbarrier.arrive $0xFFFF  }
0x29d: {  	p0 =	sne.s32 s7, $0x0;
	s0 =	rddreg [dreg:$0x5]  }
0x29e: {  	s0 =	sadd.s32 @!p0 $0x100000, s0  }
0x29f: {  	[sflag:s0] =	ssyncadd.tile.s32 @!p0 $0x1;
	_ =	shalt  }
.Lfunc_end2:
_tile_overlayer_lowered:
.L_overlay_start_2:
0x2a0: {  	(tag) =	ssettag $0x2  }
0x2a1: {  	s0 =	rddreg [dreg:$0x0];
	s2 =	stileid.u32  }
0x2a2: {  	s1 =	rddreg [dreg:$0x1];
	p0 =	sne.s32 s2, $0x0  }
0x2a3: {  	s3 =	rddreg [dreg:$0x2];
	[bflag:$0x3] =	sbarrier.arrive $0xFFFF;
	s2 =	simm.s32 @!p0 $0x1C0C  }
0x2a4: {  	[timem:s3], [sflag:s2] =	dma.local @!p0 [hbm:s0], s1  }
0x2a5: {  	s0 =	simm.s32 @!p0 $0xC  }
0x2a6: {  	_ =	swait.ge @!p0 [sflag:s0], s1  }
0x2a7: {  	s1 =	ssub.s32 @!p0 $0x0, s1;
	[sflag:s0] =	ssyncset.done @!p0 $0x0  }
0x2a8: {  	[sflag:s0] =	ssyncadd.s32 @!p0 s1  }
0x2a9: {  	[bflag:$0x3] =	sbarrier.arrive $0xFFFF  }
0x2aa: {  	_ =	shalt  }

</sc_bundles>
